<compile_context>
chip_gen: v7x
topology: tpu7x:2x2x1
jax: 0.10.2.dev20260603
libtpu: 0.0.44.dev20260713+nightly
codegen_flags: <defaults>
</compile_context>

<pallas_src>
import functools

import jax
import jax.numpy as jnp
import numpy as np
from jax import lax
from jax.experimental import pallas as pl
from jax.experimental.pallas import tpu as pltpu
from jax.experimental.pallas import tpu_sc as plsc

R_MAX = 5.0
NUM_BESSEL = 8
NUM_ELEMENTS = 10
H = 16
S = 9
N = 50000
E = 800000
G = 100

NC = 2
NS = 16
NW = NC * NS

CB = 128
MJ = 8
MB = CB * MJ
E_PAD = 802816
NM = E_PAD // MB
N_PAD = 50176
ROWS_PER_TILE = N_PAD // NS

TW = 32
PW = 16


def _sc_mesh():
    return plsc.VectorSubcoreMesh(core_axis_name="c", subcore_axis_name="s")


def _k0_body(na_ref, wup1_ref, wskip1_ref, ae_ref, k2s_ref,
             h1_ref, skip1_ref, ne0_ref, s2s_ref):
    na = na_ref[...]
    h1_ref[...] = na @ wup1_ref[...]
    skip1_ref[...] = na @ wskip1_ref[...]
    ne0_ref[...] = na @ ae_ref[...].reshape(NUM_ELEMENTS, 1)
    s2s_ref[...] = na @ k2s_ref[...].reshape(NUM_ELEMENTS, 1)


def _k0(node_attrs, W_up1, W_skip1, atomic_energies, k2skip):
    blk = 5000
    grid = N // blk
    return pl.pallas_call(
        _k0_body,
        grid=(grid,),
        in_specs=[
            pl.BlockSpec((blk, NUM_ELEMENTS), lambda i: (i, 0)),
            pl.BlockSpec((NUM_ELEMENTS, H), lambda i: (0, 0)),
            pl.BlockSpec((NUM_ELEMENTS, H), lambda i: (0, 0)),
            pl.BlockSpec((NUM_ELEMENTS,), lambda i: (0,)),
            pl.BlockSpec((NUM_ELEMENTS,), lambda i: (0,)),
        ],
        out_specs=[
            pl.BlockSpec((blk, H), lambda i: (i, 0)),
            pl.BlockSpec((blk, H), lambda i: (i, 0)),
            pl.BlockSpec((blk, 1), lambda i: (i, 0)),
            pl.BlockSpec((blk, 1), lambda i: (i, 0)),
        ],
        out_shape=[
            jax.ShapeDtypeStruct((N, H), jnp.float32),
            jax.ShapeDtypeStruct((N, H), jnp.float32),
            jax.ShapeDtypeStruct((N, 1), jnp.float32),
            jax.ShapeDtypeStruct((N, 1), jnp.float32),
        ],
    )(node_attrs, W_up1, W_skip1, atomic_energies, k2skip)


def _k1_body(tbl_hbm, pos_hbm, batch_hbm, src_hbm, dst_hbm,
             edata_hbm,
             idxs_v, idxd_v, esrc_v, pdst_v, gdst_v, sem):
    wid = lax.axis_index("s") * NC + lax.axis_index("c")
    n_my = (NM - wid + NW - 1) // NW

    def body(k, _):
        m = wid + k * NW
        pltpu.sync_copy(src_hbm.at[pl.ds(m * MJ, MJ)], idxs_v)
        pltpu.sync_copy(dst_hbm.at[pl.ds(m * MJ, MJ)], idxd_v)
        descs = []
        for j in range(MJ):
            descs.append(pltpu.async_copy(
                tbl_hbm.at[idxs_v.at[j]], esrc_v.at[pl.ds(j * CB, CB)], sem))
            descs.append(pltpu.async_copy(
                pos_hbm.at[idxd_v.at[j]], pdst_v.at[pl.ds(j * CB, CB)], sem))
            descs.append(pltpu.async_copy(
                batch_hbm.at[idxd_v.at[j]], gdst_v.at[pl.ds(j * CB, CB)], sem))
        for d in descs:
            d.wait()
        pltpu.sync_copy(esrc_v, edata_hbm.at[pl.ds(m * MB, MB), pl.ds(0, TW)])
        pltpu.sync_copy(pdst_v,
                        edata_hbm.at[pl.ds(m * MB, MB), pl.ds(TW, PW)])
        pltpu.sync_copy(gdst_v,
                        edata_hbm.at[pl.ds(m * MB, MB), pl.ds(TW + PW, PW)])
        return 0

    lax.fori_loop(0, n_my, body, 0)


def _k1(tbl1, positions, batch, src2d, dst2d):
    f = functools.partial(
        pl.kernel,
        out_type=[
            jax.ShapeDtypeStruct((E_PAD, TW + 2 * PW), jnp.float32),
        ],
        mesh=_sc_mesh(),
        compiler_params=pltpu.CompilerParams(use_tc_tiling_on_sc=False),
        scratch_types=[
            pltpu.VMEM((MJ, CB), jnp.int32),
            pltpu.VMEM((MJ, CB), jnp.int32),
            pltpu.VMEM((MB, TW), jnp.float32),
            pltpu.VMEM((MB, PW), jnp.float32),
            pltpu.VMEM((MB, PW), jnp.float32),
            pltpu.SemaphoreType.DMA,
        ],
    )
    return f(_k1_body)(tbl1, positions, batch, src2d, dst2d)[0]


def _k2_body(edata_ref,
             wr12t_ref, wr2bt_ref, wcmb_ref,
             mq_ref):
    est = jnp.transpose(edata_ref[...])
    pos_s = est[0:3, :]
    h1st = est[3:3 + H, :]
    vec = est[TW:TW + 3, :] - pos_s
    len2 = jnp.sum(vec * vec, axis=0, keepdims=True) + 1e-12
    length = jnp.sqrt(len2)

    ncol = ((lax.broadcasted_iota(jnp.int32, (NUM_BESSEL, 1), 0) + 1)
            .astype(jnp.float32) * np.float32(np.pi / R_MAX))
    pref = np.float32(np.sqrt(2.0 / R_MAX))
    bess = pref * jnp.sin(length * ncol) / length
    x = length * (1.0 / R_MAX)
    x2 = x * x
    x4 = x2 * x2
    x6 = x4 * x2
    x7 = x6 * x
    x8 = x7 * x
    env = 1.0 - 28.0 * x6 + 48.0 * x7 - 21.0 * x8
    env = env * (x < 1.0).astype(jnp.float32)
    ef = bess * env

    a = jnp.dot(wr12t_ref[...], ef)
    a = a * jax.nn.sigmoid(a)
    w12 = jnp.dot(wr2bt_ref[...], a)
    w1t = w12[0:H, :]
    w2t = w12[H:2 * H, :]

    unit = vec / length
    ux = unit[0:1, :]
    uy = unit[1:2, :]
    uz = unit[2:3, :]
    c3 = np.float32(np.sqrt(3.0))
    c5 = np.float32(np.sqrt(5.0))
    c15 = np.float32(np.sqrt(15.0))
    spht = jnp.concatenate([
        jnp.ones_like(ux),
        c3 * ux, c3 * uy, c3 * uz,
        c15 * ux * uy, c15 * uy * uz,
        (c5 / 2.0) * (3.0 * uz * uz - 1.0),
        c15 * ux * uz, (c15 / 2.0) * (ux * ux - uy * uy)], axis=0)

    hwt = h1st * w1t
    xmatt = jnp.concatenate(
        [hwt * spht[s:s + 1, :] for s in range(S)] + [spht], axis=0)
    mt = lax.dot_general(xmatt, wcmb_ref[...],
                         (((0,), (0,)), ((), ())))
    mq_ref[:, 0:H] = mt[:, 0:H]
    mq_ref[:, H:2 * H] = mt[:, H:2 * H] * jnp.transpose(w2t)


def _k2(edata, Wr12t, Wr2bt, Wcmb):
    blk = 2048
    grid = E_PAD // blk
    return pl.pallas_call(
        _k2_body,
        grid=(grid,),
        in_specs=[
            pl.BlockSpec((blk, TW + 2 * PW), lambda i: (i, 0)),
            pl.BlockSpec((128, NUM_BESSEL), lambda i: (0, 0)),
            pl.BlockSpec((2 * H, 128), lambda i: (0, 0)),
            pl.BlockSpec((S * H + S, 2 * H), lambda i: (0, 0)),
        ],
        out_specs=pl.BlockSpec((blk, 2 * H), lambda i: (i, 0)),
        out_shape=jax.ShapeDtypeStruct((E_PAD, 2 * H), jnp.float32),
    )(edata, Wr12t, Wr2bt, Wcmb)


def _k3_body(msg_hbm, dst_hbm, out_hbm,
             idxd_v, rows_v, stage_v, sem, acc):
    cid = lax.axis_index("c")
    tid = lax.axis_index("s")
    wid = tid * NC + cid

    zv = jnp.zeros((H,), jnp.float32)

    def zbody(i, _):
        stage_v[i] = zv
        return 0

    lax.fori_loop(0, ROWS_PER_TILE, zbody, 0)
    pltpu.sync_copy(stage_v, acc.at[pl.ds(tid * ROWS_PER_TILE, ROWS_PER_TILE)])
    plsc.subcore_barrier()

    n_my = (NM - wid + NW - 1) // NW

    def body(k, _):
        m = wid + k * NW
        pltpu.sync_copy(dst_hbm.at[pl.ds(m * MJ, MJ)], idxd_v)
        d = pltpu.async_copy(
            msg_hbm.at[pl.ds(m * MB, MB), pl.ds(0, H)], rows_v, sem)
        d.wait()
        for j in range(MJ):
            pltpu.sync_copy(rows_v.at[pl.ds(j * CB, CB)],
                            acc.at[idxd_v.at[j]], add=True)
        return 0

    lax.fori_loop(0, n_my, body, 0)
    plsc.subcore_barrier()

    pltpu.sync_copy(acc.at[pl.ds(tid * ROWS_PER_TILE, ROWS_PER_TILE)], stage_v)
    pltpu.sync_copy(
        stage_v,
        out_hbm.at[pl.ds(cid * N_PAD + tid * ROWS_PER_TILE, ROWS_PER_TILE)])


def _k3(msg, dst2d):
    f = functools.partial(
        pl.kernel,
        out_type=[jax.ShapeDtypeStruct((NC * N_PAD, H), jnp.float32)],
        mesh=_sc_mesh(),
        compiler_params=pltpu.CompilerParams(use_tc_tiling_on_sc=False),
        scratch_types=[
            pltpu.VMEM((MJ, CB), jnp.int32),
            pltpu.VMEM((MB, H), jnp.float32),
            pltpu.VMEM((ROWS_PER_TILE, H), jnp.float32),
            pltpu.SemaphoreType.DMA,
            pltpu.VMEM_SHARED((N_PAD, H), jnp.float32),
        ],
    )
    return f(_k3_body)(msg, dst2d)[0]


def _k4_body(p0_ref, p1_ref, skip1_ref, ne0_ref, s2s_ref, batch_ref,
             wup2_ref, wr1_ref, h2_ref, a_ref, b_ref):
    i = pl.program_id(0)
    nf1 = p0_ref[...] + p1_ref[...] + skip1_ref[...]
    h2_ref[...] = nf1 @ wup2_ref[...]
    e1 = nf1 @ wr1_ref[...].reshape(H, 1)
    base = e1 + s2s_ref[...]

    blk = batch_ref.shape[0]
    iota = lax.broadcasted_iota(jnp.int32, (blk, G), 1)
    onehot = (batch_ref[...] == iota).astype(jnp.float32)
    a_part = jnp.sum(ne0_ref[...] * onehot, axis=0)
    b_part = jnp.sum(base * onehot, axis=0)

    @pl.when(i == 0)
    def _():
        a_ref[...] = jnp.zeros_like(a_ref)
        b_ref[...] = jnp.zeros_like(b_ref)

    a_ref[...] += a_part
    b_ref[...] += b_part


def _k4(p0, p1, skip1, ne0, s2s, batch, W_up2, w_read1):
    blk = 2000
    grid = N // blk
    return pl.pallas_call(
        _k4_body,
        grid=(grid,),
        in_specs=[
            pl.BlockSpec((blk, H), lambda i: (i, 0)),
            pl.BlockSpec((blk, H), lambda i: (i, 0)),
            pl.BlockSpec((blk, H), lambda i: (i, 0)),
            pl.BlockSpec((blk, 1), lambda i: (i, 0)),
            pl.BlockSpec((blk, 1), lambda i: (i, 0)),
            pl.BlockSpec((blk, 1), lambda i: (i, 0)),
            pl.BlockSpec((H, H), lambda i: (0, 0)),
            pl.BlockSpec((H,), lambda i: (0,)),
        ],
        out_specs=[
            pl.BlockSpec((blk, H), lambda i: (i, 0)),
            pl.BlockSpec((G,), lambda i: (0,)),
            pl.BlockSpec((G,), lambda i: (0,)),
        ],
        out_shape=[
            jax.ShapeDtypeStruct((N, H), jnp.float32),
            jax.ShapeDtypeStruct((G,), jnp.float32),
            jax.ShapeDtypeStruct((G,), jnp.float32),
        ],
    )(p0, p1, skip1, ne0, s2s, batch, W_up2, w_read1)


def _k5_body(h2_hbm, src_hbm, out_hbm, idxs_v, rows_v, sem):
    wid = lax.axis_index("s") * NC + lax.axis_index("c")
    n_my = (NM - wid + NW - 1) // NW

    def body(k, _):
        m = wid + k * NW
        pltpu.sync_copy(src_hbm.at[pl.ds(m * MJ, MJ)], idxs_v)
        descs = []
        for j in range(MJ):
            descs.append(pltpu.async_copy(
                h2_hbm.at[idxs_v.at[j]], rows_v.at[pl.ds(j * CB, CB)], sem))
        for d in descs:
            d.wait()
        pltpu.sync_copy(rows_v, out_hbm.at[pl.ds(m * MB, MB)])
        return 0

    lax.fori_loop(0, n_my, body, 0)


def _k5(h2, src2d):
    f = functools.partial(
        pl.kernel,
        out_type=[jax.ShapeDtypeStruct((E_PAD, H), jnp.float32)],
        mesh=_sc_mesh(),
        compiler_params=pltpu.CompilerParams(use_tc_tiling_on_sc=False),
        scratch_types=[
            pltpu.VMEM((MJ, CB), jnp.int32),
            pltpu.VMEM((MB, H), jnp.float32),
            pltpu.SemaphoreType.DMA,
        ],
    )
    return f(_k5_body)(h2, src2d)[0]


def _k6_body(h2s_ref, mq_ref, edata_ref, c_ref):
    i = pl.program_id(0)
    s2 = jnp.sum(h2s_ref[...] * mq_ref[:, H:2 * H], axis=1, keepdims=True)
    blk = h2s_ref.shape[0]
    iota = lax.broadcasted_iota(jnp.int32, (blk, G), 1).astype(jnp.float32)
    onehot = (edata_ref[:, TW + PW:TW + PW + 1] == iota).astype(jnp.float32)
    c_part = jnp.sum(s2 * onehot, axis=0)

    @pl.when(i == 0)
    def _():
        c_ref[...] = jnp.zeros_like(c_ref)

    c_ref[...] += c_part


def _k6(h2src, mq, edata):
    blk = 8192
    grid = E_PAD // blk
    return pl.pallas_call(
        _k6_body,
        grid=(grid,),
        in_specs=[
            pl.BlockSpec((blk, H), lambda i: (i, 0)),
            pl.BlockSpec((blk, 2 * H), lambda i: (i, 0)),
            pl.BlockSpec((blk, TW + 2 * PW), lambda i: (i, 0)),
        ],
        out_specs=pl.BlockSpec((G,), lambda i: (0,)),
        out_shape=jax.ShapeDtypeStruct((G,), jnp.float32),
    )(h2src, mq, edata)


def kernel(node_attrs, positions, edge_index, shifts, batch, num_graphs,
           atomic_energies, W_up1, Wr1_1, Wr2_1, W_msg1, W_skip1, w_read1,
           W_up2, Wr1_2, Wr2_2, W_msg2, W_skip2, w_read2):
    src = edge_index[0].astype(jnp.int32)
    dst = edge_index[1].astype(jnp.int32)
    pad = E_PAD - E
    src_p = jnp.concatenate([src, jnp.zeros((pad,), jnp.int32)])
    dst_p = jnp.concatenate([dst, jnp.full((pad,), N, jnp.int32)])
    src2d = src_p.reshape(E_PAD // CB, CB)
    dst2d = dst_p.reshape(E_PAD // CB, CB)
    batch_i = batch.astype(jnp.int32)
    batch_p = jnp.concatenate([batch_i, jnp.full((N_PAD - N,), G, jnp.int32)])
    batch16 = jnp.broadcast_to(batch_p.astype(jnp.float32)[:, None],
                               (N_PAD, PW))
    pos16 = jnp.zeros((N_PAD, PW), jnp.float32).at[0:N, 0:3].set(positions)

    k2skip = W_skip2 @ w_read2
    Wr12 = jnp.concatenate([Wr1_1, Wr1_2], axis=1)
    Wr2b = jnp.zeros((128, 2 * H), jnp.float32)
    Wr2b = Wr2b.at[0:64, 0:H].set(Wr2_1).at[64:128, H:2 * H].set(Wr2_2)
    Wm1p = W_msg1.reshape(H, S, H).transpose(1, 0, 2).reshape(S * H, H)
    V2T = (W_msg2 @ w_read2).reshape(H, S).T
    Wcmb = jnp.zeros((S * H + S, 2 * H), jnp.float32)
    Wcmb = Wcmb.at[0:S * H, 0:H].set(Wm1p).at[S * H:, H:2 * H].set(V2T)

    h1, skip1, ne0, s2s = _k0(node_attrs, W_up1, W_skip1,
                              atomic_energies, k2skip)
    tbl1 = jnp.concatenate(
        [positions, h1, jnp.zeros((N, TW - 3 - H), jnp.float32)], axis=1)

    edata = _k1(tbl1, pos16, batch16, src2d, dst2d)
    mq = _k2(edata, Wr12.T, Wr2b.T, Wcmb)
    parts = _k3(mq, dst2d)
    p0 = parts[0:N]
    p1 = parts[N_PAD:N_PAD + N]
    h2, a_sum, b_sum = _k4(p0, p1, skip1, ne0, s2s,
                           batch_i.reshape(N, 1), W_up2, w_read1)
    h2src = _k5(h2, src2d)
    c_sum = _k6(h2src, mq, edata)

    mask = (jnp.arange(G) < num_graphs).astype(jnp.float32)
    e0 = a_sum * mask
    inter = (b_sum + c_sum) * mask
    total = e0 + inter
    return total, inter

# --- scband reference (transcript-rebuilt; emitter-appended) ---
"""Pipeline reference for scband-body-ordered-model-37271726194950 (READ-ONLY COPY).

The authoritative reference and input builder live on the scoring server;
editing this copy changes nothing except your own understanding.
"""

import jax, jax.numpy as jnp
import numpy as np

R_MAX = 5.0
NUM_BESSEL = 8
P_CUT = 6
NUM_ELEMENTS = 10
H = 16
S = 9
N_NODES = 50000
N_EDGES = 800000
N_GRAPHS = 100


def setup_inputs(seed: int = 0):
    key = jax.random.key(seed)
    ks = jax.random.split(key, 24)
    inp = {}
    inp["node_attrs"] = jax.random.uniform(ks[0], (N_NODES, NUM_ELEMENTS), dtype=jnp.float32)
    inp["positions"] = jax.random.normal(ks[1], (N_NODES, 3), dtype=jnp.float32) * 1.5
    inp["edge_index"] = jax.random.randint(ks[2], (2, N_EDGES), 0, N_NODES)
    inp["shifts"] = jnp.zeros((N_EDGES, 3), dtype=jnp.float32)
    inp["batch"] = jnp.sort(jax.random.randint(ks[3], (N_NODES,), 0, N_GRAPHS))
    inp["num_graphs"] = N_GRAPHS
    inp["atomic_energies"] = jnp.array([-1.0, -2.0, -3.0, -4.0, -5.0, -6.0, -7.0, -8.0, -9.0, -10.0], dtype=jnp.float32)
    def lin(k, fi, fo):
        return jax.random.normal(k, (fi, fo), dtype=jnp.float32) / np.sqrt(fi)
    inp["W_up1"] = lin(ks[4], NUM_ELEMENTS, H)
    inp["Wr1_1"] = lin(ks[5], NUM_BESSEL, 64)
    inp["Wr2_1"] = lin(ks[6], 64, H)
    inp["W_msg1"] = lin(ks[7], H * S, H)
    inp["W_skip1"] = lin(ks[8], NUM_ELEMENTS, H)
    inp["w_read1"] = jax.random.normal(ks[9], (H,), dtype=jnp.float32) / np.sqrt(H)
    inp["W_up2"] = lin(ks[10], H, H)
    inp["Wr1_2"] = lin(ks[11], NUM_BESSEL, 64)
    inp["Wr2_2"] = lin(ks[12], 64, H)
    inp["W_msg2"] = lin(ks[13], H * S, H)
    inp["W_skip2"] = lin(ks[14], NUM_ELEMENTS, H)
    inp["w_read2"] = jax.random.normal(ks[15], (H,), dtype=jnp.float32) / np.sqrt(H)
    return inp


def _radial(lengths):
    n = jnp.arange(1, NUM_BESSEL + 1, dtype=jnp.float32)
    pref = np.sqrt(2.0 / R_MAX)
    bess = pref * jnp.sin(n[None, :] * jnp.pi * lengths / R_MAX) / lengths
    x = lengths / R_MAX
    p = float(P_CUT)
    env = (1.0 - ((p + 1.0) * (p + 2.0) / 2.0) * x ** p
           + p * (p + 2.0) * x ** (p + 1.0)
           - (p * (p + 1.0) / 2.0) * x ** (p + 2.0))
    env = env * (x < 1.0).astype(jnp.float32)
    return bess * env


def _sph(u):
    x, y, z = u[:, 0], u[:, 1], u[:, 2]
    c3 = np.sqrt(3.0)
    c5 = np.sqrt(5.0)
    c15 = np.sqrt(15.0)
    return jnp.stack([
        jnp.ones_like(x),
        c3 * x, c3 * y, c3 * z,
        c15 * x * y, c15 * y * z,
        (c5 / 2.0) * (3.0 * z * z - 1.0),
        c15 * x * z, (c15 / 2.0) * (x * x - y * y)], axis=1)


def _interaction(node_attrs, node_feats, edge_attrs, edge_feats, src, dst, W_up, Wr1, Wr2, W_msg, W_skip):
    h = node_feats @ W_up
    w = jax.nn.silu(edge_feats @ Wr1) @ Wr2
    m = (h[src] * w)[:, :, None] * edge_attrs[:, None, :]
    m = m.reshape(m.shape[0], H * S)
    agg = jnp.zeros((node_feats.shape[0], H * S), dtype=m.dtype).at[dst].add(m)
    return agg @ W_msg + node_attrs @ W_skip


def reference(node_attrs, positions, edge_index, shifts, batch, num_graphs,
              atomic_energies, W_up1, Wr1_1, Wr2_1, W_msg1, W_skip1, w_read1,
              W_up2, Wr1_2, Wr2_2, W_msg2, W_skip2, w_read2):
    src = edge_index[0]
    dst = edge_index[1]
    graph_mask = (jnp.arange(N_GRAPHS) < num_graphs).astype(jnp.float32)
    node_e0 = node_attrs @ atomic_energies
    e0 = jax.ops.segment_sum(node_e0, batch, num_segments=N_GRAPHS) * graph_mask
    vectors = positions[dst] - positions[src] + shifts
    lengths = jnp.sqrt(jnp.sum(vectors * vectors, axis=1, keepdims=True) + 1e-12)
    unit = vectors / lengths
    edge_attrs = _sph(unit)
    edge_feats = _radial(lengths)
    nf1 = _interaction(node_attrs, node_attrs, edge_attrs, edge_feats, src, dst, W_up1, Wr1_1, Wr2_1, W_msg1, W_skip1)
    e1 = nf1 @ w_read1
    nf2 = _interaction(node_attrs, nf1, edge_attrs, edge_feats, src, dst, W_up2, Wr1_2, Wr2_2, W_msg2, W_skip2)
    e2 = nf2 @ w_read2
    node_inter = e1 + e2
    inter_energy = jax.ops.segment_sum(node_inter, batch, num_segments=N_GRAPHS) * graph_mask
    total_energy = e0 + inter_energy
    return total_energy, inter_energy

if __name__ == "__main__":
    import jax
    _d = setup_inputs()
    print(jax.jit(kernel)(*tuple(_d.values())))

</pallas_src>

<mosaic_0001>
#map = affine_map<(d0, d1) -> (0, 0)>
module attributes {stable_mosaic.version = 14 : i64} {
  func.func @_k1_body(%arg0: i32, %arg1: i32, %arg2: memref<50000x32xf32, #tpu.memory_space<hbm>>, %arg3: memref<50176x16xf32, #tpu.memory_space<hbm>>, %arg4: memref<50176x16xf32, #tpu.memory_space<hbm>>, %arg5: memref<6272x128xi32, #tpu.memory_space<hbm>>, %arg6: memref<6272x128xi32, #tpu.memory_space<hbm>>, %arg7: memref<802816x64xf32, #tpu.memory_space<hbm>>, %arg8: memref<8x128xi32, #tpu.memory_space<vmem>>, %arg9: memref<8x128xi32, #tpu.memory_space<vmem>>, %arg10: memref<1024x32xf32, #tpu.memory_space<vmem>>, %arg11: memref<1024x16xf32, #tpu.memory_space<vmem>>, %arg12: memref<1024x16xf32, #tpu.memory_space<vmem>>, %arg13: memref<!tpu.dma_semaphore, #tpu.memory_space<semaphore_mem>>) attributes {dimension_semantics = [#tpu.dimension_semantics<core_parallel>, #tpu.dimension_semantics<subcore_parallel>], iteration_bounds = array<i64: 2, 16>, scalar_prefetch = 0 : i64, scratch_operands = 6 : i64, tpu.core_type = #tpu.core_type<sc_vector_subcore>, window_params = [{transform_indices = #map}, {transform_indices = #map}, {transform_indices = #map}, {transform_indices = #map}, {transform_indices = #map}, {transform_indices = #map}]} {
    %mul3A = arith.constant 2 : i32
    %mul3A_0 = arith.muli %arg1, %mul3A : i32
    %add3A = arith.addi %mul3A_0, %arg0 : i32
    %sub3A = arith.constant 784 : i32
    %sub3A_1 = arith.subi %sub3A, %add3A : i32
    %add3A_2 = arith.constant 32 : i32
    %add3A_3 = arith.addi %sub3A_1, %add3A_2 : i32
    %sub3A_4 = arith.constant 1 : i32
    %sub3A_5 = arith.subi %add3A_3, %sub3A_4 : i32
    %jit3A = arith.constant 32 : i32
    %div3A = arith.divsi %sub3A_5, %jit3A : i32
    %sign3A = arith.constant 0 : i32
    %sign3A_6 = arith.cmpi sgt, %sub3A_5, %sign3A : i32
    %sign3A_7 = arith.extui %sign3A_6 : i1 to i32
    %sign3A_8 = arith.constant 0 : i32
    %sign3A_9 = arith.cmpi slt, %sub3A_5, %sign3A_8 : i32
    %sign3A_10 = arith.extui %sign3A_9 : i1 to i32
    %sign3A_11 = arith.subi %sign3A_7, %sign3A_10 : i32
    %sign3A_12 = arith.constant 0 : i32
    %sign3A_13 = arith.cmpi sgt, %jit3A, %sign3A_12 : i32
    %sign3A_14 = arith.extui %sign3A_13 : i1 to i32
    %sign3A_15 = arith.constant 0 : i32
    %sign3A_16 = arith.cmpi slt, %jit3A, %sign3A_15 : i32
    %sign3A_17 = arith.extui %sign3A_16 : i1 to i32
    %sign3A_18 = arith.subi %sign3A_14, %sign3A_17 : i32
    %ne3A = arith.cmpi ne, %sign3A_11, %sign3A_18 : i32
    %rem3A = arith.remsi %sub3A_5, %jit3A : i32
    %ne3A_19 = arith.constant 0 : i32
    %ne3A_20 = arith.cmpi ne, %rem3A, %ne3A_19 : i32
    %and3A = arith.andi %ne3A, %ne3A_20 : i1
    %sub3A_21 = arith.constant 1 : i32
    %sub3A_22 = arith.subi %div3A, %sub3A_21 : i32
    %select_n3A = arith.select %and3A, %sub3A_22, %div3A : i32
    %while3A = arith.constant 0 : i32
    %while3A_23 = arith.constant 0 : i32
    %while3A_24 = arith.subi %select_n3A, %while3A : i32
    %while3A_25 = arith.addi %while3A, %while3A_24 : i32
    %while3A_26 = arith.constant 1 : i32
    %while3A_27 = arith.divsi %while3A_24, %while3A_26 : i32
    %while3A_28 = arith.muli %while3A_27, %while3A_26 : i32
    %while3A_29 = arith.addi %while3A, %while3A_28 : i32
    %while3A_30 = arith.constant 1 : i32
    %while3A_31 = scf.for %while3A_34 = %while3A to %while3A_29 step %while3A_30 iter_args(%while3A_35 = %while3A_23) -> (i32)  : i32 {
      %mul3A_36 = arith.constant 32 : i32
      %mul3A_37 = arith.muli %while3A_34, %mul3A_36 : i32
      %add3A_38 = arith.addi %add3A, %mul3A_37 : i32
      %mul3A_39 = arith.constant 8 : i32
      %mul3A_40 = arith.muli %add3A_38, %mul3A_39 : i32
      "tpu.region"() ({
        %run_scoped3A = tpu.sem_alloc : memref<!tpu.dma_semaphore, #tpu.memory_space<semaphore_mem>>
        %dma_start3A_528 = arith.constant 0 : i32
        %dma_start3A_529 = tpu.memref_slice %arg5[%mul3A_40, %dma_start3A_528] : memref<6272x128xi32, #tpu.memory_space<hbm>> -> memref<8x128xi32, #tpu.memory_space<hbm>>
        %dma_start3A_530 = arith.constant 0 : i32
        %dma_start3A_531 = tpu.memref_slice %arg5[%mul3A_40, %dma_start3A_530] : memref<6272x128xi32, #tpu.memory_space<hbm>> -> memref<8x128xi32, #tpu.memory_space<hbm>>
        tpu.enqueue_dma source(%dma_start3A_531 : memref<8x128xi32, #tpu.memory_space<hbm>>) target(%arg8 : memref<8x128xi32, #tpu.memory_space<vmem>>) target_semaphore(%run_scoped3A : memref<!tpu.dma_semaphore, #tpu.memory_space<semaphore_mem>>)
        %dma_wait3A_532 = arith.constant 0 : i32
        %dma_wait3A_533 = tpu.memref_slice %arg5[%mul3A_40, %dma_wait3A_532] : memref<6272x128xi32, #tpu.memory_space<hbm>> -> memref<8x128xi32, #tpu.memory_space<hbm>>
        %dma_wait3A_534 = arith.constant 0 : i32
        %dma_wait3A_535 = tpu.memref_slice %arg5[%mul3A_40, %dma_wait3A_534] : memref<6272x128xi32, #tpu.memory_space<hbm>> -> memref<8x128xi32, #tpu.memory_space<hbm>>
        tpu.wait_dma2 semaphore(%run_scoped3A : memref<!tpu.dma_semaphore, #tpu.memory_space<semaphore_mem>>) src(%dma_wait3A_535 : memref<8x128xi32, #tpu.memory_space<hbm>>) dst(%arg8 : memref<8x128xi32, #tpu.memory_space<vmem>>)
        tpu.yield
      }) : () -> ()
      %mul3A_41 = arith.constant 8 : i32
      %mul3A_42 = arith.muli %add3A_38, %mul3A_41 : i32
      "tpu.region"() ({
        %run_scoped3A = tpu.sem_alloc : memref<!tpu.dma_semaphore, #tpu.memory_space<semaphore_mem>>
        %dma_start3A_528 = arith.constant 0 : i32
        %dma_start3A_529 = tpu.memref_slice %arg6[%mul3A_42, %dma_start3A_528] : memref<6272x128xi32, #tpu.memory_space<hbm>> -> memref<8x128xi32, #tpu.memory_space<hbm>>
        %dma_start3A_530 = arith.constant 0 : i32
        %dma_start3A_531 = tpu.memref_slice %arg6[%mul3A_42, %dma_start3A_530] : memref<6272x128xi32, #tpu.memory_space<hbm>> -> memref<8x128xi32, #tpu.memory_space<hbm>>
        tpu.enqueue_dma source(%dma_start3A_531 : memref<8x128xi32, #tpu.memory_space<hbm>>) target(%arg9 : memref<8x128xi32, #tpu.memory_space<vmem>>) target_semaphore(%run_scoped3A : memref<!tpu.dma_semaphore, #tpu.memory_space<semaphore_mem>>)
        %dma_wait3A_532 = arith.constant 0 : i32
        %dma_wait3A_533 = tpu.memref_slice %arg6[%mul3A_42, %dma_wait3A_532] : memref<6272x128xi32, #tpu.memory_space<hbm>> -> memref<8x128xi32, #tpu.memory_space<hbm>>
        %dma_wait3A_534 = arith.constant 0 : i32
        %dma_wait3A_535 = tpu.memref_slice %arg6[%mul3A_42, %dma_wait3A_534] : memref<6272x128xi32, #tpu.memory_space<hbm>> -> memref<8x128xi32, #tpu.memory_space<hbm>>
        tpu.wait_dma2 semaphore(%run_scoped3A : memref<!tpu.dma_semaphore, #tpu.memory_space<semaphore_mem>>) src(%dma_wait3A_535 : memref<8x128xi32, #tpu.memory_space<hbm>>) dst(%arg9 : memref<8x128xi32, #tpu.memory_space<vmem>>)
        tpu.yield
      }) : () -> ()
      %dma_start3A = arith.constant 0 : i32
      %dma_start3A_43 = arith.constant 0 : i32
      %dma_start3A_44 = arith.constant 0 : i32
      %dma_start3A_45 = tpu.memref_slice %arg10[%dma_start3A_43, %dma_start3A_44] : memref<1024x32xf32, #tpu.memory_space<vmem>> -> memref<128x32xf32, #tpu.memory_space<vmem>>
      %dma_start3A_46 = arith.constant 0 : i32
      %dma_start3A_47 = tpu.memref_slice %arg8[%dma_start3A, %dma_start3A_46] : memref<8x128xi32, #tpu.memory_space<vmem>> -> memref<1x128xi32, #tpu.memory_space<vmem>>
      %dma_start3A_48 = tpu.memref_squeeze %dma_start3A_47 : memref<1x128xi32, #tpu.memory_space<vmem>> -> memref<128xi32, #tpu.memory_space<vmem>>
      %dma_start3A_49 = arith.constant 0 : i32
      %dma_start3A_50 = arith.constant 0 : i32
      %dma_start3A_51 = tpu.memref_slice %arg2[%dma_start3A_49, %dma_start3A_50] : memref<50000x32xf32, #tpu.memory_space<hbm>> -> memref<50000x32xf32, #tpu.memory_space<hbm>>
      tpu.enqueue_indirect_dma source(%dma_start3A_51 : memref<50000x32xf32, #tpu.memory_space<hbm>>) target(%dma_start3A_45 : memref<128x32xf32, #tpu.memory_space<vmem>>) offsets(%dma_start3A_48 : memref<128xi32, #tpu.memory_space<vmem>>) semaphore(%arg13 : memref<!tpu.dma_semaphore, #tpu.memory_space<semaphore_mem>>)
      %dma_start3A_52 = arith.constant 0 : i32
      %dma_start3A_53 = arith.constant 0 : i32
      %dma_start3A_54 = arith.constant 0 : i32
      %dma_start3A_55 = tpu.memref_slice %arg11[%dma_start3A_53, %dma_start3A_54] : memref<1024x16xf32, #tpu.memory_space<vmem>> -> memref<128x16xf32, #tpu.memory_space<vmem>>
      %dma_start3A_56 = arith.constant 0 : i32
      %dma_start3A_57 = tpu.memref_slice %arg9[%dma_start3A_52, %dma_start3A_56] : memref<8x128xi32, #tpu.memory_space<vmem>> -> memref<1x128xi32, #tpu.memory_space<vmem>>
      %dma_start3A_58 = tpu.memref_squeeze %dma_start3A_57 : memref<1x128xi32, #tpu.memory_space<vmem>> -> memref<128xi32, #tpu.memory_space<vmem>>
      %dma_start3A_59 = arith.constant 0 : i32
      %dma_start3A_60 = arith.constant 0 : i32
      %dma_start3A_61 = tpu.memref_slice %arg3[%dma_start3A_59, %dma_start3A_60] : memref<50176x16xf32, #tpu.memory_space<hbm>> -> memref<50176x16xf32, #tpu.memory_space<hbm>>
      tpu.enqueue_indirect_dma source(%dma_start3A_61 : memref<50176x16xf32, #tpu.memory_space<hbm>>) target(%dma_start3A_55 : memref<128x16xf32, #tpu.memory_space<vmem>>) offsets(%dma_start3A_58 : memref<128xi32, #tpu.memory_space<vmem>>) semaphore(%arg13 : memref<!tpu.dma_semaphore, #tpu.memory_space<semaphore_mem>>)
      %dma_start3A_62 = arith.constant 0 : i32
      %dma_start3A_63 = arith.constant 0 : i32
      %dma_start3A_64 = arith.constant 0 : i32
      %dma_start3A_65 = tpu.memref_slice %arg12[%dma_start3A_63, %dma_start3A_64] : memref<1024x16xf32, #tpu.memory_space<vmem>> -> memref<128x16xf32, #tpu.memory_space<vmem>>
      %dma_start3A_66 = arith.constant 0 : i32
      %dma_start3A_67 = tpu.memref_slice %arg9[%dma_start3A_62, %dma_start3A_66] : memref<8x128xi32, #tpu.memory_space<vmem>> -> memref<1x128xi32, #tpu.memory_space<vmem>>
      %dma_start3A_68 = tpu.memref_squeeze %dma_start3A_67 : memref<1x128xi32, #tpu.memory_space<vmem>> -> memref<128xi32, #tpu.memory_space<vmem>>
      %dma_start3A_69 = arith.constant 0 : i32
      %dma_start3A_70 = arith.constant 0 : i32
      %dma_start3A_71 = tpu.memref_slice %arg4[%dma_start3A_69, %dma_start3A_70] : memref<50176x16xf32, #tpu.memory_space<hbm>> -> memref<50176x16xf32, #tpu.memory_space<hbm>>
      tpu.enqueue_indirect_dma source(%dma_start3A_71 : memref<50176x16xf32, #tpu.memory_space<hbm>>) target(%dma_start3A_65 : memref<128x16xf32, #tpu.memory_space<vmem>>) offsets(%dma_start3A_68 : memref<128xi32, #tpu.memory_space<vmem>>) semaphore(%arg13 : memref<!tpu.dma_semaphore, #tpu.memory_space<semaphore_mem>>)
      %dma_start3A_72 = arith.constant 1 : i32
      %dma_start3A_73 = arith.constant 128 : i32
      %dma_start3A_74 = arith.constant 0 : i32
      %dma_start3A_75 = tpu.memref_slice %arg10[%dma_start3A_73, %dma_start3A_74] : memref<1024x32xf32, #tpu.memory_space<vmem>> -> memref<128x32xf32, #tpu.memory_space<vmem>>
      %dma_start3A_76 = arith.constant 0 : i32
      %dma_start3A_77 = tpu.memref_slice %arg8[%dma_start3A_72, %dma_start3A_76] : memref<8x128xi32, #tpu.memory_space<vmem>> -> memref<1x128xi32, #tpu.memory_space<vmem>>
      %dma_start3A_78 = tpu.memref_squeeze %dma_start3A_77 : memref<1x128xi32, #tpu.memory_space<vmem>> -> memref<128xi32, #tpu.memory_space<vmem>>
      %dma_start3A_79 = arith.constant 0 : i32
      %dma_start3A_80 = arith.constant 0 : i32
      %dma_start3A_81 = tpu.memref_slice %arg2[%dma_start3A_79, %dma_start3A_80] : memref<50000x32xf32, #tpu.memory_space<hbm>> -> memref<50000x32xf32, #tpu.memory_space<hbm>>
      tpu.enqueue_indirect_dma source(%dma_start3A_81 : memref<50000x32xf32, #tpu.memory_space<hbm>>) target(%dma_start3A_75 : memref<128x32xf32, #tpu.memory_space<vmem>>) offsets(%dma_start3A_78 : memref<128xi32, #tpu.memory_space<vmem>>) semaphore(%arg13 : memref<!tpu.dma_semaphore, #tpu.memory_space<semaphore_mem>>)
      %dma_start3A_82 = arith.constant 1 : i32
      %dma_start3A_83 = arith.constant 128 : i32
      %dma_start3A_84 = arith.constant 0 : i32
      %dma_start3A_85 = tpu.memref_slice %arg11[%dma_start3A_83, %dma_start3A_84] : memref<1024x16xf32, #tpu.memory_space<vmem>> -> memref<128x16xf32, #tpu.memory_space<vmem>>
      %dma_start3A_86 = arith.constant 0 : i32
      %dma_start3A_87 = tpu.memref_slice %arg9[%dma_start3A_82, %dma_start3A_86] : memref<8x128xi32, #tpu.memory_space<vmem>> -> memref<1x128xi32, #tpu.memory_space<vmem>>
      %dma_start3A_88 = tpu.memref_squeeze %dma_start3A_87 : memref<1x128xi32, #tpu.memory_space<vmem>> -> memref<128xi32, #tpu.memory_space<vmem>>
      %dma_start3A_89 = arith.constant 0 : i32
      %dma_start3A_90 = arith.constant 0 : i32
      %dma_start3A_91 = tpu.memref_slice %arg3[%dma_start3A_89, %dma_start3A_90] : memref<50176x16xf32, #tpu.memory_space<hbm>> -> memref<50176x16xf32, #tpu.memory_space<hbm>>
      tpu.enqueue_indirect_dma source(%dma_start3A_91 : memref<50176x16xf32, #tpu.memory_space<hbm>>) target(%dma_start3A_85 : memref<128x16xf32, #tpu.memory_space<vmem>>) offsets(%dma_start3A_88 : memref<128xi32, #tpu.memory_space<vmem>>) semaphore(%arg13 : memref<!tpu.dma_semaphore, #tpu.memory_space<semaphore_mem>>)
      %dma_start3A_92 = arith.constant 1 : i32
      %dma_start3A_93 = arith.constant 128 : i32
      %dma_start3A_94 = arith.constant 0 : i32
      %dma_start3A_95 = tpu.memref_slice %arg12[%dma_start3A_93, %dma_start3A_94] : memref<1024x16xf32, #tpu.memory_space<vmem>> -> memref<128x16xf32, #tpu.memory_space<vmem>>
      %dma_start3A_96 = arith.constant 0 : i32
      %dma_start3A_97 = tpu.memref_slice %arg9[%dma_start3A_92, %dma_start3A_96] : memref<8x128xi32, #tpu.memory_space<vmem>> -> memref<1x128xi32, #tpu.memory_space<vmem>>
      %dma_start3A_98 = tpu.memref_squeeze %dma_start3A_97 : memref<1x128xi32, #tpu.memory_space<vmem>> -> memref<128xi32, #tpu.memory_space<vmem>>
      %dma_start3A_99 = arith.constant 0 : i32
      %dma_start3A_100 = arith.constant 0 : i32
      %dma_start3A_101 = tpu.memref_slice %arg4[%dma_start3A_99, %dma_start3A_100] : memref<50176x16xf32, #tpu.memory_space<hbm>> -> memref<50176x16xf32, #tpu.memory_space<hbm>>
      tpu.enqueue_indirect_dma source(%dma_start3A_101 : memref<50176x16xf32, #tpu.memory_space<hbm>>) target(%dma_start3A_95 : memref<128x16xf32, #tpu.memory_space<vmem>>) offsets(%dma_start3A_98 : memref<128xi32, #tpu.memory_space<vmem>>) semaphore(%arg13 : memref<!tpu.dma_semaphore, #tpu.memory_space<semaphore_mem>>)
      %dma_start3A_102 = arith.constant 2 : i32
      %dma_start3A_103 = arith.constant 256 : i32
      %dma_start3A_104 = arith.constant 0 : i32
      %dma_start3A_105 = tpu.memref_slice %arg10[%dma_start3A_103, %dma_start3A_104] : memref<1024x32xf32, #tpu.memory_space<vmem>> -> memref<128x32xf32, #tpu.memory_space<vmem>>
      %dma_start3A_106 = arith.constant 0 : i32
      %dma_start3A_107 = tpu.memref_slice %arg8[%dma_start3A_102, %dma_start3A_106] : memref<8x128xi32, #tpu.memory_space<vmem>> -> memref<1x128xi32, #tpu.memory_space<vmem>>
      %dma_start3A_108 = tpu.memref_squeeze %dma_start3A_107 : memref<1x128xi32, #tpu.memory_space<vmem>> -> memref<128xi32, #tpu.memory_space<vmem>>
      %dma_start3A_109 = arith.constant 0 : i32
      %dma_start3A_110 = arith.constant 0 : i32
      %dma_start3A_111 = tpu.memref_slice %arg2[%dma_start3A_109, %dma_start3A_110] : memref<50000x32xf32, #tpu.memory_space<hbm>> -> memref<50000x32xf32, #tpu.memory_space<hbm>>
      tpu.enqueue_indirect_dma source(%dma_start3A_111 : memref<50000x32xf32, #tpu.memory_space<hbm>>) target(%dma_start3A_105 : memref<128x32xf32, #tpu.memory_space<vmem>>) offsets(%dma_start3A_108 : memref<128xi32, #tpu.memory_space<vmem>>) semaphore(%arg13 : memref<!tpu.dma_semaphore, #tpu.memory_space<semaphore_mem>>)
      %dma_start3A_112 = arith.constant 2 : i32
      %dma_start3A_113 = arith.constant 256 : i32
      %dma_start3A_114 = arith.constant 0 : i32
      %dma_start3A_115 = tpu.memref_slice %arg11[%dma_start3A_113, %dma_start3A_114] : memref<1024x16xf32, #tpu.memory_space<vmem>> -> memref<128x16xf32, #tpu.memory_space<vmem>>
      %dma_start3A_116 = arith.constant 0 : i32
      %dma_start3A_117 = tpu.memref_slice %arg9[%dma_start3A_112, %dma_start3A_116] : memref<8x128xi32, #tpu.memory_space<vmem>> -> memref<1x128xi32, #tpu.memory_space<vmem>>
      %dma_start3A_118 = tpu.memref_squeeze %dma_start3A_117 : memref<1x128xi32, #tpu.memory_space<vmem>> -> memref<128xi32, #tpu.memory_space<vmem>>
      %dma_start3A_119 = arith.constant 0 : i32
      %dma_start3A_120 = arith.constant 0 : i32
      %dma_start3A_121 = tpu.memref_slice %arg3[%dma_start3A_119, %dma_start3A_120] : memref<50176x16xf32, #tpu.memory_space<hbm>> -> memref<50176x16xf32, #tpu.memory_space<hbm>>
      tpu.enqueue_indirect_dma source(%dma_start3A_121 : memref<50176x16xf32, #tpu.memory_space<hbm>>) target(%dma_start3A_115 : memref<128x16xf32, #tpu.memory_space<vmem>>) offsets(%dma_start3A_118 : memref<128xi32, #tpu.memory_space<vmem>>) semaphore(%arg13 : memref<!tpu.dma_semaphore, #tpu.memory_space<semaphore_mem>>)
      %dma_start3A_122 = arith.constant 2 : i32
      %dma_start3A_123 = arith.constant 256 : i32
      %dma_start3A_124 = arith.constant 0 : i32
      %dma_start3A_125 = tpu.memref_slice %arg12[%dma_start3A_123, %dma_start3A_124] : memref<1024x16xf32, #tpu.memory_space<vmem>> -> memref<128x16xf32, #tpu.memory_space<vmem>>
      %dma_start3A_126 = arith.constant 0 : i32
      %dma_start3A_127 = tpu.memref_slice %arg9[%dma_start3A_122, %dma_start3A_126] : memref<8x128xi32, #tpu.memory_space<vmem>> -> memref<1x128xi32, #tpu.memory_space<vmem>>
      %dma_start3A_128 = tpu.memref_squeeze %dma_start3A_127 : memref<1x128xi32, #tpu.memory_space<vmem>> -> memref<128xi32, #tpu.memory_space<vmem>>
      %dma_start3A_129 = arith.constant 0 : i32
      %dma_start3A_130 = arith.constant 0 : i32
      %dma_start3A_131 = tpu.memref_slice %arg4[%dma_start3A_129, %dma_start3A_130] : memref<50176x16xf32, #tpu.memory_space<hbm>> -> memref<50176x16xf32, #tpu.memory_space<hbm>>
      tpu.enqueue_indirect_dma source(%dma_start3A_131 : memref<50176x16xf32, #tpu.memory_space<hbm>>) target(%dma_start3A_125 : memref<128x16xf32, #tpu.memory_space<vmem>>) offsets(%dma_start3A_128 : memref<128xi32, #tpu.memory_space<vmem>>) semaphore(%arg13 : memref<!tpu.dma_semaphore, #tpu.memory_space<semaphore_mem>>)
      %dma_start3A_132 = arith.constant 3 : i32
      %dma_start3A_133 = arith.constant 384 : i32
      %dma_start3A_134 = arith.constant 0 : i32
      %dma_start3A_135 = tpu.memref_slice %arg10[%dma_start3A_133, %dma_start3A_134] : memref<1024x32xf32, #tpu.memory_space<vmem>> -> memref<128x32xf32, #tpu.memory_space<vmem>>
      %dma_start3A_136 = arith.constant 0 : i32
      %dma_start3A_137 = tpu.memref_slice %arg8[%dma_start3A_132, %dma_start3A_136] : memref<8x128xi32, #tpu.memory_space<vmem>> -> memref<1x128xi32, #tpu.memory_space<vmem>>
      %dma_start3A_138 = tpu.memref_squeeze %dma_start3A_137 : memref<1x128xi32, #tpu.memory_space<vmem>> -> memref<128xi32, #tpu.memory_space<vmem>>
      %dma_start3A_139 = arith.constant 0 : i32
      %dma_start3A_140 = arith.constant 0 : i32
      %dma_start3A_141 = tpu.memref_slice %arg2[%dma_start3A_139, %dma_start3A_140] : memref<50000x32xf32, #tpu.memory_space<hbm>> -> memref<50000x32xf32, #tpu.memory_space<hbm>>
      tpu.enqueue_indirect_dma source(%dma_start3A_141 : memref<50000x32xf32, #tpu.memory_space<hbm>>) target(%dma_start3A_135 : memref<128x32xf32, #tpu.memory_space<vmem>>) offsets(%dma_start3A_138 : memref<128xi32, #tpu.memory_space<vmem>>) semaphore(%arg13 : memref<!tpu.dma_semaphore, #tpu.memory_space<semaphore_mem>>)
      %dma_start3A_142 = arith.constant 3 : i32
      %dma_start3A_143 = arith.constant 384 : i32
      %dma_start3A_144 = arith.constant 0 : i32
      %dma_start3A_145 = tpu.memref_slice %arg11[%dma_start3A_143, %dma_start3A_144] : memref<1024x16xf32, #tpu.memory_space<vmem>> -> memref<128x16xf32, #tpu.memory_space<vmem>>
      %dma_start3A_146 = arith.constant 0 : i32
      %dma_start3A_147 = tpu.memref_slice %arg9[%dma_start3A_142, %dma_start3A_146] : memref<8x128xi32, #tpu.memory_space<vmem>> -> memref<1x128xi32, #tpu.memory_space<vmem>>
      %dma_start3A_148 = tpu.memref_squeeze %dma_start3A_147 : memref<1x128xi32, #tpu.memory_space<vmem>> -> memref<128xi32, #tpu.memory_space<vmem>>
      %dma_start3A_149 = arith.constant 0 : i32
      %dma_start3A_150 = arith.constant 0 : i32
      %dma_start3A_151 = tpu.memref_slice %arg3[%dma_start3A_149, %dma_start3A_150] : memref<50176x16xf32, #tpu.memory_space<hbm>> -> memref<50176x16xf32, #tpu.memory_space<hbm>>
      tpu.enqueue_indirect_dma source(%dma_start3A_151 : memref<50176x16xf32, #tpu.memory_space<hbm>>) target(%dma_start3A_145 : memref<128x16xf32, #tpu.memory_space<vmem>>) offsets(%dma_start3A_148 : memref<128xi32, #tpu.memory_space<vmem>>) semaphore(%arg13 : memref<!tpu.dma_semaphore, #tpu.memory_space<semaphore_mem>>)
      %dma_start3A_152 = arith.constant 3 : i32
      %dma_start3A_153 = arith.constant 384 : i32
      %dma_start3A_154 = arith.constant 0 : i32
      %dma_start3A_155 = tpu.memref_slice %arg12[%dma_start3A_153, %dma_start3A_154] : memref<1024x16xf32, #tpu.memory_space<vmem>> -> memref<128x16xf32, #tpu.memory_space<vmem>>
      %dma_start3A_156 = arith.constant 0 : i32
      %dma_start3A_157 = tpu.memref_slice %arg9[%dma_start3A_152, %dma_start3A_156] : memref<8x128xi32, #tpu.memory_space<vmem>> -> memref<1x128xi32, #tpu.memory_space<vmem>>
      %dma_start3A_158 = tpu.memref_squeeze %dma_start3A_157 : memref<1x128xi32, #tpu.memory_space<vmem>> -> memref<128xi32, #tpu.memory_space<vmem>>
      %dma_start3A_159 = arith.constant 0 : i32
      %dma_start3A_160 = arith.constant 0 : i32
      %dma_start3A_161 = tpu.memref_slice %arg4[%dma_start3A_159, %dma_start3A_160] : memref<50176x16xf32, #tpu.memory_space<hbm>> -> memref<50176x16xf32, #tpu.memory_space<hbm>>
      tpu.enqueue_indirect_dma source(%dma_start3A_161 : memref<50176x16xf32, #tpu.memory_space<hbm>>) target(%dma_start3A_155 : memref<128x16xf32, #tpu.memory_space<vmem>>) offsets(%dma_start3A_158 : memref<128xi32, #tpu.memory_space<vmem>>) semaphore(%arg13 : memref<!tpu.dma_semaphore, #tpu.memory_space<semaphore_mem>>)
      %dma_start3A_162 = arith.constant 4 : i32
      %dma_start3A_163 = arith.constant 512 : i32
      %dma_start3A_164 = arith.constant 0 : i32
      %dma_start3A_165 = tpu.memref_slice %arg10[%dma_start3A_163, %dma_start3A_164] : memref<1024x32xf32, #tpu.memory_space<vmem>> -> memref<128x32xf32, #tpu.memory_space<vmem>>
      %dma_start3A_166 = arith.constant 0 : i32
      %dma_start3A_167 = tpu.memref_slice %arg8[%dma_start3A_162, %dma_start3A_166] : memref<8x128xi32, #tpu.memory_space<vmem>> -> memref<1x128xi32, #tpu.memory_space<vmem>>
      %dma_start3A_168 = tpu.memref_squeeze %dma_start3A_167 : memref<1x128xi32, #tpu.memory_space<vmem>> -> memref<128xi32, #tpu.memory_space<vmem>>
      %dma_start3A_169 = arith.constant 0 : i32
      %dma_start3A_170 = arith.constant 0 : i32
      %dma_start3A_171 = tpu.memref_slice %arg2[%dma_start3A_169, %dma_start3A_170] : memref<50000x32xf32, #tpu.memory_space<hbm>> -> memref<50000x32xf32, #tpu.memory_space<hbm>>
      tpu.enqueue_indirect_dma source(%dma_start3A_171 : memref<50000x32xf32, #tpu.memory_space<hbm>>) target(%dma_start3A_165 : memref<128x32xf32, #tpu.memory_space<vmem>>) offsets(%dma_start3A_168 : memref<128xi32, #tpu.memory_space<vmem>>) semaphore(%arg13 : memref<!tpu.dma_semaphore, #tpu.memory_space<semaphore_mem>>)
      %dma_start3A_172 = arith.constant 4 : i32
      %dma_start3A_173 = arith.constant 512 : i32
      %dma_start3A_174 = arith.constant 0 : i32
      %dma_start3A_175 = tpu.memref_slice %arg11[%dma_start3A_173, %dma_start3A_174] : memref<1024x16xf32, #tpu.memory_space<vmem>> -> memref<128x16xf32, #tpu.memory_space<vmem>>
      %dma_start3A_176 = arith.constant 0 : i32
      %dma_start3A_177 = tpu.memref_slice %arg9[%dma_start3A_172, %dma_start3A_176] : memref<8x128xi32, #tpu.memory_space<vmem>> -> memref<1x128xi32, #tpu.memory_space<vmem>>
      %dma_start3A_178 = tpu.memref_squeeze %dma_start3A_177 : memref<1x128xi32, #tpu.memory_space<vmem>> -> memref<128xi32, #tpu.memory_space<vmem>>
      %dma_start3A_179 = arith.constant 0 : i32
      %dma_start3A_180 = arith.constant 0 : i32
      %dma_start3A_181 = tpu.memref_slice %arg3[%dma_start3A_179, %dma_start3A_180] : memref<50176x16xf32, #tpu.memory_space<hbm>> -> memref<50176x16xf32, #tpu.memory_space<hbm>>
      tpu.enqueue_indirect_dma source(%dma_start3A_181 : memref<50176x16xf32, #tpu.memory_space<hbm>>) target(%dma_start3A_175 : memref<128x16xf32, #tpu.memory_space<vmem>>) offsets(%dma_start3A_178 : memref<128xi32, #tpu.memory_space<vmem>>) semaphore(%arg13 : memref<!tpu.dma_semaphore, #tpu.memory_space<semaphore_mem>>)
      %dma_start3A_182 = arith.constant 4 : i32
      %dma_start3A_183 = arith.constant 512 : i32
      %dma_start3A_184 = arith.constant 0 : i32
      %dma_start3A_185 = tpu.memref_slice %arg12[%dma_start3A_183, %dma_start3A_184] : memref<1024x16xf32, #tpu.memory_space<vmem>> -> memref<128x16xf32, #tpu.memory_space<vmem>>
      %dma_start3A_186 = arith.constant 0 : i32
      %dma_start3A_187 = tpu.memref_slice %arg9[%dma_start3A_182, %dma_start3A_186] : memref<8x128xi32, #tpu.memory_space<vmem>> -> memref<1x128xi32, #tpu.memory_space<vmem>>
      %dma_start3A_188 = tpu.memref_squeeze %dma_start3A_187 : memref<1x128xi32, #tpu.memory_space<vmem>> -> memref<128xi32, #tpu.memory_space<vmem>>
      %dma_start3A_189 = arith.constant 0 : i32
      %dma_start3A_190 = arith.constant 0 : i32
      %dma_start3A_191 = tpu.memref_slice %arg4[%dma_start3A_189, %dma_start3A_190] : memref<50176x16xf32, #tpu.memory_space<hbm>> -> memref<50176x16xf32, #tpu.memory_space<hbm>>
      tpu.enqueue_indirect_dma source(%dma_start3A_191 : memref<50176x16xf32, #tpu.memory_space<hbm>>) target(%dma_start3A_185 : memref<128x16xf32, #tpu.memory_space<vmem>>) offsets(%dma_start3A_188 : memref<128xi32, #tpu.memory_space<vmem>>) semaphore(%arg13 : memref<!tpu.dma_semaphore, #tpu.memory_space<semaphore_mem>>)
      %dma_start3A_192 = arith.constant 5 : i32
      %dma_start3A_193 = arith.constant 640 : i32
      %dma_start3A_194 = arith.constant 0 : i32
      %dma_start3A_195 = tpu.memref_slice %arg10[%dma_start3A_193, %dma_start3A_194] : memref<1024x32xf32, #tpu.memory_space<vmem>> -> memref<128x32xf32, #tpu.memory_space<vmem>>
      %dma_start3A_196 = arith.constant 0 : i32
      %dma_start3A_197 = tpu.memref_slice %arg8[%dma_start3A_192, %dma_start3A_196] : memref<8x128xi32, #tpu.memory_space<vmem>> -> memref<1x128xi32, #tpu.memory_space<vmem>>
      %dma_start3A_198 = tpu.memref_squeeze %dma_start3A_197 : memref<1x128xi32, #tpu.memory_space<vmem>> -> memref<128xi32, #tpu.memory_space<vmem>>
      %dma_start3A_199 = arith.constant 0 : i32
      %dma_start3A_200 = arith.constant 0 : i32
      %dma_start3A_201 = tpu.memref_slice %arg2[%dma_start3A_199, %dma_start3A_200] : memref<50000x32xf32, #tpu.memory_space<hbm>> -> memref<50000x32xf32, #tpu.memory_space<hbm>>
      tpu.enqueue_indirect_dma source(%dma_start3A_201 : memref<50000x32xf32, #tpu.memory_space<hbm>>) target(%dma_start3A_195 : memref<128x32xf32, #tpu.memory_space<vmem>>) offsets(%dma_start3A_198 : memref<128xi32, #tpu.memory_space<vmem>>) semaphore(%arg13 : memref<!tpu.dma_semaphore, #tpu.memory_space<semaphore_mem>>)
      %dma_start3A_202 = arith.constant 5 : i32
      %dma_start3A_203 = arith.constant 640 : i32
      %dma_start3A_204 = arith.constant 0 : i32
      %dma_start3A_205 = tpu.memref_slice %arg11[%dma_start3A_203, %dma_start3A_204] : memref<1024x16xf32, #tpu.memory_space<vmem>> -> memref<128x16xf32, #tpu.memory_space<vmem>>
      %dma_start3A_206 = arith.constant 0 : i32
      %dma_start3A_207 = tpu.memref_slice %arg9[%dma_start3A_202, %dma_start3A_206] : memref<8x128xi32, #tpu.memory_space<vmem>> -> memref<1x128xi32, #tpu.memory_space<vmem>>
      %dma_start3A_208 = tpu.memref_squeeze %dma_start3A_207 : memref<1x128xi32, #tpu.memory_space<vmem>> -> memref<128xi32, #tpu.memory_space<vmem>>
      %dma_start3A_209 = arith.constant 0 : i32
      %dma_start3A_210 = arith.constant 0 : i32
      %dma_start3A_211 = tpu.memref_slice %arg3[%dma_start3A_209, %dma_start3A_210] : memref<50176x16xf32, #tpu.memory_space<hbm>> -> memref<50176x16xf32, #tpu.memory_space<hbm>>
      tpu.enqueue_indirect_dma source(%dma_start3A_211 : memref<50176x16xf32, #tpu.memory_space<hbm>>) target(%dma_start3A_205 : memref<128x16xf32, #tpu.memory_space<vmem>>) offsets(%dma_start3A_208 : memref<128xi32, #tpu.memory_space<vmem>>) semaphore(%arg13 : memref<!tpu.dma_semaphore, #tpu.memory_space<semaphore_mem>>)
      %dma_start3A_212 = arith.constant 5 : i32
      %dma_start3A_213 = arith.constant 640 : i32
      %dma_start3A_214 = arith.constant 0 : i32
      %dma_start3A_215 = tpu.memref_slice %arg12[%dma_start3A_213, %dma_start3A_214] : memref<1024x16xf32, #tpu.memory_space<vmem>> -> memref<128x16xf32, #tpu.memory_space<vmem>>
      %dma_start3A_216 = arith.constant 0 : i32
      %dma_start3A_217 = tpu.memref_slice %arg9[%dma_start3A_212, %dma_start3A_216] : memref<8x128xi32, #tpu.memory_space<vmem>> -> memref<1x128xi32, #tpu.memory_space<vmem>>
      %dma_start3A_218 = tpu.memref_squeeze %dma_start3A_217 : memref<1x128xi32, #tpu.memory_space<vmem>> -> memref<128xi32, #tpu.memory_space<vmem>>
      %dma_start3A_219 = arith.constant 0 : i32
      %dma_start3A_220 = arith.constant 0 : i32
      %dma_start3A_221 = tpu.memref_slice %arg4[%dma_start3A_219, %dma_start3A_220] : memref<50176x16xf32, #tpu.memory_space<hbm>> -> memref<50176x16xf32, #tpu.memory_space<hbm>>
      tpu.enqueue_indirect_dma source(%dma_start3A_221 : memref<50176x16xf32, #tpu.memory_space<hbm>>) target(%dma_start3A_215 : memref<128x16xf32, #tpu.memory_space<vmem>>) offsets(%dma_start3A_218 : memref<128xi32, #tpu.memory_space<vmem>>) semaphore(%arg13 : memref<!tpu.dma_semaphore, #tpu.memory_space<semaphore_mem>>)
      %dma_start3A_222 = arith.constant 6 : i32
      %dma_start3A_223 = arith.constant 768 : i32
      %dma_start3A_224 = arith.constant 0 : i32
      %dma_start3A_225 = tpu.memref_slice %arg10[%dma_start3A_223, %dma_start3A_224] : memref<1024x32xf32, #tpu.memory_space<vmem>> -> memref<128x32xf32, #tpu.memory_space<vmem>>
      %dma_start3A_226 = arith.constant 0 : i32
      %dma_start3A_227 = tpu.memref_slice %arg8[%dma_start3A_222, %dma_start3A_226] : memref<8x128xi32, #tpu.memory_space<vmem>> -> memref<1x128xi32, #tpu.memory_space<vmem>>
      %dma_start3A_228 = tpu.memref_squeeze %dma_start3A_227 : memref<1x128xi32, #tpu.memory_space<vmem>> -> memref<128xi32, #tpu.memory_space<vmem>>
      %dma_start3A_229 = arith.constant 0 : i32
      %dma_start3A_230 = arith.constant 0 : i32
      %dma_start3A_231 = tpu.memref_slice %arg2[%dma_start3A_229, %dma_start3A_230] : memref<50000x32xf32, #tpu.memory_space<hbm>> -> memref<50000x32xf32, #tpu.memory_space<hbm>>
      tpu.enqueue_indirect_dma source(%dma_start3A_231 : memref<50000x32xf32, #tpu.memory_space<hbm>>) target(%dma_start3A_225 : memref<128x32xf32, #tpu.memory_space<vmem>>) offsets(%dma_start3A_228 : memref<128xi32, #tpu.memory_space<vmem>>) semaphore(%arg13 : memref<!tpu.dma_semaphore, #tpu.memory_space<semaphore_mem>>)
      %dma_start3A_232 = arith.constant 6 : i32
      %dma_start3A_233 = arith.constant 768 : i32
      %dma_start3A_234 = arith.constant 0 : i32
      %dma_start3A_235 = tpu.memref_slice %arg11[%dma_start3A_233, %dma_start3A_234] : memref<1024x16xf32, #tpu.memory_space<vmem>> -> memref<128x16xf32, #tpu.memory_space<vmem>>
      %dma_start3A_236 = arith.constant 0 : i32
      %dma_start3A_237 = tpu.memref_slice %arg9[%dma_start3A_232, %dma_start3A_236] : memref<8x128xi32, #tpu.memory_space<vmem>> -> memref<1x128xi32, #tpu.memory_space<vmem>>
      %dma_start3A_238 = tpu.memref_squeeze %dma_start3A_237 : memref<1x128xi32, #tpu.memory_space<vmem>> -> memref<128xi32, #tpu.memory_space<vmem>>
      %dma_start3A_239 = arith.constant 0 : i32
      %dma_start3A_240 = arith.constant 0 : i32
      %dma_start3A_241 = tpu.memref_slice %arg3[%dma_start3A_239, %dma_start3A_240] : memref<50176x16xf32, #tpu.memory_space<hbm>> -> memref<50176x16xf32, #tpu.memory_space<hbm>>
      tpu.enqueue_indirect_dma source(%dma_start3A_241 : memref<50176x16xf32, #tpu.memory_space<hbm>>) target(%dma_start3A_235 : memref<128x16xf32, #tpu.memory_space<vmem>>) offsets(%dma_start3A_238 : memref<128xi32, #tpu.memory_space<vmem>>) semaphore(%arg13 : memref<!tpu.dma_semaphore, #tpu.memory_space<semaphore_mem>>)
      %dma_start3A_242 = arith.constant 6 : i32
      %dma_start3A_243 = arith.constant 768 : i32
      %dma_start3A_244 = arith.constant 0 : i32
      %dma_start3A_245 = tpu.memref_slice %arg12[%dma_start3A_243, %dma_start3A_244] : memref<1024x16xf32, #tpu.memory_space<vmem>> -> memref<128x16xf32, #tpu.memory_space<vmem>>
      %dma_start3A_246 = arith.constant 0 : i32
      %dma_start3A_247 = tpu.memref_slice %arg9[%dma_start3A_242, %dma_start3A_246] : memref<8x128xi32, #tpu.memory_space<vmem>> -> memref<1x128xi32, #tpu.memory_space<vmem>>
      %dma_start3A_248 = tpu.memref_squeeze %dma_start3A_247 : memref<1x128xi32, #tpu.memory_space<vmem>> -> memref<128xi32, #tpu.memory_space<vmem>>
      %dma_start3A_249 = arith.constant 0 : i32
      %dma_start3A_250 = arith.constant 0 : i32
      %dma_start3A_251 = tpu.memref_slice %arg4[%dma_start3A_249, %dma_start3A_250] : memref<50176x16xf32, #tpu.memory_space<hbm>> -> memref<50176x16xf32, #tpu.memory_space<hbm>>
      tpu.enqueue_indirect_dma source(%dma_start3A_251 : memref<50176x16xf32, #tpu.memory_space<hbm>>) target(%dma_start3A_245 : memref<128x16xf32, #tpu.memory_space<vmem>>) offsets(%dma_start3A_248 : memref<128xi32, #tpu.memory_space<vmem>>) semaphore(%arg13 : memref<!tpu.dma_semaphore, #tpu.memory_space<semaphore_mem>>)
      %dma_start3A_252 = arith.constant 7 : i32
      %dma_start3A_253 = arith.constant 896 : i32
      %dma_start3A_254 = arith.constant 0 : i32
      %dma_start3A_255 = tpu.memref_slice %arg10[%dma_start3A_253, %dma_start3A_254] : memref<1024x32xf32, #tpu.memory_space<vmem>> -> memref<128x32xf32, #tpu.memory_space<vmem>>
      %dma_start3A_256 = arith.constant 0 : i32
      %dma_start3A_257 = tpu.memref_slice %arg8[%dma_start3A_252, %dma_start3A_256] : memref<8x128xi32, #tpu.memory_space<vmem>> -> memref<1x128xi32, #tpu.memory_space<vmem>>
      %dma_start3A_258 = tpu.memref_squeeze %dma_start3A_257 : memref<1x128xi32, #tpu.memory_space<vmem>> -> memref<128xi32, #tpu.memory_space<vmem>>
      %dma_start3A_259 = arith.constant 0 : i32
      %dma_start3A_260 = arith.constant 0 : i32
      %dma_start3A_261 = tpu.memref_slice %arg2[%dma_start3A_259, %dma_start3A_260] : memref<50000x32xf32, #tpu.memory_space<hbm>> -> memref<50000x32xf32, #tpu.memory_space<hbm>>
      tpu.enqueue_indirect_dma source(%dma_start3A_261 : memref<50000x32xf32, #tpu.memory_space<hbm>>) target(%dma_start3A_255 : memref<128x32xf32, #tpu.memory_space<vmem>>) offsets(%dma_start3A_258 : memref<128xi32, #tpu.memory_space<vmem>>) semaphore(%arg13 : memref<!tpu.dma_semaphore, #tpu.memory_space<semaphore_mem>>)
      %dma_start3A_262 = arith.constant 7 : i32
      %dma_start3A_263 = arith.constant 896 : i32
      %dma_start3A_264 = arith.constant 0 : i32
      %dma_start3A_265 = tpu.memref_slice %arg11[%dma_start3A_263, %dma_start3A_264] : memref<1024x16xf32, #tpu.memory_space<vmem>> -> memref<128x16xf32, #tpu.memory_space<vmem>>
      %dma_start3A_266 = arith.constant 0 : i32
      %dma_start3A_267 = tpu.memref_slice %arg9[%dma_start3A_262, %dma_start3A_266] : memref<8x128xi32, #tpu.memory_space<vmem>> -> memref<1x128xi32, #tpu.memory_space<vmem>>
      %dma_start3A_268 = tpu.memref_squeeze %dma_start3A_267 : memref<1x128xi32, #tpu.memory_space<vmem>> -> memref<128xi32, #tpu.memory_space<vmem>>
      %dma_start3A_269 = arith.constant 0 : i32
      %dma_start3A_270 = arith.constant 0 : i32
      %dma_start3A_271 = tpu.memref_slice %arg3[%dma_start3A_269, %dma_start3A_270] : memref<50176x16xf32, #tpu.memory_space<hbm>> -> memref<50176x16xf32, #tpu.memory_space<hbm>>
      tpu.enqueue_indirect_dma source(%dma_start3A_271 : memref<50176x16xf32, #tpu.memory_space<hbm>>) target(%dma_start3A_265 : memref<128x16xf32, #tpu.memory_space<vmem>>) offsets(%dma_start3A_268 : memref<128xi32, #tpu.memory_space<vmem>>) semaphore(%arg13 : memref<!tpu.dma_semaphore, #tpu.memory_space<semaphore_mem>>)
      %dma_start3A_272 = arith.constant 7 : i32
      %dma_start3A_273 = arith.constant 896 : i32
      %dma_start3A_274 = arith.constant 0 : i32
      %dma_start3A_275 = tpu.memref_slice %arg12[%dma_start3A_273, %dma_start3A_274] : memref<1024x16xf32, #tpu.memory_space<vmem>> -> memref<128x16xf32, #tpu.memory_space<vmem>>
      %dma_start3A_276 = arith.constant 0 : i32
      %dma_start3A_277 = tpu.memref_slice %arg9[%dma_start3A_272, %dma_start3A_276] : memref<8x128xi32, #tpu.memory_space<vmem>> -> memref<1x128xi32, #tpu.memory_space<vmem>>
      %dma_start3A_278 = tpu.memref_squeeze %dma_start3A_277 : memref<1x128xi32, #tpu.memory_space<vmem>> -> memref<128xi32, #tpu.memory_space<vmem>>
      %dma_start3A_279 = arith.constant 0 : i32
      %dma_start3A_280 = arith.constant 0 : i32
      %dma_start3A_281 = tpu.memref_slice %arg4[%dma_start3A_279, %dma_start3A_280] : memref<50176x16xf32, #tpu.memory_space<hbm>> -> memref<50176x16xf32, #tpu.memory_space<hbm>>
      tpu.enqueue_indirect_dma source(%dma_start3A_281 : memref<50176x16xf32, #tpu.memory_space<hbm>>) target(%dma_start3A_275 : memref<128x16xf32, #tpu.memory_space<vmem>>) offsets(%dma_start3A_278 : memref<128xi32, #tpu.memory_space<vmem>>) semaphore(%arg13 : memref<!tpu.dma_semaphore, #tpu.memory_space<semaphore_mem>>)
      %dma_wait3A = arith.constant 0 : i32
      %dma_wait3A_282 = arith.constant 0 : i32
      %dma_wait3A_283 = arith.constant 0 : i32
      %dma_wait3A_284 = tpu.memref_slice %arg10[%dma_wait3A_282, %dma_wait3A_283] : memref<1024x32xf32, #tpu.memory_space<vmem>> -> memref<128x32xf32, #tpu.memory_space<vmem>>
      %dma_wait3A_285 = arith.constant 0 : i32
      %dma_wait3A_286 = tpu.memref_slice %arg8[%dma_wait3A, %dma_wait3A_285] : memref<8x128xi32, #tpu.memory_space<vmem>> -> memref<1x128xi32, #tpu.memory_space<vmem>>
      %dma_wait3A_287 = tpu.memref_squeeze %dma_wait3A_286 : memref<1x128xi32, #tpu.memory_space<vmem>> -> memref<128xi32, #tpu.memory_space<vmem>>
      %dma_wait3A_288 = arith.constant 0 : i32
      %dma_wait3A_289 = arith.constant 0 : i32
      %dma_wait3A_290 = tpu.memref_slice %arg2[%dma_wait3A_288, %dma_wait3A_289] : memref<50000x32xf32, #tpu.memory_space<hbm>> -> memref<50000x32xf32, #tpu.memory_space<hbm>>
      tpu.wait_indirect_dma semaphore(%arg13 : memref<!tpu.dma_semaphore, #tpu.memory_space<semaphore_mem>>) src(%dma_wait3A_290 : memref<50000x32xf32, #tpu.memory_space<hbm>>) dst(%dma_wait3A_284 : memref<128x32xf32, #tpu.memory_space<vmem>>)
      %dma_wait3A_291 = arith.constant 0 : i32
      %dma_wait3A_292 = arith.constant 0 : i32
      %dma_wait3A_293 = arith.constant 0 : i32
      %dma_wait3A_294 = tpu.memref_slice %arg11[%dma_wait3A_292, %dma_wait3A_293] : memref<1024x16xf32, #tpu.memory_space<vmem>> -> memref<128x16xf32, #tpu.memory_space<vmem>>
      %dma_wait3A_295 = arith.constant 0 : i32
      %dma_wait3A_296 = tpu.memref_slice %arg9[%dma_wait3A_291, %dma_wait3A_295] : memref<8x128xi32, #tpu.memory_space<vmem>> -> memref<1x128xi32, #tpu.memory_space<vmem>>
      %dma_wait3A_297 = tpu.memref_squeeze %dma_wait3A_296 : memref<1x128xi32, #tpu.memory_space<vmem>> -> memref<128xi32, #tpu.memory_space<vmem>>
      %dma_wait3A_298 = arith.constant 0 : i32
      %dma_wait3A_299 = arith.constant 0 : i32
      %dma_wait3A_300 = tpu.memref_slice %arg3[%dma_wait3A_298, %dma_wait3A_299] : memref<50176x16xf32, #tpu.memory_space<hbm>> -> memref<50176x16xf32, #tpu.memory_space<hbm>>
      tpu.wait_indirect_dma semaphore(%arg13 : memref<!tpu.dma_semaphore, #tpu.memory_space<semaphore_mem>>) src(%dma_wait3A_300 : memref<50176x16xf32, #tpu.memory_space<hbm>>) dst(%dma_wait3A_294 : memref<128x16xf32, #tpu.memory_space<vmem>>)
      %dma_wait3A_301 = arith.constant 0 : i32
      %dma_wait3A_302 = arith.constant 0 : i32
      %dma_wait3A_303 = arith.constant 0 : i32
      %dma_wait3A_304 = tpu.memref_slice %arg12[%dma_wait3A_302, %dma_wait3A_303] : memref<1024x16xf32, #tpu.memory_space<vmem>> -> memref<128x16xf32, #tpu.memory_space<vmem>>
      %dma_wait3A_305 = arith.constant 0 : i32
      %dma_wait3A_306 = tpu.memref_slice %arg9[%dma_wait3A_301, %dma_wait3A_305] : memref<8x128xi32, #tpu.memory_space<vmem>> -> memref<1x128xi32, #tpu.memory_space<vmem>>
      %dma_wait3A_307 = tpu.memref_squeeze %dma_wait3A_306 : memref<1x128xi32, #tpu.memory_space<vmem>> -> memref<128xi32, #tpu.memory_space<vmem>>
      %dma_wait3A_308 = arith.constant 0 : i32
      %dma_wait3A_309 = arith.constant 0 : i32
      %dma_wait3A_310 = tpu.memref_slice %arg4[%dma_wait3A_308, %dma_wait3A_309] : memref<50176x16xf32, #tpu.memory_space<hbm>> -> memref<50176x16xf32, #tpu.memory_space<hbm>>
      tpu.wait_indirect_dma semaphore(%arg13 : memref<!tpu.dma_semaphore, #tpu.memory_space<semaphore_mem>>) src(%dma_wait3A_310 : memref<50176x16xf32, #tpu.memory_space<hbm>>) dst(%dma_wait3A_304 : memref<128x16xf32, #tpu.memory_space<vmem>>)
      %dma_wait3A_311 = arith.constant 1 : i32
      %dma_wait3A_312 = arith.constant 128 : i32
      %dma_wait3A_313 = arith.constant 0 : i32
      %dma_wait3A_314 = tpu.memref_slice %arg10[%dma_wait3A_312, %dma_wait3A_313] : memref<1024x32xf32, #tpu.memory_space<vmem>> -> memref<128x32xf32, #tpu.memory_space<vmem>>
      %dma_wait3A_315 = arith.constant 0 : i32
      %dma_wait3A_316 = tpu.memref_slice %arg8[%dma_wait3A_311, %dma_wait3A_315] : memref<8x128xi32, #tpu.memory_space<vmem>> -> memref<1x128xi32, #tpu.memory_space<vmem>>
      %dma_wait3A_317 = tpu.memref_squeeze %dma_wait3A_316 : memref<1x128xi32, #tpu.memory_space<vmem>> -> memref<128xi32, #tpu.memory_space<vmem>>
      %dma_wait3A_318 = arith.constant 0 : i32
      %dma_wait3A_319 = arith.constant 0 : i32
      %dma_wait3A_320 = tpu.memref_slice %arg2[%dma_wait3A_318, %dma_wait3A_319] : memref<50000x32xf32, #tpu.memory_space<hbm>> -> memref<50000x32xf32, #tpu.memory_space<hbm>>
      tpu.wait_indirect_dma semaphore(%arg13 : memref<!tpu.dma_semaphore, #tpu.memory_space<semaphore_mem>>) src(%dma_wait3A_320 : memref<50000x32xf32, #tpu.memory_space<hbm>>) dst(%dma_wait3A_314 : memref<128x32xf32, #tpu.memory_space<vmem>>)
      %dma_wait3A_321 = arith.constant 1 : i32
      %dma_wait3A_322 = arith.constant 128 : i32
      %dma_wait3A_323 = arith.constant 0 : i32
      %dma_wait3A_324 = tpu.memref_slice %arg11[%dma_wait3A_322, %dma_wait3A_323] : memref<1024x16xf32, #tpu.memory_space<vmem>> -> memref<128x16xf32, #tpu.memory_space<vmem>>
      %dma_wait3A_325 = arith.constant 0 : i32
      %dma_wait3A_326 = tpu.memref_slice %arg9[%dma_wait3A_321, %dma_wait3A_325] : memref<8x128xi32, #tpu.memory_space<vmem>> -> memref<1x128xi32, #tpu.memory_space<vmem>>
      %dma_wait3A_327 = tpu.memref_squeeze %dma_wait3A_326 : memref<1x128xi32, #tpu.memory_space<vmem>> -> memref<128xi32, #tpu.memory_space<vmem>>
      %dma_wait3A_328 = arith.constant 0 : i32
      %dma_wait3A_329 = arith.constant 0 : i32
      %dma_wait3A_330 = tpu.memref_slice %arg3[%dma_wait3A_328, %dma_wait3A_329] : memref<50176x16xf32, #tpu.memory_space<hbm>> -> memref<50176x16xf32, #tpu.memory_space<hbm>>
      tpu.wait_indirect_dma semaphore(%arg13 : memref<!tpu.dma_semaphore, #tpu.memory_space<semaphore_mem>>) src(%dma_wait3A_330 : memref<50176x16xf32, #tpu.memory_space<hbm>>) dst(%dma_wait3A_324 : memref<128x16xf32, #tpu.memory_space<vmem>>)
      %dma_wait3A_331 = arith.constant 1 : i32
      %dma_wait3A_332 = arith.constant 128 : i32
      %dma_wait3A_333 = arith.constant 0 : i32
      %dma_wait3A_334 = tpu.memref_slice %arg12[%dma_wait3A_332, %dma_wait3A_333] : memref<1024x16xf32, #tpu.memory_space<vmem>> -> memref<128x16xf32, #tpu.memory_space<vmem>>
      %dma_wait3A_335 = arith.constant 0 : i32
      %dma_wait3A_336 = tpu.memref_slice %arg9[%dma_wait3A_331, %dma_wait3A_335] : memref<8x128xi32, #tpu.memory_space<vmem>> -> memref<1x128xi32, #tpu.memory_space<vmem>>
      %dma_wait3A_337 = tpu.memref_squeeze %dma_wait3A_336 : memref<1x128xi32, #tpu.memory_space<vmem>> -> memref<128xi32, #tpu.memory_space<vmem>>
      %dma_wait3A_338 = arith.constant 0 : i32
      %dma_wait3A_339 = arith.constant 0 : i32
      %dma_wait3A_340 = tpu.memref_slice %arg4[%dma_wait3A_338, %dma_wait3A_339] : memref<50176x16xf32, #tpu.memory_space<hbm>> -> memref<50176x16xf32, #tpu.memory_space<hbm>>
      tpu.wait_indirect_dma semaphore(%arg13 : memref<!tpu.dma_semaphore, #tpu.memory_space<semaphore_mem>>) src(%dma_wait3A_340 : memref<50176x16xf32, #tpu.memory_space<hbm>>) dst(%dma_wait3A_334 : memref<128x16xf32, #tpu.memory_space<vmem>>)
      %dma_wait3A_341 = arith.constant 2 : i32
      %dma_wait3A_342 = arith.constant 256 : i32
      %dma_wait3A_343 = arith.constant 0 : i32
      %dma_wait3A_344 = tpu.memref_slice %arg10[%dma_wait3A_342, %dma_wait3A_343] : memref<1024x32xf32, #tpu.memory_space<vmem>> -> memref<128x32xf32, #tpu.memory_space<vmem>>
      %dma_wait3A_345 = arith.constant 0 : i32
      %dma_wait3A_346 = tpu.memref_slice %arg8[%dma_wait3A_341, %dma_wait3A_345] : memref<8x128xi32, #tpu.memory_space<vmem>> -> memref<1x128xi32, #tpu.memory_space<vmem>>
      %dma_wait3A_347 = tpu.memref_squeeze %dma_wait3A_346 : memref<1x128xi32, #tpu.memory_space<vmem>> -> memref<128xi32, #tpu.memory_space<vmem>>
      %dma_wait3A_348 = arith.constant 0 : i32
      %dma_wait3A_349 = arith.constant 0 : i32
      %dma_wait3A_350 = tpu.memref_slice %arg2[%dma_wait3A_348, %dma_wait3A_349] : memref<50000x32xf32, #tpu.memory_space<hbm>> -> memref<50000x32xf32, #tpu.memory_space<hbm>>
      tpu.wait_indirect_dma semaphore(%arg13 : memref<!tpu.dma_semaphore, #tpu.memory_space<semaphore_mem>>) src(%dma_wait3A_350 : memref<50000x32xf32, #tpu.memory_space<hbm>>) dst(%dma_wait3A_344 : memref<128x32xf32, #tpu.memory_space<vmem>>)
      %dma_wait3A_351 = arith.constant 2 : i32
      %dma_wait3A_352 = arith.constant 256 : i32
      %dma_wait3A_353 = arith.constant 0 : i32
      %dma_wait3A_354 = tpu.memref_slice %arg11[%dma_wait3A_352, %dma_wait3A_353] : memref<1024x16xf32, #tpu.memory_space<vmem>> -> memref<128x16xf32, #tpu.memory_space<vmem>>
      %dma_wait3A_355 = arith.constant 0 : i32
      %dma_wait3A_356 = tpu.memref_slice %arg9[%dma_wait3A_351, %dma_wait3A_355] : memref<8x128xi32, #tpu.memory_space<vmem>> -> memref<1x128xi32, #tpu.memory_space<vmem>>
      %dma_wait3A_357 = tpu.memref_squeeze %dma_wait3A_356 : memref<1x128xi32, #tpu.memory_space<vmem>> -> memref<128xi32, #tpu.memory_space<vmem>>
      %dma_wait3A_358 = arith.constant 0 : i32
      %dma_wait3A_359 = arith.constant 0 : i32
      %dma_wait3A_360 = tpu.memref_slice %arg3[%dma_wait3A_358, %dma_wait3A_359] : memref<50176x16xf32, #tpu.memory_space<hbm>> -> memref<50176x16xf32, #tpu.memory_space<hbm>>
      tpu.wait_indirect_dma semaphore(%arg13 : memref<!tpu.dma_semaphore, #tpu.memory_space<semaphore_mem>>) src(%dma_wait3A_360 : memref<50176x16xf32, #tpu.memory_space<hbm>>) dst(%dma_wait3A_354 : memref<128x16xf32, #tpu.memory_space<vmem>>)
      %dma_wait3A_361 = arith.constant 2 : i32
      %dma_wait3A_362 = arith.constant 256 : i32
      %dma_wait3A_363 = arith.constant 0 : i32
      %dma_wait3A_364 = tpu.memref_slice %arg12[%dma_wait3A_362, %dma_wait3A_363] : memref<1024x16xf32, #tpu.memory_space<vmem>> -> memref<128x16xf32, #tpu.memory_space<vmem>>
      %dma_wait3A_365 = arith.constant 0 : i32
      %dma_wait3A_366 = tpu.memref_slice %arg9[%dma_wait3A_361, %dma_wait3A_365] : memref<8x128xi32, #tpu.memory_space<vmem>> -> memref<1x128xi32, #tpu.memory_space<vmem>>
      %dma_wait3A_367 = tpu.memref_squeeze %dma_wait3A_366 : memref<1x128xi32, #tpu.memory_space<vmem>> -> memref<128xi32, #tpu.memory_space<vmem>>
      %dma_wait3A_368 = arith.constant 0 : i32
      %dma_wait3A_369 = arith.constant 0 : i32
      %dma_wait3A_370 = tpu.memref_slice %arg4[%dma_wait3A_368, %dma_wait3A_369] : memref<50176x16xf32, #tpu.memory_space<hbm>> -> memref<50176x16xf32, #tpu.memory_space<hbm>>
      tpu.wait_indirect_dma semaphore(%arg13 : memref<!tpu.dma_semaphore, #tpu.memory_space<semaphore_mem>>) src(%dma_wait3A_370 : memref<50176x16xf32, #tpu.memory_space<hbm>>) dst(%dma_wait3A_364 : memref<128x16xf32, #tpu.memory_space<vmem>>)
      %dma_wait3A_371 = arith.constant 3 : i32
      %dma_wait3A_372 = arith.constant 384 : i32
      %dma_wait3A_373 = arith.constant 0 : i32
      %dma_wait3A_374 = tpu.memref_slice %arg10[%dma_wait3A_372, %dma_wait3A_373] : memref<1024x32xf32, #tpu.memory_space<vmem>> -> memref<128x32xf32, #tpu.memory_space<vmem>>
      %dma_wait3A_375 = arith.constant 0 : i32
      %dma_wait3A_376 = tpu.memref_slice %arg8[%dma_wait3A_371, %dma_wait3A_375] : memref<8x128xi32, #tpu.memory_space<vmem>> -> memref<1x128xi32, #tpu.memory_space<vmem>>
      %dma_wait3A_377 = tpu.memref_squeeze %dma_wait3A_376 : memref<1x128xi32, #tpu.memory_space<vmem>> -> memref<128xi32, #tpu.memory_space<vmem>>
      %dma_wait3A_378 = arith.constant 0 : i32
      %dma_wait3A_379 = arith.constant 0 : i32
      %dma_wait3A_380 = tpu.memref_slice %arg2[%dma_wait3A_378, %dma_wait3A_379] : memref<50000x32xf32, #tpu.memory_space<hbm>> -> memref<50000x32xf32, #tpu.memory_space<hbm>>
      tpu.wait_indirect_dma semaphore(%arg13 : memref<!tpu.dma_semaphore, #tpu.memory_space<semaphore_mem>>) src(%dma_wait3A_380 : memref<50000x32xf32, #tpu.memory_space<hbm>>) dst(%dma_wait3A_374 : memref<128x32xf32, #tpu.memory_space<vmem>>)
      %dma_wait3A_381 = arith.constant 3 : i32
      %dma_wait3A_382 = arith.constant 384 : i32
      %dma_wait3A_383 = arith.constant 0 : i32
      %dma_wait3A_384 = tpu.memref_slice %arg11[%dma_wait3A_382, %dma_wait3A_383] : memref<1024x16xf32, #tpu.memory_space<vmem>> -> memref<128x16xf32, #tpu.memory_space<vmem>>
      %dma_wait3A_385 = arith.constant 0 : i32
      %dma_wait3A_386 = tpu.memref_slice %arg9[%dma_wait3A_381, %dma_wait3A_385] : memref<8x128xi32, #tpu.memory_space<vmem>> -> memref<1x128xi32, #tpu.memory_space<vmem>>
      %dma_wait3A_387 = tpu.memref_squeeze %dma_wait3A_386 : memref<1x128xi32, #tpu.memory_space<vmem>> -> memref<128xi32, #tpu.memory_space<vmem>>
      %dma_wait3A_388 = arith.constant 0 : i32
      %dma_wait3A_389 = arith.constant 0 : i32
      %dma_wait3A_390 = tpu.memref_slice %arg3[%dma_wait3A_388, %dma_wait3A_389] : memref<50176x16xf32, #tpu.memory_space<hbm>> -> memref<50176x16xf32, #tpu.memory_space<hbm>>
      tpu.wait_indirect_dma semaphore(%arg13 : memref<!tpu.dma_semaphore, #tpu.memory_space<semaphore_mem>>) src(%dma_wait3A_390 : memref<50176x16xf32, #tpu.memory_space<hbm>>) dst(%dma_wait3A_384 : memref<128x16xf32, #tpu.memory_space<vmem>>)
      %dma_wait3A_391 = arith.constant 3 : i32
      %dma_wait3A_392 = arith.constant 384 : i32
      %dma_wait3A_393 = arith.constant 0 : i32
      %dma_wait3A_394 = tpu.memref_slice %arg12[%dma_wait3A_392, %dma_wait3A_393] : memref<1024x16xf32, #tpu.memory_space<vmem>> -> memref<128x16xf32, #tpu.memory_space<vmem>>
      %dma_wait3A_395 = arith.constant 0 : i32
      %dma_wait3A_396 = tpu.memref_slice %arg9[%dma_wait3A_391, %dma_wait3A_395] : memref<8x128xi32, #tpu.memory_space<vmem>> -> memref<1x128xi32, #tpu.memory_space<vmem>>
      %dma_wait3A_397 = tpu.memref_squeeze %dma_wait3A_396 : memref<1x128xi32, #tpu.memory_space<vmem>> -> memref<128xi32, #tpu.memory_space<vmem>>
      %dma_wait3A_398 = arith.constant 0 : i32
      %dma_wait3A_399 = arith.constant 0 : i32
      %dma_wait3A_400 = tpu.memref_slice %arg4[%dma_wait3A_398, %dma_wait3A_399] : memref<50176x16xf32, #tpu.memory_space<hbm>> -> memref<50176x16xf32, #tpu.memory_space<hbm>>
      tpu.wait_indirect_dma semaphore(%arg13 : memref<!tpu.dma_semaphore, #tpu.memory_space<semaphore_mem>>) src(%dma_wait3A_400 : memref<50176x16xf32, #tpu.memory_space<hbm>>) dst(%dma_wait3A_394 : memref<128x16xf32, #tpu.memory_space<vmem>>)
      %dma_wait3A_401 = arith.constant 4 : i32
      %dma_wait3A_402 = arith.constant 512 : i32
      %dma_wait3A_403 = arith.constant 0 : i32
      %dma_wait3A_404 = tpu.memref_slice %arg10[%dma_wait3A_402, %dma_wait3A_403] : memref<1024x32xf32, #tpu.memory_space<vmem>> -> memref<128x32xf32, #tpu.memory_space<vmem>>
      %dma_wait3A_405 = arith.constant 0 : i32
      %dma_wait3A_406 = tpu.memref_slice %arg8[%dma_wait3A_401, %dma_wait3A_405] : memref<8x128xi32, #tpu.memory_space<vmem>> -> memref<1x128xi32, #tpu.memory_space<vmem>>
      %dma_wait3A_407 = tpu.memref_squeeze %dma_wait3A_406 : memref<1x128xi32, #tpu.memory_space<vmem>> -> memref<128xi32, #tpu.memory_space<vmem>>
      %dma_wait3A_408 = arith.constant 0 : i32
      %dma_wait3A_409 = arith.constant 0 : i32
      %dma_wait3A_410 = tpu.memref_slice %arg2[%dma_wait3A_408, %dma_wait3A_409] : memref<50000x32xf32, #tpu.memory_space<hbm>> -> memref<50000x32xf32, #tpu.memory_space<hbm>>
      tpu.wait_indirect_dma semaphore(%arg13 : memref<!tpu.dma_semaphore, #tpu.memory_space<semaphore_mem>>) src(%dma_wait3A_410 : memref<50000x32xf32, #tpu.memory_space<hbm>>) dst(%dma_wait3A_404 : memref<128x32xf32, #tpu.memory_space<vmem>>)
      %dma_wait3A_411 = arith.constant 4 : i32
      %dma_wait3A_412 = arith.constant 512 : i32
      %dma_wait3A_413 = arith.constant 0 : i32
      %dma_wait3A_414 = tpu.memref_slice %arg11[%dma_wait3A_412, %dma_wait3A_413] : memref<1024x16xf32, #tpu.memory_space<vmem>> -> memref<128x16xf32, #tpu.memory_space<vmem>>
      %dma_wait3A_415 = arith.constant 0 : i32
      %dma_wait3A_416 = tpu.memref_slice %arg9[%dma_wait3A_411, %dma_wait3A_415] : memref<8x128xi32, #tpu.memory_space<vmem>> -> memref<1x128xi32, #tpu.memory_space<vmem>>
      %dma_wait3A_417 = tpu.memref_squeeze %dma_wait3A_416 : memref<1x128xi32, #tpu.memory_space<vmem>> -> memref<128xi32, #tpu.memory_space<vmem>>
      %dma_wait3A_418 = arith.constant 0 : i32
      %dma_wait3A_419 = arith.constant 0 : i32
      %dma_wait3A_420 = tpu.memref_slice %arg3[%dma_wait3A_418, %dma_wait3A_419] : memref<50176x16xf32, #tpu.memory_space<hbm>> -> memref<50176x16xf32, #tpu.memory_space<hbm>>
      tpu.wait_indirect_dma semaphore(%arg13 : memref<!tpu.dma_semaphore, #tpu.memory_space<semaphore_mem>>) src(%dma_wait3A_420 : memref<50176x16xf32, #tpu.memory_space<hbm>>) dst(%dma_wait3A_414 : memref<128x16xf32, #tpu.memory_space<vmem>>)
      %dma_wait3A_421 = arith.constant 4 : i32
      %dma_wait3A_422 = arith.constant 512 : i32
      %dma_wait3A_423 = arith.constant 0 : i32
      %dma_wait3A_424 = tpu.memref_slice %arg12[%dma_wait3A_422, %dma_wait3A_423] : memref<1024x16xf32, #tpu.memory_space<vmem>> -> memref<128x16xf32, #tpu.memory_space<vmem>>
      %dma_wait3A_425 = arith.constant 0 : i32
      %dma_wait3A_426 = tpu.memref_slice %arg9[%dma_wait3A_421, %dma_wait3A_425] : memref<8x128xi32, #tpu.memory_space<vmem>> -> memref<1x128xi32, #tpu.memory_space<vmem>>
      %dma_wait3A_427 = tpu.memref_squeeze %dma_wait3A_426 : memref<1x128xi32, #tpu.memory_space<vmem>> -> memref<128xi32, #tpu.memory_space<vmem>>
      %dma_wait3A_428 = arith.constant 0 : i32
      %dma_wait3A_429 = arith.constant 0 : i32
      %dma_wait3A_430 = tpu.memref_slice %arg4[%dma_wait3A_428, %dma_wait3A_429] : memref<50176x16xf32, #tpu.memory_space<hbm>> -> memref<50176x16xf32, #tpu.memory_space<hbm>>
      tpu.wait_indirect_dma semaphore(%arg13 : memref<!tpu.dma_semaphore, #tpu.memory_space<semaphore_mem>>) src(%dma_wait3A_430 : memref<50176x16xf32, #tpu.memory_space<hbm>>) dst(%dma_wait3A_424 : memref<128x16xf32, #tpu.memory_space<vmem>>)
      %dma_wait3A_431 = arith.constant 5 : i32
      %dma_wait3A_432 = arith.constant 640 : i32
      %dma_wait3A_433 = arith.constant 0 : i32
      %dma_wait3A_434 = tpu.memref_slice %arg10[%dma_wait3A_432, %dma_wait3A_433] : memref<1024x32xf32, #tpu.memory_space<vmem>> -> memref<128x32xf32, #tpu.memory_space<vmem>>
      %dma_wait3A_435 = arith.constant 0 : i32
      %dma_wait3A_436 = tpu.memref_slice %arg8[%dma_wait3A_431, %dma_wait3A_435] : memref<8x128xi32, #tpu.memory_space<vmem>> -> memref<1x128xi32, #tpu.memory_space<vmem>>
      %dma_wait3A_437 = tpu.memref_squeeze %dma_wait3A_436 : memref<1x128xi32, #tpu.memory_space<vmem>> -> memref<128xi32, #tpu.memory_space<vmem>>
      %dma_wait3A_438 = arith.constant 0 : i32
      %dma_wait3A_439 = arith.constant 0 : i32
      %dma_wait3A_440 = tpu.memref_slice %arg2[%dma_wait3A_438, %dma_wait3A_439] : memref<50000x32xf32, #tpu.memory_space<hbm>> -> memref<50000x32xf32, #tpu.memory_space<hbm>>
      tpu.wait_indirect_dma semaphore(%arg13 : memref<!tpu.dma_semaphore, #tpu.memory_space<semaphore_mem>>) src(%dma_wait3A_440 : memref<50000x32xf32, #tpu.memory_space<hbm>>) dst(%dma_wait3A_434 : memref<128x32xf32, #tpu.memory_space<vmem>>)
      %dma_wait3A_441 = arith.constant 5 : i32
      %dma_wait3A_442 = arith.constant 640 : i32
      %dma_wait3A_443 = arith.constant 0 : i32
      %dma_wait3A_444 = tpu.memref_slice %arg11[%dma_wait3A_442, %dma_wait3A_443] : memref<1024x16xf32, #tpu.memory_space<vmem>> -> memref<128x16xf32, #tpu.memory_space<vmem>>
      %dma_wait3A_445 = arith.constant 0 : i32
      %dma_wait3A_446 = tpu.memref_slice %arg9[%dma_wait3A_441, %dma_wait3A_445] : memref<8x128xi32, #tpu.memory_space<vmem>> -> memref<1x128xi32, #tpu.memory_space<vmem>>
      %dma_wait3A_447 = tpu.memref_squeeze %dma_wait3A_446 : memref<1x128xi32, #tpu.memory_space<vmem>> -> memref<128xi32, #tpu.memory_space<vmem>>
      %dma_wait3A_448 = arith.constant 0 : i32
      %dma_wait3A_449 = arith.constant 0 : i32
      %dma_wait3A_450 = tpu.memref_slice %arg3[%dma_wait3A_448, %dma_wait3A_449] : memref<50176x16xf32, #tpu.memory_space<hbm>> -> memref<50176x16xf32, #tpu.memory_space<hbm>>
      tpu.wait_indirect_dma semaphore(%arg13 : memref<!tpu.dma_semaphore, #tpu.memory_space<semaphore_mem>>) src(%dma_wait3A_450 : memref<50176x16xf32, #tpu.memory_space<hbm>>) dst(%dma_wait3A_444 : memref<128x16xf32, #tpu.memory_space<vmem>>)
      %dma_wait3A_451 = arith.constant 5 : i32
      %dma_wait3A_452 = arith.constant 640 : i32
      %dma_wait3A_453 = arith.constant 0 : i32
      %dma_wait3A_454 = tpu.memref_slice %arg12[%dma_wait3A_452, %dma_wait3A_453] : memref<1024x16xf32, #tpu.memory_space<vmem>> -> memref<128x16xf32, #tpu.memory_space<vmem>>
      %dma_wait3A_455 = arith.constant 0 : i32
      %dma_wait3A_456 = tpu.memref_slice %arg9[%dma_wait3A_451, %dma_wait3A_455] : memref<8x128xi32, #tpu.memory_space<vmem>> -> memref<1x128xi32, #tpu.memory_space<vmem>>
      %dma_wait3A_457 = tpu.memref_squeeze %dma_wait3A_456 : memref<1x128xi32, #tpu.memory_space<vmem>> -> memref<128xi32, #tpu.memory_space<vmem>>
      %dma_wait3A_458 = arith.constant 0 : i32
      %dma_wait3A_459 = arith.constant 0 : i32
      %dma_wait3A_460 = tpu.memref_slice %arg4[%dma_wait3A_458, %dma_wait3A_459] : memref<50176x16xf32, #tpu.memory_space<hbm>> -> memref<50176x16xf32, #tpu.memory_space<hbm>>
      tpu.wait_indirect_dma semaphore(%arg13 : memref<!tpu.dma_semaphore, #tpu.memory_space<semaphore_mem>>) src(%dma_wait3A_460 : memref<50176x16xf32, #tpu.memory_space<hbm>>) dst(%dma_wait3A_454 : memref<128x16xf32, #tpu.memory_space<vmem>>)
      %dma_wait3A_461 = arith.constant 6 : i32
      %dma_wait3A_462 = arith.constant 768 : i32
      %dma_wait3A_463 = arith.constant 0 : i32
      %dma_wait3A_464 = tpu.memref_slice %arg10[%dma_wait3A_462, %dma_wait3A_463] : memref<1024x32xf32, #tpu.memory_space<vmem>> -> memref<128x32xf32, #tpu.memory_space<vmem>>
      %dma_wait3A_465 = arith.constant 0 : i32
      %dma_wait3A_466 = tpu.memref_slice %arg8[%dma_wait3A_461, %dma_wait3A_465] : memref<8x128xi32, #tpu.memory_space<vmem>> -> memref<1x128xi32, #tpu.memory_space<vmem>>
      %dma_wait3A_467 = tpu.memref_squeeze %dma_wait3A_466 : memref<1x128xi32, #tpu.memory_space<vmem>> -> memref<128xi32, #tpu.memory_space<vmem>>
      %dma_wait3A_468 = arith.constant 0 : i32
      %dma_wait3A_469 = arith.constant 0 : i32
      %dma_wait3A_470 = tpu.memref_slice %arg2[%dma_wait3A_468, %dma_wait3A_469] : memref<50000x32xf32, #tpu.memory_space<hbm>> -> memref<50000x32xf32, #tpu.memory_space<hbm>>
      tpu.wait_indirect_dma semaphore(%arg13 : memref<!tpu.dma_semaphore, #tpu.memory_space<semaphore_mem>>) src(%dma_wait3A_470 : memref<50000x32xf32, #tpu.memory_space<hbm>>) dst(%dma_wait3A_464 : memref<128x32xf32, #tpu.memory_space<vmem>>)
      %dma_wait3A_471 = arith.constant 6 : i32
      %dma_wait3A_472 = arith.constant 768 : i32
      %dma_wait3A_473 = arith.constant 0 : i32
      %dma_wait3A_474 = tpu.memref_slice %arg11[%dma_wait3A_472, %dma_wait3A_473] : memref<1024x16xf32, #tpu.memory_space<vmem>> -> memref<128x16xf32, #tpu.memory_space<vmem>>
      %dma_wait3A_475 = arith.constant 0 : i32
      %dma_wait3A_476 = tpu.memref_slice %arg9[%dma_wait3A_471, %dma_wait3A_475] : memref<8x128xi32, #tpu.memory_space<vmem>> -> memref<1x128xi32, #tpu.memory_space<vmem>>
      %dma_wait3A_477 = tpu.memref_squeeze %dma_wait3A_476 : memref<1x128xi32, #tpu.memory_space<vmem>> -> memref<128xi32, #tpu.memory_space<vmem>>
      %dma_wait3A_478 = arith.constant 0 : i32
      %dma_wait3A_479 = arith.constant 0 : i32
      %dma_wait3A_480 = tpu.memref_slice %arg3[%dma_wait3A_478, %dma_wait3A_479] : memref<50176x16xf32, #tpu.memory_space<hbm>> -> memref<50176x16xf32, #tpu.memory_space<hbm>>
      tpu.wait_indirect_dma semaphore(%arg13 : memref<!tpu.dma_semaphore, #tpu.memory_space<semaphore_mem>>) src(%dma_wait3A_480 : memref<50176x16xf32, #tpu.memory_space<hbm>>) dst(%dma_wait3A_474 : memref<128x16xf32, #tpu.memory_space<vmem>>)
      %dma_wait3A_481 = arith.constant 6 : i32
      %dma_wait3A_482 = arith.constant 768 : i32
      %dma_wait3A_483 = arith.constant 0 : i32
      %dma_wait3A_484 = tpu.memref_slice %arg12[%dma_wait3A_482, %dma_wait3A_483] : memref<1024x16xf32, #tpu.memory_space<vmem>> -> memref<128x16xf32, #tpu.memory_space<vmem>>
      %dma_wait3A_485 = arith.constant 0 : i32
      %dma_wait3A_486 = tpu.memref_slice %arg9[%dma_wait3A_481, %dma_wait3A_485] : memref<8x128xi32, #tpu.memory_space<vmem>> -> memref<1x128xi32, #tpu.memory_space<vmem>>
      %dma_wait3A_487 = tpu.memref_squeeze %dma_wait3A_486 : memref<1x128xi32, #tpu.memory_space<vmem>> -> memref<128xi32, #tpu.memory_space<vmem>>
      %dma_wait3A_488 = arith.constant 0 : i32
      %dma_wait3A_489 = arith.constant 0 : i32
      %dma_wait3A_490 = tpu.memref_slice %arg4[%dma_wait3A_488, %dma_wait3A_489] : memref<50176x16xf32, #tpu.memory_space<hbm>> -> memref<50176x16xf32, #tpu.memory_space<hbm>>
      tpu.wait_indirect_dma semaphore(%arg13 : memref<!tpu.dma_semaphore, #tpu.memory_space<semaphore_mem>>) src(%dma_wait3A_490 : memref<50176x16xf32, #tpu.memory_space<hbm>>) dst(%dma_wait3A_484 : memref<128x16xf32, #tpu.memory_space<vmem>>)
      %dma_wait3A_491 = arith.constant 7 : i32
      %dma_wait3A_492 = arith.constant 896 : i32
      %dma_wait3A_493 = arith.constant 0 : i32
      %dma_wait3A_494 = tpu.memref_slice %arg10[%dma_wait3A_492, %dma_wait3A_493] : memref<1024x32xf32, #tpu.memory_space<vmem>> -> memref<128x32xf32, #tpu.memory_space<vmem>>
      %dma_wait3A_495 = arith.constant 0 : i32
      %dma_wait3A_496 = tpu.memref_slice %arg8[%dma_wait3A_491, %dma_wait3A_495] : memref<8x128xi32, #tpu.memory_space<vmem>> -> memref<1x128xi32, #tpu.memory_space<vmem>>
      %dma_wait3A_497 = tpu.memref_squeeze %dma_wait3A_496 : memref<1x128xi32, #tpu.memory_space<vmem>> -> memref<128xi32, #tpu.memory_space<vmem>>
      %dma_wait3A_498 = arith.constant 0 : i32
      %dma_wait3A_499 = arith.constant 0 : i32
      %dma_wait3A_500 = tpu.memref_slice %arg2[%dma_wait3A_498, %dma_wait3A_499] : memref<50000x32xf32, #tpu.memory_space<hbm>> -> memref<50000x32xf32, #tpu.memory_space<hbm>>
      tpu.wait_indirect_dma semaphore(%arg13 : memref<!tpu.dma_semaphore, #tpu.memory_space<semaphore_mem>>) src(%dma_wait3A_500 : memref<50000x32xf32, #tpu.memory_space<hbm>>) dst(%dma_wait3A_494 : memref<128x32xf32, #tpu.memory_space<vmem>>)
      %dma_wait3A_501 = arith.constant 7 : i32
      %dma_wait3A_502 = arith.constant 896 : i32
      %dma_wait3A_503 = arith.constant 0 : i32
      %dma_wait3A_504 = tpu.memref_slice %arg11[%dma_wait3A_502, %dma_wait3A_503] : memref<1024x16xf32, #tpu.memory_space<vmem>> -> memref<128x16xf32, #tpu.memory_space<vmem>>
      %dma_wait3A_505 = arith.constant 0 : i32
      %dma_wait3A_506 = tpu.memref_slice %arg9[%dma_wait3A_501, %dma_wait3A_505] : memref<8x128xi32, #tpu.memory_space<vmem>> -> memref<1x128xi32, #tpu.memory_space<vmem>>
      %dma_wait3A_507 = tpu.memref_squeeze %dma_wait3A_506 : memref<1x128xi32, #tpu.memory_space<vmem>> -> memref<128xi32, #tpu.memory_space<vmem>>
      %dma_wait3A_508 = arith.constant 0 : i32
      %dma_wait3A_509 = arith.constant 0 : i32
      %dma_wait3A_510 = tpu.memref_slice %arg3[%dma_wait3A_508, %dma_wait3A_509] : memref<50176x16xf32, #tpu.memory_space<hbm>> -> memref<50176x16xf32, #tpu.memory_space<hbm>>
      tpu.wait_indirect_dma semaphore(%arg13 : memref<!tpu.dma_semaphore, #tpu.memory_space<semaphore_mem>>) src(%dma_wait3A_510 : memref<50176x16xf32, #tpu.memory_space<hbm>>) dst(%dma_wait3A_504 : memref<128x16xf32, #tpu.memory_space<vmem>>)
      %dma_wait3A_511 = arith.constant 7 : i32
      %dma_wait3A_512 = arith.constant 896 : i32
      %dma_wait3A_513 = arith.constant 0 : i32
      %dma_wait3A_514 = tpu.memref_slice %arg12[%dma_wait3A_512, %dma_wait3A_513] : memref<1024x16xf32, #tpu.memory_space<vmem>> -> memref<128x16xf32, #tpu.memory_space<vmem>>
      %dma_wait3A_515 = arith.constant 0 : i32
      %dma_wait3A_516 = tpu.memref_slice %arg9[%dma_wait3A_511, %dma_wait3A_515] : memref<8x128xi32, #tpu.memory_space<vmem>> -> memref<1x128xi32, #tpu.memory_space<vmem>>
      %dma_wait3A_517 = tpu.memref_squeeze %dma_wait3A_516 : memref<1x128xi32, #tpu.memory_space<vmem>> -> memref<128xi32, #tpu.memory_space<vmem>>
      %dma_wait3A_518 = arith.constant 0 : i32
      %dma_wait3A_519 = arith.constant 0 : i32
      %dma_wait3A_520 = tpu.memref_slice %arg4[%dma_wait3A_518, %dma_wait3A_519] : memref<50176x16xf32, #tpu.memory_space<hbm>> -> memref<50176x16xf32, #tpu.memory_space<hbm>>
      tpu.wait_indirect_dma semaphore(%arg13 : memref<!tpu.dma_semaphore, #tpu.memory_space<semaphore_mem>>) src(%dma_wait3A_520 : memref<50176x16xf32, #tpu.memory_space<hbm>>) dst(%dma_wait3A_514 : memref<128x16xf32, #tpu.memory_space<vmem>>)
      %mul3A_521 = arith.constant 1024 : i32
      %mul3A_522 = arith.muli %add3A_38, %mul3A_521 : i32
      "tpu.region"() ({
        %run_scoped3A = tpu.sem_alloc : memref<!tpu.dma_semaphore, #tpu.memory_space<semaphore_mem>>
        %dma_start3A_528 = arith.constant 0 : i32
        %dma_start3A_529 = tpu.memref_slice %arg7[%mul3A_522, %dma_start3A_528] : memref<802816x64xf32, #tpu.memory_space<hbm>> -> memref<1024x32xf32, #tpu.memory_space<hbm>>
        %dma_start3A_530 = arith.constant 0 : i32
        %dma_start3A_531 = tpu.memref_slice %arg7[%mul3A_522, %dma_start3A_530] : memref<802816x64xf32, #tpu.memory_space<hbm>> -> memref<1024x32xf32, #tpu.memory_space<hbm>>
        tpu.enqueue_dma source(%arg10 : memref<1024x32xf32, #tpu.memory_space<vmem>>) target(%dma_start3A_531 : memref<1024x32xf32, #tpu.memory_space<hbm>>) target_semaphore(%run_scoped3A : memref<!tpu.dma_semaphore, #tpu.memory_space<semaphore_mem>>)
        %dma_wait3A_532 = arith.constant 0 : i32
        %dma_wait3A_533 = tpu.memref_slice %arg7[%mul3A_522, %dma_wait3A_532] : memref<802816x64xf32, #tpu.memory_space<hbm>> -> memref<1024x32xf32, #tpu.memory_space<hbm>>
        %dma_wait3A_534 = arith.constant 0 : i32
        %dma_wait3A_535 = tpu.memref_slice %arg7[%mul3A_522, %dma_wait3A_534] : memref<802816x64xf32, #tpu.memory_space<hbm>> -> memref<1024x32xf32, #tpu.memory_space<hbm>>
        tpu.wait_dma2 semaphore(%run_scoped3A : memref<!tpu.dma_semaphore, #tpu.memory_space<semaphore_mem>>) src(%arg10 : memref<1024x32xf32, #tpu.memory_space<vmem>>) dst(%dma_wait3A_535 : memref<1024x32xf32, #tpu.memory_space<hbm>>)
        tpu.yield
      }) : () -> ()
      %mul3A_523 = arith.constant 1024 : i32
      %mul3A_524 = arith.muli %add3A_38, %mul3A_523 : i32
      "tpu.region"() ({
        %run_scoped3A = tpu.sem_alloc : memref<!tpu.dma_semaphore, #tpu.memory_space<semaphore_mem>>
        %dma_start3A_528 = arith.constant 32 : i32
        %dma_start3A_529 = tpu.memref_slice %arg7[%mul3A_524, %dma_start3A_528] : memref<802816x64xf32, #tpu.memory_space<hbm>> -> memref<1024x16xf32, #tpu.memory_space<hbm>>
        %dma_start3A_530 = arith.constant 32 : i32
        %dma_start3A_531 = tpu.memref_slice %arg7[%mul3A_524, %dma_start3A_530] : memref<802816x64xf32, #tpu.memory_space<hbm>> -> memref<1024x16xf32, #tpu.memory_space<hbm>>
        tpu.enqueue_dma source(%arg11 : memref<1024x16xf32, #tpu.memory_space<vmem>>) target(%dma_start3A_531 : memref<1024x16xf32, #tpu.memory_space<hbm>>) target_semaphore(%run_scoped3A : memref<!tpu.dma_semaphore, #tpu.memory_space<semaphore_mem>>)
        %dma_wait3A_532 = arith.constant 32 : i32
        %dma_wait3A_533 = tpu.memref_slice %arg7[%mul3A_524, %dma_wait3A_532] : memref<802816x64xf32, #tpu.memory_space<hbm>> -> memref<1024x16xf32, #tpu.memory_space<hbm>>
        %dma_wait3A_534 = arith.constant 32 : i32
        %dma_wait3A_535 = tpu.memref_slice %arg7[%mul3A_524, %dma_wait3A_534] : memref<802816x64xf32, #tpu.memory_space<hbm>> -> memref<1024x16xf32, #tpu.memory_space<hbm>>
        tpu.wait_dma2 semaphore(%run_scoped3A : memref<!tpu.dma_semaphore, #tpu.memory_space<semaphore_mem>>) src(%arg11 : memref<1024x16xf32, #tpu.memory_space<vmem>>) dst(%dma_wait3A_535 : memref<1024x16xf32, #tpu.memory_space<hbm>>)
        tpu.yield
      }) : () -> ()
      %mul3A_525 = arith.constant 1024 : i32
      %mul3A_526 = arith.muli %add3A_38, %mul3A_525 : i32
      "tpu.region"() ({
        %run_scoped3A = tpu.sem_alloc : memref<!tpu.dma_semaphore, #tpu.memory_space<semaphore_mem>>
        %dma_start3A_528 = arith.constant 48 : i32
        %dma_start3A_529 = tpu.memref_slice %arg7[%mul3A_526, %dma_start3A_528] : memref<802816x64xf32, #tpu.memory_space<hbm>> -> memref<1024x16xf32, #tpu.memory_space<hbm>>
        %dma_start3A_530 = arith.constant 48 : i32
        %dma_start3A_531 = tpu.memref_slice %arg7[%mul3A_526, %dma_start3A_530] : memref<802816x64xf32, #tpu.memory_space<hbm>> -> memref<1024x16xf32, #tpu.memory_space<hbm>>
        tpu.enqueue_dma source(%arg12 : memref<1024x16xf32, #tpu.memory_space<vmem>>) target(%dma_start3A_531 : memref<1024x16xf32, #tpu.memory_space<hbm>>) target_semaphore(%run_scoped3A : memref<!tpu.dma_semaphore, #tpu.memory_space<semaphore_mem>>)
        %dma_wait3A_532 = arith.constant 48 : i32
        %dma_wait3A_533 = tpu.memref_slice %arg7[%mul3A_526, %dma_wait3A_532] : memref<802816x64xf32, #tpu.memory_space<hbm>> -> memref<1024x16xf32, #tpu.memory_space<hbm>>
        %dma_wait3A_534 = arith.constant 48 : i32
        %dma_wait3A_535 = tpu.memref_slice %arg7[%mul3A_526, %dma_wait3A_534] : memref<802816x64xf32, #tpu.memory_space<hbm>> -> memref<1024x16xf32, #tpu.memory_space<hbm>>
        tpu.wait_dma2 semaphore(%run_scoped3A : memref<!tpu.dma_semaphore, #tpu.memory_space<semaphore_mem>>) src(%arg12 : memref<1024x16xf32, #tpu.memory_space<vmem>>) dst(%dma_wait3A_535 : memref<1024x16xf32, #tpu.memory_space<hbm>>)
        tpu.yield
      }) : () -> ()
      %while3A_527 = arith.constant 0 : i32
      scf.yield %while3A_527 : i32
    }
    %while3A_32 = arith.constant 1 : i32
    %while3A_33 = scf.for %while3A_34 = %while3A_29 to %while3A_25 step %while3A_32 iter_args(%while3A_35 = %while3A_31) -> (i32)  : i32 {
      %mul3A_36 = arith.constant 32 : i32
      %mul3A_37 = arith.muli %while3A_34, %mul3A_36 : i32
      %add3A_38 = arith.addi %add3A, %mul3A_37 : i32
      %mul3A_39 = arith.constant 8 : i32
      %mul3A_40 = arith.muli %add3A_38, %mul3A_39 : i32
      "tpu.region"() ({
        %run_scoped3A = tpu.sem_alloc : memref<!tpu.dma_semaphore, #tpu.memory_space<semaphore_mem>>
        %dma_start3A_528 = arith.constant 0 : i32
        %dma_start3A_529 = tpu.memref_slice %arg5[%mul3A_40, %dma_start3A_528] : memref<6272x128xi32, #tpu.memory_space<hbm>> -> memref<8x128xi32, #tpu.memory_space<hbm>>
        %dma_start3A_530 = arith.constant 0 : i32
        %dma_start3A_531 = tpu.memref_slice %arg5[%mul3A_40, %dma_start3A_530] : memref<6272x128xi32, #tpu.memory_space<hbm>> -> memref<8x128xi32, #tpu.memory_space<hbm>>
        tpu.enqueue_dma source(%dma_start3A_531 : memref<8x128xi32, #tpu.memory_space<hbm>>) target(%arg8 : memref<8x128xi32, #tpu.memory_space<vmem>>) target_semaphore(%run_scoped3A : memref<!tpu.dma_semaphore, #tpu.memory_space<semaphore_mem>>)
        %dma_wait3A_532 = arith.constant 0 : i32
        %dma_wait3A_533 = tpu.memref_slice %arg5[%mul3A_40, %dma_wait3A_532] : memref<6272x128xi32, #tpu.memory_space<hbm>> -> memref<8x128xi32, #tpu.memory_space<hbm>>
        %dma_wait3A_534 = arith.constant 0 : i32
        %dma_wait3A_535 = tpu.memref_slice %arg5[%mul3A_40, %dma_wait3A_534] : memref<6272x128xi32, #tpu.memory_space<hbm>> -> memref<8x128xi32, #tpu.memory_space<hbm>>
        tpu.wait_dma2 semaphore(%run_scoped3A : memref<!tpu.dma_semaphore, #tpu.memory_space<semaphore_mem>>) src(%dma_wait3A_535 : memref<8x128xi32, #tpu.memory_space<hbm>>) dst(%arg8 : memref<8x128xi32, #tpu.memory_space<vmem>>)
        tpu.yield
      }) : () -> ()
      %mul3A_41 = arith.constant 8 : i32
      %mul3A_42 = arith.muli %add3A_38, %mul3A_41 : i32
      "tpu.region"() ({
        %run_scoped3A = tpu.sem_alloc : memref<!tpu.dma_semaphore, #tpu.memory_space<semaphore_mem>>
        %dma_start3A_528 = arith.constant 0 : i32
        %dma_start3A_529 = tpu.memref_slice %arg6[%mul3A_42, %dma_start3A_528] : memref<6272x128xi32, #tpu.memory_space<hbm>> -> memref<8x128xi32, #tpu.memory_space<hbm>>
        %dma_start3A_530 = arith.constant 0 : i32
        %dma_start3A_531 = tpu.memref_slice %arg6[%mul3A_42, %dma_start3A_530] : memref<6272x128xi32, #tpu.memory_space<hbm>> -> memref<8x128xi32, #tpu.memory_space<hbm>>
        tpu.enqueue_dma source(%dma_start3A_531 : memref<8x128xi32, #tpu.memory_space<hbm>>) target(%arg9 : memref<8x128xi32, #tpu.memory_space<vmem>>) target_semaphore(%run_scoped3A : memref<!tpu.dma_semaphore, #tpu.memory_space<semaphore_mem>>)
        %dma_wait3A_532 = arith.constant 0 : i32
        %dma_wait3A_533 = tpu.memref_slice %arg6[%mul3A_42, %dma_wait3A_532] : memref<6272x128xi32, #tpu.memory_space<hbm>> -> memref<8x128xi32, #tpu.memory_space<hbm>>
        %dma_wait3A_534 = arith.constant 0 : i32
        %dma_wait3A_535 = tpu.memref_slice %arg6[%mul3A_42, %dma_wait3A_534] : memref<6272x128xi32, #tpu.memory_space<hbm>> -> memref<8x128xi32, #tpu.memory_space<hbm>>
        tpu.wait_dma2 semaphore(%run_scoped3A : memref<!tpu.dma_semaphore, #tpu.memory_space<semaphore_mem>>) src(%dma_wait3A_535 : memref<8x128xi32, #tpu.memory_space<hbm>>) dst(%arg9 : memref<8x128xi32, #tpu.memory_space<vmem>>)
        tpu.yield
      }) : () -> ()
      %dma_start3A = arith.constant 0 : i32
      %dma_start3A_43 = arith.constant 0 : i32
      %dma_start3A_44 = arith.constant 0 : i32
      %dma_start3A_45 = tpu.memref_slice %arg10[%dma_start3A_43, %dma_start3A_44] : memref<1024x32xf32, #tpu.memory_space<vmem>> -> memref<128x32xf32, #tpu.memory_space<vmem>>
      %dma_start3A_46 = arith.constant 0 : i32
      %dma_start3A_47 = tpu.memref_slice %arg8[%dma_start3A, %dma_start3A_46] : memref<8x128xi32, #tpu.memory_space<vmem>> -> memref<1x128xi32, #tpu.memory_space<vmem>>
      %dma_start3A_48 = tpu.memref_squeeze %dma_start3A_47 : memref<1x128xi32, #tpu.memory_space<vmem>> -> memref<128xi32, #tpu.memory_space<vmem>>
      %dma_start3A_49 = arith.constant 0 : i32
      %dma_start3A_50 = arith.constant 0 : i32
      %dma_start3A_51 = tpu.memref_slice %arg2[%dma_start3A_49, %dma_start3A_50] : memref<50000x32xf32, #tpu.memory_space<hbm>> -> memref<50000x32xf32, #tpu.memory_space<hbm>>
      tpu.enqueue_indirect_dma source(%dma_start3A_51 : memref<50000x32xf32, #tpu.memory_space<hbm>>) target(%dma_start3A_45 : memref<128x32xf32, #tpu.memory_space<vmem>>) offsets(%dma_start3A_48 : memref<128xi32, #tpu.memory_space<vmem>>) semaphore(%arg13 : memref<!tpu.dma_semaphore, #tpu.memory_space<semaphore_mem>>)
      %dma_start3A_52 = arith.constant 0 : i32
      %dma_start3A_53 = arith.constant 0 : i32
      %dma_start3A_54 = arith.constant 0 : i32
      %dma_start3A_55 = tpu.memref_slice %arg11[%dma_start3A_53, %dma_start3A_54] : memref<1024x16xf32, #tpu.memory_space<vmem>> -> memref<128x16xf32, #tpu.memory_space<vmem>>
      %dma_start3A_56 = arith.constant 0 : i32
      %dma_start3A_57 = tpu.memref_slice %arg9[%dma_start3A_52, %dma_start3A_56] : memref<8x128xi32, #tpu.memory_space<vmem>> -> memref<1x128xi32, #tpu.memory_space<vmem>>
      %dma_start3A_58 = tpu.memref_squeeze %dma_start3A_57 : memref<1x128xi32, #tpu.memory_space<vmem>> -> memref<128xi32, #tpu.memory_space<vmem>>
      %dma_start3A_59 = arith.constant 0 : i32
      %dma_start3A_60 = arith.constant 0 : i32
      %dma_start3A_61 = tpu.memref_slice %arg3[%dma_start3A_59, %dma_start3A_60] : memref<50176x16xf32, #tpu.memory_space<hbm>> -> memref<50176x16xf32, #tpu.memory_space<hbm>>
      tpu.enqueue_indirect_dma source(%dma_start3A_61 : memref<50176x16xf32, #tpu.memory_space<hbm>>) target(%dma_start3A_55 : memref<128x16xf32, #tpu.memory_space<vmem>>) offsets(%dma_start3A_58 : memref<128xi32, #tpu.memory_space<vmem>>) semaphore(%arg13 : memref<!tpu.dma_semaphore, #tpu.memory_space<semaphore_mem>>)
      %dma_start3A_62 = arith.constant 0 : i32
      %dma_start3A_63 = arith.constant 0 : i32
      %dma_start3A_64 = arith.constant 0 : i32
      %dma_start3A_65 = tpu.memref_slice %arg12[%dma_start3A_63, %dma_start3A_64] : memref<1024x16xf32, #tpu.memory_space<vmem>> -> memref<128x16xf32, #tpu.memory_space<vmem>>
      %dma_start3A_66 = arith.constant 0 : i32
      %dma_start3A_67 = tpu.memref_slice %arg9[%dma_start3A_62, %dma_start3A_66] : memref<8x128xi32, #tpu.memory_space<vmem>> -> memref<1x128xi32, #tpu.memory_space<vmem>>
      %dma_start3A_68 = tpu.memref_squeeze %dma_start3A_67 : memref<1x128xi32, #tpu.memory_space<vmem>> -> memref<128xi32, #tpu.memory_space<vmem>>
      %dma_start3A_69 = arith.constant 0 : i32
      %dma_start3A_70 = arith.constant 0 : i32
      %dma_start3A_71 = tpu.memref_slice %arg4[%dma_start3A_69, %dma_start3A_70] : memref<50176x16xf32, #tpu.memory_space<hbm>> -> memref<50176x16xf32, #tpu.memory_space<hbm>>
      tpu.enqueue_indirect_dma source(%dma_start3A_71 : memref<50176x16xf32, #tpu.memory_space<hbm>>) target(%dma_start3A_65 : memref<128x16xf32, #tpu.memory_space<vmem>>) offsets(%dma_start3A_68 : memref<128xi32, #tpu.memory_space<vmem>>) semaphore(%arg13 : memref<!tpu.dma_semaphore, #tpu.memory_space<semaphore_mem>>)
      %dma_start3A_72 = arith.constant 1 : i32
      %dma_start3A_73 = arith.constant 128 : i32
      %dma_start3A_74 = arith.constant 0 : i32
      %dma_start3A_75 = tpu.memref_slice %arg10[%dma_start3A_73, %dma_start3A_74] : memref<1024x32xf32, #tpu.memory_space<vmem>> -> memref<128x32xf32, #tpu.memory_space<vmem>>
      %dma_start3A_76 = arith.constant 0 : i32
      %dma_start3A_77 = tpu.memref_slice %arg8[%dma_start3A_72, %dma_start3A_76] : memref<8x128xi32, #tpu.memory_space<vmem>> -> memref<1x128xi32, #tpu.memory_space<vmem>>
      %dma_start3A_78 = tpu.memref_squeeze %dma_start3A_77 : memref<1x128xi32, #tpu.memory_space<vmem>> -> memref<128xi32, #tpu.memory_space<vmem>>
      %dma_start3A_79 = arith.constant 0 : i32
      %dma_start3A_80 = arith.constant 0 : i32
      %dma_start3A_81 = tpu.memref_slice %arg2[%dma_start3A_79, %dma_start3A_80] : memref<50000x32xf32, #tpu.memory_space<hbm>> -> memref<50000x32xf32, #tpu.memory_space<hbm>>
      tpu.enqueue_indirect_dma source(%dma_start3A_81 : memref<50000x32xf32, #tpu.memory_space<hbm>>) target(%dma_start3A_75 : memref<128x32xf32, #tpu.memory_space<vmem>>) offsets(%dma_start3A_78 : memref<128xi32, #tpu.memory_space<vmem>>) semaphore(%arg13 : memref<!tpu.dma_semaphore, #tpu.memory_space<semaphore_mem>>)
      %dma_start3A_82 = arith.constant 1 : i32
      %dma_start3A_83 = arith.constant 128 : i32
      %dma_start3A_84 = arith.constant 0 : i32
      %dma_start3A_85 = tpu.memref_slice %arg11[%dma_start3A_83, %dma_start3A_84] : memref<1024x16xf32, #tpu.memory_space<vmem>> -> memref<128x16xf32, #tpu.memory_space<vmem>>
      %dma_start3A_86 = arith.constant 0 : i32
      %dma_start3A_87 = tpu.memref_slice %arg9[%dma_start3A_82, %dma_start3A_86] : memref<8x128xi32, #tpu.memory_space<vmem>> -> memref<1x128xi32, #tpu.memory_space<vmem>>
      %dma_start3A_88 = tpu.memref_squeeze %dma_start3A_87 : memref<1x128xi32, #tpu.memory_space<vmem>> -> memref<128xi32, #tpu.memory_space<vmem>>
      %dma_start3A_89 = arith.constant 0 : i32
      %dma_start3A_90 = arith.constant 0 : i32
      %dma_start3A_91 = tpu.memref_slice %arg3[%dma_start3A_89, %dma_start3A_90] : memref<50176x16xf32, #tpu.memory_space<hbm>> -> memref<50176x16xf32, #tpu.memory_space<hbm>>
      tpu.enqueue_indirect_dma source(%dma_start3A_91 : memref<50176x16xf32, #tpu.memory_space<hbm>>) target(%dma_start3A_85 : memref<128x16xf32, #tpu.memory_space<vmem>>) offsets(%dma_start3A_88 : memref<128xi32, #tpu.memory_space<vmem>>) semaphore(%arg13 : memref<!tpu.dma_semaphore, #tpu.memory_space<semaphore_mem>>)
      %dma_start3A_92 = arith.constant 1 : i32
      %dma_start3A_93 = arith.constant 128 : i32
      %dma_start3A_94 = arith.constant 0 : i32
      %dma_start3A_95 = tpu.memref_slice %arg12[%dma_start3A_93, %dma_start3A_94] : memref<1024x16xf32, #tpu.memory_space<vmem>> -> memref<128x16xf32, #tpu.memory_space<vmem>>
      %dma_start3A_96 = arith.constant 0 : i32
      %dma_start3A_97 = tpu.memref_slice %arg9[%dma_start3A_92, %dma_start3A_96] : memref<8x128xi32, #tpu.memory_space<vmem>> -> memref<1x128xi32, #tpu.memory_space<vmem>>
      %dma_start3A_98 = tpu.memref_squeeze %dma_start3A_97 : memref<1x128xi32, #tpu.memory_space<vmem>> -> memref<128xi32, #tpu.memory_space<vmem>>
      %dma_start3A_99 = arith.constant 0 : i32
      %dma_start3A_100 = arith.constant 0 : i32
      %dma_start3A_101 = tpu.memref_slice %arg4[%dma_start3A_99, %dma_start3A_100] : memref<50176x16xf32, #tpu.memory_space<hbm>> -> memref<50176x16xf32, #tpu.memory_space<hbm>>
      tpu.enqueue_indirect_dma source(%dma_start3A_101 : memref<50176x16xf32, #tpu.memory_space<hbm>>) target(%dma_start3A_95 : memref<128x16xf32, #tpu.memory_space<vmem>>) offsets(%dma_start3A_98 : memref<128xi32, #tpu.memory_space<vmem>>) semaphore(%arg13 : memref<!tpu.dma_semaphore, #tpu.memory_space<semaphore_mem>>)
      %dma_start3A_102 = arith.constant 2 : i32
      %dma_start3A_103 = arith.constant 256 : i32
      %dma_start3A_104 = arith.constant 0 : i32
      %dma_start3A_105 = tpu.memref_slice %arg10[%dma_start3A_103, %dma_start3A_104] : memref<1024x32xf32, #tpu.memory_space<vmem>> -> memref<128x32xf32, #tpu.memory_space<vmem>>
      %dma_start3A_106 = arith.constant 0 : i32
      %dma_start3A_107 = tpu.memref_slice %arg8[%dma_start3A_102, %dma_start3A_106] : memref<8x128xi32, #tpu.memory_space<vmem>> -> memref<1x128xi32, #tpu.memory_space<vmem>>
      %dma_start3A_108 = tpu.memref_squeeze %dma_start3A_107 : memref<1x128xi32, #tpu.memory_space<vmem>> -> memref<128xi32, #tpu.memory_space<vmem>>
      %dma_start3A_109 = arith.constant 0 : i32
      %dma_start3A_110 = arith.constant 0 : i32
      %dma_start3A_111 = tpu.memref_slice %arg2[%dma_start3A_109, %dma_start3A_110] : memref<50000x32xf32, #tpu.memory_space<hbm>> -> memref<50000x32xf32, #tpu.memory_space<hbm>>
      tpu.enqueue_indirect_dma source(%dma_start3A_111 : memref<50000x32xf32, #tpu.memory_space<hbm>>) target(%dma_start3A_105 : memref<128x32xf32, #tpu.memory_space<vmem>>) offsets(%dma_start3A_108 : memref<128xi32, #tpu.memory_space<vmem>>) semaphore(%arg13 : memref<!tpu.dma_semaphore, #tpu.memory_space<semaphore_mem>>)
      %dma_start3A_112 = arith.constant 2 : i32
      %dma_start3A_113 = arith.constant 256 : i32
      %dma_start3A_114 = arith.constant 0 : i32
      %dma_start3A_115 = tpu.memref_slice %arg11[%dma_start3A_113, %dma_start3A_114] : memref<1024x16xf32, #tpu.memory_space<vmem>> -> memref<128x16xf32, #tpu.memory_space<vmem>>
      %dma_start3A_116 = arith.constant 0 : i32
      %dma_start3A_117 = tpu.memref_slice %arg9[%dma_start3A_112, %dma_start3A_116] : memref<8x128xi32, #tpu.memory_space<vmem>> -> memref<1x128xi32, #tpu.memory_space<vmem>>
      %dma_start3A_118 = tpu.memref_squeeze %dma_start3A_117 : memref<1x128xi32, #tpu.memory_space<vmem>> -> memref<128xi32, #tpu.memory_space<vmem>>
      %dma_start3A_119 = arith.constant 0 : i32
      %dma_start3A_120 = arith.constant 0 : i32
      %dma_start3A_121 = tpu.memref_slice %arg3[%dma_start3A_119, %dma_start3A_120] : memref<50176x16xf32, #tpu.memory_space<hbm>> -> memref<50176x16xf32, #tpu.memory_space<hbm>>
      tpu.enqueue_indirect_dma source(%dma_start3A_121 : memref<50176x16xf32, #tpu.memory_space<hbm>>) target(%dma_start3A_115 : memref<128x16xf32, #tpu.memory_space<vmem>>) offsets(%dma_start3A_118 : memref<128xi32, #tpu.memory_space<vmem>>) semaphore(%arg13 : memref<!tpu.dma_semaphore, #tpu.memory_space<semaphore_mem>>)
      %dma_start3A_122 = arith.constant 2 : i32
      %dma_start3A_123 = arith.constant 256 : i32
      %dma_start3A_124 = arith.constant 0 : i32
      %dma_start3A_125 = tpu.memref_slice %arg12[%dma_start3A_123, %dma_start3A_124] : memref<1024x16xf32, #tpu.memory_space<vmem>> -> memref<128x16xf32, #tpu.memory_space<vmem>>
      %dma_start3A_126 = arith.constant 0 : i32
      %dma_start3A_127 = tpu.memref_slice %arg9[%dma_start3A_122, %dma_start3A_126] : memref<8x128xi32, #tpu.memory_space<vmem>> -> memref<1x128xi32, #tpu.memory_space<vmem>>
      %dma_start3A_128 = tpu.memref_squeeze %dma_start3A_127 : memref<1x128xi32, #tpu.memory_space<vmem>> -> memref<128xi32, #tpu.memory_space<vmem>>
      %dma_start3A_129 = arith.constant 0 : i32
      %dma_start3A_130 = arith.constant 0 : i32
      %dma_start3A_131 = tpu.memref_slice %arg4[%dma_start3A_129, %dma_start3A_130] : memref<50176x16xf32, #tpu.memory_space<hbm>> -> memref<50176x16xf32, #tpu.memory_space<hbm>>
      tpu.enqueue_indirect_dma source(%dma_start3A_131 : memref<50176x16xf32, #tpu.memory_space<hbm>>) target(%dma_start3A_125 : memref<128x16xf32, #tpu.memory_space<vmem>>) offsets(%dma_start3A_128 : memref<128xi32, #tpu.memory_space<vmem>>) semaphore(%arg13 : memref<!tpu.dma_semaphore, #tpu.memory_space<semaphore_mem>>)
      %dma_start3A_132 = arith.constant 3 : i32
      %dma_start3A_133 = arith.constant 384 : i32
      %dma_start3A_134 = arith.constant 0 : i32
      %dma_start3A_135 = tpu.memref_slice %arg10[%dma_start3A_133, %dma_start3A_134] : memref<1024x32xf32, #tpu.memory_space<vmem>> -> memref<128x32xf32, #tpu.memory_space<vmem>>
      %dma_start3A_136 = arith.constant 0 : i32
      %dma_start3A_137 = tpu.memref_slice %arg8[%dma_start3A_132, %dma_start3A_136] : memref<8x128xi32, #tpu.memory_space<vmem>> -> memref<1x128xi32, #tpu.memory_space<vmem>>
      %dma_start3A_138 = tpu.memref_squeeze %dma_start3A_137 : memref<1x128xi32, #tpu.memory_space<vmem>> -> memref<128xi32, #tpu.memory_space<vmem>>
      %dma_start3A_139 = arith.constant 0 : i32
      %dma_start3A_140 = arith.constant 0 : i32
      %dma_start3A_141 = tpu.memref_slice %arg2[%dma_start3A_139, %dma_start3A_140] : memref<50000x32xf32, #tpu.memory_space<hbm>> -> memref<50000x32xf32, #tpu.memory_space<hbm>>
      tpu.enqueue_indirect_dma source(%dma_start3A_141 : memref<50000x32xf32, #tpu.memory_space<hbm>>) target(%dma_start3A_135 : memref<128x32xf32, #tpu.memory_space<vmem>>) offsets(%dma_start3A_138 : memref<128xi32, #tpu.memory_space<vmem>>) semaphore(%arg13 : memref<!tpu.dma_semaphore, #tpu.memory_space<semaphore_mem>>)
      %dma_start3A_142 = arith.constant 3 : i32
      %dma_start3A_143 = arith.constant 384 : i32
      %dma_start3A_144 = arith.constant 0 : i32
      %dma_start3A_145 = tpu.memref_slice %arg11[%dma_start3A_143, %dma_start3A_144] : memref<1024x16xf32, #tpu.memory_space<vmem>> -> memref<128x16xf32, #tpu.memory_space<vmem>>
      %dma_start3A_146 = arith.constant 0 : i32
      %dma_start3A_147 = tpu.memref_slice %arg9[%dma_start3A_142, %dma_start3A_146] : memref<8x128xi32, #tpu.memory_space<vmem>> -> memref<1x128xi32, #tpu.memory_space<vmem>>
      %dma_start3A_148 = tpu.memref_squeeze %dma_start3A_147 : memref<1x128xi32, #tpu.memory_space<vmem>> -> memref<128xi32, #tpu.memory_space<vmem>>
      %dma_start3A_149 = arith.constant 0 : i32
      %dma_start3A_150 = arith.constant 0 : i32
      %dma_start3A_151 = tpu.memref_slice %arg3[%dma_start3A_149, %dma_start3A_150] : memref<50176x16xf32, #tpu.memory_space<hbm>> -> memref<50176x16xf32, #tpu.memory_space<hbm>>
      tpu.enqueue_indirect_dma source(%dma_start3A_151 : memref<50176x16xf32, #tpu.memory_space<hbm>>) target(%dma_start3A_145 : memref<128x16xf32, #tpu.memory_space<vmem>>) offsets(%dma_start3A_148 : memref<128xi32, #tpu.memory_space<vmem>>) semaphore(%arg13 : memref<!tpu.dma_semaphore, #tpu.memory_space<semaphore_mem>>)
      %dma_start3A_152 = arith.constant 3 : i32
      %dma_start3A_153 = arith.constant 384 : i32
      %dma_start3A_154 = arith.constant 0 : i32
      %dma_start3A_155 = tpu.memref_slice %arg12[%dma_start3A_153, %dma_start3A_154] : memref<1024x16xf32, #tpu.memory_space<vmem>> -> memref<128x16xf32, #tpu.memory_space<vmem>>
      %dma_start3A_156 = arith.constant 0 : i32
      %dma_start3A_157 = tpu.memref_slice %arg9[%dma_start3A_152, %dma_start3A_156] : memref<8x128xi32, #tpu.memory_space<vmem>> -> memref<1x128xi32, #tpu.memory_space<vmem>>
      %dma_start3A_158 = tpu.memref_squeeze %dma_start3A_157 : memref<1x128xi32, #tpu.memory_space<vmem>> -> memref<128xi32, #tpu.memory_space<vmem>>
      %dma_start3A_159 = arith.constant 0 : i32
      %dma_start3A_160 = arith.constant 0 : i32
      %dma_start3A_161 = tpu.memref_slice %arg4[%dma_start3A_159, %dma_start3A_160] : memref<50176x16xf32, #tpu.memory_space<hbm>> -> memref<50176x16xf32, #tpu.memory_space<hbm>>
      tpu.enqueue_indirect_dma source(%dma_start3A_161 : memref<50176x16xf32, #tpu.memory_space<hbm>>) target(%dma_start3A_155 : memref<128x16xf32, #tpu.memory_space<vmem>>) offsets(%dma_start3A_158 : memref<128xi32, #tpu.memory_space<vmem>>) semaphore(%arg13 : memref<!tpu.dma_semaphore, #tpu.memory_space<semaphore_mem>>)
      %dma_start3A_162 = arith.constant 4 : i32
      %dma_start3A_163 = arith.constant 512 : i32
      %dma_start3A_164 = arith.constant 0 : i32
      %dma_start3A_165 = tpu.memref_slice %arg10[%dma_start3A_163, %dma_start3A_164] : memref<1024x32xf32, #tpu.memory_space<vmem>> -> memref<128x32xf32, #tpu.memory_space<vmem>>
      %dma_start3A_166 = arith.constant 0 : i32
      %dma_start3A_167 = tpu.memref_slice %arg8[%dma_start3A_162, %dma_start3A_166] : memref<8x128xi32, #tpu.memory_space<vmem>> -> memref<1x128xi32, #tpu.memory_space<vmem>>
      %dma_start3A_168 = tpu.memref_squeeze %dma_start3A_167 : memref<1x128xi32, #tpu.memory_space<vmem>> -> memref<128xi32, #tpu.memory_space<vmem>>
      %dma_start3A_169 = arith.constant 0 : i32
      %dma_start3A_170 = arith.constant 0 : i32
      %dma_start3A_171 = tpu.memref_slice %arg2[%dma_start3A_169, %dma_start3A_170] : memref<50000x32xf32, #tpu.memory_space<hbm>> -> memref<50000x32xf32, #tpu.memory_space<hbm>>
      tpu.enqueue_indirect_dma source(%dma_start3A_171 : memref<50000x32xf32, #tpu.memory_space<hbm>>) target(%dma_start3A_165 : memref<128x32xf32, #tpu.memory_space<vmem>>) offsets(%dma_start3A_168 : memref<128xi32, #tpu.memory_space<vmem>>) semaphore(%arg13 : memref<!tpu.dma_semaphore, #tpu.memory_space<semaphore_mem>>)
      %dma_start3A_172 = arith.constant 4 : i32
      %dma_start3A_173 = arith.constant 512 : i32
      %dma_start3A_174 = arith.constant 0 : i32
      %dma_start3A_175 = tpu.memref_slice %arg11[%dma_start3A_173, %dma_start3A_174] : memref<1024x16xf32, #tpu.memory_space<vmem>> -> memref<128x16xf32, #tpu.memory_space<vmem>>
      %dma_start3A_176 = arith.constant 0 : i32
      %dma_start3A_177 = tpu.memref_slice %arg9[%dma_start3A_172, %dma_start3A_176] : memref<8x128xi32, #tpu.memory_space<vmem>> -> memref<1x128xi32, #tpu.memory_space<vmem>>
      %dma_start3A_178 = tpu.memref_squeeze %dma_start3A_177 : memref<1x128xi32, #tpu.memory_space<vmem>> -> memref<128xi32, #tpu.memory_space<vmem>>
      %dma_start3A_179 = arith.constant 0 : i32
      %dma_start3A_180 = arith.constant 0 : i32
      %dma_start3A_181 = tpu.memref_slice %arg3[%dma_start3A_179, %dma_start3A_180] : memref<50176x16xf32, #tpu.memory_space<hbm>> -> memref<50176x16xf32, #tpu.memory_space<hbm>>
      tpu.enqueue_indirect_dma source(%dma_start3A_181 : memref<50176x16xf32, #tpu.memory_space<hbm>>) target(%dma_start3A_175 : memref<128x16xf32, #tpu.memory_space<vmem>>) offsets(%dma_start3A_178 : memref<128xi32, #tpu.memory_space<vmem>>) semaphore(%arg13 : memref<!tpu.dma_semaphore, #tpu.memory_space<semaphore_mem>>)
      %dma_start3A_182 = arith.constant 4 : i32
      %dma_start3A_183 = arith.constant 512 : i32
      %dma_start3A_184 = arith.constant 0 : i32
      %dma_start3A_185 = tpu.memref_slice %arg12[%dma_start3A_183, %dma_start3A_184] : memref<1024x16xf32, #tpu.memory_space<vmem>> -> memref<128x16xf32, #tpu.memory_space<vmem>>
      %dma_start3A_186 = arith.constant 0 : i32
      %dma_start3A_187 = tpu.memref_slice %arg9[%dma_start3A_182, %dma_start3A_186] : memref<8x128xi32, #tpu.memory_space<vmem>> -> memref<1x128xi32, #tpu.memory_space<vmem>>
      %dma_start3A_188 = tpu.memref_squeeze %dma_start3A_187 : memref<1x128xi32, #tpu.memory_space<vmem>> -> memref<128xi32, #tpu.memory_space<vmem>>
      %dma_start3A_189 = arith.constant 0 : i32
      %dma_start3A_190 = arith.constant 0 : i32
      %dma_start3A_191 = tpu.memref_slice %arg4[%dma_start3A_189, %dma_start3A_190] : memref<50176x16xf32, #tpu.memory_space<hbm>> -> memref<50176x16xf32, #tpu.memory_space<hbm>>
      tpu.enqueue_indirect_dma source(%dma_start3A_191 : memref<50176x16xf32, #tpu.memory_space<hbm>>) target(%dma_start3A_185 : memref<128x16xf32, #tpu.memory_space<vmem>>) offsets(%dma_start3A_188 : memref<128xi32, #tpu.memory_space<vmem>>) semaphore(%arg13 : memref<!tpu.dma_semaphore, #tpu.memory_space<semaphore_mem>>)
      %dma_start3A_192 = arith.constant 5 : i32
      %dma_start3A_193 = arith.constant 640 : i32
      %dma_start3A_194 = arith.constant 0 : i32
      %dma_start3A_195 = tpu.memref_slice %arg10[%dma_start3A_193, %dma_start3A_194] : memref<1024x32xf32, #tpu.memory_space<vmem>> -> memref<128x32xf32, #tpu.memory_space<vmem>>
      %dma_start3A_196 = arith.constant 0 : i32
      %dma_start3A_197 = tpu.memref_slice %arg8[%dma_start3A_192, %dma_start3A_196] : memref<8x128xi32, #tpu.memory_space<vmem>> -> memref<1x128xi32, #tpu.memory_space<vmem>>
      %dma_start3A_198 = tpu.memref_squeeze %dma_start3A_197 : memref<1x128xi32, #tpu.memory_space<vmem>> -> memref<128xi32, #tpu.memory_space<vmem>>
      %dma_start3A_199 = arith.constant 0 : i32
      %dma_start3A_200 = arith.constant 0 : i32
      %dma_start3A_201 = tpu.memref_slice %arg2[%dma_start3A_199, %dma_start3A_200] : memref<50000x32xf32, #tpu.memory_space<hbm>> -> memref<50000x32xf32, #tpu.memory_space<hbm>>
      tpu.enqueue_indirect_dma source(%dma_start3A_201 : memref<50000x32xf32, #tpu.memory_space<hbm>>) target(%dma_start3A_195 : memref<128x32xf32, #tpu.memory_space<vmem>>) offsets(%dma_start3A_198 : memref<128xi32, #tpu.memory_space<vmem>>) semaphore(%arg13 : memref<!tpu.dma_semaphore, #tpu.memory_space<semaphore_mem>>)
      %dma_start3A_202 = arith.constant 5 : i32
      %dma_start3A_203 = arith.constant 640 : i32
      %dma_start3A_204 = arith.constant 0 : i32
      %dma_start3A_205 = tpu.memref_slice %arg11[%dma_start3A_203, %dma_start3A_204] : memref<1024x16xf32, #tpu.memory_space<vmem>> -> memref<128x16xf32, #tpu.memory_space<vmem>>
      %dma_start3A_206 = arith.constant 0 : i32
      %dma_start3A_207 = tpu.memref_slice %arg9[%dma_start3A_202, %dma_start3A_206] : memref<8x128xi32, #tpu.memory_space<vmem>> -> memref<1x128xi32, #tpu.memory_space<vmem>>
      %dma_start3A_208 = tpu.memref_squeeze %dma_start3A_207 : memref<1x128xi32, #tpu.memory_space<vmem>> -> memref<128xi32, #tpu.memory_space<vmem>>
      %dma_start3A_209 = arith.constant 0 : i32
      %dma_start3A_210 = arith.constant 0 : i32
      %dma_start3A_211 = tpu.memref_slice %arg3[%dma_start3A_209, %dma_start3A_210] : memref<50176x16xf32, #tpu.memory_space<hbm>> -> memref<50176x16xf32, #tpu.memory_space<hbm>>
      tpu.enqueue_indirect_dma source(%dma_start3A_211 : memref<50176x16xf32, #tpu.memory_space<hbm>>) target(%dma_start3A_205 : memref<128x16xf32, #tpu.memory_space<vmem>>) offsets(%dma_start3A_208 : memref<128xi32, #tpu.memory_space<vmem>>) semaphore(%arg13 : memref<!tpu.dma_semaphore, #tpu.memory_space<semaphore_mem>>)
      %dma_start3A_212 = arith.constant 5 : i32
      %dma_start3A_213 = arith.constant 640 : i32
      %dma_start3A_214 = arith.constant 0 : i32
      %dma_start3A_215 = tpu.memref_slice %arg12[%dma_start3A_213, %dma_start3A_214] : memref<1024x16xf32, #tpu.memory_space<vmem>> -> memref<128x16xf32, #tpu.memory_space<vmem>>
      %dma_start3A_216 = arith.constant 0 : i32
      %dma_start3A_217 = tpu.memref_slice %arg9[%dma_start3A_212, %dma_start3A_216] : memref<8x128xi32, #tpu.memory_space<vmem>> -> memref<1x128xi32, #tpu.memory_space<vmem>>
      %dma_start3A_218 = tpu.memref_squeeze %dma_start3A_217 : memref<1x128xi32, #tpu.memory_space<vmem>> -> memref<128xi32, #tpu.memory_space<vmem>>
      %dma_start3A_219 = arith.constant 0 : i32
      %dma_start3A_220 = arith.constant 0 : i32
      %dma_start3A_221 = tpu.memref_slice %arg4[%dma_start3A_219, %dma_start3A_220] : memref<50176x16xf32, #tpu.memory_space<hbm>> -> memref<50176x16xf32, #tpu.memory_space<hbm>>
      tpu.enqueue_indirect_dma source(%dma_start3A_221 : memref<50176x16xf32, #tpu.memory_space<hbm>>) target(%dma_start3A_215 : memref<128x16xf32, #tpu.memory_space<vmem>>) offsets(%dma_start3A_218 : memref<128xi32, #tpu.memory_space<vmem>>) semaphore(%arg13 : memref<!tpu.dma_semaphore, #tpu.memory_space<semaphore_mem>>)
      %dma_start3A_222 = arith.constant 6 : i32
      %dma_start3A_223 = arith.constant 768 : i32
      %dma_start3A_224 = arith.constant 0 : i32
      %dma_start3A_225 = tpu.memref_slice %arg10[%dma_start3A_223, %dma_start3A_224] : memref<1024x32xf32, #tpu.memory_space<vmem>> -> memref<128x32xf32, #tpu.memory_space<vmem>>
      %dma_start3A_226 = arith.constant 0 : i32
      %dma_start3A_227 = tpu.memref_slice %arg8[%dma_start3A_222, %dma_start3A_226] : memref<8x128xi32, #tpu.memory_space<vmem>> -> memref<1x128xi32, #tpu.memory_space<vmem>>
      %dma_start3A_228 = tpu.memref_squeeze %dma_start3A_227 : memref<1x128xi32, #tpu.memory_space<vmem>> -> memref<128xi32, #tpu.memory_space<vmem>>
      %dma_start3A_229 = arith.constant 0 : i32
      %dma_start3A_230 = arith.constant 0 : i32
      %dma_start3A_231 = tpu.memref_slice %arg2[%dma_start3A_229, %dma_start3A_230] : memref<50000x32xf32, #tpu.memory_space<hbm>> -> memref<50000x32xf32, #tpu.memory_space<hbm>>
      tpu.enqueue_indirect_dma source(%dma_start3A_231 : memref<50000x32xf32, #tpu.memory_space<hbm>>) target(%dma_start3A_225 : memref<128x32xf32, #tpu.memory_space<vmem>>) offsets(%dma_start3A_228 : memref<128xi32, #tpu.memory_space<vmem>>) semaphore(%arg13 : memref<!tpu.dma_semaphore, #tpu.memory_space<semaphore_mem>>)
      %dma_start3A_232 = arith.constant 6 : i32
      %dma_start3A_233 = arith.constant 768 : i32
      %dma_start3A_234 = arith.constant 0 : i32
      %dma_start3A_235 = tpu.memref_slice %arg11[%dma_start3A_233, %dma_start3A_234] : memref<1024x16xf32, #tpu.memory_space<vmem>> -> memref<128x16xf32, #tpu.memory_space<vmem>>
      %dma_start3A_236 = arith.constant 0 : i32
      %dma_start3A_237 = tpu.memref_slice %arg9[%dma_start3A_232, %dma_start3A_236] : memref<8x128xi32, #tpu.memory_space<vmem>> -> memref<1x128xi32, #tpu.memory_space<vmem>>
      %dma_start3A_238 = tpu.memref_squeeze %dma_start3A_237 : memref<1x128xi32, #tpu.memory_space<vmem>> -> memref<128xi32, #tpu.memory_space<vmem>>
      %dma_start3A_239 = arith.constant 0 : i32
      %dma_start3A_240 = arith.constant 0 : i32
      %dma_start3A_241 = tpu.memref_slice %arg3[%dma_start3A_239, %dma_start3A_240] : memref<50176x16xf32, #tpu.memory_space<hbm>> -> memref<50176x16xf32, #tpu.memory_space<hbm>>
      tpu.enqueue_indirect_dma source(%dma_start3A_241 : memref<50176x16xf32, #tpu.memory_space<hbm>>) target(%dma_start3A_235 : memref<128x16xf32, #tpu.memory_space<vmem>>) offsets(%dma_start3A_238 : memref<128xi32, #tpu.memory_space<vmem>>) semaphore(%arg13 : memref<!tpu.dma_semaphore, #tpu.memory_space<semaphore_mem>>)
      %dma_start3A_242 = arith.constant 6 : i32
      %dma_start3A_243 = arith.constant 768 : i32
      %dma_start3A_244 = arith.constant 0 : i32
      %dma_start3A_245 = tpu.memref_slice %arg12[%dma_start3A_243, %dma_start3A_244] : memref<1024x16xf32, #tpu.memory_space<vmem>> -> memref<128x16xf32, #tpu.memory_space<vmem>>
      %dma_start3A_246 = arith.constant 0 : i32
      %dma_start3A_247 = tpu.memref_slice %arg9[%dma_start3A_242, %dma_start3A_246] : memref<8x128xi32, #tpu.memory_space<vmem>> -> memref<1x128xi32, #tpu.memory_space<vmem>>
      %dma_start3A_248 = tpu.memref_squeeze %dma_start3A_247 : memref<1x128xi32, #tpu.memory_space<vmem>> -> memref<128xi32, #tpu.memory_space<vmem>>
      %dma_start3A_249 = arith.constant 0 : i32
      %dma_start3A_250 = arith.constant 0 : i32
      %dma_start3A_251 = tpu.memref_slice %arg4[%dma_start3A_249, %dma_start3A_250] : memref<50176x16xf32, #tpu.memory_space<hbm>> -> memref<50176x16xf32, #tpu.memory_space<hbm>>
      tpu.enqueue_indirect_dma source(%dma_start3A_251 : memref<50176x16xf32, #tpu.memory_space<hbm>>) target(%dma_start3A_245 : memref<128x16xf32, #tpu.memory_space<vmem>>) offsets(%dma_start3A_248 : memref<128xi32, #tpu.memory_space<vmem>>) semaphore(%arg13 : memref<!tpu.dma_semaphore, #tpu.memory_space<semaphore_mem>>)
      %dma_start3A_252 = arith.constant 7 : i32
      %dma_start3A_253 = arith.constant 896 : i32
      %dma_start3A_254 = arith.constant 0 : i32
      %dma_start3A_255 = tpu.memref_slice %arg10[%dma_start3A_253, %dma_start3A_254] : memref<1024x32xf32, #tpu.memory_space<vmem>> -> memref<128x32xf32, #tpu.memory_space<vmem>>
      %dma_start3A_256 = arith.constant 0 : i32
      %dma_start3A_257 = tpu.memref_slice %arg8[%dma_start3A_252, %dma_start3A_256] : memref<8x128xi32, #tpu.memory_space<vmem>> -> memref<1x128xi32, #tpu.memory_space<vmem>>
      %dma_start3A_258 = tpu.memref_squeeze %dma_start3A_257 : memref<1x128xi32, #tpu.memory_space<vmem>> -> memref<128xi32, #tpu.memory_space<vmem>>
      %dma_start3A_259 = arith.constant 0 : i32
      %dma_start3A_260 = arith.constant 0 : i32
      %dma_start3A_261 = tpu.memref_slice %arg2[%dma_start3A_259, %dma_start3A_260] : memref<50000x32xf32, #tpu.memory_space<hbm>> -> memref<50000x32xf32, #tpu.memory_space<hbm>>
      tpu.enqueue_indirect_dma source(%dma_start3A_261 : memref<50000x32xf32, #tpu.memory_space<hbm>>) target(%dma_start3A_255 : memref<128x32xf32, #tpu.memory_space<vmem>>) offsets(%dma_start3A_258 : memref<128xi32, #tpu.memory_space<vmem>>) semaphore(%arg13 : memref<!tpu.dma_semaphore, #tpu.memory_space<semaphore_mem>>)
      %dma_start3A_262 = arith.constant 7 : i32
      %dma_start3A_263 = arith.constant 896 : i32
      %dma_start3A_264 = arith.constant 0 : i32
      %dma_start3A_265 = tpu.memref_slice %arg11[%dma_start3A_263, %dma_start3A_264] : memref<1024x16xf32, #tpu.memory_space<vmem>> -> memref<128x16xf32, #tpu.memory_space<vmem>>
      %dma_start3A_266 = arith.constant 0 : i32
      %dma_start3A_267 = tpu.memref_slice %arg9[%dma_start3A_262, %dma_start3A_266] : memref<8x128xi32, #tpu.memory_space<vmem>> -> memref<1x128xi32, #tpu.memory_space<vmem>>
      %dma_start3A_268 = tpu.memref_squeeze %dma_start3A_267 : memref<1x128xi32, #tpu.memory_space<vmem>> -> memref<128xi32, #tpu.memory_space<vmem>>
      %dma_start3A_269 = arith.constant 0 : i32
      %dma_start3A_270 = arith.constant 0 : i32
      %dma_start3A_271 = tpu.memref_slice %arg3[%dma_start3A_269, %dma_start3A_270] : memref<50176x16xf32, #tpu.memory_space<hbm>> -> memref<50176x16xf32, #tpu.memory_space<hbm>>
      tpu.enqueue_indirect_dma source(%dma_start3A_271 : memref<50176x16xf32, #tpu.memory_space<hbm>>) target(%dma_start3A_265 : memref<128x16xf32, #tpu.memory_space<vmem>>) offsets(%dma_start3A_268 : memref<128xi32, #tpu.memory_space<vmem>>) semaphore(%arg13 : memref<!tpu.dma_semaphore, #tpu.memory_space<semaphore_mem>>)
      %dma_start3A_272 = arith.constant 7 : i32
      %dma_start3A_273 = arith.constant 896 : i32
      %dma_start3A_274 = arith.constant 0 : i32
      %dma_start3A_275 = tpu.memref_slice %arg12[%dma_start3A_273, %dma_start3A_274] : memref<1024x16xf32, #tpu.memory_space<vmem>> -> memref<128x16xf32, #tpu.memory_space<vmem>>
      %dma_start3A_276 = arith.constant 0 : i32
      %dma_start3A_277 = tpu.memref_slice %arg9[%dma_start3A_272, %dma_start3A_276] : memref<8x128xi32, #tpu.memory_space<vmem>> -> memref<1x128xi32, #tpu.memory_space<vmem>>
      %dma_start3A_278 = tpu.memref_squeeze %dma_start3A_277 : memref<1x128xi32, #tpu.memory_space<vmem>> -> memref<128xi32, #tpu.memory_space<vmem>>
      %dma_start3A_279 = arith.constant 0 : i32
      %dma_start3A_280 = arith.constant 0 : i32
      %dma_start3A_281 = tpu.memref_slice %arg4[%dma_start3A_279, %dma_start3A_280] : memref<50176x16xf32, #tpu.memory_space<hbm>> -> memref<50176x16xf32, #tpu.memory_space<hbm>>
      tpu.enqueue_indirect_dma source(%dma_start3A_281 : memref<50176x16xf32, #tpu.memory_space<hbm>>) target(%dma_start3A_275 : memref<128x16xf32, #tpu.memory_space<vmem>>) offsets(%dma_start3A_278 : memref<128xi32, #tpu.memory_space<vmem>>) semaphore(%arg13 : memref<!tpu.dma_semaphore, #tpu.memory_space<semaphore_mem>>)
      %dma_wait3A = arith.constant 0 : i32
      %dma_wait3A_282 = arith.constant 0 : i32
      %dma_wait3A_283 = arith.constant 0 : i32
      %dma_wait3A_284 = tpu.memref_slice %arg10[%dma_wait3A_282, %dma_wait3A_283] : memref<1024x32xf32, #tpu.memory_space<vmem>> -> memref<128x32xf32, #tpu.memory_space<vmem>>
      %dma_wait3A_285 = arith.constant 0 : i32
      %dma_wait3A_286 = tpu.memref_slice %arg8[%dma_wait3A, %dma_wait3A_285] : memref<8x128xi32, #tpu.memory_space<vmem>> -> memref<1x128xi32, #tpu.memory_space<vmem>>
      %dma_wait3A_287 = tpu.memref_squeeze %dma_wait3A_286 : memref<1x128xi32, #tpu.memory_space<vmem>> -> memref<128xi32, #tpu.memory_space<vmem>>
      %dma_wait3A_288 = arith.constant 0 : i32
      %dma_wait3A_289 = arith.constant 0 : i32
      %dma_wait3A_290 = tpu.memref_slice %arg2[%dma_wait3A_288, %dma_wait3A_289] : memref<50000x32xf32, #tpu.memory_space<hbm>> -> memref<50000x32xf32, #tpu.memory_space<hbm>>
      tpu.wait_indirect_dma semaphore(%arg13 : memref<!tpu.dma_semaphore, #tpu.memory_space<semaphore_mem>>) src(%dma_wait3A_290 : memref<50000x32xf32, #tpu.memory_space<hbm>>) dst(%dma_wait3A_284 : memref<128x32xf32, #tpu.memory_space<vmem>>)
      %dma_wait3A_291 = arith.constant 0 : i32
      %dma_wait3A_292 = arith.constant 0 : i32
      %dma_wait3A_293 = arith.constant 0 : i32
      %dma_wait3A_294 = tpu.memref_slice %arg11[%dma_wait3A_292, %dma_wait3A_293] : memref<1024x16xf32, #tpu.memory_space<vmem>> -> memref<128x16xf32, #tpu.memory_space<vmem>>
      %dma_wait3A_295 = arith.constant 0 : i32
      %dma_wait3A_296 = tpu.memref_slice %arg9[%dma_wait3A_291, %dma_wait3A_295] : memref<8x128xi32, #tpu.memory_space<vmem>> -> memref<1x128xi32, #tpu.memory_space<vmem>>
      %dma_wait3A_297 = tpu.memref_squeeze %dma_wait3A_296 : memref<1x128xi32, #tpu.memory_space<vmem>> -> memref<128xi32, #tpu.memory_space<vmem>>
      %dma_wait3A_298 = arith.constant 0 : i32
      %dma_wait3A_299 = arith.constant 0 : i32
      %dma_wait3A_300 = tpu.memref_slice %arg3[%dma_wait3A_298, %dma_wait3A_299] : memref<50176x16xf32, #tpu.memory_space<hbm>> -> memref<50176x16xf32, #tpu.memory_space<hbm>>
      tpu.wait_indirect_dma semaphore(%arg13 : memref<!tpu.dma_semaphore, #tpu.memory_space<semaphore_mem>>) src(%dma_wait3A_300 : memref<50176x16xf32, #tpu.memory_space<hbm>>) dst(%dma_wait3A_294 : memref<128x16xf32, #tpu.memory_space<vmem>>)
      %dma_wait3A_301 = arith.constant 0 : i32
      %dma_wait3A_302 = arith.constant 0 : i32
      %dma_wait3A_303 = arith.constant 0 : i32
      %dma_wait3A_304 = tpu.memref_slice %arg12[%dma_wait3A_302, %dma_wait3A_303] : memref<1024x16xf32, #tpu.memory_space<vmem>> -> memref<128x16xf32, #tpu.memory_space<vmem>>
      %dma_wait3A_305 = arith.constant 0 : i32
      %dma_wait3A_306 = tpu.memref_slice %arg9[%dma_wait3A_301, %dma_wait3A_305] : memref<8x128xi32, #tpu.memory_space<vmem>> -> memref<1x128xi32, #tpu.memory_space<vmem>>
      %dma_wait3A_307 = tpu.memref_squeeze %dma_wait3A_306 : memref<1x128xi32, #tpu.memory_space<vmem>> -> memref<128xi32, #tpu.memory_space<vmem>>
      %dma_wait3A_308 = arith.constant 0 : i32
      %dma_wait3A_309 = arith.constant 0 : i32
      %dma_wait3A_310 = tpu.memref_slice %arg4[%dma_wait3A_308, %dma_wait3A_309] : memref<50176x16xf32, #tpu.memory_space<hbm>> -> memref<50176x16xf32, #tpu.memory_space<hbm>>
      tpu.wait_indirect_dma semaphore(%arg13 : memref<!tpu.dma_semaphore, #tpu.memory_space<semaphore_mem>>) src(%dma_wait3A_310 : memref<50176x16xf32, #tpu.memory_space<hbm>>) dst(%dma_wait3A_304 : memref<128x16xf32, #tpu.memory_space<vmem>>)
      %dma_wait3A_311 = arith.constant 1 : i32
      %dma_wait3A_312 = arith.constant 128 : i32
      %dma_wait3A_313 = arith.constant 0 : i32
      %dma_wait3A_314 = tpu.memref_slice %arg10[%dma_wait3A_312, %dma_wait3A_313] : memref<1024x32xf32, #tpu.memory_space<vmem>> -> memref<128x32xf32, #tpu.memory_space<vmem>>
      %dma_wait3A_315 = arith.constant 0 : i32
      %dma_wait3A_316 = tpu.memref_slice %arg8[%dma_wait3A_311, %dma_wait3A_315] : memref<8x128xi32, #tpu.memory_space<vmem>> -> memref<1x128xi32, #tpu.memory_space<vmem>>
      %dma_wait3A_317 = tpu.memref_squeeze %dma_wait3A_316 : memref<1x128xi32, #tpu.memory_space<vmem>> -> memref<128xi32, #tpu.memory_space<vmem>>
      %dma_wait3A_318 = arith.constant 0 : i32
      %dma_wait3A_319 = arith.constant 0 : i32
      %dma_wait3A_320 = tpu.memref_slice %arg2[%dma_wait3A_318, %dma_wait3A_319] : memref<50000x32xf32, #tpu.memory_space<hbm>> -> memref<50000x32xf32, #tpu.memory_space<hbm>>
      tpu.wait_indirect_dma semaphore(%arg13 : memref<!tpu.dma_semaphore, #tpu.memory_space<semaphore_mem>>) src(%dma_wait3A_320 : memref<50000x32xf32, #tpu.memory_space<hbm>>) dst(%dma_wait3A_314 : memref<128x32xf32, #tpu.memory_space<vmem>>)
      %dma_wait3A_321 = arith.constant 1 : i32
      %dma_wait3A_322 = arith.constant 128 : i32
      %dma_wait3A_323 = arith.constant 0 : i32
      %dma_wait3A_324 = tpu.memref_slice %arg11[%dma_wait3A_322, %dma_wait3A_323] : memref<1024x16xf32, #tpu.memory_space<vmem>> -> memref<128x16xf32, #tpu.memory_space<vmem>>
      %dma_wait3A_325 = arith.constant 0 : i32
      %dma_wait3A_326 = tpu.memref_slice %arg9[%dma_wait3A_321, %dma_wait3A_325] : memref<8x128xi32, #tpu.memory_space<vmem>> -> memref<1x128xi32, #tpu.memory_space<vmem>>
      %dma_wait3A_327 = tpu.memref_squeeze %dma_wait3A_326 : memref<1x128xi32, #tpu.memory_space<vmem>> -> memref<128xi32, #tpu.memory_space<vmem>>
      %dma_wait3A_328 = arith.constant 0 : i32
      %dma_wait3A_329 = arith.constant 0 : i32
      %dma_wait3A_330 = tpu.memref_slice %arg3[%dma_wait3A_328, %dma_wait3A_329] : memref<50176x16xf32, #tpu.memory_space<hbm>> -> memref<50176x16xf32, #tpu.memory_space<hbm>>
      tpu.wait_indirect_dma semaphore(%arg13 : memref<!tpu.dma_semaphore, #tpu.memory_space<semaphore_mem>>) src(%dma_wait3A_330 : memref<50176x16xf32, #tpu.memory_space<hbm>>) dst(%dma_wait3A_324 : memref<128x16xf32, #tpu.memory_space<vmem>>)
      %dma_wait3A_331 = arith.constant 1 : i32
      %dma_wait3A_332 = arith.constant 128 : i32
      %dma_wait3A_333 = arith.constant 0 : i32
      %dma_wait3A_334 = tpu.memref_slice %arg12[%dma_wait3A_332, %dma_wait3A_333] : memref<1024x16xf32, #tpu.memory_space<vmem>> -> memref<128x16xf32, #tpu.memory_space<vmem>>
      %dma_wait3A_335 = arith.constant 0 : i32
      %dma_wait3A_336 = tpu.memref_slice %arg9[%dma_wait3A_331, %dma_wait3A_335] : memref<8x128xi32, #tpu.memory_space<vmem>> -> memref<1x128xi32, #tpu.memory_space<vmem>>
      %dma_wait3A_337 = tpu.memref_squeeze %dma_wait3A_336 : memref<1x128xi32, #tpu.memory_space<vmem>> -> memref<128xi32, #tpu.memory_space<vmem>>
      %dma_wait3A_338 = arith.constant 0 : i32
      %dma_wait3A_339 = arith.constant 0 : i32
      %dma_wait3A_340 = tpu.memref_slice %arg4[%dma_wait3A_338, %dma_wait3A_339] : memref<50176x16xf32, #tpu.memory_space<hbm>> -> memref<50176x16xf32, #tpu.memory_space<hbm>>
      tpu.wait_indirect_dma semaphore(%arg13 : memref<!tpu.dma_semaphore, #tpu.memory_space<semaphore_mem>>) src(%dma_wait3A_340 : memref<50176x16xf32, #tpu.memory_space<hbm>>) dst(%dma_wait3A_334 : memref<128x16xf32, #tpu.memory_space<vmem>>)
      %dma_wait3A_341 = arith.constant 2 : i32
      %dma_wait3A_342 = arith.constant 256 : i32
      %dma_wait3A_343 = arith.constant 0 : i32
      %dma_wait3A_344 = tpu.memref_slice %arg10[%dma_wait3A_342, %dma_wait3A_343] : memref<1024x32xf32, #tpu.memory_space<vmem>> -> memref<128x32xf32, #tpu.memory_space<vmem>>
      %dma_wait3A_345 = arith.constant 0 : i32
      %dma_wait3A_346 = tpu.memref_slice %arg8[%dma_wait3A_341, %dma_wait3A_345] : memref<8x128xi32, #tpu.memory_space<vmem>> -> memref<1x128xi32, #tpu.memory_space<vmem>>
      %dma_wait3A_347 = tpu.memref_squeeze %dma_wait3A_346 : memref<1x128xi32, #tpu.memory_space<vmem>> -> memref<128xi32, #tpu.memory_space<vmem>>
      %dma_wait3A_348 = arith.constant 0 : i32
      %dma_wait3A_349 = arith.constant 0 : i32
      %dma_wait3A_350 = tpu.memref_slice %arg2[%dma_wait3A_348, %dma_wait3A_349] : memref<50000x32xf32, #tpu.memory_space<hbm>> -> memref<50000x32xf32, #tpu.memory_space<hbm>>
      tpu.wait_indirect_dma semaphore(%arg13 : memref<!tpu.dma_semaphore, #tpu.memory_space<semaphore_mem>>) src(%dma_wait3A_350 : memref<50000x32xf32, #tpu.memory_space<hbm>>) dst(%dma_wait3A_344 : memref<128x32xf32, #tpu.memory_space<vmem>>)
      %dma_wait3A_351 = arith.constant 2 : i32
      %dma_wait3A_352 = arith.constant 256 : i32
      %dma_wait3A_353 = arith.constant 0 : i32
      %dma_wait3A_354 = tpu.memref_slice %arg11[%dma_wait3A_352, %dma_wait3A_353] : memref<1024x16xf32, #tpu.memory_space<vmem>> -> memref<128x16xf32, #tpu.memory_space<vmem>>
      %dma_wait3A_355 = arith.constant 0 : i32
      %dma_wait3A_356 = tpu.memref_slice %arg9[%dma_wait3A_351, %dma_wait3A_355] : memref<8x128xi32, #tpu.memory_space<vmem>> -> memref<1x128xi32, #tpu.memory_space<vmem>>
      %dma_wait3A_357 = tpu.memref_squeeze %dma_wait3A_356 : memref<1x128xi32, #tpu.memory_space<vmem>> -> memref<128xi32, #tpu.memory_space<vmem>>
      %dma_wait3A_358 = arith.constant 0 : i32
      %dma_wait3A_359 = arith.constant 0 : i32
      %dma_wait3A_360 = tpu.memref_slice %arg3[%dma_wait3A_358, %dma_wait3A_359] : memref<50176x16xf32, #tpu.memory_space<hbm>> -> memref<50176x16xf32, #tpu.memory_space<hbm>>
      tpu.wait_indirect_dma semaphore(%arg13 : memref<!tpu.dma_semaphore, #tpu.memory_space<semaphore_mem>>) src(%dma_wait3A_360 : memref<50176x16xf32, #tpu.memory_space<hbm>>) dst(%dma_wait3A_354 : memref<128x16xf32, #tpu.memory_space<vmem>>)
      %dma_wait3A_361 = arith.constant 2 : i32
      %dma_wait3A_362 = arith.constant 256 : i32
      %dma_wait3A_363 = arith.constant 0 : i32
      %dma_wait3A_364 = tpu.memref_slice %arg12[%dma_wait3A_362, %dma_wait3A_363] : memref<1024x16xf32, #tpu.memory_space<vmem>> -> memref<128x16xf32, #tpu.memory_space<vmem>>
      %dma_wait3A_365 = arith.constant 0 : i32
      %dma_wait3A_366 = tpu.memref_slice %arg9[%dma_wait3A_361, %dma_wait3A_365] : memref<8x128xi32, #tpu.memory_space<vmem>> -> memref<1x128xi32, #tpu.memory_space<vmem>>
      %dma_wait3A_367 = tpu.memref_squeeze %dma_wait3A_366 : memref<1x128xi32, #tpu.memory_space<vmem>> -> memref<128xi32, #tpu.memory_space<vmem>>
      %dma_wait3A_368 = arith.constant 0 : i32
      %dma_wait3A_369 = arith.constant 0 : i32
      %dma_wait3A_370 = tpu.memref_slice %arg4[%dma_wait3A_368, %dma_wait3A_369] : memref<50176x16xf32, #tpu.memory_space<hbm>> -> memref<50176x16xf32, #tpu.memory_space<hbm>>
      tpu.wait_indirect_dma semaphore(%arg13 : memref<!tpu.dma_semaphore, #tpu.memory_space<semaphore_mem>>) src(%dma_wait3A_370 : memref<50176x16xf32, #tpu.memory_space<hbm>>) dst(%dma_wait3A_364 : memref<128x16xf32, #tpu.memory_space<vmem>>)
      %dma_wait3A_371 = arith.constant 3 : i32
      %dma_wait3A_372 = arith.constant 384 : i32
      %dma_wait3A_373 = arith.constant 0 : i32
      %dma_wait3A_374 = tpu.memref_slice %arg10[%dma_wait3A_372, %dma_wait3A_373] : memref<1024x32xf32, #tpu.memory_space<vmem>> -> memref<128x32xf32, #tpu.memory_space<vmem>>
      %dma_wait3A_375 = arith.constant 0 : i32
      %dma_wait3A_376 = tpu.memref_slice %arg8[%dma_wait3A_371, %dma_wait3A_375] : memref<8x128xi32, #tpu.memory_space<vmem>> -> memref<1x128xi32, #tpu.memory_space<vmem>>
      %dma_wait3A_377 = tpu.memref_squeeze %dma_wait3A_376 : memref<1x128xi32, #tpu.memory_space<vmem>> -> memref<128xi32, #tpu.memory_space<vmem>>
      %dma_wait3A_378 = arith.constant 0 : i32
      %dma_wait3A_379 = arith.constant 0 : i32
      %dma_wait3A_380 = tpu.memref_slice %arg2[%dma_wait3A_378, %dma_wait3A_379] : memref<50000x32xf32, #tpu.memory_space<hbm>> -> memref<50000x32xf32, #tpu.memory_space<hbm>>
      tpu.wait_indirect_dma semaphore(%arg13 : memref<!tpu.dma_semaphore, #tpu.memory_space<semaphore_mem>>) src(%dma_wait3A_380 : memref<50000x32xf32, #tpu.memory_space<hbm>>) dst(%dma_wait3A_374 : memref<128x32xf32, #tpu.memory_space<vmem>>)
      %dma_wait3A_381 = arith.constant 3 : i32
      %dma_wait3A_382 = arith.constant 384 : i32
      %dma_wait3A_383 = arith.constant 0 : i32
      %dma_wait3A_384 = tpu.memref_slice %arg11[%dma_wait3A_382, %dma_wait3A_383] : memref<1024x16xf32, #tpu.memory_space<vmem>> -> memref<128x16xf32, #tpu.memory_space<vmem>>
      %dma_wait3A_385 = arith.constant 0 : i32
      %dma_wait3A_386 = tpu.memref_slice %arg9[%dma_wait3A_381, %dma_wait3A_385] : memref<8x128xi32, #tpu.memory_space<vmem>> -> memref<1x128xi32, #tpu.memory_space<vmem>>
      %dma_wait3A_387 = tpu.memref_squeeze %dma_wait3A_386 : memref<1x128xi32, #tpu.memory_space<vmem>> -> memref<128xi32, #tpu.memory_space<vmem>>
      %dma_wait3A_388 = arith.constant 0 : i32
      %dma_wait3A_389 = arith.constant 0 : i32
      %dma_wait3A_390 = tpu.memref_slice %arg3[%dma_wait3A_388, %dma_wait3A_389] : memref<50176x16xf32, #tpu.memory_space<hbm>> -> memref<50176x16xf32, #tpu.memory_space<hbm>>
      tpu.wait_indirect_dma semaphore(%arg13 : memref<!tpu.dma_semaphore, #tpu.memory_space<semaphore_mem>>) src(%dma_wait3A_390 : memref<50176x16xf32, #tpu.memory_space<hbm>>) dst(%dma_wait3A_384 : memref<128x16xf32, #tpu.memory_space<vmem>>)
      %dma_wait3A_391 = arith.constant 3 : i32
      %dma_wait3A_392 = arith.constant 384 : i32
      %dma_wait3A_393 = arith.constant 0 : i32
      %dma_wait3A_394 = tpu.memref_slice %arg12[%dma_wait3A_392, %dma_wait3A_393] : memref<1024x16xf32, #tpu.memory_space<vmem>> -> memref<128x16xf32, #tpu.memory_space<vmem>>
      %dma_wait3A_395 = arith.constant 0 : i32
      %dma_wait3A_396 = tpu.memref_slice %arg9[%dma_wait3A_391, %dma_wait3A_395] : memref<8x128xi32, #tpu.memory_space<vmem>> -> memref<1x128xi32, #tpu.memory_space<vmem>>
      %dma_wait3A_397 = tpu.memref_squeeze %dma_wait3A_396 : memref<1x128xi32, #tpu.memory_space<vmem>> -> memref<128xi32, #tpu.memory_space<vmem>>
      %dma_wait3A_398 = arith.constant 0 : i32
      %dma_wait3A_399 = arith.constant 0 : i32
      %dma_wait3A_400 = tpu.memref_slice %arg4[%dma_wait3A_398, %dma_wait3A_399] : memref<50176x16xf32, #tpu.memory_space<hbm>> -> memref<50176x16xf32, #tpu.memory_space<hbm>>
      tpu.wait_indirect_dma semaphore(%arg13 : memref<!tpu.dma_semaphore, #tpu.memory_space<semaphore_mem>>) src(%dma_wait3A_400 : memref<50176x16xf32, #tpu.memory_space<hbm>>) dst(%dma_wait3A_394 : memref<128x16xf32, #tpu.memory_space<vmem>>)
      %dma_wait3A_401 = arith.constant 4 : i32
      %dma_wait3A_402 = arith.constant 512 : i32
      %dma_wait3A_403 = arith.constant 0 : i32
      %dma_wait3A_404 = tpu.memref_slice %arg10[%dma_wait3A_402, %dma_wait3A_403] : memref<1024x32xf32, #tpu.memory_space<vmem>> -> memref<128x32xf32, #tpu.memory_space<vmem>>
      %dma_wait3A_405 = arith.constant 0 : i32
      %dma_wait3A_406 = tpu.memref_slice %arg8[%dma_wait3A_401, %dma_wait3A_405] : memref<8x128xi32, #tpu.memory_space<vmem>> -> memref<1x128xi32, #tpu.memory_space<vmem>>
      %dma_wait3A_407 = tpu.memref_squeeze %dma_wait3A_406 : memref<1x128xi32, #tpu.memory_space<vmem>> -> memref<128xi32, #tpu.memory_space<vmem>>
      %dma_wait3A_408 = arith.constant 0 : i32
      %dma_wait3A_409 = arith.constant 0 : i32
      %dma_wait3A_410 = tpu.memref_slice %arg2[%dma_wait3A_408, %dma_wait3A_409] : memref<50000x32xf32, #tpu.memory_space<hbm>> -> memref<50000x32xf32, #tpu.memory_space<hbm>>
      tpu.wait_indirect_dma semaphore(%arg13 : memref<!tpu.dma_semaphore, #tpu.memory_space<semaphore_mem>>) src(%dma_wait3A_410 : memref<50000x32xf32, #tpu.memory_space<hbm>>) dst(%dma_wait3A_404 : memref<128x32xf32, #tpu.memory_space<vmem>>)
      %dma_wait3A_411 = arith.constant 4 : i32
      %dma_wait3A_412 = arith.constant 512 : i32
      %dma_wait3A_413 = arith.constant 0 : i32
      %dma_wait3A_414 = tpu.memref_slice %arg11[%dma_wait3A_412, %dma_wait3A_413] : memref<1024x16xf32, #tpu.memory_space<vmem>> -> memref<128x16xf32, #tpu.memory_space<vmem>>
      %dma_wait3A_415 = arith.constant 0 : i32
      %dma_wait3A_416 = tpu.memref_slice %arg9[%dma_wait3A_411, %dma_wait3A_415] : memref<8x128xi32, #tpu.memory_space<vmem>> -> memref<1x128xi32, #tpu.memory_space<vmem>>
      %dma_wait3A_417 = tpu.memref_squeeze %dma_wait3A_416 : memref<1x128xi32, #tpu.memory_space<vmem>> -> memref<128xi32, #tpu.memory_space<vmem>>
      %dma_wait3A_418 = arith.constant 0 : i32
      %dma_wait3A_419 = arith.constant 0 : i32
      %dma_wait3A_420 = tpu.memref_slice %arg3[%dma_wait3A_418, %dma_wait3A_419] : memref<50176x16xf32, #tpu.memory_space<hbm>> -> memref<50176x16xf32, #tpu.memory_space<hbm>>
      tpu.wait_indirect_dma semaphore(%arg13 : memref<!tpu.dma_semaphore, #tpu.memory_space<semaphore_mem>>) src(%dma_wait3A_420 : memref<50176x16xf32, #tpu.memory_space<hbm>>) dst(%dma_wait3A_414 : memref<128x16xf32, #tpu.memory_space<vmem>>)
      %dma_wait3A_421 = arith.constant 4 : i32
      %dma_wait3A_422 = arith.constant 512 : i32
      %dma_wait3A_423 = arith.constant 0 : i32
      %dma_wait3A_424 = tpu.memref_slice %arg12[%dma_wait3A_422, %dma_wait3A_423] : memref<1024x16xf32, #tpu.memory_space<vmem>> -> memref<128x16xf32, #tpu.memory_space<vmem>>
      %dma_wait3A_425 = arith.constant 0 : i32
      %dma_wait3A_426 = tpu.memref_slice %arg9[%dma_wait3A_421, %dma_wait3A_425] : memref<8x128xi32, #tpu.memory_space<vmem>> -> memref<1x128xi32, #tpu.memory_space<vmem>>
      %dma_wait3A_427 = tpu.memref_squeeze %dma_wait3A_426 : memref<1x128xi32, #tpu.memory_space<vmem>> -> memref<128xi32, #tpu.memory_space<vmem>>
      %dma_wait3A_428 = arith.constant 0 : i32
      %dma_wait3A_429 = arith.constant 0 : i32
      %dma_wait3A_430 = tpu.memref_slice %arg4[%dma_wait3A_428, %dma_wait3A_429] : memref<50176x16xf32, #tpu.memory_space<hbm>> -> memref<50176x16xf32, #tpu.memory_space<hbm>>
      tpu.wait_indirect_dma semaphore(%arg13 : memref<!tpu.dma_semaphore, #tpu.memory_space<semaphore_mem>>) src(%dma_wait3A_430 : memref<50176x16xf32, #tpu.memory_space<hbm>>) dst(%dma_wait3A_424 : memref<128x16xf32, #tpu.memory_space<vmem>>)
      %dma_wait3A_431 = arith.constant 5 : i32
      %dma_wait3A_432 = arith.constant 640 : i32
      %dma_wait3A_433 = arith.constant 0 : i32
      %dma_wait3A_434 = tpu.memref_slice %arg10[%dma_wait3A_432, %dma_wait3A_433] : memref<1024x32xf32, #tpu.memory_space<vmem>> -> memref<128x32xf32, #tpu.memory_space<vmem>>
      %dma_wait3A_435 = arith.constant 0 : i32
      %dma_wait3A_436 = tpu.memref_slice %arg8[%dma_wait3A_431, %dma_wait3A_435] : memref<8x128xi32, #tpu.memory_space<vmem>> -> memref<1x128xi32, #tpu.memory_space<vmem>>
      %dma_wait3A_437 = tpu.memref_squeeze %dma_wait3A_436 : memref<1x128xi32, #tpu.memory_space<vmem>> -> memref<128xi32, #tpu.memory_space<vmem>>
      %dma_wait3A_438 = arith.constant 0 : i32
      %dma_wait3A_439 = arith.constant 0 : i32
      %dma_wait3A_440 = tpu.memref_slice %arg2[%dma_wait3A_438, %dma_wait3A_439] : memref<50000x32xf32, #tpu.memory_space<hbm>> -> memref<50000x32xf32, #tpu.memory_space<hbm>>
      tpu.wait_indirect_dma semaphore(%arg13 : memref<!tpu.dma_semaphore, #tpu.memory_space<semaphore_mem>>) src(%dma_wait3A_440 : memref<50000x32xf32, #tpu.memory_space<hbm>>) dst(%dma_wait3A_434 : memref<128x32xf32, #tpu.memory_space<vmem>>)
      %dma_wait3A_441 = arith.constant 5 : i32
      %dma_wait3A_442 = arith.constant 640 : i32
      %dma_wait3A_443 = arith.constant 0 : i32
      %dma_wait3A_444 = tpu.memref_slice %arg11[%dma_wait3A_442, %dma_wait3A_443] : memref<1024x16xf32, #tpu.memory_space<vmem>> -> memref<128x16xf32, #tpu.memory_space<vmem>>
      %dma_wait3A_445 = arith.constant 0 : i32
      %dma_wait3A_446 = tpu.memref_slice %arg9[%dma_wait3A_441, %dma_wait3A_445] : memref<8x128xi32, #tpu.memory_space<vmem>> -> memref<1x128xi32, #tpu.memory_space<vmem>>
      %dma_wait3A_447 = tpu.memref_squeeze %dma_wait3A_446 : memref<1x128xi32, #tpu.memory_space<vmem>> -> memref<128xi32, #tpu.memory_space<vmem>>
      %dma_wait3A_448 = arith.constant 0 : i32
      %dma_wait3A_449 = arith.constant 0 : i32
      %dma_wait3A_450 = tpu.memref_slice %arg3[%dma_wait3A_448, %dma_wait3A_449] : memref<50176x16xf32, #tpu.memory_space<hbm>> -> memref<50176x16xf32, #tpu.memory_space<hbm>>
      tpu.wait_indirect_dma semaphore(%arg13 : memref<!tpu.dma_semaphore, #tpu.memory_space<semaphore_mem>>) src(%dma_wait3A_450 : memref<50176x16xf32, #tpu.memory_space<hbm>>) dst(%dma_wait3A_444 : memref<128x16xf32, #tpu.memory_space<vmem>>)
      %dma_wait3A_451 = arith.constant 5 : i32
      %dma_wait3A_452 = arith.constant 640 : i32
      %dma_wait3A_453 = arith.constant 0 : i32
      %dma_wait3A_454 = tpu.memref_slice %arg12[%dma_wait3A_452, %dma_wait3A_453] : memref<1024x16xf32, #tpu.memory_space<vmem>> -> memref<128x16xf32, #tpu.memory_space<vmem>>
      %dma_wait3A_455 = arith.constant 0 : i32
      %dma_wait3A_456 = tpu.memref_slice %arg9[%dma_wait3A_451, %dma_wait3A_455] : memref<8x128xi32, #tpu.memory_space<vmem>> -> memref<1x128xi32, #tpu.memory_space<vmem>>
      %dma_wait3A_457 = tpu.memref_squeeze %dma_wait3A_456 : memref<1x128xi32, #tpu.memory_space<vmem>> -> memref<128xi32, #tpu.memory_space<vmem>>
      %dma_wait3A_458 = arith.constant 0 : i32
      %dma_wait3A_459 = arith.constant 0 : i32
      %dma_wait3A_460 = tpu.memref_slice %arg4[%dma_wait3A_458, %dma_wait3A_459] : memref<50176x16xf32, #tpu.memory_space<hbm>> -> memref<50176x16xf32, #tpu.memory_space<hbm>>
      tpu.wait_indirect_dma semaphore(%arg13 : memref<!tpu.dma_semaphore, #tpu.memory_space<semaphore_mem>>) src(%dma_wait3A_460 : memref<50176x16xf32, #tpu.memory_space<hbm>>) dst(%dma_wait3A_454 : memref<128x16xf32, #tpu.memory_space<vmem>>)
      %dma_wait3A_461 = arith.constant 6 : i32
      %dma_wait3A_462 = arith.constant 768 : i32
      %dma_wait3A_463 = arith.constant 0 : i32
      %dma_wait3A_464 = tpu.memref_slice %arg10[%dma_wait3A_462, %dma_wait3A_463] : memref<1024x32xf32, #tpu.memory_space<vmem>> -> memref<128x32xf32, #tpu.memory_space<vmem>>
      %dma_wait3A_465 = arith.constant 0 : i32
      %dma_wait3A_466 = tpu.memref_slice %arg8[%dma_wait3A_461, %dma_wait3A_465] : memref<8x128xi32, #tpu.memory_space<vmem>> -> memref<1x128xi32, #tpu.memory_space<vmem>>
      %dma_wait3A_467 = tpu.memref_squeeze %dma_wait3A_466 : memref<1x128xi32, #tpu.memory_space<vmem>> -> memref<128xi32, #tpu.memory_space<vmem>>
      %dma_wait3A_468 = arith.constant 0 : i32
      %dma_wait3A_469 = arith.constant 0 : i32
      %dma_wait3A_470 = tpu.memref_slice %arg2[%dma_wait3A_468, %dma_wait3A_469] : memref<50000x32xf32, #tpu.memory_space<hbm>> -> memref<50000x32xf32, #tpu.memory_space<hbm>>
      tpu.wait_indirect_dma semaphore(%arg13 : memref<!tpu.dma_semaphore, #tpu.memory_space<semaphore_mem>>) src(%dma_wait3A_470 : memref<50000x32xf32, #tpu.memory_space<hbm>>) dst(%dma_wait3A_464 : memref<128x32xf32, #tpu.memory_space<vmem>>)
      %dma_wait3A_471 = arith.constant 6 : i32
      %dma_wait3A_472 = arith.constant 768 : i32
      %dma_wait3A_473 = arith.constant 0 : i32
      %dma_wait3A_474 = tpu.memref_slice %arg11[%dma_wait3A_472, %dma_wait3A_473] : memref<1024x16xf32, #tpu.memory_space<vmem>> -> memref<128x16xf32, #tpu.memory_space<vmem>>
      %dma_wait3A_475 = arith.constant 0 : i32
      %dma_wait3A_476 = tpu.memref_slice %arg9[%dma_wait3A_471, %dma_wait3A_475] : memref<8x128xi32, #tpu.memory_space<vmem>> -> memref<1x128xi32, #tpu.memory_space<vmem>>
      %dma_wait3A_477 = tpu.memref_squeeze %dma_wait3A_476 : memref<1x128xi32, #tpu.memory_space<vmem>> -> memref<128xi32, #tpu.memory_space<vmem>>
      %dma_wait3A_478 = arith.constant 0 : i32
      %dma_wait3A_479 = arith.constant 0 : i32
      %dma_wait3A_480 = tpu.memref_slice %arg3[%dma_wait3A_478, %dma_wait3A_479] : memref<50176x16xf32, #tpu.memory_space<hbm>> -> memref<50176x16xf32, #tpu.memory_space<hbm>>
      tpu.wait_indirect_dma semaphore(%arg13 : memref<!tpu.dma_semaphore, #tpu.memory_space<semaphore_mem>>) src(%dma_wait3A_480 : memref<50176x16xf32, #tpu.memory_space<hbm>>) dst(%dma_wait3A_474 : memref<128x16xf32, #tpu.memory_space<vmem>>)
      %dma_wait3A_481 = arith.constant 6 : i32
      %dma_wait3A_482 = arith.constant 768 : i32
      %dma_wait3A_483 = arith.constant 0 : i32
      %dma_wait3A_484 = tpu.memref_slice %arg12[%dma_wait3A_482, %dma_wait3A_483] : memref<1024x16xf32, #tpu.memory_space<vmem>> -> memref<128x16xf32, #tpu.memory_space<vmem>>
      %dma_wait3A_485 = arith.constant 0 : i32
      %dma_wait3A_486 = tpu.memref_slice %arg9[%dma_wait3A_481, %dma_wait3A_485] : memref<8x128xi32, #tpu.memory_space<vmem>> -> memref<1x128xi32, #tpu.memory_space<vmem>>
      %dma_wait3A_487 = tpu.memref_squeeze %dma_wait3A_486 : memref<1x128xi32, #tpu.memory_space<vmem>> -> memref<128xi32, #tpu.memory_space<vmem>>
      %dma_wait3A_488 = arith.constant 0 : i32
      %dma_wait3A_489 = arith.constant 0 : i32
      %dma_wait3A_490 = tpu.memref_slice %arg4[%dma_wait3A_488, %dma_wait3A_489] : memref<50176x16xf32, #tpu.memory_space<hbm>> -> memref<50176x16xf32, #tpu.memory_space<hbm>>
      tpu.wait_indirect_dma semaphore(%arg13 : memref<!tpu.dma_semaphore, #tpu.memory_space<semaphore_mem>>) src(%dma_wait3A_490 : memref<50176x16xf32, #tpu.memory_space<hbm>>) dst(%dma_wait3A_484 : memref<128x16xf32, #tpu.memory_space<vmem>>)
      %dma_wait3A_491 = arith.constant 7 : i32
      %dma_wait3A_492 = arith.constant 896 : i32
      %dma_wait3A_493 = arith.constant 0 : i32
      %dma_wait3A_494 = tpu.memref_slice %arg10[%dma_wait3A_492, %dma_wait3A_493] : memref<1024x32xf32, #tpu.memory_space<vmem>> -> memref<128x32xf32, #tpu.memory_space<vmem>>
      %dma_wait3A_495 = arith.constant 0 : i32
      %dma_wait3A_496 = tpu.memref_slice %arg8[%dma_wait3A_491, %dma_wait3A_495] : memref<8x128xi32, #tpu.memory_space<vmem>> -> memref<1x128xi32, #tpu.memory_space<vmem>>
      %dma_wait3A_497 = tpu.memref_squeeze %dma_wait3A_496 : memref<1x128xi32, #tpu.memory_space<vmem>> -> memref<128xi32, #tpu.memory_space<vmem>>
      %dma_wait3A_498 = arith.constant 0 : i32
      %dma_wait3A_499 = arith.constant 0 : i32
      %dma_wait3A_500 = tpu.memref_slice %arg2[%dma_wait3A_498, %dma_wait3A_499] : memref<50000x32xf32, #tpu.memory_space<hbm>> -> memref<50000x32xf32, #tpu.memory_space<hbm>>
      tpu.wait_indirect_dma semaphore(%arg13 : memref<!tpu.dma_semaphore, #tpu.memory_space<semaphore_mem>>) src(%dma_wait3A_500 : memref<50000x32xf32, #tpu.memory_space<hbm>>) dst(%dma_wait3A_494 : memref<128x32xf32, #tpu.memory_space<vmem>>)
      %dma_wait3A_501 = arith.constant 7 : i32
      %dma_wait3A_502 = arith.constant 896 : i32
      %dma_wait3A_503 = arith.constant 0 : i32
      %dma_wait3A_504 = tpu.memref_slice %arg11[%dma_wait3A_502, %dma_wait3A_503] : memref<1024x16xf32, #tpu.memory_space<vmem>> -> memref<128x16xf32, #tpu.memory_space<vmem>>
      %dma_wait3A_505 = arith.constant 0 : i32
      %dma_wait3A_506 = tpu.memref_slice %arg9[%dma_wait3A_501, %dma_wait3A_505] : memref<8x128xi32, #tpu.memory_space<vmem>> -> memref<1x128xi32, #tpu.memory_space<vmem>>
      %dma_wait3A_507 = tpu.memref_squeeze %dma_wait3A_506 : memref<1x128xi32, #tpu.memory_space<vmem>> -> memref<128xi32, #tpu.memory_space<vmem>>
      %dma_wait3A_508 = arith.constant 0 : i32
      %dma_wait3A_509 = arith.constant 0 : i32
      %dma_wait3A_510 = tpu.memref_slice %arg3[%dma_wait3A_508, %dma_wait3A_509] : memref<50176x16xf32, #tpu.memory_space<hbm>> -> memref<50176x16xf32, #tpu.memory_space<hbm>>
      tpu.wait_indirect_dma semaphore(%arg13 : memref<!tpu.dma_semaphore, #tpu.memory_space<semaphore_mem>>) src(%dma_wait3A_510 : memref<50176x16xf32, #tpu.memory_space<hbm>>) dst(%dma_wait3A_504 : memref<128x16xf32, #tpu.memory_space<vmem>>)
      %dma_wait3A_511 = arith.constant 7 : i32
      %dma_wait3A_512 = arith.constant 896 : i32
      %dma_wait3A_513 = arith.constant 0 : i32
      %dma_wait3A_514 = tpu.memref_slice %arg12[%dma_wait3A_512, %dma_wait3A_513] : memref<1024x16xf32, #tpu.memory_space<vmem>> -> memref<128x16xf32, #tpu.memory_space<vmem>>
      %dma_wait3A_515 = arith.constant 0 : i32
      %dma_wait3A_516 = tpu.memref_slice %arg9[%dma_wait3A_511, %dma_wait3A_515] : memref<8x128xi32, #tpu.memory_space<vmem>> -> memref<1x128xi32, #tpu.memory_space<vmem>>
      %dma_wait3A_517 = tpu.memref_squeeze %dma_wait3A_516 : memref<1x128xi32, #tpu.memory_space<vmem>> -> memref<128xi32, #tpu.memory_space<vmem>>
      %dma_wait3A_518 = arith.constant 0 : i32
      %dma_wait3A_519 = arith.constant 0 : i32
      %dma_wait3A_520 = tpu.memref_slice %arg4[%dma_wait3A_518, %dma_wait3A_519] : memref<50176x16xf32, #tpu.memory_space<hbm>> -> memref<50176x16xf32, #tpu.memory_space<hbm>>
      tpu.wait_indirect_dma semaphore(%arg13 : memref<!tpu.dma_semaphore, #tpu.memory_space<semaphore_mem>>) src(%dma_wait3A_520 : memref<50176x16xf32, #tpu.memory_space<hbm>>) dst(%dma_wait3A_514 : memref<128x16xf32, #tpu.memory_space<vmem>>)
      %mul3A_521 = arith.constant 1024 : i32
      %mul3A_522 = arith.muli %add3A_38, %mul3A_521 : i32
      "tpu.region"() ({
        %run_scoped3A = tpu.sem_alloc : memref<!tpu.dma_semaphore, #tpu.memory_space<semaphore_mem>>
        %dma_start3A_528 = arith.constant 0 : i32
        %dma_start3A_529 = tpu.memref_slice %arg7[%mul3A_522, %dma_start3A_528] : memref<802816x64xf32, #tpu.memory_space<hbm>> -> memref<1024x32xf32, #tpu.memory_space<hbm>>
        %dma_start3A_530 = arith.constant 0 : i32
        %dma_start3A_531 = tpu.memref_slice %arg7[%mul3A_522, %dma_start3A_530] : memref<802816x64xf32, #tpu.memory_space<hbm>> -> memref<1024x32xf32, #tpu.memory_space<hbm>>
        tpu.enqueue_dma source(%arg10 : memref<1024x32xf32, #tpu.memory_space<vmem>>) target(%dma_start3A_531 : memref<1024x32xf32, #tpu.memory_space<hbm>>) target_semaphore(%run_scoped3A : memref<!tpu.dma_semaphore, #tpu.memory_space<semaphore_mem>>)
        %dma_wait3A_532 = arith.constant 0 : i32
        %dma_wait3A_533 = tpu.memref_slice %arg7[%mul3A_522, %dma_wait3A_532] : memref<802816x64xf32, #tpu.memory_space<hbm>> -> memref<1024x32xf32, #tpu.memory_space<hbm>>
        %dma_wait3A_534 = arith.constant 0 : i32
        %dma_wait3A_535 = tpu.memref_slice %arg7[%mul3A_522, %dma_wait3A_534] : memref<802816x64xf32, #tpu.memory_space<hbm>> -> memref<1024x32xf32, #tpu.memory_space<hbm>>
        tpu.wait_dma2 semaphore(%run_scoped3A : memref<!tpu.dma_semaphore, #tpu.memory_space<semaphore_mem>>) src(%arg10 : memref<1024x32xf32, #tpu.memory_space<vmem>>) dst(%dma_wait3A_535 : memref<1024x32xf32, #tpu.memory_space<hbm>>)
        tpu.yield
      }) : () -> ()
      %mul3A_523 = arith.constant 1024 : i32
      %mul3A_524 = arith.muli %add3A_38, %mul3A_523 : i32
      "tpu.region"() ({
        %run_scoped3A = tpu.sem_alloc : memref<!tpu.dma_semaphore, #tpu.memory_space<semaphore_mem>>
        %dma_start3A_528 = arith.constant 32 : i32
        %dma_start3A_529 = tpu.memref_slice %arg7[%mul3A_524, %dma_start3A_528] : memref<802816x64xf32, #tpu.memory_space<hbm>> -> memref<1024x16xf32, #tpu.memory_space<hbm>>
        %dma_start3A_530 = arith.constant 32 : i32
        %dma_start3A_531 = tpu.memref_slice %arg7[%mul3A_524, %dma_start3A_530] : memref<802816x64xf32, #tpu.memory_space<hbm>> -> memref<1024x16xf32, #tpu.memory_space<hbm>>
        tpu.enqueue_dma source(%arg11 : memref<1024x16xf32, #tpu.memory_space<vmem>>) target(%dma_start3A_531 : memref<1024x16xf32, #tpu.memory_space<hbm>>) target_semaphore(%run_scoped3A : memref<!tpu.dma_semaphore, #tpu.memory_space<semaphore_mem>>)
        %dma_wait3A_532 = arith.constant 32 : i32
        %dma_wait3A_533 = tpu.memref_slice %arg7[%mul3A_524, %dma_wait3A_532] : memref<802816x64xf32, #tpu.memory_space<hbm>> -> memref<1024x16xf32, #tpu.memory_space<hbm>>
        %dma_wait3A_534 = arith.constant 32 : i32
        %dma_wait3A_535 = tpu.memref_slice %arg7[%mul3A_524, %dma_wait3A_534] : memref<802816x64xf32, #tpu.memory_space<hbm>> -> memref<1024x16xf32, #tpu.memory_space<hbm>>
        tpu.wait_dma2 semaphore(%run_scoped3A : memref<!tpu.dma_semaphore, #tpu.memory_space<semaphore_mem>>) src(%arg11 : memref<1024x16xf32, #tpu.memory_space<vmem>>) dst(%dma_wait3A_535 : memref<1024x16xf32, #tpu.memory_space<hbm>>)
        tpu.yield
      }) : () -> ()
      %mul3A_525 = arith.constant 1024 : i32
      %mul3A_526 = arith.muli %add3A_38, %mul3A_525 : i32
      "tpu.region"() ({
        %run_scoped3A = tpu.sem_alloc : memref<!tpu.dma_semaphore, #tpu.memory_space<semaphore_mem>>
        %dma_start3A_528 = arith.constant 48 : i32
        %dma_start3A_529 = tpu.memref_slice %arg7[%mul3A_526, %dma_start3A_528] : memref<802816x64xf32, #tpu.memory_space<hbm>> -> memref<1024x16xf32, #tpu.memory_space<hbm>>
        %dma_start3A_530 = arith.constant 48 : i32
        %dma_start3A_531 = tpu.memref_slice %arg7[%mul3A_526, %dma_start3A_530] : memref<802816x64xf32, #tpu.memory_space<hbm>> -> memref<1024x16xf32, #tpu.memory_space<hbm>>
        tpu.enqueue_dma source(%arg12 : memref<1024x16xf32, #tpu.memory_space<vmem>>) target(%dma_start3A_531 : memref<1024x16xf32, #tpu.memory_space<hbm>>) target_semaphore(%run_scoped3A : memref<!tpu.dma_semaphore, #tpu.memory_space<semaphore_mem>>)
        %dma_wait3A_532 = arith.constant 48 : i32
        %dma_wait3A_533 = tpu.memref_slice %arg7[%mul3A_526, %dma_wait3A_532] : memref<802816x64xf32, #tpu.memory_space<hbm>> -> memref<1024x16xf32, #tpu.memory_space<hbm>>
        %dma_wait3A_534 = arith.constant 48 : i32
        %dma_wait3A_535 = tpu.memref_slice %arg7[%mul3A_526, %dma_wait3A_534] : memref<802816x64xf32, #tpu.memory_space<hbm>> -> memref<1024x16xf32, #tpu.memory_space<hbm>>
        tpu.wait_dma2 semaphore(%run_scoped3A : memref<!tpu.dma_semaphore, #tpu.memory_space<semaphore_mem>>) src(%arg12 : memref<1024x16xf32, #tpu.memory_space<vmem>>) dst(%dma_wait3A_535 : memref<1024x16xf32, #tpu.memory_space<hbm>>)
        tpu.yield
      }) : () -> ()
      %while3A_527 = arith.constant 0 : i32
      scf.yield %while3A_527 : i32
    }
    return
  }
}

#map = affine_map<(d0, d1) -> (0, 0)>
module attributes {stable_mosaic.version = 14 : i64} {
  func.func @_k3_body(%arg0: i32, %arg1: i32, %arg2: memref<802816x32xf32, #tpu.memory_space<hbm>>, %arg3: memref<6272x128xi32, #tpu.memory_space<hbm>>, %arg4: memref<100352x16xf32, #tpu.memory_space<hbm>>, %arg5: memref<8x128xi32, #tpu.memory_space<vmem>>, %arg6: memref<1024x16xf32, #tpu.memory_space<vmem>>, %arg7: memref<3136x16xf32, #tpu.memory_space<vmem>>, %arg8: memref<!tpu.dma_semaphore, #tpu.memory_space<semaphore_mem>>, %arg9: memref<50176x16xf32, #tpu.memory_space<vmem_shared>>) attributes {dimension_semantics = [#tpu.dimension_semantics<core_parallel>, #tpu.dimension_semantics<subcore_parallel>], iteration_bounds = array<i64: 2, 16>, scalar_prefetch = 0 : i64, scratch_operands = 5 : i64, tpu.core_type = #tpu.core_type<sc_vector_subcore>, window_params = [{transform_indices = #map}, {transform_indices = #map}, {transform_indices = #map}]} {
    %mul3A = arith.constant 2 : i32
    %mul3A_0 = arith.muli %arg1, %mul3A : i32
    %add3A = arith.addi %mul3A_0, %arg0 : i32
    %broadcast_in_dim3A = arith.constant 0.000000e+00 : f32
    %broadcast_in_dim3A_1 = vector.broadcast %broadcast_in_dim3A : f32 to vector<16xf32>
    %scan3A = arith.constant 0 : i32
    %scan3A_2 = arith.constant 0 : i32
    %scan3A_3 = arith.constant 3136 : i32
    %scan3A_4 = arith.addi %scan3A_2, %scan3A_3 : i32
    %scan3A_5 = arith.constant 1 : i32
    %scan3A_6 = scf.for %scan3A_51 = %scan3A_2 to %scan3A_4 step %scan3A_5 iter_args(%scan3A_52 = %scan3A) -> (i32)  : i32 {
      %swap3A = arith.index_cast %scan3A_51 : i32 to index
      %swap3A_53 = arith.constant 0 : index
      %swap3A_54 = tpu.vector_load %arg7[%swap3A, %swap3A_53] {strides = array<i32>} : memref<3136x16xf32, #tpu.memory_space<vmem>>, vector<1x16xf32>,
      %swap3A_55 = vector.shape_cast %swap3A_54 : vector<1x16xf32> to vector<16xf32>
      %swap3A_56 = vector.shape_cast %broadcast_in_dim3A_1 : vector<16xf32> to vector<1x16xf32>
      tpu.vector_store %arg7[%swap3A, %swap3A_53], %swap3A_56 {strides = array<i32>} : memref<3136x16xf32, #tpu.memory_space<vmem>>, vector<1x16xf32>,
      %scan3A_57 = arith.constant 0 : i32
      scf.yield %scan3A_57 : i32
    }
    %scan3A_7 = arith.constant 3136 : i32
    %mul3A_8 = arith.constant 3136 : i32
    %mul3A_9 = arith.muli %arg1, %mul3A_8 : i32
    "tpu.region"() ({
      %run_scoped3A = tpu.sem_alloc : memref<!tpu.dma_semaphore, #tpu.memory_space<semaphore_mem>>
      %dma_start3A = arith.constant 0 : i32
      %dma_start3A_51 = tpu.memref_slice %arg9[%mul3A_9, %dma_start3A] : memref<50176x16xf32, #tpu.memory_space<vmem_shared>> -> memref<3136x16xf32, #tpu.memory_space<vmem_shared>>
      %dma_start3A_52 = arith.constant 0 : i32
      %dma_start3A_53 = tpu.memref_slice %arg9[%mul3A_9, %dma_start3A_52] : memref<50176x16xf32, #tpu.memory_space<vmem_shared>> -> memref<3136x16xf32, #tpu.memory_space<vmem_shared>>
      tpu.enqueue_dma source(%arg7 : memref<3136x16xf32, #tpu.memory_space<vmem>>) target(%dma_start3A_53 : memref<3136x16xf32, #tpu.memory_space<vmem_shared>>) target_semaphore(%run_scoped3A : memref<!tpu.dma_semaphore, #tpu.memory_space<semaphore_mem>>)
      %dma_wait3A = arith.constant 0 : i32
      %dma_wait3A_54 = tpu.memref_slice %arg9[%mul3A_9, %dma_wait3A] : memref<50176x16xf32, #tpu.memory_space<vmem_shared>> -> memref<3136x16xf32, #tpu.memory_space<vmem_shared>>
      %dma_wait3A_55 = arith.constant 0 : i32
      %dma_wait3A_56 = tpu.memref_slice %arg9[%mul3A_9, %dma_wait3A_55] : memref<50176x16xf32, #tpu.memory_space<vmem_shared>> -> memref<3136x16xf32, #tpu.memory_space<vmem_shared>>
      tpu.wait_dma2 semaphore(%run_scoped3A : memref<!tpu.dma_semaphore, #tpu.memory_space<semaphore_mem>>) src(%arg7 : memref<3136x16xf32, #tpu.memory_space<vmem>>) dst(%dma_wait3A_56 : memref<3136x16xf32, #tpu.memory_space<vmem_shared>>)
      tpu.yield
    }) : () -> ()
    %barrier3A = arith.constant 0 : index
    tpu.barrier barrier_id(%barrier3A)
    %sub3A = arith.constant 784 : i32
    %sub3A_10 = arith.subi %sub3A, %add3A : i32
    %add3A_11 = arith.constant 32 : i32
    %add3A_12 = arith.addi %sub3A_10, %add3A_11 : i32
    %sub3A_13 = arith.constant 1 : i32
    %sub3A_14 = arith.subi %add3A_12, %sub3A_13 : i32
    %jit3A = arith.constant 32 : i32
    %div3A = arith.divsi %sub3A_14, %jit3A : i32
    %sign3A = arith.constant 0 : i32
    %sign3A_15 = arith.cmpi sgt, %sub3A_14, %sign3A : i32
    %sign3A_16 = arith.extui %sign3A_15 : i1 to i32
    %sign3A_17 = arith.constant 0 : i32
    %sign3A_18 = arith.cmpi slt, %sub3A_14, %sign3A_17 : i32
    %sign3A_19 = arith.extui %sign3A_18 : i1 to i32
    %sign3A_20 = arith.subi %sign3A_16, %sign3A_19 : i32
    %sign3A_21 = arith.constant 0 : i32
    %sign3A_22 = arith.cmpi sgt, %jit3A, %sign3A_21 : i32
    %sign3A_23 = arith.extui %sign3A_22 : i1 to i32
    %sign3A_24 = arith.constant 0 : i32
    %sign3A_25 = arith.cmpi slt, %jit3A, %sign3A_24 : i32
    %sign3A_26 = arith.extui %sign3A_25 : i1 to i32
    %sign3A_27 = arith.subi %sign3A_23, %sign3A_26 : i32
    %ne3A = arith.cmpi ne, %sign3A_20, %sign3A_27 : i32
    %rem3A = arith.remsi %sub3A_14, %jit3A : i32
    %ne3A_28 = arith.constant 0 : i32
    %ne3A_29 = arith.cmpi ne, %rem3A, %ne3A_28 : i32
    %and3A = arith.andi %ne3A, %ne3A_29 : i1
    %sub3A_30 = arith.constant 1 : i32
    %sub3A_31 = arith.subi %div3A, %sub3A_30 : i32
    %select_n3A = arith.select %and3A, %sub3A_31, %div3A : i32
    %while3A = arith.constant 0 : i32
    %while3A_32 = arith.constant 0 : i32
    %while3A_33 = arith.subi %select_n3A, %while3A : i32
    %while3A_34 = arith.addi %while3A, %while3A_33 : i32
    %while3A_35 = arith.constant 1 : i32
    %while3A_36 = arith.divsi %while3A_33, %while3A_35 : i32
    %while3A_37 = arith.muli %while3A_36, %while3A_35 : i32
    %while3A_38 = arith.addi %while3A, %while3A_37 : i32
    %while3A_39 = arith.constant 1 : i32
    %while3A_40 = scf.for %while3A_51 = %while3A to %while3A_38 step %while3A_39 iter_args(%while3A_52 = %while3A_32) -> (i32)  : i32 {
      %mul3A_53 = arith.constant 32 : i32
      %mul3A_54 = arith.muli %while3A_51, %mul3A_53 : i32
      %add3A_55 = arith.addi %add3A, %mul3A_54 : i32
      %mul3A_56 = arith.constant 8 : i32
      %mul3A_57 = arith.muli %add3A_55, %mul3A_56 : i32
      "tpu.region"() ({
        %run_scoped3A_74 = tpu.sem_alloc : memref<!tpu.dma_semaphore, #tpu.memory_space<semaphore_mem>>
        %dma_start3A_75 = arith.constant 0 : i32
        %dma_start3A_76 = tpu.memref_slice %arg3[%mul3A_57, %dma_start3A_75] : memref<6272x128xi32, #tpu.memory_space<hbm>> -> memref<8x128xi32, #tpu.memory_space<hbm>>
        %dma_start3A_77 = arith.constant 0 : i32
        %dma_start3A_78 = tpu.memref_slice %arg3[%mul3A_57, %dma_start3A_77] : memref<6272x128xi32, #tpu.memory_space<hbm>> -> memref<8x128xi32, #tpu.memory_space<hbm>>
        tpu.enqueue_dma source(%dma_start3A_78 : memref<8x128xi32, #tpu.memory_space<hbm>>) target(%arg5 : memref<8x128xi32, #tpu.memory_space<vmem>>) target_semaphore(%run_scoped3A_74 : memref<!tpu.dma_semaphore, #tpu.memory_space<semaphore_mem>>)
        %dma_wait3A_79 = arith.constant 0 : i32
        %dma_wait3A_80 = tpu.memref_slice %arg3[%mul3A_57, %dma_wait3A_79] : memref<6272x128xi32, #tpu.memory_space<hbm>> -> memref<8x128xi32, #tpu.memory_space<hbm>>
        %dma_wait3A_81 = arith.constant 0 : i32
        %dma_wait3A_82 = tpu.memref_slice %arg3[%mul3A_57, %dma_wait3A_81] : memref<6272x128xi32, #tpu.memory_space<hbm>> -> memref<8x128xi32, #tpu.memory_space<hbm>>
        tpu.wait_dma2 semaphore(%run_scoped3A_74 : memref<!tpu.dma_semaphore, #tpu.memory_space<semaphore_mem>>) src(%dma_wait3A_82 : memref<8x128xi32, #tpu.memory_space<hbm>>) dst(%arg5 : memref<8x128xi32, #tpu.memory_space<vmem>>)
        tpu.yield
      }) : () -> ()
      %mul3A_58 = arith.constant 1024 : i32
      %mul3A_59 = arith.muli %add3A_55, %mul3A_58 : i32
      %dma_start3A = arith.constant 0 : i32
      %dma_start3A_60 = tpu.memref_slice %arg2[%mul3A_59, %dma_start3A] : memref<802816x32xf32, #tpu.memory_space<hbm>> -> memref<1024x16xf32, #tpu.memory_space<hbm>>
      %dma_start3A_61 = arith.constant 0 : i32
      %dma_start3A_62 = tpu.memref_slice %arg2[%mul3A_59, %dma_start3A_61] : memref<802816x32xf32, #tpu.memory_space<hbm>> -> memref<1024x16xf32, #tpu.memory_space<hbm>>
      tpu.enqueue_dma source(%dma_start3A_62 : memref<1024x16xf32, #tpu.memory_space<hbm>>) target(%arg6 : memref<1024x16xf32, #tpu.memory_space<vmem>>) target_semaphore(%arg8 : memref<!tpu.dma_semaphore, #tpu.memory_space<semaphore_mem>>)
      %dma_wait3A = arith.constant 0 : i32
      %dma_wait3A_63 = tpu.memref_slice %arg2[%mul3A_59, %dma_wait3A] : memref<802816x32xf32, #tpu.memory_space<hbm>> -> memref<1024x16xf32, #tpu.memory_space<hbm>>
      %dma_wait3A_64 = arith.constant 0 : i32
      %dma_wait3A_65 = tpu.memref_slice %arg2[%mul3A_59, %dma_wait3A_64] : memref<802816x32xf32, #tpu.memory_space<hbm>> -> memref<1024x16xf32, #tpu.memory_space<hbm>>
      tpu.wait_dma2 semaphore(%arg8 : memref<!tpu.dma_semaphore, #tpu.memory_space<semaphore_mem>>) src(%dma_wait3A_65 : memref<1024x16xf32, #tpu.memory_space<hbm>>) dst(%arg6 : memref<1024x16xf32, #tpu.memory_space<vmem>>)
      %run_scoped3A = arith.constant 0 : i32
      "tpu.region"() ({
        %run_scoped3A_74 = tpu.sem_alloc : memref<!tpu.dma_semaphore, #tpu.memory_space<semaphore_mem>>
        %dma_start3A_75 = arith.constant 0 : i32
        %dma_start3A_76 = arith.constant 0 : i32
        %dma_start3A_77 = tpu.memref_slice %arg6[%dma_start3A_75, %dma_start3A_76] : memref<1024x16xf32, #tpu.memory_space<vmem>> -> memref<128x16xf32, #tpu.memory_space<vmem>>
        %dma_start3A_78 = arith.constant 0 : i32
        %dma_start3A_79 = tpu.memref_slice %arg5[%run_scoped3A, %dma_start3A_78] : memref<8x128xi32, #tpu.memory_space<vmem>> -> memref<1x128xi32, #tpu.memory_space<vmem>>
        %dma_start3A_80 = tpu.memref_squeeze %dma_start3A_79 : memref<1x128xi32, #tpu.memory_space<vmem>> -> memref<128xi32, #tpu.memory_space<vmem>>
        %dma_start3A_81 = arith.constant 0 : i32
        %dma_start3A_82 = arith.constant 0 : i32
        %dma_start3A_83 = tpu.memref_slice %arg9[%dma_start3A_81, %dma_start3A_82] : memref<50176x16xf32, #tpu.memory_space<vmem_shared>> -> memref<50176x16xf32, #tpu.memory_space<vmem_shared>>
        tpu.enqueue_indirect_dma source(%dma_start3A_77 : memref<128x16xf32, #tpu.memory_space<vmem>>) target(%dma_start3A_83 : memref<50176x16xf32, #tpu.memory_space<vmem_shared>>) offsets(%dma_start3A_80 : memref<128xi32, #tpu.memory_space<vmem>>) semaphore(%run_scoped3A_74 : memref<!tpu.dma_semaphore, #tpu.memory_space<semaphore_mem>>) {add = true}
        %dma_wait3A_84 = arith.constant 0 : i32
        %dma_wait3A_85 = arith.constant 0 : i32
        %dma_wait3A_86 = tpu.memref_slice %arg6[%dma_wait3A_84, %dma_wait3A_85] : memref<1024x16xf32, #tpu.memory_space<vmem>> -> memref<128x16xf32, #tpu.memory_space<vmem>>
        %dma_wait3A_87 = arith.constant 0 : i32
        %dma_wait3A_88 = tpu.memref_slice %arg5[%run_scoped3A, %dma_wait3A_87] : memref<8x128xi32, #tpu.memory_space<vmem>> -> memref<1x128xi32, #tpu.memory_space<vmem>>
        %dma_wait3A_89 = tpu.memref_squeeze %dma_wait3A_88 : memref<1x128xi32, #tpu.memory_space<vmem>> -> memref<128xi32, #tpu.memory_space<vmem>>
        %dma_wait3A_90 = arith.constant 0 : i32
        %dma_wait3A_91 = arith.constant 0 : i32
        %dma_wait3A_92 = tpu.memref_slice %arg9[%dma_wait3A_90, %dma_wait3A_91] : memref<50176x16xf32, #tpu.memory_space<vmem_shared>> -> memref<50176x16xf32, #tpu.memory_space<vmem_shared>>
        tpu.wait_indirect_dma semaphore(%run_scoped3A_74 : memref<!tpu.dma_semaphore, #tpu.memory_space<semaphore_mem>>) src(%dma_wait3A_86 : memref<128x16xf32, #tpu.memory_space<vmem>>) dst(%dma_wait3A_92 : memref<50176x16xf32, #tpu.memory_space<vmem_shared>>)
        tpu.yield
      }) : () -> ()
      %run_scoped3A_66 = arith.constant 1 : i32
      "tpu.region"() ({
        %run_scoped3A_74 = tpu.sem_alloc : memref<!tpu.dma_semaphore, #tpu.memory_space<semaphore_mem>>
        %dma_start3A_75 = arith.constant 128 : i32
        %dma_start3A_76 = arith.constant 0 : i32
        %dma_start3A_77 = tpu.memref_slice %arg6[%dma_start3A_75, %dma_start3A_76] : memref<1024x16xf32, #tpu.memory_space<vmem>> -> memref<128x16xf32, #tpu.memory_space<vmem>>
        %dma_start3A_78 = arith.constant 0 : i32
        %dma_start3A_79 = tpu.memref_slice %arg5[%run_scoped3A_66, %dma_start3A_78] : memref<8x128xi32, #tpu.memory_space<vmem>> -> memref<1x128xi32, #tpu.memory_space<vmem>>
        %dma_start3A_80 = tpu.memref_squeeze %dma_start3A_79 : memref<1x128xi32, #tpu.memory_space<vmem>> -> memref<128xi32, #tpu.memory_space<vmem>>
        %dma_start3A_81 = arith.constant 0 : i32
        %dma_start3A_82 = arith.constant 0 : i32
        %dma_start3A_83 = tpu.memref_slice %arg9[%dma_start3A_81, %dma_start3A_82] : memref<50176x16xf32, #tpu.memory_space<vmem_shared>> -> memref<50176x16xf32, #tpu.memory_space<vmem_shared>>
        tpu.enqueue_indirect_dma source(%dma_start3A_77 : memref<128x16xf32, #tpu.memory_space<vmem>>) target(%dma_start3A_83 : memref<50176x16xf32, #tpu.memory_space<vmem_shared>>) offsets(%dma_start3A_80 : memref<128xi32, #tpu.memory_space<vmem>>) semaphore(%run_scoped3A_74 : memref<!tpu.dma_semaphore, #tpu.memory_space<semaphore_mem>>) {add = true}
        %dma_wait3A_84 = arith.constant 128 : i32
        %dma_wait3A_85 = arith.constant 0 : i32
        %dma_wait3A_86 = tpu.memref_slice %arg6[%dma_wait3A_84, %dma_wait3A_85] : memref<1024x16xf32, #tpu.memory_space<vmem>> -> memref<128x16xf32, #tpu.memory_space<vmem>>
        %dma_wait3A_87 = arith.constant 0 : i32
        %dma_wait3A_88 = tpu.memref_slice %arg5[%run_scoped3A_66, %dma_wait3A_87] : memref<8x128xi32, #tpu.memory_space<vmem>> -> memref<1x128xi32, #tpu.memory_space<vmem>>
        %dma_wait3A_89 = tpu.memref_squeeze %dma_wait3A_88 : memref<1x128xi32, #tpu.memory_space<vmem>> -> memref<128xi32, #tpu.memory_space<vmem>>
        %dma_wait3A_90 = arith.constant 0 : i32
        %dma_wait3A_91 = arith.constant 0 : i32
        %dma_wait3A_92 = tpu.memref_slice %arg9[%dma_wait3A_90, %dma_wait3A_91] : memref<50176x16xf32, #tpu.memory_space<vmem_shared>> -> memref<50176x16xf32, #tpu.memory_space<vmem_shared>>
        tpu.wait_indirect_dma semaphore(%run_scoped3A_74 : memref<!tpu.dma_semaphore, #tpu.memory_space<semaphore_mem>>) src(%dma_wait3A_86 : memref<128x16xf32, #tpu.memory_space<vmem>>) dst(%dma_wait3A_92 : memref<50176x16xf32, #tpu.memory_space<vmem_shared>>)
        tpu.yield
      }) : () -> ()
      %run_scoped3A_67 = arith.constant 2 : i32
      "tpu.region"() ({
        %run_scoped3A_74 = tpu.sem_alloc : memref<!tpu.dma_semaphore, #tpu.memory_space<semaphore_mem>>
        %dma_start3A_75 = arith.constant 256 : i32
        %dma_start3A_76 = arith.constant 0 : i32
        %dma_start3A_77 = tpu.memref_slice %arg6[%dma_start3A_75, %dma_start3A_76] : memref<1024x16xf32, #tpu.memory_space<vmem>> -> memref<128x16xf32, #tpu.memory_space<vmem>>
        %dma_start3A_78 = arith.constant 0 : i32
        %dma_start3A_79 = tpu.memref_slice %arg5[%run_scoped3A_67, %dma_start3A_78] : memref<8x128xi32, #tpu.memory_space<vmem>> -> memref<1x128xi32, #tpu.memory_space<vmem>>
        %dma_start3A_80 = tpu.memref_squeeze %dma_start3A_79 : memref<1x128xi32, #tpu.memory_space<vmem>> -> memref<128xi32, #tpu.memory_space<vmem>>
        %dma_start3A_81 = arith.constant 0 : i32
        %dma_start3A_82 = arith.constant 0 : i32
        %dma_start3A_83 = tpu.memref_slice %arg9[%dma_start3A_81, %dma_start3A_82] : memref<50176x16xf32, #tpu.memory_space<vmem_shared>> -> memref<50176x16xf32, #tpu.memory_space<vmem_shared>>
        tpu.enqueue_indirect_dma source(%dma_start3A_77 : memref<128x16xf32, #tpu.memory_space<vmem>>) target(%dma_start3A_83 : memref<50176x16xf32, #tpu.memory_space<vmem_shared>>) offsets(%dma_start3A_80 : memref<128xi32, #tpu.memory_space<vmem>>) semaphore(%run_scoped3A_74 : memref<!tpu.dma_semaphore, #tpu.memory_space<semaphore_mem>>) {add = true}
        %dma_wait3A_84 = arith.constant 256 : i32
        %dma_wait3A_85 = arith.constant 0 : i32
        %dma_wait3A_86 = tpu.memref_slice %arg6[%dma_wait3A_84, %dma_wait3A_85] : memref<1024x16xf32, #tpu.memory_space<vmem>> -> memref<128x16xf32, #tpu.memory_space<vmem>>
        %dma_wait3A_87 = arith.constant 0 : i32
        %dma_wait3A_88 = tpu.memref_slice %arg5[%run_scoped3A_67, %dma_wait3A_87] : memref<8x128xi32, #tpu.memory_space<vmem>> -> memref<1x128xi32, #tpu.memory_space<vmem>>
        %dma_wait3A_89 = tpu.memref_squeeze %dma_wait3A_88 : memref<1x128xi32, #tpu.memory_space<vmem>> -> memref<128xi32, #tpu.memory_space<vmem>>
        %dma_wait3A_90 = arith.constant 0 : i32
        %dma_wait3A_91 = arith.constant 0 : i32
        %dma_wait3A_92 = tpu.memref_slice %arg9[%dma_wait3A_90, %dma_wait3A_91] : memref<50176x16xf32, #tpu.memory_space<vmem_shared>> -> memref<50176x16xf32, #tpu.memory_space<vmem_shared>>
        tpu.wait_indirect_dma semaphore(%run_scoped3A_74 : memref<!tpu.dma_semaphore, #tpu.memory_space<semaphore_mem>>) src(%dma_wait3A_86 : memref<128x16xf32, #tpu.memory_space<vmem>>) dst(%dma_wait3A_92 : memref<50176x16xf32, #tpu.memory_space<vmem_shared>>)
        tpu.yield
      }) : () -> ()
      %run_scoped3A_68 = arith.constant 3 : i32
      "tpu.region"() ({
        %run_scoped3A_74 = tpu.sem_alloc : memref<!tpu.dma_semaphore, #tpu.memory_space<semaphore_mem>>
        %dma_start3A_75 = arith.constant 384 : i32
        %dma_start3A_76 = arith.constant 0 : i32
        %dma_start3A_77 = tpu.memref_slice %arg6[%dma_start3A_75, %dma_start3A_76] : memref<1024x16xf32, #tpu.memory_space<vmem>> -> memref<128x16xf32, #tpu.memory_space<vmem>>
        %dma_start3A_78 = arith.constant 0 : i32
        %dma_start3A_79 = tpu.memref_slice %arg5[%run_scoped3A_68, %dma_start3A_78] : memref<8x128xi32, #tpu.memory_space<vmem>> -> memref<1x128xi32, #tpu.memory_space<vmem>>
        %dma_start3A_80 = tpu.memref_squeeze %dma_start3A_79 : memref<1x128xi32, #tpu.memory_space<vmem>> -> memref<128xi32, #tpu.memory_space<vmem>>
        %dma_start3A_81 = arith.constant 0 : i32
        %dma_start3A_82 = arith.constant 0 : i32
        %dma_start3A_83 = tpu.memref_slice %arg9[%dma_start3A_81, %dma_start3A_82] : memref<50176x16xf32, #tpu.memory_space<vmem_shared>> -> memref<50176x16xf32, #tpu.memory_space<vmem_shared>>
        tpu.enqueue_indirect_dma source(%dma_start3A_77 : memref<128x16xf32, #tpu.memory_space<vmem>>) target(%dma_start3A_83 : memref<50176x16xf32, #tpu.memory_space<vmem_shared>>) offsets(%dma_start3A_80 : memref<128xi32, #tpu.memory_space<vmem>>) semaphore(%run_scoped3A_74 : memref<!tpu.dma_semaphore, #tpu.memory_space<semaphore_mem>>) {add = true}
        %dma_wait3A_84 = arith.constant 384 : i32
        %dma_wait3A_85 = arith.constant 0 : i32
        %dma_wait3A_86 = tpu.memref_slice %arg6[%dma_wait3A_84, %dma_wait3A_85] : memref<1024x16xf32, #tpu.memory_space<vmem>> -> memref<128x16xf32, #tpu.memory_space<vmem>>
        %dma_wait3A_87 = arith.constant 0 : i32
        %dma_wait3A_88 = tpu.memref_slice %arg5[%run_scoped3A_68, %dma_wait3A_87] : memref<8x128xi32, #tpu.memory_space<vmem>> -> memref<1x128xi32, #tpu.memory_space<vmem>>
        %dma_wait3A_89 = tpu.memref_squeeze %dma_wait3A_88 : memref<1x128xi32, #tpu.memory_space<vmem>> -> memref<128xi32, #tpu.memory_space<vmem>>
        %dma_wait3A_90 = arith.constant 0 : i32
        %dma_wait3A_91 = arith.constant 0 : i32
        %dma_wait3A_92 = tpu.memref_slice %arg9[%dma_wait3A_90, %dma_wait3A_91] : memref<50176x16xf32, #tpu.memory_space<vmem_shared>> -> memref<50176x16xf32, #tpu.memory_space<vmem_shared>>
        tpu.wait_indirect_dma semaphore(%run_scoped3A_74 : memref<!tpu.dma_semaphore, #tpu.memory_space<semaphore_mem>>) src(%dma_wait3A_86 : memref<128x16xf32, #tpu.memory_space<vmem>>) dst(%dma_wait3A_92 : memref<50176x16xf32, #tpu.memory_space<vmem_shared>>)
        tpu.yield
      }) : () -> ()
      %run_scoped3A_69 = arith.constant 4 : i32
      "tpu.region"() ({
        %run_scoped3A_74 = tpu.sem_alloc : memref<!tpu.dma_semaphore, #tpu.memory_space<semaphore_mem>>
        %dma_start3A_75 = arith.constant 512 : i32
        %dma_start3A_76 = arith.constant 0 : i32
        %dma_start3A_77 = tpu.memref_slice %arg6[%dma_start3A_75, %dma_start3A_76] : memref<1024x16xf32, #tpu.memory_space<vmem>> -> memref<128x16xf32, #tpu.memory_space<vmem>>
        %dma_start3A_78 = arith.constant 0 : i32
        %dma_start3A_79 = tpu.memref_slice %arg5[%run_scoped3A_69, %dma_start3A_78] : memref<8x128xi32, #tpu.memory_space<vmem>> -> memref<1x128xi32, #tpu.memory_space<vmem>>
        %dma_start3A_80 = tpu.memref_squeeze %dma_start3A_79 : memref<1x128xi32, #tpu.memory_space<vmem>> -> memref<128xi32, #tpu.memory_space<vmem>>
        %dma_start3A_81 = arith.constant 0 : i32
        %dma_start3A_82 = arith.constant 0 : i32
        %dma_start3A_83 = tpu.memref_slice %arg9[%dma_start3A_81, %dma_start3A_82] : memref<50176x16xf32, #tpu.memory_space<vmem_shared>> -> memref<50176x16xf32, #tpu.memory_space<vmem_shared>>
        tpu.enqueue_indirect_dma source(%dma_start3A_77 : memref<128x16xf32, #tpu.memory_space<vmem>>) target(%dma_start3A_83 : memref<50176x16xf32, #tpu.memory_space<vmem_shared>>) offsets(%dma_start3A_80 : memref<128xi32, #tpu.memory_space<vmem>>) semaphore(%run_scoped3A_74 : memref<!tpu.dma_semaphore, #tpu.memory_space<semaphore_mem>>) {add = true}
        %dma_wait3A_84 = arith.constant 512 : i32
        %dma_wait3A_85 = arith.constant 0 : i32
        %dma_wait3A_86 = tpu.memref_slice %arg6[%dma_wait3A_84, %dma_wait3A_85] : memref<1024x16xf32, #tpu.memory_space<vmem>> -> memref<128x16xf32, #tpu.memory_space<vmem>>
        %dma_wait3A_87 = arith.constant 0 : i32
        %dma_wait3A_88 = tpu.memref_slice %arg5[%run_scoped3A_69, %dma_wait3A_87] : memref<8x128xi32, #tpu.memory_space<vmem>> -> memref<1x128xi32, #tpu.memory_space<vmem>>
        %dma_wait3A_89 = tpu.memref_squeeze %dma_wait3A_88 : memref<1x128xi32, #tpu.memory_space<vmem>> -> memref<128xi32, #tpu.memory_space<vmem>>
        %dma_wait3A_90 = arith.constant 0 : i32
        %dma_wait3A_91 = arith.constant 0 : i32
        %dma_wait3A_92 = tpu.memref_slice %arg9[%dma_wait3A_90, %dma_wait3A_91] : memref<50176x16xf32, #tpu.memory_space<vmem_shared>> -> memref<50176x16xf32, #tpu.memory_space<vmem_shared>>
        tpu.wait_indirect_dma semaphore(%run_scoped3A_74 : memref<!tpu.dma_semaphore, #tpu.memory_space<semaphore_mem>>) src(%dma_wait3A_86 : memref<128x16xf32, #tpu.memory_space<vmem>>) dst(%dma_wait3A_92 : memref<50176x16xf32, #tpu.memory_space<vmem_shared>>)
        tpu.yield
      }) : () -> ()
      %run_scoped3A_70 = arith.constant 5 : i32
      "tpu.region"() ({
        %run_scoped3A_74 = tpu.sem_alloc : memref<!tpu.dma_semaphore, #tpu.memory_space<semaphore_mem>>
        %dma_start3A_75 = arith.constant 640 : i32
        %dma_start3A_76 = arith.constant 0 : i32
        %dma_start3A_77 = tpu.memref_slice %arg6[%dma_start3A_75, %dma_start3A_76] : memref<1024x16xf32, #tpu.memory_space<vmem>> -> memref<128x16xf32, #tpu.memory_space<vmem>>
        %dma_start3A_78 = arith.constant 0 : i32
        %dma_start3A_79 = tpu.memref_slice %arg5[%run_scoped3A_70, %dma_start3A_78] : memref<8x128xi32, #tpu.memory_space<vmem>> -> memref<1x128xi32, #tpu.memory_space<vmem>>
        %dma_start3A_80 = tpu.memref_squeeze %dma_start3A_79 : memref<1x128xi32, #tpu.memory_space<vmem>> -> memref<128xi32, #tpu.memory_space<vmem>>
        %dma_start3A_81 = arith.constant 0 : i32
        %dma_start3A_82 = arith.constant 0 : i32
        %dma_start3A_83 = tpu.memref_slice %arg9[%dma_start3A_81, %dma_start3A_82] : memref<50176x16xf32, #tpu.memory_space<vmem_shared>> -> memref<50176x16xf32, #tpu.memory_space<vmem_shared>>
        tpu.enqueue_indirect_dma source(%dma_start3A_77 : memref<128x16xf32, #tpu.memory_space<vmem>>) target(%dma_start3A_83 : memref<50176x16xf32, #tpu.memory_space<vmem_shared>>) offsets(%dma_start3A_80 : memref<128xi32, #tpu.memory_space<vmem>>) semaphore(%run_scoped3A_74 : memref<!tpu.dma_semaphore, #tpu.memory_space<semaphore_mem>>) {add = true}
        %dma_wait3A_84 = arith.constant 640 : i32
        %dma_wait3A_85 = arith.constant 0 : i32
        %dma_wait3A_86 = tpu.memref_slice %arg6[%dma_wait3A_84, %dma_wait3A_85] : memref<1024x16xf32, #tpu.memory_space<vmem>> -> memref<128x16xf32, #tpu.memory_space<vmem>>
        %dma_wait3A_87 = arith.constant 0 : i32
        %dma_wait3A_88 = tpu.memref_slice %arg5[%run_scoped3A_70, %dma_wait3A_87] : memref<8x128xi32, #tpu.memory_space<vmem>> -> memref<1x128xi32, #tpu.memory_space<vmem>>
        %dma_wait3A_89 = tpu.memref_squeeze %dma_wait3A_88 : memref<1x128xi32, #tpu.memory_space<vmem>> -> memref<128xi32, #tpu.memory_space<vmem>>
        %dma_wait3A_90 = arith.constant 0 : i32
        %dma_wait3A_91 = arith.constant 0 : i32
        %dma_wait3A_92 = tpu.memref_slice %arg9[%dma_wait3A_90, %dma_wait3A_91] : memref<50176x16xf32, #tpu.memory_space<vmem_shared>> -> memref<50176x16xf32, #tpu.memory_space<vmem_shared>>
        tpu.wait_indirect_dma semaphore(%run_scoped3A_74 : memref<!tpu.dma_semaphore, #tpu.memory_space<semaphore_mem>>) src(%dma_wait3A_86 : memref<128x16xf32, #tpu.memory_space<vmem>>) dst(%dma_wait3A_92 : memref<50176x16xf32, #tpu.memory_space<vmem_shared>>)
        tpu.yield
      }) : () -> ()
      %run_scoped3A_71 = arith.constant 6 : i32
      "tpu.region"() ({
        %run_scoped3A_74 = tpu.sem_alloc : memref<!tpu.dma_semaphore, #tpu.memory_space<semaphore_mem>>
        %dma_start3A_75 = arith.constant 768 : i32
        %dma_start3A_76 = arith.constant 0 : i32
        %dma_start3A_77 = tpu.memref_slice %arg6[%dma_start3A_75, %dma_start3A_76] : memref<1024x16xf32, #tpu.memory_space<vmem>> -> memref<128x16xf32, #tpu.memory_space<vmem>>
        %dma_start3A_78 = arith.constant 0 : i32
        %dma_start3A_79 = tpu.memref_slice %arg5[%run_scoped3A_71, %dma_start3A_78] : memref<8x128xi32, #tpu.memory_space<vmem>> -> memref<1x128xi32, #tpu.memory_space<vmem>>
        %dma_start3A_80 = tpu.memref_squeeze %dma_start3A_79 : memref<1x128xi32, #tpu.memory_space<vmem>> -> memref<128xi32, #tpu.memory_space<vmem>>
        %dma_start3A_81 = arith.constant 0 : i32
        %dma_start3A_82 = arith.constant 0 : i32
        %dma_start3A_83 = tpu.memref_slice %arg9[%dma_start3A_81, %dma_start3A_82] : memref<50176x16xf32, #tpu.memory_space<vmem_shared>> -> memref<50176x16xf32, #tpu.memory_space<vmem_shared>>
        tpu.enqueue_indirect_dma source(%dma_start3A_77 : memref<128x16xf32, #tpu.memory_space<vmem>>) target(%dma_start3A_83 : memref<50176x16xf32, #tpu.memory_space<vmem_shared>>) offsets(%dma_start3A_80 : memref<128xi32, #tpu.memory_space<vmem>>) semaphore(%run_scoped3A_74 : memref<!tpu.dma_semaphore, #tpu.memory_space<semaphore_mem>>) {add = true}
        %dma_wait3A_84 = arith.constant 768 : i32
        %dma_wait3A_85 = arith.constant 0 : i32
        %dma_wait3A_86 = tpu.memref_slice %arg6[%dma_wait3A_84, %dma_wait3A_85] : memref<1024x16xf32, #tpu.memory_space<vmem>> -> memref<128x16xf32, #tpu.memory_space<vmem>>
        %dma_wait3A_87 = arith.constant 0 : i32
        %dma_wait3A_88 = tpu.memref_slice %arg5[%run_scoped3A_71, %dma_wait3A_87] : memref<8x128xi32, #tpu.memory_space<vmem>> -> memref<1x128xi32, #tpu.memory_space<vmem>>
        %dma_wait3A_89 = tpu.memref_squeeze %dma_wait3A_88 : memref<1x128xi32, #tpu.memory_space<vmem>> -> memref<128xi32, #tpu.memory_space<vmem>>
        %dma_wait3A_90 = arith.constant 0 : i32
        %dma_wait3A_91 = arith.constant 0 : i32
        %dma_wait3A_92 = tpu.memref_slice %arg9[%dma_wait3A_90, %dma_wait3A_91] : memref<50176x16xf32, #tpu.memory_space<vmem_shared>> -> memref<50176x16xf32, #tpu.memory_space<vmem_shared>>
        tpu.wait_indirect_dma semaphore(%run_scoped3A_74 : memref<!tpu.dma_semaphore, #tpu.memory_space<semaphore_mem>>) src(%dma_wait3A_86 : memref<128x16xf32, #tpu.memory_space<vmem>>) dst(%dma_wait3A_92 : memref<50176x16xf32, #tpu.memory_space<vmem_shared>>)
        tpu.yield
      }) : () -> ()
      %run_scoped3A_72 = arith.constant 7 : i32
      "tpu.region"() ({
        %run_scoped3A_74 = tpu.sem_alloc : memref<!tpu.dma_semaphore, #tpu.memory_space<semaphore_mem>>
        %dma_start3A_75 = arith.constant 896 : i32
        %dma_start3A_76 = arith.constant 0 : i32
        %dma_start3A_77 = tpu.memref_slice %arg6[%dma_start3A_75, %dma_start3A_76] : memref<1024x16xf32, #tpu.memory_space<vmem>> -> memref<128x16xf32, #tpu.memory_space<vmem>>
        %dma_start3A_78 = arith.constant 0 : i32
        %dma_start3A_79 = tpu.memref_slice %arg5[%run_scoped3A_72, %dma_start3A_78] : memref<8x128xi32, #tpu.memory_space<vmem>> -> memref<1x128xi32, #tpu.memory_space<vmem>>
        %dma_start3A_80 = tpu.memref_squeeze %dma_start3A_79 : memref<1x128xi32, #tpu.memory_space<vmem>> -> memref<128xi32, #tpu.memory_space<vmem>>
        %dma_start3A_81 = arith.constant 0 : i32
        %dma_start3A_82 = arith.constant 0 : i32
        %dma_start3A_83 = tpu.memref_slice %arg9[%dma_start3A_81, %dma_start3A_82] : memref<50176x16xf32, #tpu.memory_space<vmem_shared>> -> memref<50176x16xf32, #tpu.memory_space<vmem_shared>>
        tpu.enqueue_indirect_dma source(%dma_start3A_77 : memref<128x16xf32, #tpu.memory_space<vmem>>) target(%dma_start3A_83 : memref<50176x16xf32, #tpu.memory_space<vmem_shared>>) offsets(%dma_start3A_80 : memref<128xi32, #tpu.memory_space<vmem>>) semaphore(%run_scoped3A_74 : memref<!tpu.dma_semaphore, #tpu.memory_space<semaphore_mem>>) {add = true}
        %dma_wait3A_84 = arith.constant 896 : i32
        %dma_wait3A_85 = arith.constant 0 : i32
        %dma_wait3A_86 = tpu.memref_slice %arg6[%dma_wait3A_84, %dma_wait3A_85] : memref<1024x16xf32, #tpu.memory_space<vmem>> -> memref<128x16xf32, #tpu.memory_space<vmem>>
        %dma_wait3A_87 = arith.constant 0 : i32
        %dma_wait3A_88 = tpu.memref_slice %arg5[%run_scoped3A_72, %dma_wait3A_87] : memref<8x128xi32, #tpu.memory_space<vmem>> -> memref<1x128xi32, #tpu.memory_space<vmem>>
        %dma_wait3A_89 = tpu.memref_squeeze %dma_wait3A_88 : memref<1x128xi32, #tpu.memory_space<vmem>> -> memref<128xi32, #tpu.memory_space<vmem>>
        %dma_wait3A_90 = arith.constant 0 : i32
        %dma_wait3A_91 = arith.constant 0 : i32
        %dma_wait3A_92 = tpu.memref_slice %arg9[%dma_wait3A_90, %dma_wait3A_91] : memref<50176x16xf32, #tpu.memory_space<vmem_shared>> -> memref<50176x16xf32, #tpu.memory_space<vmem_shared>>
        tpu.wait_indirect_dma semaphore(%run_scoped3A_74 : memref<!tpu.dma_semaphore, #tpu.memory_space<semaphore_mem>>) src(%dma_wait3A_86 : memref<128x16xf32, #tpu.memory_space<vmem>>) dst(%dma_wait3A_92 : memref<50176x16xf32, #tpu.memory_space<vmem_shared>>)
        tpu.yield
      }) : () -> ()
      %while3A_73 = arith.constant 0 : i32
      scf.yield %while3A_73 : i32
    }
    %while3A_41 = arith.constant 1 : i32
    %while3A_42 = scf.for %while3A_51 = %while3A_38 to %while3A_34 step %while3A_41 iter_args(%while3A_52 = %while3A_40) -> (i32)  : i32 {
      %mul3A_53 = arith.constant 32 : i32
      %mul3A_54 = arith.muli %while3A_51, %mul3A_53 : i32
      %add3A_55 = arith.addi %add3A, %mul3A_54 : i32
      %mul3A_56 = arith.constant 8 : i32
      %mul3A_57 = arith.muli %add3A_55, %mul3A_56 : i32
      "tpu.region"() ({
        %run_scoped3A_74 = tpu.sem_alloc : memref<!tpu.dma_semaphore, #tpu.memory_space<semaphore_mem>>
        %dma_start3A_75 = arith.constant 0 : i32
        %dma_start3A_76 = tpu.memref_slice %arg3[%mul3A_57, %dma_start3A_75] : memref<6272x128xi32, #tpu.memory_space<hbm>> -> memref<8x128xi32, #tpu.memory_space<hbm>>
        %dma_start3A_77 = arith.constant 0 : i32
        %dma_start3A_78 = tpu.memref_slice %arg3[%mul3A_57, %dma_start3A_77] : memref<6272x128xi32, #tpu.memory_space<hbm>> -> memref<8x128xi32, #tpu.memory_space<hbm>>
        tpu.enqueue_dma source(%dma_start3A_78 : memref<8x128xi32, #tpu.memory_space<hbm>>) target(%arg5 : memref<8x128xi32, #tpu.memory_space<vmem>>) target_semaphore(%run_scoped3A_74 : memref<!tpu.dma_semaphore, #tpu.memory_space<semaphore_mem>>)
        %dma_wait3A_79 = arith.constant 0 : i32
        %dma_wait3A_80 = tpu.memref_slice %arg3[%mul3A_57, %dma_wait3A_79] : memref<6272x128xi32, #tpu.memory_space<hbm>> -> memref<8x128xi32, #tpu.memory_space<hbm>>
        %dma_wait3A_81 = arith.constant 0 : i32
        %dma_wait3A_82 = tpu.memref_slice %arg3[%mul3A_57, %dma_wait3A_81] : memref<6272x128xi32, #tpu.memory_space<hbm>> -> memref<8x128xi32, #tpu.memory_space<hbm>>
        tpu.wait_dma2 semaphore(%run_scoped3A_74 : memref<!tpu.dma_semaphore, #tpu.memory_space<semaphore_mem>>) src(%dma_wait3A_82 : memref<8x128xi32, #tpu.memory_space<hbm>>) dst(%arg5 : memref<8x128xi32, #tpu.memory_space<vmem>>)
        tpu.yield
      }) : () -> ()
      %mul3A_58 = arith.constant 1024 : i32
      %mul3A_59 = arith.muli %add3A_55, %mul3A_58 : i32
      %dma_start3A = arith.constant 0 : i32
      %dma_start3A_60 = tpu.memref_slice %arg2[%mul3A_59, %dma_start3A] : memref<802816x32xf32, #tpu.memory_space<hbm>> -> memref<1024x16xf32, #tpu.memory_space<hbm>>
      %dma_start3A_61 = arith.constant 0 : i32
      %dma_start3A_62 = tpu.memref_slice %arg2[%mul3A_59, %dma_start3A_61] : memref<802816x32xf32, #tpu.memory_space<hbm>> -> memref<1024x16xf32, #tpu.memory_space<hbm>>
      tpu.enqueue_dma source(%dma_start3A_62 : memref<1024x16xf32, #tpu.memory_space<hbm>>) target(%arg6 : memref<1024x16xf32, #tpu.memory_space<vmem>>) target_semaphore(%arg8 : memref<!tpu.dma_semaphore, #tpu.memory_space<semaphore_mem>>)
      %dma_wait3A = arith.constant 0 : i32
      %dma_wait3A_63 = tpu.memref_slice %arg2[%mul3A_59, %dma_wait3A] : memref<802816x32xf32, #tpu.memory_space<hbm>> -> memref<1024x16xf32, #tpu.memory_space<hbm>>
      %dma_wait3A_64 = arith.constant 0 : i32
      %dma_wait3A_65 = tpu.memref_slice %arg2[%mul3A_59, %dma_wait3A_64] : memref<802816x32xf32, #tpu.memory_space<hbm>> -> memref<1024x16xf32, #tpu.memory_space<hbm>>
      tpu.wait_dma2 semaphore(%arg8 : memref<!tpu.dma_semaphore, #tpu.memory_space<semaphore_mem>>) src(%dma_wait3A_65 : memref<1024x16xf32, #tpu.memory_space<hbm>>) dst(%arg6 : memref<1024x16xf32, #tpu.memory_space<vmem>>)
      %run_scoped3A = arith.constant 0 : i32
      "tpu.region"() ({
        %run_scoped3A_74 = tpu.sem_alloc : memref<!tpu.dma_semaphore, #tpu.memory_space<semaphore_mem>>
        %dma_start3A_75 = arith.constant 0 : i32
        %dma_start3A_76 = arith.constant 0 : i32
        %dma_start3A_77 = tpu.memref_slice %arg6[%dma_start3A_75, %dma_start3A_76] : memref<1024x16xf32, #tpu.memory_space<vmem>> -> memref<128x16xf32, #tpu.memory_space<vmem>>
        %dma_start3A_78 = arith.constant 0 : i32
        %dma_start3A_79 = tpu.memref_slice %arg5[%run_scoped3A, %dma_start3A_78] : memref<8x128xi32, #tpu.memory_space<vmem>> -> memref<1x128xi32, #tpu.memory_space<vmem>>
        %dma_start3A_80 = tpu.memref_squeeze %dma_start3A_79 : memref<1x128xi32, #tpu.memory_space<vmem>> -> memref<128xi32, #tpu.memory_space<vmem>>
        %dma_start3A_81 = arith.constant 0 : i32
        %dma_start3A_82 = arith.constant 0 : i32
        %dma_start3A_83 = tpu.memref_slice %arg9[%dma_start3A_81, %dma_start3A_82] : memref<50176x16xf32, #tpu.memory_space<vmem_shared>> -> memref<50176x16xf32, #tpu.memory_space<vmem_shared>>
        tpu.enqueue_indirect_dma source(%dma_start3A_77 : memref<128x16xf32, #tpu.memory_space<vmem>>) target(%dma_start3A_83 : memref<50176x16xf32, #tpu.memory_space<vmem_shared>>) offsets(%dma_start3A_80 : memref<128xi32, #tpu.memory_space<vmem>>) semaphore(%run_scoped3A_74 : memref<!tpu.dma_semaphore, #tpu.memory_space<semaphore_mem>>) {add = true}
        %dma_wait3A_84 = arith.constant 0 : i32
        %dma_wait3A_85 = arith.constant 0 : i32
        %dma_wait3A_86 = tpu.memref_slice %arg6[%dma_wait3A_84, %dma_wait3A_85] : memref<1024x16xf32, #tpu.memory_space<vmem>> -> memref<128x16xf32, #tpu.memory_space<vmem>>
        %dma_wait3A_87 = arith.constant 0 : i32
        %dma_wait3A_88 = tpu.memref_slice %arg5[%run_scoped3A, %dma_wait3A_87] : memref<8x128xi32, #tpu.memory_space<vmem>> -> memref<1x128xi32, #tpu.memory_space<vmem>>
        %dma_wait3A_89 = tpu.memref_squeeze %dma_wait3A_88 : memref<1x128xi32, #tpu.memory_space<vmem>> -> memref<128xi32, #tpu.memory_space<vmem>>
        %dma_wait3A_90 = arith.constant 0 : i32
        %dma_wait3A_91 = arith.constant 0 : i32
        %dma_wait3A_92 = tpu.memref_slice %arg9[%dma_wait3A_90, %dma_wait3A_91] : memref<50176x16xf32, #tpu.memory_space<vmem_shared>> -> memref<50176x16xf32, #tpu.memory_space<vmem_shared>>
        tpu.wait_indirect_dma semaphore(%run_scoped3A_74 : memref<!tpu.dma_semaphore, #tpu.memory_space<semaphore_mem>>) src(%dma_wait3A_86 : memref<128x16xf32, #tpu.memory_space<vmem>>) dst(%dma_wait3A_92 : memref<50176x16xf32, #tpu.memory_space<vmem_shared>>)
        tpu.yield
      }) : () -> ()
      %run_scoped3A_66 = arith.constant 1 : i32
      "tpu.region"() ({
        %run_scoped3A_74 = tpu.sem_alloc : memref<!tpu.dma_semaphore, #tpu.memory_space<semaphore_mem>>
        %dma_start3A_75 = arith.constant 128 : i32
        %dma_start3A_76 = arith.constant 0 : i32
        %dma_start3A_77 = tpu.memref_slice %arg6[%dma_start3A_75, %dma_start3A_76] : memref<1024x16xf32, #tpu.memory_space<vmem>> -> memref<128x16xf32, #tpu.memory_space<vmem>>
        %dma_start3A_78 = arith.constant 0 : i32
        %dma_start3A_79 = tpu.memref_slice %arg5[%run_scoped3A_66, %dma_start3A_78] : memref<8x128xi32, #tpu.memory_space<vmem>> -> memref<1x128xi32, #tpu.memory_space<vmem>>
        %dma_start3A_80 = tpu.memref_squeeze %dma_start3A_79 : memref<1x128xi32, #tpu.memory_space<vmem>> -> memref<128xi32, #tpu.memory_space<vmem>>
        %dma_start3A_81 = arith.constant 0 : i32
        %dma_start3A_82 = arith.constant 0 : i32
        %dma_start3A_83 = tpu.memref_slice %arg9[%dma_start3A_81, %dma_start3A_82] : memref<50176x16xf32, #tpu.memory_space<vmem_shared>> -> memref<50176x16xf32, #tpu.memory_space<vmem_shared>>
        tpu.enqueue_indirect_dma source(%dma_start3A_77 : memref<128x16xf32, #tpu.memory_space<vmem>>) target(%dma_start3A_83 : memref<50176x16xf32, #tpu.memory_space<vmem_shared>>) offsets(%dma_start3A_80 : memref<128xi32, #tpu.memory_space<vmem>>) semaphore(%run_scoped3A_74 : memref<!tpu.dma_semaphore, #tpu.memory_space<semaphore_mem>>) {add = true}
        %dma_wait3A_84 = arith.constant 128 : i32
        %dma_wait3A_85 = arith.constant 0 : i32
        %dma_wait3A_86 = tpu.memref_slice %arg6[%dma_wait3A_84, %dma_wait3A_85] : memref<1024x16xf32, #tpu.memory_space<vmem>> -> memref<128x16xf32, #tpu.memory_space<vmem>>
        %dma_wait3A_87 = arith.constant 0 : i32
        %dma_wait3A_88 = tpu.memref_slice %arg5[%run_scoped3A_66, %dma_wait3A_87] : memref<8x128xi32, #tpu.memory_space<vmem>> -> memref<1x128xi32, #tpu.memory_space<vmem>>
        %dma_wait3A_89 = tpu.memref_squeeze %dma_wait3A_88 : memref<1x128xi32, #tpu.memory_space<vmem>> -> memref<128xi32, #tpu.memory_space<vmem>>
        %dma_wait3A_90 = arith.constant 0 : i32
        %dma_wait3A_91 = arith.constant 0 : i32
        %dma_wait3A_92 = tpu.memref_slice %arg9[%dma_wait3A_90, %dma_wait3A_91] : memref<50176x16xf32, #tpu.memory_space<vmem_shared>> -> memref<50176x16xf32, #tpu.memory_space<vmem_shared>>
        tpu.wait_indirect_dma semaphore(%run_scoped3A_74 : memref<!tpu.dma_semaphore, #tpu.memory_space<semaphore_mem>>) src(%dma_wait3A_86 : memref<128x16xf32, #tpu.memory_space<vmem>>) dst(%dma_wait3A_92 : memref<50176x16xf32, #tpu.memory_space<vmem_shared>>)
        tpu.yield
      }) : () -> ()
      %run_scoped3A_67 = arith.constant 2 : i32
      "tpu.region"() ({
        %run_scoped3A_74 = tpu.sem_alloc : memref<!tpu.dma_semaphore, #tpu.memory_space<semaphore_mem>>
        %dma_start3A_75 = arith.constant 256 : i32
        %dma_start3A_76 = arith.constant 0 : i32
        %dma_start3A_77 = tpu.memref_slice %arg6[%dma_start3A_75, %dma_start3A_76] : memref<1024x16xf32, #tpu.memory_space<vmem>> -> memref<128x16xf32, #tpu.memory_space<vmem>>
        %dma_start3A_78 = arith.constant 0 : i32
        %dma_start3A_79 = tpu.memref_slice %arg5[%run_scoped3A_67, %dma_start3A_78] : memref<8x128xi32, #tpu.memory_space<vmem>> -> memref<1x128xi32, #tpu.memory_space<vmem>>
        %dma_start3A_80 = tpu.memref_squeeze %dma_start3A_79 : memref<1x128xi32, #tpu.memory_space<vmem>> -> memref<128xi32, #tpu.memory_space<vmem>>
        %dma_start3A_81 = arith.constant 0 : i32
        %dma_start3A_82 = arith.constant 0 : i32
        %dma_start3A_83 = tpu.memref_slice %arg9[%dma_start3A_81, %dma_start3A_82] : memref<50176x16xf32, #tpu.memory_space<vmem_shared>> -> memref<50176x16xf32, #tpu.memory_space<vmem_shared>>
        tpu.enqueue_indirect_dma source(%dma_start3A_77 : memref<128x16xf32, #tpu.memory_space<vmem>>) target(%dma_start3A_83 : memref<50176x16xf32, #tpu.memory_space<vmem_shared>>) offsets(%dma_start3A_80 : memref<128xi32, #tpu.memory_space<vmem>>) semaphore(%run_scoped3A_74 : memref<!tpu.dma_semaphore, #tpu.memory_space<semaphore_mem>>) {add = true}
        %dma_wait3A_84 = arith.constant 256 : i32
        %dma_wait3A_85 = arith.constant 0 : i32
        %dma_wait3A_86 = tpu.memref_slice %arg6[%dma_wait3A_84, %dma_wait3A_85] : memref<1024x16xf32, #tpu.memory_space<vmem>> -> memref<128x16xf32, #tpu.memory_space<vmem>>
        %dma_wait3A_87 = arith.constant 0 : i32
        %dma_wait3A_88 = tpu.memref_slice %arg5[%run_scoped3A_67, %dma_wait3A_87] : memref<8x128xi32, #tpu.memory_space<vmem>> -> memref<1x128xi32, #tpu.memory_space<vmem>>
        %dma_wait3A_89 = tpu.memref_squeeze %dma_wait3A_88 : memref<1x128xi32, #tpu.memory_space<vmem>> -> memref<128xi32, #tpu.memory_space<vmem>>
        %dma_wait3A_90 = arith.constant 0 : i32
        %dma_wait3A_91 = arith.constant 0 : i32
        %dma_wait3A_92 = tpu.memref_slice %arg9[%dma_wait3A_90, %dma_wait3A_91] : memref<50176x16xf32, #tpu.memory_space<vmem_shared>> -> memref<50176x16xf32, #tpu.memory_space<vmem_shared>>
        tpu.wait_indirect_dma semaphore(%run_scoped3A_74 : memref<!tpu.dma_semaphore, #tpu.memory_space<semaphore_mem>>) src(%dma_wait3A_86 : memref<128x16xf32, #tpu.memory_space<vmem>>) dst(%dma_wait3A_92 : memref<50176x16xf32, #tpu.memory_space<vmem_shared>>)
        tpu.yield
      }) : () -> ()
      %run_scoped3A_68 = arith.constant 3 : i32
      "tpu.region"() ({
        %run_scoped3A_74 = tpu.sem_alloc : memref<!tpu.dma_semaphore, #tpu.memory_space<semaphore_mem>>
        %dma_start3A_75 = arith.constant 384 : i32
        %dma_start3A_76 = arith.constant 0 : i32
        %dma_start3A_77 = tpu.memref_slice %arg6[%dma_start3A_75, %dma_start3A_76] : memref<1024x16xf32, #tpu.memory_space<vmem>> -> memref<128x16xf32, #tpu.memory_space<vmem>>
        %dma_start3A_78 = arith.constant 0 : i32
        %dma_start3A_79 = tpu.memref_slice %arg5[%run_scoped3A_68, %dma_start3A_78] : memref<8x128xi32, #tpu.memory_space<vmem>> -> memref<1x128xi32, #tpu.memory_space<vmem>>
        %dma_start3A_80 = tpu.memref_squeeze %dma_start3A_79 : memref<1x128xi32, #tpu.memory_space<vmem>> -> memref<128xi32, #tpu.memory_space<vmem>>
        %dma_start3A_81 = arith.constant 0 : i32
        %dma_start3A_82 = arith.constant 0 : i32
        %dma_start3A_83 = tpu.memref_slice %arg9[%dma_start3A_81, %dma_start3A_82] : memref<50176x16xf32, #tpu.memory_space<vmem_shared>> -> memref<50176x16xf32, #tpu.memory_space<vmem_shared>>
        tpu.enqueue_indirect_dma source(%dma_start3A_77 : memref<128x16xf32, #tpu.memory_space<vmem>>) target(%dma_start3A_83 : memref<50176x16xf32, #tpu.memory_space<vmem_shared>>) offsets(%dma_start3A_80 : memref<128xi32, #tpu.memory_space<vmem>>) semaphore(%run_scoped3A_74 : memref<!tpu.dma_semaphore, #tpu.memory_space<semaphore_mem>>) {add = true}
        %dma_wait3A_84 = arith.constant 384 : i32
        %dma_wait3A_85 = arith.constant 0 : i32
        %dma_wait3A_86 = tpu.memref_slice %arg6[%dma_wait3A_84, %dma_wait3A_85] : memref<1024x16xf32, #tpu.memory_space<vmem>> -> memref<128x16xf32, #tpu.memory_space<vmem>>
        %dma_wait3A_87 = arith.constant 0 : i32
        %dma_wait3A_88 = tpu.memref_slice %arg5[%run_scoped3A_68, %dma_wait3A_87] : memref<8x128xi32, #tpu.memory_space<vmem>> -> memref<1x128xi32, #tpu.memory_space<vmem>>
        %dma_wait3A_89 = tpu.memref_squeeze %dma_wait3A_88 : memref<1x128xi32, #tpu.memory_space<vmem>> -> memref<128xi32, #tpu.memory_space<vmem>>
        %dma_wait3A_90 = arith.constant 0 : i32
        %dma_wait3A_91 = arith.constant 0 : i32
        %dma_wait3A_92 = tpu.memref_slice %arg9[%dma_wait3A_90, %dma_wait3A_91] : memref<50176x16xf32, #tpu.memory_space<vmem_shared>> -> memref<50176x16xf32, #tpu.memory_space<vmem_shared>>
        tpu.wait_indirect_dma semaphore(%run_scoped3A_74 : memref<!tpu.dma_semaphore, #tpu.memory_space<semaphore_mem>>) src(%dma_wait3A_86 : memref<128x16xf32, #tpu.memory_space<vmem>>) dst(%dma_wait3A_92 : memref<50176x16xf32, #tpu.memory_space<vmem_shared>>)
        tpu.yield
      }) : () -> ()
      %run_scoped3A_69 = arith.constant 4 : i32
      "tpu.region"() ({
        %run_scoped3A_74 = tpu.sem_alloc : memref<!tpu.dma_semaphore, #tpu.memory_space<semaphore_mem>>
        %dma_start3A_75 = arith.constant 512 : i32
        %dma_start3A_76 = arith.constant 0 : i32
        %dma_start3A_77 = tpu.memref_slice %arg6[%dma_start3A_75, %dma_start3A_76] : memref<1024x16xf32, #tpu.memory_space<vmem>> -> memref<128x16xf32, #tpu.memory_space<vmem>>
        %dma_start3A_78 = arith.constant 0 : i32
        %dma_start3A_79 = tpu.memref_slice %arg5[%run_scoped3A_69, %dma_start3A_78] : memref<8x128xi32, #tpu.memory_space<vmem>> -> memref<1x128xi32, #tpu.memory_space<vmem>>
        %dma_start3A_80 = tpu.memref_squeeze %dma_start3A_79 : memref<1x128xi32, #tpu.memory_space<vmem>> -> memref<128xi32, #tpu.memory_space<vmem>>
        %dma_start3A_81 = arith.constant 0 : i32
        %dma_start3A_82 = arith.constant 0 : i32
        %dma_start3A_83 = tpu.memref_slice %arg9[%dma_start3A_81, %dma_start3A_82] : memref<50176x16xf32, #tpu.memory_space<vmem_shared>> -> memref<50176x16xf32, #tpu.memory_space<vmem_shared>>
        tpu.enqueue_indirect_dma source(%dma_start3A_77 : memref<128x16xf32, #tpu.memory_space<vmem>>) target(%dma_start3A_83 : memref<50176x16xf32, #tpu.memory_space<vmem_shared>>) offsets(%dma_start3A_80 : memref<128xi32, #tpu.memory_space<vmem>>) semaphore(%run_scoped3A_74 : memref<!tpu.dma_semaphore, #tpu.memory_space<semaphore_mem>>) {add = true}
        %dma_wait3A_84 = arith.constant 512 : i32
        %dma_wait3A_85 = arith.constant 0 : i32
        %dma_wait3A_86 = tpu.memref_slice %arg6[%dma_wait3A_84, %dma_wait3A_85] : memref<1024x16xf32, #tpu.memory_space<vmem>> -> memref<128x16xf32, #tpu.memory_space<vmem>>
        %dma_wait3A_87 = arith.constant 0 : i32
        %dma_wait3A_88 = tpu.memref_slice %arg5[%run_scoped3A_69, %dma_wait3A_87] : memref<8x128xi32, #tpu.memory_space<vmem>> -> memref<1x128xi32, #tpu.memory_space<vmem>>
        %dma_wait3A_89 = tpu.memref_squeeze %dma_wait3A_88 : memref<1x128xi32, #tpu.memory_space<vmem>> -> memref<128xi32, #tpu.memory_space<vmem>>
        %dma_wait3A_90 = arith.constant 0 : i32
        %dma_wait3A_91 = arith.constant 0 : i32
        %dma_wait3A_92 = tpu.memref_slice %arg9[%dma_wait3A_90, %dma_wait3A_91] : memref<50176x16xf32, #tpu.memory_space<vmem_shared>> -> memref<50176x16xf32, #tpu.memory_space<vmem_shared>>
        tpu.wait_indirect_dma semaphore(%run_scoped3A_74 : memref<!tpu.dma_semaphore, #tpu.memory_space<semaphore_mem>>) src(%dma_wait3A_86 : memref<128x16xf32, #tpu.memory_space<vmem>>) dst(%dma_wait3A_92 : memref<50176x16xf32, #tpu.memory_space<vmem_shared>>)
        tpu.yield
      }) : () -> ()
      %run_scoped3A_70 = arith.constant 5 : i32
      "tpu.region"() ({
        %run_scoped3A_74 = tpu.sem_alloc : memref<!tpu.dma_semaphore, #tpu.memory_space<semaphore_mem>>
        %dma_start3A_75 = arith.constant 640 : i32
        %dma_start3A_76 = arith.constant 0 : i32
        %dma_start3A_77 = tpu.memref_slice %arg6[%dma_start3A_75, %dma_start3A_76] : memref<1024x16xf32, #tpu.memory_space<vmem>> -> memref<128x16xf32, #tpu.memory_space<vmem>>
        %dma_start3A_78 = arith.constant 0 : i32
        %dma_start3A_79 = tpu.memref_slice %arg5[%run_scoped3A_70, %dma_start3A_78] : memref<8x128xi32, #tpu.memory_space<vmem>> -> memref<1x128xi32, #tpu.memory_space<vmem>>
        %dma_start3A_80 = tpu.memref_squeeze %dma_start3A_79 : memref<1x128xi32, #tpu.memory_space<vmem>> -> memref<128xi32, #tpu.memory_space<vmem>>
        %dma_start3A_81 = arith.constant 0 : i32
        %dma_start3A_82 = arith.constant 0 : i32
        %dma_start3A_83 = tpu.memref_slice %arg9[%dma_start3A_81, %dma_start3A_82] : memref<50176x16xf32, #tpu.memory_space<vmem_shared>> -> memref<50176x16xf32, #tpu.memory_space<vmem_shared>>
        tpu.enqueue_indirect_dma source(%dma_start3A_77 : memref<128x16xf32, #tpu.memory_space<vmem>>) target(%dma_start3A_83 : memref<50176x16xf32, #tpu.memory_space<vmem_shared>>) offsets(%dma_start3A_80 : memref<128xi32, #tpu.memory_space<vmem>>) semaphore(%run_scoped3A_74 : memref<!tpu.dma_semaphore, #tpu.memory_space<semaphore_mem>>) {add = true}
        %dma_wait3A_84 = arith.constant 640 : i32
        %dma_wait3A_85 = arith.constant 0 : i32
        %dma_wait3A_86 = tpu.memref_slice %arg6[%dma_wait3A_84, %dma_wait3A_85] : memref<1024x16xf32, #tpu.memory_space<vmem>> -> memref<128x16xf32, #tpu.memory_space<vmem>>
        %dma_wait3A_87 = arith.constant 0 : i32
        %dma_wait3A_88 = tpu.memref_slice %arg5[%run_scoped3A_70, %dma_wait3A_87] : memref<8x128xi32, #tpu.memory_space<vmem>> -> memref<1x128xi32, #tpu.memory_space<vmem>>
        %dma_wait3A_89 = tpu.memref_squeeze %dma_wait3A_88 : memref<1x128xi32, #tpu.memory_space<vmem>> -> memref<128xi32, #tpu.memory_space<vmem>>
        %dma_wait3A_90 = arith.constant 0 : i32
        %dma_wait3A_91 = arith.constant 0 : i32
        %dma_wait3A_92 = tpu.memref_slice %arg9[%dma_wait3A_90, %dma_wait3A_91] : memref<50176x16xf32, #tpu.memory_space<vmem_shared>> -> memref<50176x16xf32, #tpu.memory_space<vmem_shared>>
        tpu.wait_indirect_dma semaphore(%run_scoped3A_74 : memref<!tpu.dma_semaphore, #tpu.memory_space<semaphore_mem>>) src(%dma_wait3A_86 : memref<128x16xf32, #tpu.memory_space<vmem>>) dst(%dma_wait3A_92 : memref<50176x16xf32, #tpu.memory_space<vmem_shared>>)
        tpu.yield
      }) : () -> ()
      %run_scoped3A_71 = arith.constant 6 : i32
      "tpu.region"() ({
        %run_scoped3A_74 = tpu.sem_alloc : memref<!tpu.dma_semaphore, #tpu.memory_space<semaphore_mem>>
        %dma_start3A_75 = arith.constant 768 : i32
        %dma_start3A_76 = arith.constant 0 : i32
        %dma_start3A_77 = tpu.memref_slice %arg6[%dma_start3A_75, %dma_start3A_76] : memref<1024x16xf32, #tpu.memory_space<vmem>> -> memref<128x16xf32, #tpu.memory_space<vmem>>
        %dma_start3A_78 = arith.constant 0 : i32
        %dma_start3A_79 = tpu.memref_slice %arg5[%run_scoped3A_71, %dma_start3A_78] : memref<8x128xi32, #tpu.memory_space<vmem>> -> memref<1x128xi32, #tpu.memory_space<vmem>>
        %dma_start3A_80 = tpu.memref_squeeze %dma_start3A_79 : memref<1x128xi32, #tpu.memory_space<vmem>> -> memref<128xi32, #tpu.memory_space<vmem>>
        %dma_start3A_81 = arith.constant 0 : i32
        %dma_start3A_82 = arith.constant 0 : i32
        %dma_start3A_83 = tpu.memref_slice %arg9[%dma_start3A_81, %dma_start3A_82] : memref<50176x16xf32, #tpu.memory_space<vmem_shared>> -> memref<50176x16xf32, #tpu.memory_space<vmem_shared>>
        tpu.enqueue_indirect_dma source(%dma_start3A_77 : memref<128x16xf32, #tpu.memory_space<vmem>>) target(%dma_start3A_83 : memref<50176x16xf32, #tpu.memory_space<vmem_shared>>) offsets(%dma_start3A_80 : memref<128xi32, #tpu.memory_space<vmem>>) semaphore(%run_scoped3A_74 : memref<!tpu.dma_semaphore, #tpu.memory_space<semaphore_mem>>) {add = true}
        %dma_wait3A_84 = arith.constant 768 : i32
        %dma_wait3A_85 = arith.constant 0 : i32
        %dma_wait3A_86 = tpu.memref_slice %arg6[%dma_wait3A_84, %dma_wait3A_85] : memref<1024x16xf32, #tpu.memory_space<vmem>> -> memref<128x16xf32, #tpu.memory_space<vmem>>
        %dma_wait3A_87 = arith.constant 0 : i32
        %dma_wait3A_88 = tpu.memref_slice %arg5[%run_scoped3A_71, %dma_wait3A_87] : memref<8x128xi32, #tpu.memory_space<vmem>> -> memref<1x128xi32, #tpu.memory_space<vmem>>
        %dma_wait3A_89 = tpu.memref_squeeze %dma_wait3A_88 : memref<1x128xi32, #tpu.memory_space<vmem>> -> memref<128xi32, #tpu.memory_space<vmem>>
        %dma_wait3A_90 = arith.constant 0 : i32
        %dma_wait3A_91 = arith.constant 0 : i32
        %dma_wait3A_92 = tpu.memref_slice %arg9[%dma_wait3A_90, %dma_wait3A_91] : memref<50176x16xf32, #tpu.memory_space<vmem_shared>> -> memref<50176x16xf32, #tpu.memory_space<vmem_shared>>
        tpu.wait_indirect_dma semaphore(%run_scoped3A_74 : memref<!tpu.dma_semaphore, #tpu.memory_space<semaphore_mem>>) src(%dma_wait3A_86 : memref<128x16xf32, #tpu.memory_space<vmem>>) dst(%dma_wait3A_92 : memref<50176x16xf32, #tpu.memory_space<vmem_shared>>)
        tpu.yield
      }) : () -> ()
      %run_scoped3A_72 = arith.constant 7 : i32
      "tpu.region"() ({
        %run_scoped3A_74 = tpu.sem_alloc : memref<!tpu.dma_semaphore, #tpu.memory_space<semaphore_mem>>
        %dma_start3A_75 = arith.constant 896 : i32
        %dma_start3A_76 = arith.constant 0 : i32
        %dma_start3A_77 = tpu.memref_slice %arg6[%dma_start3A_75, %dma_start3A_76] : memref<1024x16xf32, #tpu.memory_space<vmem>> -> memref<128x16xf32, #tpu.memory_space<vmem>>
        %dma_start3A_78 = arith.constant 0 : i32
        %dma_start3A_79 = tpu.memref_slice %arg5[%run_scoped3A_72, %dma_start3A_78] : memref<8x128xi32, #tpu.memory_space<vmem>> -> memref<1x128xi32, #tpu.memory_space<vmem>>
        %dma_start3A_80 = tpu.memref_squeeze %dma_start3A_79 : memref<1x128xi32, #tpu.memory_space<vmem>> -> memref<128xi32, #tpu.memory_space<vmem>>
        %dma_start3A_81 = arith.constant 0 : i32
        %dma_start3A_82 = arith.constant 0 : i32
        %dma_start3A_83 = tpu.memref_slice %arg9[%dma_start3A_81, %dma_start3A_82] : memref<50176x16xf32, #tpu.memory_space<vmem_shared>> -> memref<50176x16xf32, #tpu.memory_space<vmem_shared>>
        tpu.enqueue_indirect_dma source(%dma_start3A_77 : memref<128x16xf32, #tpu.memory_space<vmem>>) target(%dma_start3A_83 : memref<50176x16xf32, #tpu.memory_space<vmem_shared>>) offsets(%dma_start3A_80 : memref<128xi32, #tpu.memory_space<vmem>>) semaphore(%run_scoped3A_74 : memref<!tpu.dma_semaphore, #tpu.memory_space<semaphore_mem>>) {add = true}
        %dma_wait3A_84 = arith.constant 896 : i32
        %dma_wait3A_85 = arith.constant 0 : i32
        %dma_wait3A_86 = tpu.memref_slice %arg6[%dma_wait3A_84, %dma_wait3A_85] : memref<1024x16xf32, #tpu.memory_space<vmem>> -> memref<128x16xf32, #tpu.memory_space<vmem>>
        %dma_wait3A_87 = arith.constant 0 : i32
        %dma_wait3A_88 = tpu.memref_slice %arg5[%run_scoped3A_72, %dma_wait3A_87] : memref<8x128xi32, #tpu.memory_space<vmem>> -> memref<1x128xi32, #tpu.memory_space<vmem>>
        %dma_wait3A_89 = tpu.memref_squeeze %dma_wait3A_88 : memref<1x128xi32, #tpu.memory_space<vmem>> -> memref<128xi32, #tpu.memory_space<vmem>>
        %dma_wait3A_90 = arith.constant 0 : i32
        %dma_wait3A_91 = arith.constant 0 : i32
        %dma_wait3A_92 = tpu.memref_slice %arg9[%dma_wait3A_90, %dma_wait3A_91] : memref<50176x16xf32, #tpu.memory_space<vmem_shared>> -> memref<50176x16xf32, #tpu.memory_space<vmem_shared>>
        tpu.wait_indirect_dma semaphore(%run_scoped3A_74 : memref<!tpu.dma_semaphore, #tpu.memory_space<semaphore_mem>>) src(%dma_wait3A_86 : memref<128x16xf32, #tpu.memory_space<vmem>>) dst(%dma_wait3A_92 : memref<50176x16xf32, #tpu.memory_space<vmem_shared>>)
        tpu.yield
      }) : () -> ()
      %while3A_73 = arith.constant 0 : i32
      scf.yield %while3A_73 : i32
    }
    %barrier3A_43 = arith.constant 0 : index
    tpu.barrier barrier_id(%barrier3A_43)
    %mul3A_44 = arith.constant 3136 : i32
    %mul3A_45 = arith.muli %arg1, %mul3A_44 : i32
    "tpu.region"() ({
      %run_scoped3A = tpu.sem_alloc : memref<!tpu.dma_semaphore, #tpu.memory_space<semaphore_mem>>
      %dma_start3A = arith.constant 0 : i32
      %dma_start3A_51 = tpu.memref_slice %arg9[%mul3A_45, %dma_start3A] : memref<50176x16xf32, #tpu.memory_space<vmem_shared>> -> memref<3136x16xf32, #tpu.memory_space<vmem_shared>>
      %dma_start3A_52 = arith.constant 0 : i32
      %dma_start3A_53 = tpu.memref_slice %arg9[%mul3A_45, %dma_start3A_52] : memref<50176x16xf32, #tpu.memory_space<vmem_shared>> -> memref<3136x16xf32, #tpu.memory_space<vmem_shared>>
      tpu.enqueue_dma source(%dma_start3A_53 : memref<3136x16xf32, #tpu.memory_space<vmem_shared>>) target(%arg7 : memref<3136x16xf32, #tpu.memory_space<vmem>>) target_semaphore(%run_scoped3A : memref<!tpu.dma_semaphore, #tpu.memory_space<semaphore_mem>>)
      %dma_wait3A = arith.constant 0 : i32
      %dma_wait3A_54 = tpu.memref_slice %arg9[%mul3A_45, %dma_wait3A] : memref<50176x16xf32, #tpu.memory_space<vmem_shared>> -> memref<3136x16xf32, #tpu.memory_space<vmem_shared>>
      %dma_wait3A_55 = arith.constant 0 : i32
      %dma_wait3A_56 = tpu.memref_slice %arg9[%mul3A_45, %dma_wait3A_55] : memref<50176x16xf32, #tpu.memory_space<vmem_shared>> -> memref<3136x16xf32, #tpu.memory_space<vmem_shared>>
      tpu.wait_dma2 semaphore(%run_scoped3A : memref<!tpu.dma_semaphore, #tpu.memory_space<semaphore_mem>>) src(%dma_wait3A_56 : memref<3136x16xf32, #tpu.memory_space<vmem_shared>>) dst(%arg7 : memref<3136x16xf32, #tpu.memory_space<vmem>>)
      tpu.yield
    }) : () -> ()
    %mul3A_46 = arith.constant 50176 : i32
    %mul3A_47 = arith.muli %arg0, %mul3A_46 : i32
    %mul3A_48 = arith.constant 3136 : i32
    %mul3A_49 = arith.muli %arg1, %mul3A_48 : i32
    %add3A_50 = arith.addi %mul3A_47, %mul3A_49 : i32
    "tpu.region"() ({
      %run_scoped3A = tpu.sem_alloc : memref<!tpu.dma_semaphore, #tpu.memory_space<semaphore_mem>>
      %dma_start3A = arith.constant 0 : i32
      %dma_start3A_51 = tpu.memref_slice %arg4[%add3A_50, %dma_start3A] : memref<100352x16xf32, #tpu.memory_space<hbm>> -> memref<3136x16xf32, #tpu.memory_space<hbm>>
      %dma_start3A_52 = arith.constant 0 : i32
      %dma_start3A_53 = tpu.memref_slice %arg4[%add3A_50, %dma_start3A_52] : memref<100352x16xf32, #tpu.memory_space<hbm>> -> memref<3136x16xf32, #tpu.memory_space<hbm>>
      tpu.enqueue_dma source(%arg7 : memref<3136x16xf32, #tpu.memory_space<vmem>>) target(%dma_start3A_53 : memref<3136x16xf32, #tpu.memory_space<hbm>>) target_semaphore(%run_scoped3A : memref<!tpu.dma_semaphore, #tpu.memory_space<semaphore_mem>>)
      %dma_wait3A = arith.constant 0 : i32
      %dma_wait3A_54 = tpu.memref_slice %arg4[%add3A_50, %dma_wait3A] : memref<100352x16xf32, #tpu.memory_space<hbm>> -> memref<3136x16xf32, #tpu.memory_space<hbm>>
      %dma_wait3A_55 = arith.constant 0 : i32
      %dma_wait3A_56 = tpu.memref_slice %arg4[%add3A_50, %dma_wait3A_55] : memref<100352x16xf32, #tpu.memory_space<hbm>> -> memref<3136x16xf32, #tpu.memory_space<hbm>>
      tpu.wait_dma2 semaphore(%run_scoped3A : memref<!tpu.dma_semaphore, #tpu.memory_space<semaphore_mem>>) src(%arg7 : memref<3136x16xf32, #tpu.memory_space<vmem>>) dst(%dma_wait3A_56 : memref<3136x16xf32, #tpu.memory_space<hbm>>)
      tpu.yield
    }) : () -> ()
    return
  }
}

#map = affine_map<(d0, d1) -> (0, 0)>
module attributes {stable_mosaic.version = 14 : i64} {
  func.func @_k5_body(%arg0: i32, %arg1: i32, %arg2: memref<50000x16xf32, #tpu.memory_space<hbm>>, %arg3: memref<6272x128xi32, #tpu.memory_space<hbm>>, %arg4: memref<802816x16xf32, #tpu.memory_space<hbm>>, %arg5: memref<8x128xi32, #tpu.memory_space<vmem>>, %arg6: memref<1024x16xf32, #tpu.memory_space<vmem>>, %arg7: memref<!tpu.dma_semaphore, #tpu.memory_space<semaphore_mem>>) attributes {dimension_semantics = [#tpu.dimension_semantics<core_parallel>, #tpu.dimension_semantics<subcore_parallel>], iteration_bounds = array<i64: 2, 16>, scalar_prefetch = 0 : i64, scratch_operands = 3 : i64, tpu.core_type = #tpu.core_type<sc_vector_subcore>, window_params = [{transform_indices = #map}, {transform_indices = #map}, {transform_indices = #map}]} {
    %mul3A = arith.constant 2 : i32
    %mul3A_0 = arith.muli %arg1, %mul3A : i32
    %add3A = arith.addi %mul3A_0, %arg0 : i32
    %sub3A = arith.constant 784 : i32
    %sub3A_1 = arith.subi %sub3A, %add3A : i32
    %add3A_2 = arith.constant 32 : i32
    %add3A_3 = arith.addi %sub3A_1, %add3A_2 : i32
    %sub3A_4 = arith.constant 1 : i32
    %sub3A_5 = arith.subi %add3A_3, %sub3A_4 : i32
    %jit3A = arith.constant 32 : i32
    %div3A = arith.divsi %sub3A_5, %jit3A : i32
    %sign3A = arith.constant 0 : i32
    %sign3A_6 = arith.cmpi sgt, %sub3A_5, %sign3A : i32
    %sign3A_7 = arith.extui %sign3A_6 : i1 to i32
    %sign3A_8 = arith.constant 0 : i32
    %sign3A_9 = arith.cmpi slt, %sub3A_5, %sign3A_8 : i32
    %sign3A_10 = arith.extui %sign3A_9 : i1 to i32
    %sign3A_11 = arith.subi %sign3A_7, %sign3A_10 : i32
    %sign3A_12 = arith.constant 0 : i32
    %sign3A_13 = arith.cmpi sgt, %jit3A, %sign3A_12 : i32
    %sign3A_14 = arith.extui %sign3A_13 : i1 to i32
    %sign3A_15 = arith.constant 0 : i32
    %sign3A_16 = arith.cmpi slt, %jit3A, %sign3A_15 : i32
    %sign3A_17 = arith.extui %sign3A_16 : i1 to i32
    %sign3A_18 = arith.subi %sign3A_14, %sign3A_17 : i32
    %ne3A = arith.cmpi ne, %sign3A_11, %sign3A_18 : i32
    %rem3A = arith.remsi %sub3A_5, %jit3A : i32
    %ne3A_19 = arith.constant 0 : i32
    %ne3A_20 = arith.cmpi ne, %rem3A, %ne3A_19 : i32
    %and3A = arith.andi %ne3A, %ne3A_20 : i1
    %sub3A_21 = arith.constant 1 : i32
    %sub3A_22 = arith.subi %div3A, %sub3A_21 : i32
    %select_n3A = arith.select %and3A, %sub3A_22, %div3A : i32
    %while3A = arith.constant 0 : i32
    %while3A_23 = arith.constant 0 : i32
    %while3A_24 = arith.subi %select_n3A, %while3A : i32
    %while3A_25 = arith.addi %while3A, %while3A_24 : i32
    %while3A_26 = arith.constant 1 : i32
    %while3A_27 = arith.divsi %while3A_24, %while3A_26 : i32
    %while3A_28 = arith.muli %while3A_27, %while3A_26 : i32
    %while3A_29 = arith.addi %while3A, %while3A_28 : i32
    %while3A_30 = arith.constant 1 : i32
    %while3A_31 = scf.for %while3A_34 = %while3A to %while3A_29 step %while3A_30 iter_args(%while3A_35 = %while3A_23) -> (i32)  : i32 {
      %mul3A_36 = arith.constant 32 : i32
      %mul3A_37 = arith.muli %while3A_34, %mul3A_36 : i32
      %add3A_38 = arith.addi %add3A, %mul3A_37 : i32
      %mul3A_39 = arith.constant 8 : i32
      %mul3A_40 = arith.muli %add3A_38, %mul3A_39 : i32
      "tpu.region"() ({
        %run_scoped3A = tpu.sem_alloc : memref<!tpu.dma_semaphore, #tpu.memory_space<semaphore_mem>>
        %dma_start3A_202 = arith.constant 0 : i32
        %dma_start3A_203 = tpu.memref_slice %arg3[%mul3A_40, %dma_start3A_202] : memref<6272x128xi32, #tpu.memory_space<hbm>> -> memref<8x128xi32, #tpu.memory_space<hbm>>
        %dma_start3A_204 = arith.constant 0 : i32
        %dma_start3A_205 = tpu.memref_slice %arg3[%mul3A_40, %dma_start3A_204] : memref<6272x128xi32, #tpu.memory_space<hbm>> -> memref<8x128xi32, #tpu.memory_space<hbm>>
        tpu.enqueue_dma source(%dma_start3A_205 : memref<8x128xi32, #tpu.memory_space<hbm>>) target(%arg5 : memref<8x128xi32, #tpu.memory_space<vmem>>) target_semaphore(%run_scoped3A : memref<!tpu.dma_semaphore, #tpu.memory_space<semaphore_mem>>)
        %dma_wait3A_206 = arith.constant 0 : i32
        %dma_wait3A_207 = tpu.memref_slice %arg3[%mul3A_40, %dma_wait3A_206] : memref<6272x128xi32, #tpu.memory_space<hbm>> -> memref<8x128xi32, #tpu.memory_space<hbm>>
        %dma_wait3A_208 = arith.constant 0 : i32
        %dma_wait3A_209 = tpu.memref_slice %arg3[%mul3A_40, %dma_wait3A_208] : memref<6272x128xi32, #tpu.memory_space<hbm>> -> memref<8x128xi32, #tpu.memory_space<hbm>>
        tpu.wait_dma2 semaphore(%run_scoped3A : memref<!tpu.dma_semaphore, #tpu.memory_space<semaphore_mem>>) src(%dma_wait3A_209 : memref<8x128xi32, #tpu.memory_space<hbm>>) dst(%arg5 : memref<8x128xi32, #tpu.memory_space<vmem>>)
        tpu.yield
      }) : () -> ()
      %dma_start3A = arith.constant 0 : i32
      %dma_start3A_41 = arith.constant 0 : i32
      %dma_start3A_42 = arith.constant 0 : i32
      %dma_start3A_43 = tpu.memref_slice %arg6[%dma_start3A_41, %dma_start3A_42] : memref<1024x16xf32, #tpu.memory_space<vmem>> -> memref<128x16xf32, #tpu.memory_space<vmem>>
      %dma_start3A_44 = arith.constant 0 : i32
      %dma_start3A_45 = tpu.memref_slice %arg5[%dma_start3A, %dma_start3A_44] : memref<8x128xi32, #tpu.memory_space<vmem>> -> memref<1x128xi32, #tpu.memory_space<vmem>>
      %dma_start3A_46 = tpu.memref_squeeze %dma_start3A_45 : memref<1x128xi32, #tpu.memory_space<vmem>> -> memref<128xi32, #tpu.memory_space<vmem>>
      %dma_start3A_47 = arith.constant 0 : i32
      %dma_start3A_48 = arith.constant 0 : i32
      %dma_start3A_49 = tpu.memref_slice %arg2[%dma_start3A_47, %dma_start3A_48] : memref<50000x16xf32, #tpu.memory_space<hbm>> -> memref<50000x16xf32, #tpu.memory_space<hbm>>
      tpu.enqueue_indirect_dma source(%dma_start3A_49 : memref<50000x16xf32, #tpu.memory_space<hbm>>) target(%dma_start3A_43 : memref<128x16xf32, #tpu.memory_space<vmem>>) offsets(%dma_start3A_46 : memref<128xi32, #tpu.memory_space<vmem>>) semaphore(%arg7 : memref<!tpu.dma_semaphore, #tpu.memory_space<semaphore_mem>>)
      %dma_start3A_50 = arith.constant 1 : i32
      %dma_start3A_51 = arith.constant 128 : i32
      %dma_start3A_52 = arith.constant 0 : i32
      %dma_start3A_53 = tpu.memref_slice %arg6[%dma_start3A_51, %dma_start3A_52] : memref<1024x16xf32, #tpu.memory_space<vmem>> -> memref<128x16xf32, #tpu.memory_space<vmem>>
      %dma_start3A_54 = arith.constant 0 : i32
      %dma_start3A_55 = tpu.memref_slice %arg5[%dma_start3A_50, %dma_start3A_54] : memref<8x128xi32, #tpu.memory_space<vmem>> -> memref<1x128xi32, #tpu.memory_space<vmem>>
      %dma_start3A_56 = tpu.memref_squeeze %dma_start3A_55 : memref<1x128xi32, #tpu.memory_space<vmem>> -> memref<128xi32, #tpu.memory_space<vmem>>
      %dma_start3A_57 = arith.constant 0 : i32
      %dma_start3A_58 = arith.constant 0 : i32
      %dma_start3A_59 = tpu.memref_slice %arg2[%dma_start3A_57, %dma_start3A_58] : memref<50000x16xf32, #tpu.memory_space<hbm>> -> memref<50000x16xf32, #tpu.memory_space<hbm>>
      tpu.enqueue_indirect_dma source(%dma_start3A_59 : memref<50000x16xf32, #tpu.memory_space<hbm>>) target(%dma_start3A_53 : memref<128x16xf32, #tpu.memory_space<vmem>>) offsets(%dma_start3A_56 : memref<128xi32, #tpu.memory_space<vmem>>) semaphore(%arg7 : memref<!tpu.dma_semaphore, #tpu.memory_space<semaphore_mem>>)
      %dma_start3A_60 = arith.constant 2 : i32
      %dma_start3A_61 = arith.constant 256 : i32
      %dma_start3A_62 = arith.constant 0 : i32
      %dma_start3A_63 = tpu.memref_slice %arg6[%dma_start3A_61, %dma_start3A_62] : memref<1024x16xf32, #tpu.memory_space<vmem>> -> memref<128x16xf32, #tpu.memory_space<vmem>>
      %dma_start3A_64 = arith.constant 0 : i32
      %dma_start3A_65 = tpu.memref_slice %arg5[%dma_start3A_60, %dma_start3A_64] : memref<8x128xi32, #tpu.memory_space<vmem>> -> memref<1x128xi32, #tpu.memory_space<vmem>>
      %dma_start3A_66 = tpu.memref_squeeze %dma_start3A_65 : memref<1x128xi32, #tpu.memory_space<vmem>> -> memref<128xi32, #tpu.memory_space<vmem>>
      %dma_start3A_67 = arith.constant 0 : i32
      %dma_start3A_68 = arith.constant 0 : i32
      %dma_start3A_69 = tpu.memref_slice %arg2[%dma_start3A_67, %dma_start3A_68] : memref<50000x16xf32, #tpu.memory_space<hbm>> -> memref<50000x16xf32, #tpu.memory_space<hbm>>
      tpu.enqueue_indirect_dma source(%dma_start3A_69 : memref<50000x16xf32, #tpu.memory_space<hbm>>) target(%dma_start3A_63 : memref<128x16xf32, #tpu.memory_space<vmem>>) offsets(%dma_start3A_66 : memref<128xi32, #tpu.memory_space<vmem>>) semaphore(%arg7 : memref<!tpu.dma_semaphore, #tpu.memory_space<semaphore_mem>>)
      %dma_start3A_70 = arith.constant 3 : i32
      %dma_start3A_71 = arith.constant 384 : i32
      %dma_start3A_72 = arith.constant 0 : i32
      %dma_start3A_73 = tpu.memref_slice %arg6[%dma_start3A_71, %dma_start3A_72] : memref<1024x16xf32, #tpu.memory_space<vmem>> -> memref<128x16xf32, #tpu.memory_space<vmem>>
      %dma_start3A_74 = arith.constant 0 : i32
      %dma_start3A_75 = tpu.memref_slice %arg5[%dma_start3A_70, %dma_start3A_74] : memref<8x128xi32, #tpu.memory_space<vmem>> -> memref<1x128xi32, #tpu.memory_space<vmem>>
      %dma_start3A_76 = tpu.memref_squeeze %dma_start3A_75 : memref<1x128xi32, #tpu.memory_space<vmem>> -> memref<128xi32, #tpu.memory_space<vmem>>
      %dma_start3A_77 = arith.constant 0 : i32
      %dma_start3A_78 = arith.constant 0 : i32
      %dma_start3A_79 = tpu.memref_slice %arg2[%dma_start3A_77, %dma_start3A_78] : memref<50000x16xf32, #tpu.memory_space<hbm>> -> memref<50000x16xf32, #tpu.memory_space<hbm>>
      tpu.enqueue_indirect_dma source(%dma_start3A_79 : memref<50000x16xf32, #tpu.memory_space<hbm>>) target(%dma_start3A_73 : memref<128x16xf32, #tpu.memory_space<vmem>>) offsets(%dma_start3A_76 : memref<128xi32, #tpu.memory_space<vmem>>) semaphore(%arg7 : memref<!tpu.dma_semaphore, #tpu.memory_space<semaphore_mem>>)
      %dma_start3A_80 = arith.constant 4 : i32
      %dma_start3A_81 = arith.constant 512 : i32
      %dma_start3A_82 = arith.constant 0 : i32
      %dma_start3A_83 = tpu.memref_slice %arg6[%dma_start3A_81, %dma_start3A_82] : memref<1024x16xf32, #tpu.memory_space<vmem>> -> memref<128x16xf32, #tpu.memory_space<vmem>>
      %dma_start3A_84 = arith.constant 0 : i32
      %dma_start3A_85 = tpu.memref_slice %arg5[%dma_start3A_80, %dma_start3A_84] : memref<8x128xi32, #tpu.memory_space<vmem>> -> memref<1x128xi32, #tpu.memory_space<vmem>>
      %dma_start3A_86 = tpu.memref_squeeze %dma_start3A_85 : memref<1x128xi32, #tpu.memory_space<vmem>> -> memref<128xi32, #tpu.memory_space<vmem>>
      %dma_start3A_87 = arith.constant 0 : i32
      %dma_start3A_88 = arith.constant 0 : i32
      %dma_start3A_89 = tpu.memref_slice %arg2[%dma_start3A_87, %dma_start3A_88] : memref<50000x16xf32, #tpu.memory_space<hbm>> -> memref<50000x16xf32, #tpu.memory_space<hbm>>
      tpu.enqueue_indirect_dma source(%dma_start3A_89 : memref<50000x16xf32, #tpu.memory_space<hbm>>) target(%dma_start3A_83 : memref<128x16xf32, #tpu.memory_space<vmem>>) offsets(%dma_start3A_86 : memref<128xi32, #tpu.memory_space<vmem>>) semaphore(%arg7 : memref<!tpu.dma_semaphore, #tpu.memory_space<semaphore_mem>>)
      %dma_start3A_90 = arith.constant 5 : i32
      %dma_start3A_91 = arith.constant 640 : i32
      %dma_start3A_92 = arith.constant 0 : i32
      %dma_start3A_93 = tpu.memref_slice %arg6[%dma_start3A_91, %dma_start3A_92] : memref<1024x16xf32, #tpu.memory_space<vmem>> -> memref<128x16xf32, #tpu.memory_space<vmem>>
      %dma_start3A_94 = arith.constant 0 : i32
      %dma_start3A_95 = tpu.memref_slice %arg5[%dma_start3A_90, %dma_start3A_94] : memref<8x128xi32, #tpu.memory_space<vmem>> -> memref<1x128xi32, #tpu.memory_space<vmem>>
      %dma_start3A_96 = tpu.memref_squeeze %dma_start3A_95 : memref<1x128xi32, #tpu.memory_space<vmem>> -> memref<128xi32, #tpu.memory_space<vmem>>
      %dma_start3A_97 = arith.constant 0 : i32
      %dma_start3A_98 = arith.constant 0 : i32
      %dma_start3A_99 = tpu.memref_slice %arg2[%dma_start3A_97, %dma_start3A_98] : memref<50000x16xf32, #tpu.memory_space<hbm>> -> memref<50000x16xf32, #tpu.memory_space<hbm>>
      tpu.enqueue_indirect_dma source(%dma_start3A_99 : memref<50000x16xf32, #tpu.memory_space<hbm>>) target(%dma_start3A_93 : memref<128x16xf32, #tpu.memory_space<vmem>>) offsets(%dma_start3A_96 : memref<128xi32, #tpu.memory_space<vmem>>) semaphore(%arg7 : memref<!tpu.dma_semaphore, #tpu.memory_space<semaphore_mem>>)
      %dma_start3A_100 = arith.constant 6 : i32
      %dma_start3A_101 = arith.constant 768 : i32
      %dma_start3A_102 = arith.constant 0 : i32
      %dma_start3A_103 = tpu.memref_slice %arg6[%dma_start3A_101, %dma_start3A_102] : memref<1024x16xf32, #tpu.memory_space<vmem>> -> memref<128x16xf32, #tpu.memory_space<vmem>>
      %dma_start3A_104 = arith.constant 0 : i32
      %dma_start3A_105 = tpu.memref_slice %arg5[%dma_start3A_100, %dma_start3A_104] : memref<8x128xi32, #tpu.memory_space<vmem>> -> memref<1x128xi32, #tpu.memory_space<vmem>>
      %dma_start3A_106 = tpu.memref_squeeze %dma_start3A_105 : memref<1x128xi32, #tpu.memory_space<vmem>> -> memref<128xi32, #tpu.memory_space<vmem>>
      %dma_start3A_107 = arith.constant 0 : i32
      %dma_start3A_108 = arith.constant 0 : i32
      %dma_start3A_109 = tpu.memref_slice %arg2[%dma_start3A_107, %dma_start3A_108] : memref<50000x16xf32, #tpu.memory_space<hbm>> -> memref<50000x16xf32, #tpu.memory_space<hbm>>
      tpu.enqueue_indirect_dma source(%dma_start3A_109 : memref<50000x16xf32, #tpu.memory_space<hbm>>) target(%dma_start3A_103 : memref<128x16xf32, #tpu.memory_space<vmem>>) offsets(%dma_start3A_106 : memref<128xi32, #tpu.memory_space<vmem>>) semaphore(%arg7 : memref<!tpu.dma_semaphore, #tpu.memory_space<semaphore_mem>>)
      %dma_start3A_110 = arith.constant 7 : i32
      %dma_start3A_111 = arith.constant 896 : i32
      %dma_start3A_112 = arith.constant 0 : i32
      %dma_start3A_113 = tpu.memref_slice %arg6[%dma_start3A_111, %dma_start3A_112] : memref<1024x16xf32, #tpu.memory_space<vmem>> -> memref<128x16xf32, #tpu.memory_space<vmem>>
      %dma_start3A_114 = arith.constant 0 : i32
      %dma_start3A_115 = tpu.memref_slice %arg5[%dma_start3A_110, %dma_start3A_114] : memref<8x128xi32, #tpu.memory_space<vmem>> -> memref<1x128xi32, #tpu.memory_space<vmem>>
      %dma_start3A_116 = tpu.memref_squeeze %dma_start3A_115 : memref<1x128xi32, #tpu.memory_space<vmem>> -> memref<128xi32, #tpu.memory_space<vmem>>
      %dma_start3A_117 = arith.constant 0 : i32
      %dma_start3A_118 = arith.constant 0 : i32
      %dma_start3A_119 = tpu.memref_slice %arg2[%dma_start3A_117, %dma_start3A_118] : memref<50000x16xf32, #tpu.memory_space<hbm>> -> memref<50000x16xf32, #tpu.memory_space<hbm>>
      tpu.enqueue_indirect_dma source(%dma_start3A_119 : memref<50000x16xf32, #tpu.memory_space<hbm>>) target(%dma_start3A_113 : memref<128x16xf32, #tpu.memory_space<vmem>>) offsets(%dma_start3A_116 : memref<128xi32, #tpu.memory_space<vmem>>) semaphore(%arg7 : memref<!tpu.dma_semaphore, #tpu.memory_space<semaphore_mem>>)
      %dma_wait3A = arith.constant 0 : i32
      %dma_wait3A_120 = arith.constant 0 : i32
      %dma_wait3A_121 = arith.constant 0 : i32
      %dma_wait3A_122 = tpu.memref_slice %arg6[%dma_wait3A_120, %dma_wait3A_121] : memref<1024x16xf32, #tpu.memory_space<vmem>> -> memref<128x16xf32, #tpu.memory_space<vmem>>
      %dma_wait3A_123 = arith.constant 0 : i32
      %dma_wait3A_124 = tpu.memref_slice %arg5[%dma_wait3A, %dma_wait3A_123] : memref<8x128xi32, #tpu.memory_space<vmem>> -> memref<1x128xi32, #tpu.memory_space<vmem>>
      %dma_wait3A_125 = tpu.memref_squeeze %dma_wait3A_124 : memref<1x128xi32, #tpu.memory_space<vmem>> -> memref<128xi32, #tpu.memory_space<vmem>>
      %dma_wait3A_126 = arith.constant 0 : i32
      %dma_wait3A_127 = arith.constant 0 : i32
      %dma_wait3A_128 = tpu.memref_slice %arg2[%dma_wait3A_126, %dma_wait3A_127] : memref<50000x16xf32, #tpu.memory_space<hbm>> -> memref<50000x16xf32, #tpu.memory_space<hbm>>
      tpu.wait_indirect_dma semaphore(%arg7 : memref<!tpu.dma_semaphore, #tpu.memory_space<semaphore_mem>>) src(%dma_wait3A_128 : memref<50000x16xf32, #tpu.memory_space<hbm>>) dst(%dma_wait3A_122 : memref<128x16xf32, #tpu.memory_space<vmem>>)
      %dma_wait3A_129 = arith.constant 1 : i32
      %dma_wait3A_130 = arith.constant 128 : i32
      %dma_wait3A_131 = arith.constant 0 : i32
      %dma_wait3A_132 = tpu.memref_slice %arg6[%dma_wait3A_130, %dma_wait3A_131] : memref<1024x16xf32, #tpu.memory_space<vmem>> -> memref<128x16xf32, #tpu.memory_space<vmem>>
      %dma_wait3A_133 = arith.constant 0 : i32
      %dma_wait3A_134 = tpu.memref_slice %arg5[%dma_wait3A_129, %dma_wait3A_133] : memref<8x128xi32, #tpu.memory_space<vmem>> -> memref<1x128xi32, #tpu.memory_space<vmem>>
      %dma_wait3A_135 = tpu.memref_squeeze %dma_wait3A_134 : memref<1x128xi32, #tpu.memory_space<vmem>> -> memref<128xi32, #tpu.memory_space<vmem>>
      %dma_wait3A_136 = arith.constant 0 : i32
      %dma_wait3A_137 = arith.constant 0 : i32
      %dma_wait3A_138 = tpu.memref_slice %arg2[%dma_wait3A_136, %dma_wait3A_137] : memref<50000x16xf32, #tpu.memory_space<hbm>> -> memref<50000x16xf32, #tpu.memory_space<hbm>>
      tpu.wait_indirect_dma semaphore(%arg7 : memref<!tpu.dma_semaphore, #tpu.memory_space<semaphore_mem>>) src(%dma_wait3A_138 : memref<50000x16xf32, #tpu.memory_space<hbm>>) dst(%dma_wait3A_132 : memref<128x16xf32, #tpu.memory_space<vmem>>)
      %dma_wait3A_139 = arith.constant 2 : i32
      %dma_wait3A_140 = arith.constant 256 : i32
      %dma_wait3A_141 = arith.constant 0 : i32
      %dma_wait3A_142 = tpu.memref_slice %arg6[%dma_wait3A_140, %dma_wait3A_141] : memref<1024x16xf32, #tpu.memory_space<vmem>> -> memref<128x16xf32, #tpu.memory_space<vmem>>
      %dma_wait3A_143 = arith.constant 0 : i32
      %dma_wait3A_144 = tpu.memref_slice %arg5[%dma_wait3A_139, %dma_wait3A_143] : memref<8x128xi32, #tpu.memory_space<vmem>> -> memref<1x128xi32, #tpu.memory_space<vmem>>
      %dma_wait3A_145 = tpu.memref_squeeze %dma_wait3A_144 : memref<1x128xi32, #tpu.memory_space<vmem>> -> memref<128xi32, #tpu.memory_space<vmem>>
      %dma_wait3A_146 = arith.constant 0 : i32
      %dma_wait3A_147 = arith.constant 0 : i32
      %dma_wait3A_148 = tpu.memref_slice %arg2[%dma_wait3A_146, %dma_wait3A_147] : memref<50000x16xf32, #tpu.memory_space<hbm>> -> memref<50000x16xf32, #tpu.memory_space<hbm>>
      tpu.wait_indirect_dma semaphore(%arg7 : memref<!tpu.dma_semaphore, #tpu.memory_space<semaphore_mem>>) src(%dma_wait3A_148 : memref<50000x16xf32, #tpu.memory_space<hbm>>) dst(%dma_wait3A_142 : memref<128x16xf32, #tpu.memory_space<vmem>>)
      %dma_wait3A_149 = arith.constant 3 : i32
      %dma_wait3A_150 = arith.constant 384 : i32
      %dma_wait3A_151 = arith.constant 0 : i32
      %dma_wait3A_152 = tpu.memref_slice %arg6[%dma_wait3A_150, %dma_wait3A_151] : memref<1024x16xf32, #tpu.memory_space<vmem>> -> memref<128x16xf32, #tpu.memory_space<vmem>>
      %dma_wait3A_153 = arith.constant 0 : i32
      %dma_wait3A_154 = tpu.memref_slice %arg5[%dma_wait3A_149, %dma_wait3A_153] : memref<8x128xi32, #tpu.memory_space<vmem>> -> memref<1x128xi32, #tpu.memory_space<vmem>>
      %dma_wait3A_155 = tpu.memref_squeeze %dma_wait3A_154 : memref<1x128xi32, #tpu.memory_space<vmem>> -> memref<128xi32, #tpu.memory_space<vmem>>
      %dma_wait3A_156 = arith.constant 0 : i32
      %dma_wait3A_157 = arith.constant 0 : i32
      %dma_wait3A_158 = tpu.memref_slice %arg2[%dma_wait3A_156, %dma_wait3A_157] : memref<50000x16xf32, #tpu.memory_space<hbm>> -> memref<50000x16xf32, #tpu.memory_space<hbm>>
      tpu.wait_indirect_dma semaphore(%arg7 : memref<!tpu.dma_semaphore, #tpu.memory_space<semaphore_mem>>) src(%dma_wait3A_158 : memref<50000x16xf32, #tpu.memory_space<hbm>>) dst(%dma_wait3A_152 : memref<128x16xf32, #tpu.memory_space<vmem>>)
      %dma_wait3A_159 = arith.constant 4 : i32
      %dma_wait3A_160 = arith.constant 512 : i32
      %dma_wait3A_161 = arith.constant 0 : i32
      %dma_wait3A_162 = tpu.memref_slice %arg6[%dma_wait3A_160, %dma_wait3A_161] : memref<1024x16xf32, #tpu.memory_space<vmem>> -> memref<128x16xf32, #tpu.memory_space<vmem>>
      %dma_wait3A_163 = arith.constant 0 : i32
      %dma_wait3A_164 = tpu.memref_slice %arg5[%dma_wait3A_159, %dma_wait3A_163] : memref<8x128xi32, #tpu.memory_space<vmem>> -> memref<1x128xi32, #tpu.memory_space<vmem>>
      %dma_wait3A_165 = tpu.memref_squeeze %dma_wait3A_164 : memref<1x128xi32, #tpu.memory_space<vmem>> -> memref<128xi32, #tpu.memory_space<vmem>>
      %dma_wait3A_166 = arith.constant 0 : i32
      %dma_wait3A_167 = arith.constant 0 : i32
      %dma_wait3A_168 = tpu.memref_slice %arg2[%dma_wait3A_166, %dma_wait3A_167] : memref<50000x16xf32, #tpu.memory_space<hbm>> -> memref<50000x16xf32, #tpu.memory_space<hbm>>
      tpu.wait_indirect_dma semaphore(%arg7 : memref<!tpu.dma_semaphore, #tpu.memory_space<semaphore_mem>>) src(%dma_wait3A_168 : memref<50000x16xf32, #tpu.memory_space<hbm>>) dst(%dma_wait3A_162 : memref<128x16xf32, #tpu.memory_space<vmem>>)
      %dma_wait3A_169 = arith.constant 5 : i32
      %dma_wait3A_170 = arith.constant 640 : i32
      %dma_wait3A_171 = arith.constant 0 : i32
      %dma_wait3A_172 = tpu.memref_slice %arg6[%dma_wait3A_170, %dma_wait3A_171] : memref<1024x16xf32, #tpu.memory_space<vmem>> -> memref<128x16xf32, #tpu.memory_space<vmem>>
      %dma_wait3A_173 = arith.constant 0 : i32
      %dma_wait3A_174 = tpu.memref_slice %arg5[%dma_wait3A_169, %dma_wait3A_173] : memref<8x128xi32, #tpu.memory_space<vmem>> -> memref<1x128xi32, #tpu.memory_space<vmem>>
      %dma_wait3A_175 = tpu.memref_squeeze %dma_wait3A_174 : memref<1x128xi32, #tpu.memory_space<vmem>> -> memref<128xi32, #tpu.memory_space<vmem>>
      %dma_wait3A_176 = arith.constant 0 : i32
      %dma_wait3A_177 = arith.constant 0 : i32
      %dma_wait3A_178 = tpu.memref_slice %arg2[%dma_wait3A_176, %dma_wait3A_177] : memref<50000x16xf32, #tpu.memory_space<hbm>> -> memref<50000x16xf32, #tpu.memory_space<hbm>>
      tpu.wait_indirect_dma semaphore(%arg7 : memref<!tpu.dma_semaphore, #tpu.memory_space<semaphore_mem>>) src(%dma_wait3A_178 : memref<50000x16xf32, #tpu.memory_space<hbm>>) dst(%dma_wait3A_172 : memref<128x16xf32, #tpu.memory_space<vmem>>)
      %dma_wait3A_179 = arith.constant 6 : i32
      %dma_wait3A_180 = arith.constant 768 : i32
      %dma_wait3A_181 = arith.constant 0 : i32
      %dma_wait3A_182 = tpu.memref_slice %arg6[%dma_wait3A_180, %dma_wait3A_181] : memref<1024x16xf32, #tpu.memory_space<vmem>> -> memref<128x16xf32, #tpu.memory_space<vmem>>
      %dma_wait3A_183 = arith.constant 0 : i32
      %dma_wait3A_184 = tpu.memref_slice %arg5[%dma_wait3A_179, %dma_wait3A_183] : memref<8x128xi32, #tpu.memory_space<vmem>> -> memref<1x128xi32, #tpu.memory_space<vmem>>
      %dma_wait3A_185 = tpu.memref_squeeze %dma_wait3A_184 : memref<1x128xi32, #tpu.memory_space<vmem>> -> memref<128xi32, #tpu.memory_space<vmem>>
      %dma_wait3A_186 = arith.constant 0 : i32
      %dma_wait3A_187 = arith.constant 0 : i32
      %dma_wait3A_188 = tpu.memref_slice %arg2[%dma_wait3A_186, %dma_wait3A_187] : memref<50000x16xf32, #tpu.memory_space<hbm>> -> memref<50000x16xf32, #tpu.memory_space<hbm>>
      tpu.wait_indirect_dma semaphore(%arg7 : memref<!tpu.dma_semaphore, #tpu.memory_space<semaphore_mem>>) src(%dma_wait3A_188 : memref<50000x16xf32, #tpu.memory_space<hbm>>) dst(%dma_wait3A_182 : memref<128x16xf32, #tpu.memory_space<vmem>>)
      %dma_wait3A_189 = arith.constant 7 : i32
      %dma_wait3A_190 = arith.constant 896 : i32
      %dma_wait3A_191 = arith.constant 0 : i32
      %dma_wait3A_192 = tpu.memref_slice %arg6[%dma_wait3A_190, %dma_wait3A_191] : memref<1024x16xf32, #tpu.memory_space<vmem>> -> memref<128x16xf32, #tpu.memory_space<vmem>>
      %dma_wait3A_193 = arith.constant 0 : i32
      %dma_wait3A_194 = tpu.memref_slice %arg5[%dma_wait3A_189, %dma_wait3A_193] : memref<8x128xi32, #tpu.memory_space<vmem>> -> memref<1x128xi32, #tpu.memory_space<vmem>>
      %dma_wait3A_195 = tpu.memref_squeeze %dma_wait3A_194 : memref<1x128xi32, #tpu.memory_space<vmem>> -> memref<128xi32, #tpu.memory_space<vmem>>
      %dma_wait3A_196 = arith.constant 0 : i32
      %dma_wait3A_197 = arith.constant 0 : i32
      %dma_wait3A_198 = tpu.memref_slice %arg2[%dma_wait3A_196, %dma_wait3A_197] : memref<50000x16xf32, #tpu.memory_space<hbm>> -> memref<50000x16xf32, #tpu.memory_space<hbm>>
      tpu.wait_indirect_dma semaphore(%arg7 : memref<!tpu.dma_semaphore, #tpu.memory_space<semaphore_mem>>) src(%dma_wait3A_198 : memref<50000x16xf32, #tpu.memory_space<hbm>>) dst(%dma_wait3A_192 : memref<128x16xf32, #tpu.memory_space<vmem>>)
      %mul3A_199 = arith.constant 1024 : i32
      %mul3A_200 = arith.muli %add3A_38, %mul3A_199 : i32
      "tpu.region"() ({
        %run_scoped3A = tpu.sem_alloc : memref<!tpu.dma_semaphore, #tpu.memory_space<semaphore_mem>>
        %dma_start3A_202 = arith.constant 0 : i32
        %dma_start3A_203 = tpu.memref_slice %arg4[%mul3A_200, %dma_start3A_202] : memref<802816x16xf32, #tpu.memory_space<hbm>> -> memref<1024x16xf32, #tpu.memory_space<hbm>>
        %dma_start3A_204 = arith.constant 0 : i32
        %dma_start3A_205 = tpu.memref_slice %arg4[%mul3A_200, %dma_start3A_204] : memref<802816x16xf32, #tpu.memory_space<hbm>> -> memref<1024x16xf32, #tpu.memory_space<hbm>>
        tpu.enqueue_dma source(%arg6 : memref<1024x16xf32, #tpu.memory_space<vmem>>) target(%dma_start3A_205 : memref<1024x16xf32, #tpu.memory_space<hbm>>) target_semaphore(%run_scoped3A : memref<!tpu.dma_semaphore, #tpu.memory_space<semaphore_mem>>)
        %dma_wait3A_206 = arith.constant 0 : i32
        %dma_wait3A_207 = tpu.memref_slice %arg4[%mul3A_200, %dma_wait3A_206] : memref<802816x16xf32, #tpu.memory_space<hbm>> -> memref<1024x16xf32, #tpu.memory_space<hbm>>
        %dma_wait3A_208 = arith.constant 0 : i32
        %dma_wait3A_209 = tpu.memref_slice %arg4[%mul3A_200, %dma_wait3A_208] : memref<802816x16xf32, #tpu.memory_space<hbm>> -> memref<1024x16xf32, #tpu.memory_space<hbm>>
        tpu.wait_dma2 semaphore(%run_scoped3A : memref<!tpu.dma_semaphore, #tpu.memory_space<semaphore_mem>>) src(%arg6 : memref<1024x16xf32, #tpu.memory_space<vmem>>) dst(%dma_wait3A_209 : memref<1024x16xf32, #tpu.memory_space<hbm>>)
        tpu.yield
      }) : () -> ()
      %while3A_201 = arith.constant 0 : i32
      scf.yield %while3A_201 : i32
    }
    %while3A_32 = arith.constant 1 : i32
    %while3A_33 = scf.for %while3A_34 = %while3A_29 to %while3A_25 step %while3A_32 iter_args(%while3A_35 = %while3A_31) -> (i32)  : i32 {
      %mul3A_36 = arith.constant 32 : i32
      %mul3A_37 = arith.muli %while3A_34, %mul3A_36 : i32
      %add3A_38 = arith.addi %add3A, %mul3A_37 : i32
      %mul3A_39 = arith.constant 8 : i32
      %mul3A_40 = arith.muli %add3A_38, %mul3A_39 : i32
      "tpu.region"() ({
        %run_scoped3A = tpu.sem_alloc : memref<!tpu.dma_semaphore, #tpu.memory_space<semaphore_mem>>
        %dma_start3A_202 = arith.constant 0 : i32
        %dma_start3A_203 = tpu.memref_slice %arg3[%mul3A_40, %dma_start3A_202] : memref<6272x128xi32, #tpu.memory_space<hbm>> -> memref<8x128xi32, #tpu.memory_space<hbm>>
        %dma_start3A_204 = arith.constant 0 : i32
        %dma_start3A_205 = tpu.memref_slice %arg3[%mul3A_40, %dma_start3A_204] : memref<6272x128xi32, #tpu.memory_space<hbm>> -> memref<8x128xi32, #tpu.memory_space<hbm>>
        tpu.enqueue_dma source(%dma_start3A_205 : memref<8x128xi32, #tpu.memory_space<hbm>>) target(%arg5 : memref<8x128xi32, #tpu.memory_space<vmem>>) target_semaphore(%run_scoped3A : memref<!tpu.dma_semaphore, #tpu.memory_space<semaphore_mem>>)
        %dma_wait3A_206 = arith.constant 0 : i32
        %dma_wait3A_207 = tpu.memref_slice %arg3[%mul3A_40, %dma_wait3A_206] : memref<6272x128xi32, #tpu.memory_space<hbm>> -> memref<8x128xi32, #tpu.memory_space<hbm>>
        %dma_wait3A_208 = arith.constant 0 : i32
        %dma_wait3A_209 = tpu.memref_slice %arg3[%mul3A_40, %dma_wait3A_208] : memref<6272x128xi32, #tpu.memory_space<hbm>> -> memref<8x128xi32, #tpu.memory_space<hbm>>
        tpu.wait_dma2 semaphore(%run_scoped3A : memref<!tpu.dma_semaphore, #tpu.memory_space<semaphore_mem>>) src(%dma_wait3A_209 : memref<8x128xi32, #tpu.memory_space<hbm>>) dst(%arg5 : memref<8x128xi32, #tpu.memory_space<vmem>>)
        tpu.yield
      }) : () -> ()
      %dma_start3A = arith.constant 0 : i32
      %dma_start3A_41 = arith.constant 0 : i32
      %dma_start3A_42 = arith.constant 0 : i32
      %dma_start3A_43 = tpu.memref_slice %arg6[%dma_start3A_41, %dma_start3A_42] : memref<1024x16xf32, #tpu.memory_space<vmem>> -> memref<128x16xf32, #tpu.memory_space<vmem>>
      %dma_start3A_44 = arith.constant 0 : i32
      %dma_start3A_45 = tpu.memref_slice %arg5[%dma_start3A, %dma_start3A_44] : memref<8x128xi32, #tpu.memory_space<vmem>> -> memref<1x128xi32, #tpu.memory_space<vmem>>
      %dma_start3A_46 = tpu.memref_squeeze %dma_start3A_45 : memref<1x128xi32, #tpu.memory_space<vmem>> -> memref<128xi32, #tpu.memory_space<vmem>>
      %dma_start3A_47 = arith.constant 0 : i32
      %dma_start3A_48 = arith.constant 0 : i32
      %dma_start3A_49 = tpu.memref_slice %arg2[%dma_start3A_47, %dma_start3A_48] : memref<50000x16xf32, #tpu.memory_space<hbm>> -> memref<50000x16xf32, #tpu.memory_space<hbm>>
      tpu.enqueue_indirect_dma source(%dma_start3A_49 : memref<50000x16xf32, #tpu.memory_space<hbm>>) target(%dma_start3A_43 : memref<128x16xf32, #tpu.memory_space<vmem>>) offsets(%dma_start3A_46 : memref<128xi32, #tpu.memory_space<vmem>>) semaphore(%arg7 : memref<!tpu.dma_semaphore, #tpu.memory_space<semaphore_mem>>)
      %dma_start3A_50 = arith.constant 1 : i32
      %dma_start3A_51 = arith.constant 128 : i32
      %dma_start3A_52 = arith.constant 0 : i32
      %dma_start3A_53 = tpu.memref_slice %arg6[%dma_start3A_51, %dma_start3A_52] : memref<1024x16xf32, #tpu.memory_space<vmem>> -> memref<128x16xf32, #tpu.memory_space<vmem>>
      %dma_start3A_54 = arith.constant 0 : i32
      %dma_start3A_55 = tpu.memref_slice %arg5[%dma_start3A_50, %dma_start3A_54] : memref<8x128xi32, #tpu.memory_space<vmem>> -> memref<1x128xi32, #tpu.memory_space<vmem>>
      %dma_start3A_56 = tpu.memref_squeeze %dma_start3A_55 : memref<1x128xi32, #tpu.memory_space<vmem>> -> memref<128xi32, #tpu.memory_space<vmem>>
      %dma_start3A_57 = arith.constant 0 : i32
      %dma_start3A_58 = arith.constant 0 : i32
      %dma_start3A_59 = tpu.memref_slice %arg2[%dma_start3A_57, %dma_start3A_58] : memref<50000x16xf32, #tpu.memory_space<hbm>> -> memref<50000x16xf32, #tpu.memory_space<hbm>>
      tpu.enqueue_indirect_dma source(%dma_start3A_59 : memref<50000x16xf32, #tpu.memory_space<hbm>>) target(%dma_start3A_53 : memref<128x16xf32, #tpu.memory_space<vmem>>) offsets(%dma_start3A_56 : memref<128xi32, #tpu.memory_space<vmem>>) semaphore(%arg7 : memref<!tpu.dma_semaphore, #tpu.memory_space<semaphore_mem>>)
      %dma_start3A_60 = arith.constant 2 : i32
      %dma_start3A_61 = arith.constant 256 : i32
      %dma_start3A_62 = arith.constant 0 : i32
      %dma_start3A_63 = tpu.memref_slice %arg6[%dma_start3A_61, %dma_start3A_62] : memref<1024x16xf32, #tpu.memory_space<vmem>> -> memref<128x16xf32, #tpu.memory_space<vmem>>
      %dma_start3A_64 = arith.constant 0 : i32
      %dma_start3A_65 = tpu.memref_slice %arg5[%dma_start3A_60, %dma_start3A_64] : memref<8x128xi32, #tpu.memory_space<vmem>> -> memref<1x128xi32, #tpu.memory_space<vmem>>
      %dma_start3A_66 = tpu.memref_squeeze %dma_start3A_65 : memref<1x128xi32, #tpu.memory_space<vmem>> -> memref<128xi32, #tpu.memory_space<vmem>>
      %dma_start3A_67 = arith.constant 0 : i32
      %dma_start3A_68 = arith.constant 0 : i32
      %dma_start3A_69 = tpu.memref_slice %arg2[%dma_start3A_67, %dma_start3A_68] : memref<50000x16xf32, #tpu.memory_space<hbm>> -> memref<50000x16xf32, #tpu.memory_space<hbm>>
      tpu.enqueue_indirect_dma source(%dma_start3A_69 : memref<50000x16xf32, #tpu.memory_space<hbm>>) target(%dma_start3A_63 : memref<128x16xf32, #tpu.memory_space<vmem>>) offsets(%dma_start3A_66 : memref<128xi32, #tpu.memory_space<vmem>>) semaphore(%arg7 : memref<!tpu.dma_semaphore, #tpu.memory_space<semaphore_mem>>)
      %dma_start3A_70 = arith.constant 3 : i32
      %dma_start3A_71 = arith.constant 384 : i32
      %dma_start3A_72 = arith.constant 0 : i32
      %dma_start3A_73 = tpu.memref_slice %arg6[%dma_start3A_71, %dma_start3A_72] : memref<1024x16xf32, #tpu.memory_space<vmem>> -> memref<128x16xf32, #tpu.memory_space<vmem>>
      %dma_start3A_74 = arith.constant 0 : i32
      %dma_start3A_75 = tpu.memref_slice %arg5[%dma_start3A_70, %dma_start3A_74] : memref<8x128xi32, #tpu.memory_space<vmem>> -> memref<1x128xi32, #tpu.memory_space<vmem>>
      %dma_start3A_76 = tpu.memref_squeeze %dma_start3A_75 : memref<1x128xi32, #tpu.memory_space<vmem>> -> memref<128xi32, #tpu.memory_space<vmem>>
      %dma_start3A_77 = arith.constant 0 : i32
      %dma_start3A_78 = arith.constant 0 : i32
      %dma_start3A_79 = tpu.memref_slice %arg2[%dma_start3A_77, %dma_start3A_78] : memref<50000x16xf32, #tpu.memory_space<hbm>> -> memref<50000x16xf32, #tpu.memory_space<hbm>>
      tpu.enqueue_indirect_dma source(%dma_start3A_79 : memref<50000x16xf32, #tpu.memory_space<hbm>>) target(%dma_start3A_73 : memref<128x16xf32, #tpu.memory_space<vmem>>) offsets(%dma_start3A_76 : memref<128xi32, #tpu.memory_space<vmem>>) semaphore(%arg7 : memref<!tpu.dma_semaphore, #tpu.memory_space<semaphore_mem>>)
      %dma_start3A_80 = arith.constant 4 : i32
      %dma_start3A_81 = arith.constant 512 : i32
      %dma_start3A_82 = arith.constant 0 : i32
      %dma_start3A_83 = tpu.memref_slice %arg6[%dma_start3A_81, %dma_start3A_82] : memref<1024x16xf32, #tpu.memory_space<vmem>> -> memref<128x16xf32, #tpu.memory_space<vmem>>
      %dma_start3A_84 = arith.constant 0 : i32
      %dma_start3A_85 = tpu.memref_slice %arg5[%dma_start3A_80, %dma_start3A_84] : memref<8x128xi32, #tpu.memory_space<vmem>> -> memref<1x128xi32, #tpu.memory_space<vmem>>
      %dma_start3A_86 = tpu.memref_squeeze %dma_start3A_85 : memref<1x128xi32, #tpu.memory_space<vmem>> -> memref<128xi32, #tpu.memory_space<vmem>>
      %dma_start3A_87 = arith.constant 0 : i32
      %dma_start3A_88 = arith.constant 0 : i32
      %dma_start3A_89 = tpu.memref_slice %arg2[%dma_start3A_87, %dma_start3A_88] : memref<50000x16xf32, #tpu.memory_space<hbm>> -> memref<50000x16xf32, #tpu.memory_space<hbm>>
      tpu.enqueue_indirect_dma source(%dma_start3A_89 : memref<50000x16xf32, #tpu.memory_space<hbm>>) target(%dma_start3A_83 : memref<128x16xf32, #tpu.memory_space<vmem>>) offsets(%dma_start3A_86 : memref<128xi32, #tpu.memory_space<vmem>>) semaphore(%arg7 : memref<!tpu.dma_semaphore, #tpu.memory_space<semaphore_mem>>)
      %dma_start3A_90 = arith.constant 5 : i32
      %dma_start3A_91 = arith.constant 640 : i32
      %dma_start3A_92 = arith.constant 0 : i32
      %dma_start3A_93 = tpu.memref_slice %arg6[%dma_start3A_91, %dma_start3A_92] : memref<1024x16xf32, #tpu.memory_space<vmem>> -> memref<128x16xf32, #tpu.memory_space<vmem>>
      %dma_start3A_94 = arith.constant 0 : i32
      %dma_start3A_95 = tpu.memref_slice %arg5[%dma_start3A_90, %dma_start3A_94] : memref<8x128xi32, #tpu.memory_space<vmem>> -> memref<1x128xi32, #tpu.memory_space<vmem>>
      %dma_start3A_96 = tpu.memref_squeeze %dma_start3A_95 : memref<1x128xi32, #tpu.memory_space<vmem>> -> memref<128xi32, #tpu.memory_space<vmem>>
      %dma_start3A_97 = arith.constant 0 : i32
      %dma_start3A_98 = arith.constant 0 : i32
      %dma_start3A_99 = tpu.memref_slice %arg2[%dma_start3A_97, %dma_start3A_98] : memref<50000x16xf32, #tpu.memory_space<hbm>> -> memref<50000x16xf32, #tpu.memory_space<hbm>>
      tpu.enqueue_indirect_dma source(%dma_start3A_99 : memref<50000x16xf32, #tpu.memory_space<hbm>>) target(%dma_start3A_93 : memref<128x16xf32, #tpu.memory_space<vmem>>) offsets(%dma_start3A_96 : memref<128xi32, #tpu.memory_space<vmem>>) semaphore(%arg7 : memref<!tpu.dma_semaphore, #tpu.memory_space<semaphore_mem>>)
      %dma_start3A_100 = arith.constant 6 : i32
      %dma_start3A_101 = arith.constant 768 : i32
      %dma_start3A_102 = arith.constant 0 : i32
      %dma_start3A_103 = tpu.memref_slice %arg6[%dma_start3A_101, %dma_start3A_102] : memref<1024x16xf32, #tpu.memory_space<vmem>> -> memref<128x16xf32, #tpu.memory_space<vmem>>
      %dma_start3A_104 = arith.constant 0 : i32
      %dma_start3A_105 = tpu.memref_slice %arg5[%dma_start3A_100, %dma_start3A_104] : memref<8x128xi32, #tpu.memory_space<vmem>> -> memref<1x128xi32, #tpu.memory_space<vmem>>
      %dma_start3A_106 = tpu.memref_squeeze %dma_start3A_105 : memref<1x128xi32, #tpu.memory_space<vmem>> -> memref<128xi32, #tpu.memory_space<vmem>>
      %dma_start3A_107 = arith.constant 0 : i32
      %dma_start3A_108 = arith.constant 0 : i32
      %dma_start3A_109 = tpu.memref_slice %arg2[%dma_start3A_107, %dma_start3A_108] : memref<50000x16xf32, #tpu.memory_space<hbm>> -> memref<50000x16xf32, #tpu.memory_space<hbm>>
      tpu.enqueue_indirect_dma source(%dma_start3A_109 : memref<50000x16xf32, #tpu.memory_space<hbm>>) target(%dma_start3A_103 : memref<128x16xf32, #tpu.memory_space<vmem>>) offsets(%dma_start3A_106 : memref<128xi32, #tpu.memory_space<vmem>>) semaphore(%arg7 : memref<!tpu.dma_semaphore, #tpu.memory_space<semaphore_mem>>)
      %dma_start3A_110 = arith.constant 7 : i32
      %dma_start3A_111 = arith.constant 896 : i32
      %dma_start3A_112 = arith.constant 0 : i32
      %dma_start3A_113 = tpu.memref_slice %arg6[%dma_start3A_111, %dma_start3A_112] : memref<1024x16xf32, #tpu.memory_space<vmem>> -> memref<128x16xf32, #tpu.memory_space<vmem>>
      %dma_start3A_114 = arith.constant 0 : i32
      %dma_start3A_115 = tpu.memref_slice %arg5[%dma_start3A_110, %dma_start3A_114] : memref<8x128xi32, #tpu.memory_space<vmem>> -> memref<1x128xi32, #tpu.memory_space<vmem>>
      %dma_start3A_116 = tpu.memref_squeeze %dma_start3A_115 : memref<1x128xi32, #tpu.memory_space<vmem>> -> memref<128xi32, #tpu.memory_space<vmem>>
      %dma_start3A_117 = arith.constant 0 : i32
      %dma_start3A_118 = arith.constant 0 : i32
      %dma_start3A_119 = tpu.memref_slice %arg2[%dma_start3A_117, %dma_start3A_118] : memref<50000x16xf32, #tpu.memory_space<hbm>> -> memref<50000x16xf32, #tpu.memory_space<hbm>>
      tpu.enqueue_indirect_dma source(%dma_start3A_119 : memref<50000x16xf32, #tpu.memory_space<hbm>>) target(%dma_start3A_113 : memref<128x16xf32, #tpu.memory_space<vmem>>) offsets(%dma_start3A_116 : memref<128xi32, #tpu.memory_space<vmem>>) semaphore(%arg7 : memref<!tpu.dma_semaphore, #tpu.memory_space<semaphore_mem>>)
      %dma_wait3A = arith.constant 0 : i32
      %dma_wait3A_120 = arith.constant 0 : i32
      %dma_wait3A_121 = arith.constant 0 : i32
      %dma_wait3A_122 = tpu.memref_slice %arg6[%dma_wait3A_120, %dma_wait3A_121] : memref<1024x16xf32, #tpu.memory_space<vmem>> -> memref<128x16xf32, #tpu.memory_space<vmem>>
      %dma_wait3A_123 = arith.constant 0 : i32
      %dma_wait3A_124 = tpu.memref_slice %arg5[%dma_wait3A, %dma_wait3A_123] : memref<8x128xi32, #tpu.memory_space<vmem>> -> memref<1x128xi32, #tpu.memory_space<vmem>>
      %dma_wait3A_125 = tpu.memref_squeeze %dma_wait3A_124 : memref<1x128xi32, #tpu.memory_space<vmem>> -> memref<128xi32, #tpu.memory_space<vmem>>
      %dma_wait3A_126 = arith.constant 0 : i32
      %dma_wait3A_127 = arith.constant 0 : i32
      %dma_wait3A_128 = tpu.memref_slice %arg2[%dma_wait3A_126, %dma_wait3A_127] : memref<50000x16xf32, #tpu.memory_space<hbm>> -> memref<50000x16xf32, #tpu.memory_space<hbm>>
      tpu.wait_indirect_dma semaphore(%arg7 : memref<!tpu.dma_semaphore, #tpu.memory_space<semaphore_mem>>) src(%dma_wait3A_128 : memref<50000x16xf32, #tpu.memory_space<hbm>>) dst(%dma_wait3A_122 : memref<128x16xf32, #tpu.memory_space<vmem>>)
      %dma_wait3A_129 = arith.constant 1 : i32
      %dma_wait3A_130 = arith.constant 128 : i32
      %dma_wait3A_131 = arith.constant 0 : i32
      %dma_wait3A_132 = tpu.memref_slice %arg6[%dma_wait3A_130, %dma_wait3A_131] : memref<1024x16xf32, #tpu.memory_space<vmem>> -> memref<128x16xf32, #tpu.memory_space<vmem>>
      %dma_wait3A_133 = arith.constant 0 : i32
      %dma_wait3A_134 = tpu.memref_slice %arg5[%dma_wait3A_129, %dma_wait3A_133] : memref<8x128xi32, #tpu.memory_space<vmem>> -> memref<1x128xi32, #tpu.memory_space<vmem>>
      %dma_wait3A_135 = tpu.memref_squeeze %dma_wait3A_134 : memref<1x128xi32, #tpu.memory_space<vmem>> -> memref<128xi32, #tpu.memory_space<vmem>>
      %dma_wait3A_136 = arith.constant 0 : i32
      %dma_wait3A_137 = arith.constant 0 : i32
      %dma_wait3A_138 = tpu.memref_slice %arg2[%dma_wait3A_136, %dma_wait3A_137] : memref<50000x16xf32, #tpu.memory_space<hbm>> -> memref<50000x16xf32, #tpu.memory_space<hbm>>
      tpu.wait_indirect_dma semaphore(%arg7 : memref<!tpu.dma_semaphore, #tpu.memory_space<semaphore_mem>>) src(%dma_wait3A_138 : memref<50000x16xf32, #tpu.memory_space<hbm>>) dst(%dma_wait3A_132 : memref<128x16xf32, #tpu.memory_space<vmem>>)
      %dma_wait3A_139 = arith.constant 2 : i32
      %dma_wait3A_140 = arith.constant 256 : i32
      %dma_wait3A_141 = arith.constant 0 : i32
      %dma_wait3A_142 = tpu.memref_slice %arg6[%dma_wait3A_140, %dma_wait3A_141] : memref<1024x16xf32, #tpu.memory_space<vmem>> -> memref<128x16xf32, #tpu.memory_space<vmem>>
      %dma_wait3A_143 = arith.constant 0 : i32
      %dma_wait3A_144 = tpu.memref_slice %arg5[%dma_wait3A_139, %dma_wait3A_143] : memref<8x128xi32, #tpu.memory_space<vmem>> -> memref<1x128xi32, #tpu.memory_space<vmem>>
      %dma_wait3A_145 = tpu.memref_squeeze %dma_wait3A_144 : memref<1x128xi32, #tpu.memory_space<vmem>> -> memref<128xi32, #tpu.memory_space<vmem>>
      %dma_wait3A_146 = arith.constant 0 : i32
      %dma_wait3A_147 = arith.constant 0 : i32
      %dma_wait3A_148 = tpu.memref_slice %arg2[%dma_wait3A_146, %dma_wait3A_147] : memref<50000x16xf32, #tpu.memory_space<hbm>> -> memref<50000x16xf32, #tpu.memory_space<hbm>>
      tpu.wait_indirect_dma semaphore(%arg7 : memref<!tpu.dma_semaphore, #tpu.memory_space<semaphore_mem>>) src(%dma_wait3A_148 : memref<50000x16xf32, #tpu.memory_space<hbm>>) dst(%dma_wait3A_142 : memref<128x16xf32, #tpu.memory_space<vmem>>)
      %dma_wait3A_149 = arith.constant 3 : i32
      %dma_wait3A_150 = arith.constant 384 : i32
      %dma_wait3A_151 = arith.constant 0 : i32
      %dma_wait3A_152 = tpu.memref_slice %arg6[%dma_wait3A_150, %dma_wait3A_151] : memref<1024x16xf32, #tpu.memory_space<vmem>> -> memref<128x16xf32, #tpu.memory_space<vmem>>
      %dma_wait3A_153 = arith.constant 0 : i32
      %dma_wait3A_154 = tpu.memref_slice %arg5[%dma_wait3A_149, %dma_wait3A_153] : memref<8x128xi32, #tpu.memory_space<vmem>> -> memref<1x128xi32, #tpu.memory_space<vmem>>
      %dma_wait3A_155 = tpu.memref_squeeze %dma_wait3A_154 : memref<1x128xi32, #tpu.memory_space<vmem>> -> memref<128xi32, #tpu.memory_space<vmem>>
      %dma_wait3A_156 = arith.constant 0 : i32
      %dma_wait3A_157 = arith.constant 0 : i32
      %dma_wait3A_158 = tpu.memref_slice %arg2[%dma_wait3A_156, %dma_wait3A_157] : memref<50000x16xf32, #tpu.memory_space<hbm>> -> memref<50000x16xf32, #tpu.memory_space<hbm>>
      tpu.wait_indirect_dma semaphore(%arg7 : memref<!tpu.dma_semaphore, #tpu.memory_space<semaphore_mem>>) src(%dma_wait3A_158 : memref<50000x16xf32, #tpu.memory_space<hbm>>) dst(%dma_wait3A_152 : memref<128x16xf32, #tpu.memory_space<vmem>>)
      %dma_wait3A_159 = arith.constant 4 : i32
      %dma_wait3A_160 = arith.constant 512 : i32
      %dma_wait3A_161 = arith.constant 0 : i32
      %dma_wait3A_162 = tpu.memref_slice %arg6[%dma_wait3A_160, %dma_wait3A_161] : memref<1024x16xf32, #tpu.memory_space<vmem>> -> memref<128x16xf32, #tpu.memory_space<vmem>>
      %dma_wait3A_163 = arith.constant 0 : i32
      %dma_wait3A_164 = tpu.memref_slice %arg5[%dma_wait3A_159, %dma_wait3A_163] : memref<8x128xi32, #tpu.memory_space<vmem>> -> memref<1x128xi32, #tpu.memory_space<vmem>>
      %dma_wait3A_165 = tpu.memref_squeeze %dma_wait3A_164 : memref<1x128xi32, #tpu.memory_space<vmem>> -> memref<128xi32, #tpu.memory_space<vmem>>
      %dma_wait3A_166 = arith.constant 0 : i32
      %dma_wait3A_167 = arith.constant 0 : i32
      %dma_wait3A_168 = tpu.memref_slice %arg2[%dma_wait3A_166, %dma_wait3A_167] : memref<50000x16xf32, #tpu.memory_space<hbm>> -> memref<50000x16xf32, #tpu.memory_space<hbm>>
      tpu.wait_indirect_dma semaphore(%arg7 : memref<!tpu.dma_semaphore, #tpu.memory_space<semaphore_mem>>) src(%dma_wait3A_168 : memref<50000x16xf32, #tpu.memory_space<hbm>>) dst(%dma_wait3A_162 : memref<128x16xf32, #tpu.memory_space<vmem>>)
      %dma_wait3A_169 = arith.constant 5 : i32
      %dma_wait3A_170 = arith.constant 640 : i32
      %dma_wait3A_171 = arith.constant 0 : i32
      %dma_wait3A_172 = tpu.memref_slice %arg6[%dma_wait3A_170, %dma_wait3A_171] : memref<1024x16xf32, #tpu.memory_space<vmem>> -> memref<128x16xf32, #tpu.memory_space<vmem>>
      %dma_wait3A_173 = arith.constant 0 : i32
      %dma_wait3A_174 = tpu.memref_slice %arg5[%dma_wait3A_169, %dma_wait3A_173] : memref<8x128xi32, #tpu.memory_space<vmem>> -> memref<1x128xi32, #tpu.memory_space<vmem>>
      %dma_wait3A_175 = tpu.memref_squeeze %dma_wait3A_174 : memref<1x128xi32, #tpu.memory_space<vmem>> -> memref<128xi32, #tpu.memory_space<vmem>>
      %dma_wait3A_176 = arith.constant 0 : i32
      %dma_wait3A_177 = arith.constant 0 : i32
      %dma_wait3A_178 = tpu.memref_slice %arg2[%dma_wait3A_176, %dma_wait3A_177] : memref<50000x16xf32, #tpu.memory_space<hbm>> -> memref<50000x16xf32, #tpu.memory_space<hbm>>
      tpu.wait_indirect_dma semaphore(%arg7 : memref<!tpu.dma_semaphore, #tpu.memory_space<semaphore_mem>>) src(%dma_wait3A_178 : memref<50000x16xf32, #tpu.memory_space<hbm>>) dst(%dma_wait3A_172 : memref<128x16xf32, #tpu.memory_space<vmem>>)
      %dma_wait3A_179 = arith.constant 6 : i32
      %dma_wait3A_180 = arith.constant 768 : i32
      %dma_wait3A_181 = arith.constant 0 : i32
      %dma_wait3A_182 = tpu.memref_slice %arg6[%dma_wait3A_180, %dma_wait3A_181] : memref<1024x16xf32, #tpu.memory_space<vmem>> -> memref<128x16xf32, #tpu.memory_space<vmem>>
      %dma_wait3A_183 = arith.constant 0 : i32
      %dma_wait3A_184 = tpu.memref_slice %arg5[%dma_wait3A_179, %dma_wait3A_183] : memref<8x128xi32, #tpu.memory_space<vmem>> -> memref<1x128xi32, #tpu.memory_space<vmem>>
      %dma_wait3A_185 = tpu.memref_squeeze %dma_wait3A_184 : memref<1x128xi32, #tpu.memory_space<vmem>> -> memref<128xi32, #tpu.memory_space<vmem>>
      %dma_wait3A_186 = arith.constant 0 : i32
      %dma_wait3A_187 = arith.constant 0 : i32
      %dma_wait3A_188 = tpu.memref_slice %arg2[%dma_wait3A_186, %dma_wait3A_187] : memref<50000x16xf32, #tpu.memory_space<hbm>> -> memref<50000x16xf32, #tpu.memory_space<hbm>>
      tpu.wait_indirect_dma semaphore(%arg7 : memref<!tpu.dma_semaphore, #tpu.memory_space<semaphore_mem>>) src(%dma_wait3A_188 : memref<50000x16xf32, #tpu.memory_space<hbm>>) dst(%dma_wait3A_182 : memref<128x16xf32, #tpu.memory_space<vmem>>)
      %dma_wait3A_189 = arith.constant 7 : i32
      %dma_wait3A_190 = arith.constant 896 : i32
      %dma_wait3A_191 = arith.constant 0 : i32
      %dma_wait3A_192 = tpu.memref_slice %arg6[%dma_wait3A_190, %dma_wait3A_191] : memref<1024x16xf32, #tpu.memory_space<vmem>> -> memref<128x16xf32, #tpu.memory_space<vmem>>
      %dma_wait3A_193 = arith.constant 0 : i32
      %dma_wait3A_194 = tpu.memref_slice %arg5[%dma_wait3A_189, %dma_wait3A_193] : memref<8x128xi32, #tpu.memory_space<vmem>> -> memref<1x128xi32, #tpu.memory_space<vmem>>
      %dma_wait3A_195 = tpu.memref_squeeze %dma_wait3A_194 : memref<1x128xi32, #tpu.memory_space<vmem>> -> memref<128xi32, #tpu.memory_space<vmem>>
      %dma_wait3A_196 = arith.constant 0 : i32
      %dma_wait3A_197 = arith.constant 0 : i32
      %dma_wait3A_198 = tpu.memref_slice %arg2[%dma_wait3A_196, %dma_wait3A_197] : memref<50000x16xf32, #tpu.memory_space<hbm>> -> memref<50000x16xf32, #tpu.memory_space<hbm>>
      tpu.wait_indirect_dma semaphore(%arg7 : memref<!tpu.dma_semaphore, #tpu.memory_space<semaphore_mem>>) src(%dma_wait3A_198 : memref<50000x16xf32, #tpu.memory_space<hbm>>) dst(%dma_wait3A_192 : memref<128x16xf32, #tpu.memory_space<vmem>>)
      %mul3A_199 = arith.constant 1024 : i32
      %mul3A_200 = arith.muli %add3A_38, %mul3A_199 : i32
      "tpu.region"() ({
        %run_scoped3A = tpu.sem_alloc : memref<!tpu.dma_semaphore, #tpu.memory_space<semaphore_mem>>
        %dma_start3A_202 = arith.constant 0 : i32
        %dma_start3A_203 = tpu.memref_slice %arg4[%mul3A_200, %dma_start3A_202] : memref<802816x16xf32, #tpu.memory_space<hbm>> -> memref<1024x16xf32, #tpu.memory_space<hbm>>
        %dma_start3A_204 = arith.constant 0 : i32
        %dma_start3A_205 = tpu.memref_slice %arg4[%mul3A_200, %dma_start3A_204] : memref<802816x16xf32, #tpu.memory_space<hbm>> -> memref<1024x16xf32, #tpu.memory_space<hbm>>
        tpu.enqueue_dma source(%arg6 : memref<1024x16xf32, #tpu.memory_space<vmem>>) target(%dma_start3A_205 : memref<1024x16xf32, #tpu.memory_space<hbm>>) target_semaphore(%run_scoped3A : memref<!tpu.dma_semaphore, #tpu.memory_space<semaphore_mem>>)
        %dma_wait3A_206 = arith.constant 0 : i32
        %dma_wait3A_207 = tpu.memref_slice %arg4[%mul3A_200, %dma_wait3A_206] : memref<802816x16xf32, #tpu.memory_space<hbm>> -> memref<1024x16xf32, #tpu.memory_space<hbm>>
        %dma_wait3A_208 = arith.constant 0 : i32
        %dma_wait3A_209 = tpu.memref_slice %arg4[%mul3A_200, %dma_wait3A_208] : memref<802816x16xf32, #tpu.memory_space<hbm>> -> memref<1024x16xf32, #tpu.memory_space<hbm>>
        tpu.wait_dma2 semaphore(%run_scoped3A : memref<!tpu.dma_semaphore, #tpu.memory_space<semaphore_mem>>) src(%arg6 : memref<1024x16xf32, #tpu.memory_space<vmem>>) dst(%dma_wait3A_209 : memref<1024x16xf32, #tpu.memory_space<hbm>>)
        tpu.yield
      }) : () -> ()
      %while3A_201 = arith.constant 0 : i32
      scf.yield %while3A_201 : i32
    }
    return
  }
}

module attributes {stable_mosaic.version = 14 : i64} {
  func.func @_k0_body(%arg0: i32, %arg1: memref<5000x10xf32, #tpu.memory_space<vmem>>, %arg2: memref<10x16xf32, #tpu.memory_space<vmem>>, %arg3: memref<10x16xf32, #tpu.memory_space<vmem>>, %arg4: memref<10xf32, #tpu.memory_space<vmem>>, %arg5: memref<10xf32, #tpu.memory_space<vmem>>, %arg6: memref<5000x16xf32, #tpu.memory_space<vmem>>, %arg7: memref<5000x16xf32, #tpu.memory_space<vmem>>, %arg8: memref<5000x1xf32, #tpu.memory_space<vmem>>, %arg9: memref<5000x1xf32, #tpu.memory_space<vmem>>) attributes {dimension_semantics = [#tpu.dimension_semantics<arbitrary>], iteration_bounds = array<i64: 10>, scalar_prefetch = 0 : i64, scratch_operands = 0 : i64, tpu.core_type = #tpu.core_type<tc>, window_params = [{transform_indices = @transform_0, window_bounds = array<i64: 5000, 10>}, {pipeline_mode = #tpu.pipeline_mode<synchronous>, transform_indices = @transform_1, window_bounds = array<i64: 10, 16>}, {pipeline_mode = #tpu.pipeline_mode<synchronous>, transform_indices = @transform_2, window_bounds = array<i64: 10, 16>}, {pipeline_mode = #tpu.pipeline_mode<synchronous>, transform_indices = @transform_3, window_bounds = array<i64: 10>}, {pipeline_mode = #tpu.pipeline_mode<synchronous>, transform_indices = @transform_4, window_bounds = array<i64: 10>}, {transform_indices = @transform_5, window_bounds = array<i64: 5000, 16>}, {transform_indices = @transform_6, window_bounds = array<i64: 5000, 16>}, {transform_indices = @transform_7, window_bounds = array<i64: 5000, 1>}, {transform_indices = @transform_8, window_bounds = array<i64: 5000, 1>}]} {
    %get3A = arith.constant 0 : index
    %get3A_0 = arith.constant 0 : index
    %get3A_1 = vector.load %arg1[%get3A, %get3A_0] : memref<5000x10xf32, #tpu.memory_space<vmem>>, vector<5000x10xf32>
    %get3A_2 = arith.constant 0 : index
    %get3A_3 = arith.constant 0 : index
    %get3A_4 = vector.load %arg2[%get3A_2, %get3A_3] : memref<10x16xf32, #tpu.memory_space<vmem>>, vector<10x16xf32>
    %dot_general3A = arith.constant dense<0.000000e+00> : vector<5000x16xf32>
    %dot_general3A_5 = tpu.matmul %get3A_1, %get3A_4, %dot_general3A {dimension_numbers = #tpu.dot_dimension_numbers<[1], [0], [0], [1], [0, 0, 1, 1], [], []>, transpose_lhs_hint = false} : vector<5000x10xf32>, vector<10x16xf32>, vector<5000x16xf32> -> vector<5000x16xf32>
    %swap3A = arith.constant 0 : index
    %swap3A_6 = arith.constant 0 : index
    %swap3A_7 = vector.load %arg6[%swap3A, %swap3A_6] : memref<5000x16xf32, #tpu.memory_space<vmem>>, vector<5000x16xf32>
    tpu.vector_store %arg6[%swap3A, %swap3A_6], %dot_general3A_5 {strides = array<i32>} : memref<5000x16xf32, #tpu.memory_space<vmem>>, vector<5000x16xf32>,
    %get3A_8 = arith.constant 0 : index
    %get3A_9 = arith.constant 0 : index
    %get3A_10 = vector.load %arg3[%get3A_8, %get3A_9] : memref<10x16xf32, #tpu.memory_space<vmem>>, vector<10x16xf32>
    %dot_general3A_11 = arith.constant dense<0.000000e+00> : vector<5000x16xf32>
    %dot_general3A_12 = tpu.matmul %get3A_1, %get3A_10, %dot_general3A_11 {dimension_numbers = #tpu.dot_dimension_numbers<[1], [0], [0], [1], [0, 0, 1, 1], [], []>, transpose_lhs_hint = false} : vector<5000x10xf32>, vector<10x16xf32>, vector<5000x16xf32> -> vector<5000x16xf32>
    %swap3A_13 = arith.constant 0 : index
    %swap3A_14 = arith.constant 0 : index
    %swap3A_15 = vector.load %arg7[%swap3A_13, %swap3A_14] : memref<5000x16xf32, #tpu.memory_space<vmem>>, vector<5000x16xf32>
    tpu.vector_store %arg7[%swap3A_13, %swap3A_14], %dot_general3A_12 {strides = array<i32>} : memref<5000x16xf32, #tpu.memory_space<vmem>>, vector<5000x16xf32>,
    %get3A_16 = arith.constant 0 : index
    %get3A_17 = vector.load %arg4[%get3A_16] : memref<10xf32, #tpu.memory_space<vmem>>, vector<10xf32>
    %reshape3A = vector.shape_cast %get3A_17 : vector<10xf32> to vector<10x1xf32>
    %dot_general3A_18 = arith.constant dense<0.000000e+00> : vector<5000x1xf32>
    %dot_general3A_19 = tpu.matmul %get3A_1, %reshape3A, %dot_general3A_18 {dimension_numbers = #tpu.dot_dimension_numbers<[1], [0], [0], [1], [0, 0, 1, 1], [], []>, transpose_lhs_hint = false} : vector<5000x10xf32>, vector<10x1xf32>, vector<5000x1xf32> -> vector<5000x1xf32>
    %swap3A_20 = arith.constant 0 : index
    %swap3A_21 = arith.constant 0 : index
    %swap3A_22 = vector.load %arg8[%swap3A_20, %swap3A_21] : memref<5000x1xf32, #tpu.memory_space<vmem>>, vector<5000x1xf32>
    tpu.vector_store %arg8[%swap3A_20, %swap3A_21], %dot_general3A_19 {strides = array<i32>} : memref<5000x1xf32, #tpu.memory_space<vmem>>, vector<5000x1xf32>,
    %get3A_23 = arith.constant 0 : index
    %get3A_24 = vector.load %arg5[%get3A_23] : memref<10xf32, #tpu.memory_space<vmem>>, vector<10xf32>
    %reshape3A_25 = vector.shape_cast %get3A_24 : vector<10xf32> to vector<10x1xf32>
    %dot_general3A_26 = arith.constant dense<0.000000e+00> : vector<5000x1xf32>
    %dot_general3A_27 = tpu.matmul %get3A_1, %reshape3A_25, %dot_general3A_26 {dimension_numbers = #tpu.dot_dimension_numbers<[1], [0], [0], [1], [0, 0, 1, 1], [], []>, transpose_lhs_hint = false} : vector<5000x10xf32>, vector<10x1xf32>, vector<5000x1xf32> -> vector<5000x1xf32>
    %swap3A_28 = arith.constant 0 : index
    %swap3A_29 = arith.constant 0 : index
    %swap3A_30 = vector.load %arg9[%swap3A_28, %swap3A_29] : memref<5000x1xf32, #tpu.memory_space<vmem>>, vector<5000x1xf32>
    tpu.vector_store %arg9[%swap3A_28, %swap3A_29], %dot_general3A_27 {strides = array<i32>} : memref<5000x1xf32, #tpu.memory_space<vmem>>, vector<5000x1xf32>,
    return
  }
  func.func @transform_0(%arg0: i32) -> (i32, i32) {
    %c0_i32 = arith.constant 0 : i32
    %c0_i32_0 = arith.constant 0 : i32
    return %arg0, %c0_i32 : i32, i32
  }
  func.func @transform_1(%arg0: i32) -> (i32, i32) {
    %c0_i32 = arith.constant 0 : i32
    %c0_i32_0 = arith.constant 0 : i32
    %c0_i32_1 = arith.constant 0 : i32
    return %c0_i32, %c0_i32_0 : i32, i32
  }
  func.func @transform_2(%arg0: i32) -> (i32, i32) {
    %c0_i32 = arith.constant 0 : i32
    %c0_i32_0 = arith.constant 0 : i32
    %c0_i32_1 = arith.constant 0 : i32
    return %c0_i32, %c0_i32_0 : i32, i32
  }
  func.func @transform_3(%arg0: i32) -> i32 {
    %c0_i32 = arith.constant 0 : i32
    %c0_i32_0 = arith.constant 0 : i32
    return %c0_i32 : i32
  }
  func.func @transform_4(%arg0: i32) -> i32 {
    %c0_i32 = arith.constant 0 : i32
    %c0_i32_0 = arith.constant 0 : i32
    return %c0_i32 : i32
  }
  func.func @transform_5(%arg0: i32) -> (i32, i32) {
    %c0_i32 = arith.constant 0 : i32
    %c0_i32_0 = arith.constant 0 : i32
    return %arg0, %c0_i32 : i32, i32
  }
  func.func @transform_6(%arg0: i32) -> (i32, i32) {
    %c0_i32 = arith.constant 0 : i32
    %c0_i32_0 = arith.constant 0 : i32
    return %arg0, %c0_i32 : i32, i32
  }
  func.func @transform_7(%arg0: i32) -> (i32, i32) {
    %c0_i32 = arith.constant 0 : i32
    %c0_i32_0 = arith.constant 0 : i32
    return %arg0, %c0_i32 : i32, i32
  }
  func.func @transform_8(%arg0: i32) -> (i32, i32) {
    %c0_i32 = arith.constant 0 : i32
    %c0_i32_0 = arith.constant 0 : i32
    return %arg0, %c0_i32 : i32, i32
  }
}

module attributes {stable_mosaic.version = 14 : i64} {
  func.func @_k2_body(%arg0: i32, %arg1: memref<2048x64xf32, #tpu.memory_space<vmem>>, %arg2: memref<128x8xf32, #tpu.memory_space<vmem>>, %arg3: memref<32x128xf32, #tpu.memory_space<vmem>>, %arg4: memref<153x32xf32, #tpu.memory_space<vmem>>, %arg5: memref<2048x32xf32, #tpu.memory_space<vmem>>) attributes {dimension_semantics = [#tpu.dimension_semantics<arbitrary>], iteration_bounds = array<i64: 392>, scalar_prefetch = 0 : i64, scratch_operands = 0 : i64, tpu.core_type = #tpu.core_type<tc>, window_params = [{transform_indices = @transform_0, window_bounds = array<i64: 2048, 64>}, {pipeline_mode = #tpu.pipeline_mode<synchronous>, transform_indices = @transform_1, window_bounds = array<i64: 128, 8>}, {pipeline_mode = #tpu.pipeline_mode<synchronous>, transform_indices = @transform_2, window_bounds = array<i64: 32, 128>}, {pipeline_mode = #tpu.pipeline_mode<synchronous>, transform_indices = @transform_3, window_bounds = array<i64: 153, 32>}, {transform_indices = @transform_4, window_bounds = array<i64: 2048, 32>}]} {
    %get3A = arith.constant 0 : index
    %get3A_0 = arith.constant 0 : index
    %get3A_1 = vector.load %arg1[%get3A, %get3A_0] : memref<2048x64xf32, #tpu.memory_space<vmem>>, vector<2048x64xf32>
    %transpose3A = tpu.transpose %get3A_1, [1, 0] : vector<2048x64xf32> -> vector<64x2048xf32>
    %slice3A = vector.extract_strided_slice %transpose3A {offsets = [0, 0], sizes = [3, 2048], strides = [1, 1]} : vector<64x2048xf32> to vector<3x2048xf32>
    %slice3A_2 = vector.extract_strided_slice %transpose3A {offsets = [3, 0], sizes = [16, 2048], strides = [1, 1]} : vector<64x2048xf32> to vector<16x2048xf32>
    %slice3A_3 = vector.extract_strided_slice %transpose3A {offsets = [32, 0], sizes = [3, 2048], strides = [1, 1]} : vector<64x2048xf32> to vector<3x2048xf32>
    %sub3A = arith.subf %slice3A_3, %slice3A : vector<3x2048xf32>
    %mul3A = arith.mulf %sub3A, %sub3A : vector<3x2048xf32>
    %reduce_sum3A = arith.constant dense<0.000000e+00> : vector<2048xf32>
    %reduce_sum3A_4 = vector.multi_reduction <add>, %mul3A, %reduce_sum3A [0] : vector<3x2048xf32> to vector<2048xf32>
    %broadcast_in_dim3A = vector.shape_cast %reduce_sum3A_4 : vector<2048xf32> to vector<1x2048xf32>
    %add3A = arith.constant 9.99999996E-13 : f32
    %add3A_5 = vector.broadcast %add3A : f32 to vector<1x2048xf32>
    %add3A_6 = arith.addf %broadcast_in_dim3A, %add3A_5 : vector<1x2048xf32>
    %sqrt3A = math.sqrt %add3A_6 : vector<1x2048xf32>
    %iota3A = tpu.iota {dimensions = array<i32: 0>} : vector<8x1xi32>
    %add3A_7 = arith.constant 1 : i32
    %add3A_8 = vector.broadcast %add3A_7 : i32 to vector<8x1xi32>
    %add3A_9 = arith.addi %iota3A, %add3A_8 : vector<8x1xi32>
    %convert_element_type3A = arith.sitofp %add3A_9 : vector<8x1xi32> to vector<8x1xf32>
    %mul3A_10 = arith.constant 0.628318548 : f32
    %mul3A_11 = vector.broadcast %mul3A_10 : f32 to vector<8x1xf32>
    %mul3A_12 = arith.mulf %convert_element_type3A, %mul3A_11 : vector<8x1xf32>
    %mul3A_13 = vector.broadcast %sqrt3A : vector<1x2048xf32> to vector<8x2048xf32>
    %mul3A_14 = vector.broadcast %mul3A_12 : vector<8x1xf32> to vector<8x2048xf32>
    %mul3A_15 = arith.mulf %mul3A_13, %mul3A_14 : vector<8x2048xf32>
    %sin3A = math.sin %mul3A_15 : vector<8x2048xf32>
    %mul3A_16 = arith.constant 0.632455527 : f32
    %mul3A_17 = vector.broadcast %mul3A_16 : f32 to vector<8x2048xf32>
    %mul3A_18 = arith.mulf %mul3A_17, %sin3A : vector<8x2048xf32>
    %div3A = vector.broadcast %sqrt3A : vector<1x2048xf32> to vector<8x2048xf32>
    %div3A_19 = arith.divf %mul3A_18, %div3A : vector<8x2048xf32>
    %mul3A_20 = arith.constant 2.000000e-01 : f32
    %mul3A_21 = vector.broadcast %mul3A_20 : f32 to vector<1x2048xf32>
    %mul3A_22 = arith.mulf %sqrt3A, %mul3A_21 : vector<1x2048xf32>
    %mul3A_23 = arith.mulf %mul3A_22, %mul3A_22 : vector<1x2048xf32>
    %mul3A_24 = arith.mulf %mul3A_23, %mul3A_23 : vector<1x2048xf32>
    %mul3A_25 = arith.mulf %mul3A_24, %mul3A_23 : vector<1x2048xf32>
    %mul3A_26 = arith.mulf %mul3A_25, %mul3A_22 : vector<1x2048xf32>
    %mul3A_27 = arith.mulf %mul3A_26, %mul3A_22 : vector<1x2048xf32>
    %mul3A_28 = arith.constant 2.800000e+01 : f32
    %mul3A_29 = vector.broadcast %mul3A_28 : f32 to vector<1x2048xf32>
    %mul3A_30 = arith.mulf %mul3A_29, %mul3A_25 : vector<1x2048xf32>
    %sub3A_31 = arith.constant 1.000000e+00 : f32
    %sub3A_32 = vector.broadcast %sub3A_31 : f32 to vector<1x2048xf32>
    %sub3A_33 = arith.subf %sub3A_32, %mul3A_30 : vector<1x2048xf32>
    %mul3A_34 = arith.constant 4.800000e+01 : f32
    %mul3A_35 = vector.broadcast %mul3A_34 : f32 to vector<1x2048xf32>
    %mul3A_36 = arith.mulf %mul3A_35, %mul3A_26 : vector<1x2048xf32>
    %add3A_37 = arith.addf %sub3A_33, %mul3A_36 : vector<1x2048xf32>
    %mul3A_38 = arith.constant 2.100000e+01 : f32
    %mul3A_39 = vector.broadcast %mul3A_38 : f32 to vector<1x2048xf32>
    %mul3A_40 = arith.mulf %mul3A_39, %mul3A_27 : vector<1x2048xf32>
    %sub3A_41 = arith.subf %add3A_37, %mul3A_40 : vector<1x2048xf32>
    %lt3A = arith.constant 1.000000e+00 : f32
    %lt3A_42 = vector.broadcast %lt3A : f32 to vector<1x2048xf32>
    %lt3A_43 = arith.cmpf olt, %mul3A_22, %lt3A_42 : vector<1x2048xf32>
    %convert_element_type3A_44 = arith.extui %lt3A_43 : vector<1x2048xi1> to vector<1x2048xi32>
    %convert_element_type3A_45 = arith.sitofp %convert_element_type3A_44 : vector<1x2048xi32> to vector<1x2048xf32>
    %mul3A_46 = arith.mulf %sub3A_41, %convert_element_type3A_45 : vector<1x2048xf32>
    %mul3A_47 = vector.broadcast %mul3A_46 : vector<1x2048xf32> to vector<8x2048xf32>
    %mul3A_48 = arith.mulf %div3A_19, %mul3A_47 : vector<8x2048xf32>
    %get3A_49 = arith.constant 0 : index
    %get3A_50 = arith.constant 0 : index
    %get3A_51 = vector.load %arg2[%get3A_49, %get3A_50] : memref<128x8xf32, #tpu.memory_space<vmem>>, vector<128x8xf32>
    %dot_general3A = arith.constant dense<0.000000e+00> : vector<128x2048xf32>
    %dot_general3A_52 = tpu.matmul %get3A_51, %mul3A_48, %dot_general3A {dimension_numbers = #tpu.dot_dimension_numbers<[1], [0], [0], [1], [0, 0, 1, 1], [], []>, transpose_lhs_hint = false} : vector<128x8xf32>, vector<8x2048xf32>, vector<128x2048xf32> -> vector<128x2048xf32>
    %logistic3A = arith.negf %dot_general3A_52 : vector<128x2048xf32>
    %logistic3A_53 = math.exp %logistic3A : vector<128x2048xf32>
    %logistic3A_54 = arith.constant 1.000000e+00 : f32
    %logistic3A_55 = vector.broadcast %logistic3A_54 : f32 to vector<128x2048xf32>
    %logistic3A_56 = arith.addf %logistic3A_55, %logistic3A_53 : vector<128x2048xf32>
    %logistic3A_57 = arith.divf %logistic3A_55, %logistic3A_56 : vector<128x2048xf32>
    %mul3A_58 = arith.mulf %dot_general3A_52, %logistic3A_57 : vector<128x2048xf32>
    %get3A_59 = arith.constant 0 : index
    %get3A_60 = arith.constant 0 : index
    %get3A_61 = vector.load %arg3[%get3A_59, %get3A_60] : memref<32x128xf32, #tpu.memory_space<vmem>>, vector<32x128xf32>
    %dot_general3A_62 = arith.constant dense<0.000000e+00> : vector<32x2048xf32>
    %dot_general3A_63 = tpu.matmul %get3A_61, %mul3A_58, %dot_general3A_62 {dimension_numbers = #tpu.dot_dimension_numbers<[1], [0], [0], [1], [0, 0, 1, 1], [], []>, transpose_lhs_hint = false} : vector<32x128xf32>, vector<128x2048xf32>, vector<32x2048xf32> -> vector<32x2048xf32>
    %slice3A_64 = vector.extract_strided_slice %dot_general3A_63 {offsets = [0, 0], sizes = [16, 2048], strides = [1, 1]} : vector<32x2048xf32> to vector<16x2048xf32>
    %slice3A_65 = vector.extract_strided_slice %dot_general3A_63 {offsets = [16, 0], sizes = [16, 2048], strides = [1, 1]} : vector<32x2048xf32> to vector<16x2048xf32>
    %div3A_66 = vector.broadcast %sqrt3A : vector<1x2048xf32> to vector<3x2048xf32>
    %div3A_67 = arith.divf %sub3A, %div3A_66 : vector<3x2048xf32>
    %slice3A_68 = vector.extract_strided_slice %div3A_67 {offsets = [0, 0], sizes = [1, 2048], strides = [1, 1]} : vector<3x2048xf32> to vector<1x2048xf32>
    %slice3A_69 = vector.extract_strided_slice %div3A_67 {offsets = [1, 0], sizes = [1, 2048], strides = [1, 1]} : vector<3x2048xf32> to vector<1x2048xf32>
    %slice3A_70 = vector.extract_strided_slice %div3A_67 {offsets = [2, 0], sizes = [1, 2048], strides = [1, 1]} : vector<3x2048xf32> to vector<1x2048xf32>
    %broadcast_in_dim3A_71 = arith.constant 1.000000e+00 : f32
    %broadcast_in_dim3A_72 = vector.broadcast %broadcast_in_dim3A_71 : f32 to vector<1x2048xf32>
    %mul3A_73 = arith.constant 1.73205078 : f32
    %mul3A_74 = vector.broadcast %mul3A_73 : f32 to vector<1x2048xf32>
    %mul3A_75 = arith.mulf %mul3A_74, %slice3A_68 : vector<1x2048xf32>
    %mul3A_76 = arith.constant 1.73205078 : f32
    %mul3A_77 = vector.broadcast %mul3A_76 : f32 to vector<1x2048xf32>
    %mul3A_78 = arith.mulf %mul3A_77, %slice3A_69 : vector<1x2048xf32>
    %mul3A_79 = arith.constant 1.73205078 : f32
    %mul3A_80 = vector.broadcast %mul3A_79 : f32 to vector<1x2048xf32>
    %mul3A_81 = arith.mulf %mul3A_80, %slice3A_70 : vector<1x2048xf32>
    %mul3A_82 = arith.constant 3.87298346 : f32
    %mul3A_83 = vector.broadcast %mul3A_82 : f32 to vector<1x2048xf32>
    %mul3A_84 = arith.mulf %mul3A_83, %slice3A_68 : vector<1x2048xf32>
    %mul3A_85 = arith.mulf %mul3A_84, %slice3A_69 : vector<1x2048xf32>
    %mul3A_86 = arith.constant 3.87298346 : f32
    %mul3A_87 = vector.broadcast %mul3A_86 : f32 to vector<1x2048xf32>
    %mul3A_88 = arith.mulf %mul3A_87, %slice3A_69 : vector<1x2048xf32>
    %mul3A_89 = arith.mulf %mul3A_88, %slice3A_70 : vector<1x2048xf32>
    %mul3A_90 = arith.constant 3.000000e+00 : f32
    %mul3A_91 = vector.broadcast %mul3A_90 : f32 to vector<1x2048xf32>
    %mul3A_92 = arith.mulf %mul3A_91, %slice3A_70 : vector<1x2048xf32>
    %mul3A_93 = arith.mulf %mul3A_92, %slice3A_70 : vector<1x2048xf32>
    %sub3A_94 = arith.constant 1.000000e+00 : f32
    %sub3A_95 = vector.broadcast %sub3A_94 : f32 to vector<1x2048xf32>
    %sub3A_96 = arith.subf %mul3A_93, %sub3A_95 : vector<1x2048xf32>
    %mul3A_97 = arith.constant 1.11803401 : f32
    %mul3A_98 = vector.broadcast %mul3A_97 : f32 to vector<1x2048xf32>
    %mul3A_99 = arith.mulf %mul3A_98, %sub3A_96 : vector<1x2048xf32>
    %mul3A_100 = arith.constant 3.87298346 : f32
    %mul3A_101 = vector.broadcast %mul3A_100 : f32 to vector<1x2048xf32>
    %mul3A_102 = arith.mulf %mul3A_101, %slice3A_68 : vector<1x2048xf32>
    %mul3A_103 = arith.mulf %mul3A_102, %slice3A_70 : vector<1x2048xf32>
    %mul3A_104 = arith.mulf %slice3A_68, %slice3A_68 : vector<1x2048xf32>
    %mul3A_105 = arith.mulf %slice3A_69, %slice3A_69 : vector<1x2048xf32>
    %sub3A_106 = arith.subf %mul3A_104, %mul3A_105 : vector<1x2048xf32>
    %mul3A_107 = arith.constant 1.93649173 : f32
    %mul3A_108 = vector.broadcast %mul3A_107 : f32 to vector<1x2048xf32>
    %mul3A_109 = arith.mulf %mul3A_108, %sub3A_106 : vector<1x2048xf32>
    %concatenate3A = tpu.concatenate %broadcast_in_dim3A_72, %mul3A_75, %mul3A_78, %mul3A_81, %mul3A_85, %mul3A_89, %mul3A_99, %mul3A_103, %mul3A_109 in 0 : vector<1x2048xf32>, vector<1x2048xf32>, vector<1x2048xf32>, vector<1x2048xf32>, vector<1x2048xf32>, vector<1x2048xf32>, vector<1x2048xf32>, vector<1x2048xf32>, vector<1x2048xf32> -> vector<9x2048xf32>
    %mul3A_110 = arith.mulf %slice3A_2, %slice3A_64 : vector<16x2048xf32>
    %slice3A_111 = vector.extract_strided_slice %concatenate3A {offsets = [0, 0], sizes = [1, 2048], strides = [1, 1]} : vector<9x2048xf32> to vector<1x2048xf32>
    %mul3A_112 = vector.broadcast %slice3A_111 : vector<1x2048xf32> to vector<16x2048xf32>
    %mul3A_113 = arith.mulf %mul3A_110, %mul3A_112 : vector<16x2048xf32>
    %slice3A_114 = vector.extract_strided_slice %concatenate3A {offsets = [1, 0], sizes = [1, 2048], strides = [1, 1]} : vector<9x2048xf32> to vector<1x2048xf32>
    %mul3A_115 = vector.broadcast %slice3A_114 : vector<1x2048xf32> to vector<16x2048xf32>
    %mul3A_116 = arith.mulf %mul3A_110, %mul3A_115 : vector<16x2048xf32>
    %slice3A_117 = vector.extract_strided_slice %concatenate3A {offsets = [2, 0], sizes = [1, 2048], strides = [1, 1]} : vector<9x2048xf32> to vector<1x2048xf32>
    %mul3A_118 = vector.broadcast %slice3A_117 : vector<1x2048xf32> to vector<16x2048xf32>
    %mul3A_119 = arith.mulf %mul3A_110, %mul3A_118 : vector<16x2048xf32>
    %slice3A_120 = vector.extract_strided_slice %concatenate3A {offsets = [3, 0], sizes = [1, 2048], strides = [1, 1]} : vector<9x2048xf32> to vector<1x2048xf32>
    %mul3A_121 = vector.broadcast %slice3A_120 : vector<1x2048xf32> to vector<16x2048xf32>
    %mul3A_122 = arith.mulf %mul3A_110, %mul3A_121 : vector<16x2048xf32>
    %slice3A_123 = vector.extract_strided_slice %concatenate3A {offsets = [4, 0], sizes = [1, 2048], strides = [1, 1]} : vector<9x2048xf32> to vector<1x2048xf32>
    %mul3A_124 = vector.broadcast %slice3A_123 : vector<1x2048xf32> to vector<16x2048xf32>
    %mul3A_125 = arith.mulf %mul3A_110, %mul3A_124 : vector<16x2048xf32>
    %slice3A_126 = vector.extract_strided_slice %concatenate3A {offsets = [5, 0], sizes = [1, 2048], strides = [1, 1]} : vector<9x2048xf32> to vector<1x2048xf32>
    %mul3A_127 = vector.broadcast %slice3A_126 : vector<1x2048xf32> to vector<16x2048xf32>
    %mul3A_128 = arith.mulf %mul3A_110, %mul3A_127 : vector<16x2048xf32>
    %slice3A_129 = vector.extract_strided_slice %concatenate3A {offsets = [6, 0], sizes = [1, 2048], strides = [1, 1]} : vector<9x2048xf32> to vector<1x2048xf32>
    %mul3A_130 = vector.broadcast %slice3A_129 : vector<1x2048xf32> to vector<16x2048xf32>
    %mul3A_131 = arith.mulf %mul3A_110, %mul3A_130 : vector<16x2048xf32>
    %slice3A_132 = vector.extract_strided_slice %concatenate3A {offsets = [7, 0], sizes = [1, 2048], strides = [1, 1]} : vector<9x2048xf32> to vector<1x2048xf32>
    %mul3A_133 = vector.broadcast %slice3A_132 : vector<1x2048xf32> to vector<16x2048xf32>
    %mul3A_134 = arith.mulf %mul3A_110, %mul3A_133 : vector<16x2048xf32>
    %slice3A_135 = vector.extract_strided_slice %concatenate3A {offsets = [8, 0], sizes = [1, 2048], strides = [1, 1]} : vector<9x2048xf32> to vector<1x2048xf32>
    %mul3A_136 = vector.broadcast %slice3A_135 : vector<1x2048xf32> to vector<16x2048xf32>
    %mul3A_137 = arith.mulf %mul3A_110, %mul3A_136 : vector<16x2048xf32>
    %concatenate3A_138 = tpu.concatenate %mul3A_113, %mul3A_116, %mul3A_119, %mul3A_122, %mul3A_125, %mul3A_128, %mul3A_131, %mul3A_134, %mul3A_137, %concatenate3A in 0 : vector<16x2048xf32>, vector<16x2048xf32>, vector<16x2048xf32>, vector<16x2048xf32>, vector<16x2048xf32>, vector<16x2048xf32>, vector<16x2048xf32>, vector<16x2048xf32>, vector<16x2048xf32>, vector<9x2048xf32> -> vector<153x2048xf32>
    %get3A_139 = arith.constant 0 : index
    %get3A_140 = arith.constant 0 : index
    %get3A_141 = vector.load %arg4[%get3A_139, %get3A_140] : memref<153x32xf32, #tpu.memory_space<vmem>>, vector<153x32xf32>
    %dot_general3A_142 = arith.constant dense<0.000000e+00> : vector<2048x32xf32>
    %dot_general3A_143 = tpu.matmul %concatenate3A_138, %get3A_141, %dot_general3A_142 {dimension_numbers = #tpu.dot_dimension_numbers<[0], [0], [1], [1], [0, 1, 1, 1], [], []>, transpose_lhs_hint = false} : vector<153x2048xf32>, vector<153x32xf32>, vector<2048x32xf32> -> vector<2048x32xf32>
    %slice3A_144 = vector.extract_strided_slice %dot_general3A_143 {offsets = [0, 0], sizes = [2048, 16], strides = [1, 1]} : vector<2048x32xf32> to vector<2048x16xf32>
    %swap3A = arith.constant 0 : index
    %swap3A_145 = arith.constant 0 : index
    %swap3A_146 = vector.load %arg5[%swap3A, %swap3A_145] : memref<2048x32xf32, #tpu.memory_space<vmem>>, vector<2048x16xf32>
    tpu.vector_store %arg5[%swap3A, %swap3A_145], %slice3A_144 {strides = array<i32>} : memref<2048x32xf32, #tpu.memory_space<vmem>>, vector<2048x16xf32>,
    %slice3A_147 = vector.extract_strided_slice %dot_general3A_143 {offsets = [0, 16], sizes = [2048, 16], strides = [1, 1]} : vector<2048x32xf32> to vector<2048x16xf32>
    %transpose3A_148 = tpu.transpose %slice3A_65, [1, 0] : vector<16x2048xf32> -> vector<2048x16xf32>
    %mul3A_149 = arith.mulf %slice3A_147, %transpose3A_148 : vector<2048x16xf32>
    %swap3A_150 = arith.constant 0 : index
    %swap3A_151 = arith.constant 16 : index
    %swap3A_152 = vector.load %arg5[%swap3A_150, %swap3A_151] : memref<2048x32xf32, #tpu.memory_space<vmem>>, vector<2048x16xf32>
    tpu.vector_store %arg5[%swap3A_150, %swap3A_151], %mul3A_149 {strides = array<i32>} : memref<2048x32xf32, #tpu.memory_space<vmem>>, vector<2048x16xf32>,
    return
  }
  func.func @transform_0(%arg0: i32) -> (i32, i32) {
    %c0_i32 = arith.constant 0 : i32
    %c0_i32_0 = arith.constant 0 : i32
    return %arg0, %c0_i32 : i32, i32
  }
  func.func @transform_1(%arg0: i32) -> (i32, i32) {
    %c0_i32 = arith.constant 0 : i32
    %c0_i32_0 = arith.constant 0 : i32
    %c0_i32_1 = arith.constant 0 : i32
    return %c0_i32, %c0_i32_0 : i32, i32
  }
  func.func @transform_2(%arg0: i32) -> (i32, i32) {
    %c0_i32 = arith.constant 0 : i32
    %c0_i32_0 = arith.constant 0 : i32
    %c0_i32_1 = arith.constant 0 : i32
    return %c0_i32, %c0_i32_0 : i32, i32
  }
  func.func @transform_3(%arg0: i32) -> (i32, i32) {
    %c0_i32 = arith.constant 0 : i32
    %c0_i32_0 = arith.constant 0 : i32
    %c0_i32_1 = arith.constant 0 : i32
    return %c0_i32, %c0_i32_0 : i32, i32
  }
  func.func @transform_4(%arg0: i32) -> (i32, i32) {
    %c0_i32 = arith.constant 0 : i32
    %c0_i32_0 = arith.constant 0 : i32
    return %arg0, %c0_i32 : i32, i32
  }
}

module attributes {stable_mosaic.version = 14 : i64} {
  func.func @_k4_body(%arg0: i32, %arg1: memref<2000x16xf32, #tpu.memory_space<vmem>>, %arg2: memref<2000x16xf32, #tpu.memory_space<vmem>>, %arg3: memref<2000x16xf32, #tpu.memory_space<vmem>>, %arg4: memref<2000x1xf32, #tpu.memory_space<vmem>>, %arg5: memref<2000x1xf32, #tpu.memory_space<vmem>>, %arg6: memref<2000x1xi32, #tpu.memory_space<vmem>>, %arg7: memref<16x16xf32, #tpu.memory_space<vmem>>, %arg8: memref<16xf32, #tpu.memory_space<vmem>>, %arg9: memref<2000x16xf32, #tpu.memory_space<vmem>>, %arg10: memref<100xf32, #tpu.memory_space<vmem>>, %arg11: memref<100xf32, #tpu.memory_space<vmem>>) attributes {dimension_semantics = [#tpu.dimension_semantics<arbitrary>], iteration_bounds = array<i64: 25>, scalar_prefetch = 0 : i64, scratch_operands = 0 : i64, tpu.core_type = #tpu.core_type<tc>, window_params = [{transform_indices = @transform_0, window_bounds = array<i64: 2000, 16>}, {transform_indices = @transform_1, window_bounds = array<i64: 2000, 16>}, {transform_indices = @transform_2, window_bounds = array<i64: 2000, 16>}, {transform_indices = @transform_3, window_bounds = array<i64: 2000, 1>}, {transform_indices = @transform_4, window_bounds = array<i64: 2000, 1>}, {transform_indices = @transform_5, window_bounds = array<i64: 2000, 1>}, {pipeline_mode = #tpu.pipeline_mode<synchronous>, transform_indices = @transform_6, window_bounds = array<i64: 16, 16>}, {pipeline_mode = #tpu.pipeline_mode<synchronous>, transform_indices = @transform_7, window_bounds = array<i64: 16>}, {transform_indices = @transform_8, window_bounds = array<i64: 2000, 16>}, {pipeline_mode = #tpu.pipeline_mode<synchronous>, transform_indices = @transform_9, window_bounds = array<i64: 100>}, {pipeline_mode = #tpu.pipeline_mode<synchronous>, transform_indices = @transform_10, window_bounds = array<i64: 100>}]} {
    %get3A = arith.constant 0 : index
    %get3A_0 = arith.constant 0 : index
    %get3A_1 = vector.load %arg1[%get3A, %get3A_0] : memref<2000x16xf32, #tpu.memory_space<vmem>>, vector<2000x16xf32>
    %get3A_2 = arith.constant 0 : index
    %get3A_3 = arith.constant 0 : index
    %get3A_4 = vector.load %arg2[%get3A_2, %get3A_3] : memref<2000x16xf32, #tpu.memory_space<vmem>>, vector<2000x16xf32>
    %add3A = arith.addf %get3A_1, %get3A_4 : vector<2000x16xf32>
    %get3A_5 = arith.constant 0 : index
    %get3A_6 = arith.constant 0 : index
    %get3A_7 = vector.load %arg3[%get3A_5, %get3A_6] : memref<2000x16xf32, #tpu.memory_space<vmem>>, vector<2000x16xf32>
    %add3A_8 = arith.addf %add3A, %get3A_7 : vector<2000x16xf32>
    %get3A_9 = arith.constant 0 : index
    %get3A_10 = arith.constant 0 : index
    %get3A_11 = vector.load %arg7[%get3A_9, %get3A_10] : memref<16x16xf32, #tpu.memory_space<vmem>>, vector<16x16xf32>
    %dot_general3A = arith.constant dense<0.000000e+00> : vector<2000x16xf32>
    %dot_general3A_12 = tpu.matmul %add3A_8, %get3A_11, %dot_general3A {dimension_numbers = #tpu.dot_dimension_numbers<[1], [0], [0], [1], [0, 0, 1, 1], [], []>, transpose_lhs_hint = false} : vector<2000x16xf32>, vector<16x16xf32>, vector<2000x16xf32> -> vector<2000x16xf32>
    %swap3A = arith.constant 0 : index
    %swap3A_13 = arith.constant 0 : index
    %swap3A_14 = vector.load %arg9[%swap3A, %swap3A_13] : memref<2000x16xf32, #tpu.memory_space<vmem>>, vector<2000x16xf32>
    tpu.vector_store %arg9[%swap3A, %swap3A_13], %dot_general3A_12 {strides = array<i32>} : memref<2000x16xf32, #tpu.memory_space<vmem>>, vector<2000x16xf32>,
    %get3A_15 = arith.constant 0 : index
    %get3A_16 = vector.load %arg8[%get3A_15] : memref<16xf32, #tpu.memory_space<vmem>>, vector<16xf32>
    %reshape3A = vector.shape_cast %get3A_16 : vector<16xf32> to vector<16x1xf32>
    %dot_general3A_17 = arith.constant dense<0.000000e+00> : vector<2000x1xf32>
    %dot_general3A_18 = tpu.matmul %add3A_8, %reshape3A, %dot_general3A_17 {dimension_numbers = #tpu.dot_dimension_numbers<[1], [0], [0], [1], [0, 0, 1, 1], [], []>, transpose_lhs_hint = false} : vector<2000x16xf32>, vector<16x1xf32>, vector<2000x1xf32> -> vector<2000x1xf32>
    %get3A_19 = arith.constant 0 : index
    %get3A_20 = arith.constant 0 : index
    %get3A_21 = vector.load %arg5[%get3A_19, %get3A_20] : memref<2000x1xf32, #tpu.memory_space<vmem>>, vector<2000x1xf32>
    %add3A_22 = arith.addf %dot_general3A_18, %get3A_21 : vector<2000x1xf32>
    %iota3A = tpu.iota {dimensions = array<i32: 1>} : vector<2000x100xi32>
    %get3A_23 = arith.constant 0 : index
    %get3A_24 = arith.constant 0 : index
    %get3A_25 = vector.load %arg6[%get3A_23, %get3A_24] : memref<2000x1xi32, #tpu.memory_space<vmem>>, vector<2000x1xi32>
    %eq3A = vector.broadcast %get3A_25 : vector<2000x1xi32> to vector<2000x100xi32>
    %eq3A_26 = arith.cmpi eq, %eq3A, %iota3A : vector<2000x100xi32>
    %convert_element_type3A = arith.extui %eq3A_26 : vector<2000x100xi1> to vector<2000x100xi32>
    %convert_element_type3A_27 = arith.sitofp %convert_element_type3A : vector<2000x100xi32> to vector<2000x100xf32>
    %get3A_28 = arith.constant 0 : index
    %get3A_29 = arith.constant 0 : index
    %get3A_30 = vector.load %arg4[%get3A_28, %get3A_29] : memref<2000x1xf32, #tpu.memory_space<vmem>>, vector<2000x1xf32>
    %mul3A = vector.broadcast %get3A_30 : vector<2000x1xf32> to vector<2000x100xf32>
    %mul3A_31 = arith.mulf %mul3A, %convert_element_type3A_27 : vector<2000x100xf32>
    %reduce_sum3A = arith.constant dense<0.000000e+00> : vector<100xf32>
    %reduce_sum3A_32 = vector.multi_reduction <add>, %mul3A_31, %reduce_sum3A [0] : vector<2000x100xf32> to vector<100xf32>
    %mul3A_33 = vector.broadcast %add3A_22 : vector<2000x1xf32> to vector<2000x100xf32>
    %mul3A_34 = arith.mulf %mul3A_33, %convert_element_type3A_27 : vector<2000x100xf32>
    %reduce_sum3A_35 = arith.constant dense<0.000000e+00> : vector<100xf32>
    %reduce_sum3A_36 = vector.multi_reduction <add>, %mul3A_34, %reduce_sum3A_35 [0] : vector<2000x100xf32> to vector<100xf32>
    %eq3A_37 = arith.constant 0 : i32
    %eq3A_38 = arith.cmpi eq, %arg0, %eq3A_37 : i32
    %convert_element_type3A_39 = arith.extui %eq3A_38 : i1 to i32
    %cond3A = arith.constant 0 : i32
    %cond3A_40 = arith.cmpi ne, %convert_element_type3A_39, %cond3A : i32
    scf.if %cond3A_40 {
      %broadcast_in_dim3A = arith.constant 0.000000e+00 : f32
      %broadcast_in_dim3A_51 = vector.broadcast %broadcast_in_dim3A : f32 to vector<100xf32>
      %swap3A_52 = arith.constant 0 : index
      %swap3A_53 = vector.load %arg10[%swap3A_52] : memref<100xf32, #tpu.memory_space<vmem>>, vector<100xf32>
      tpu.vector_store %arg10[%swap3A_52], %broadcast_in_dim3A_51 {strides = array<i32>} : memref<100xf32, #tpu.memory_space<vmem>>, vector<100xf32>,
      %broadcast_in_dim3A_54 = arith.constant 0.000000e+00 : f32
      %broadcast_in_dim3A_55 = vector.broadcast %broadcast_in_dim3A_54 : f32 to vector<100xf32>
      %swap3A_56 = arith.constant 0 : index
      %swap3A_57 = vector.load %arg11[%swap3A_56] : memref<100xf32, #tpu.memory_space<vmem>>, vector<100xf32>
      tpu.vector_store %arg11[%swap3A_56], %broadcast_in_dim3A_55 {strides = array<i32>} : memref<100xf32, #tpu.memory_space<vmem>>, vector<100xf32>,
    } else {
    }
    %get3A_41 = arith.constant 0 : index
    %get3A_42 = vector.load %arg10[%get3A_41] : memref<100xf32, #tpu.memory_space<vmem>>, vector<100xf32>
    %add3A_43 = arith.addf %get3A_42, %reduce_sum3A_32 : vector<100xf32>
    %swap3A_44 = arith.constant 0 : index
    %swap3A_45 = vector.load %arg10[%swap3A_44] : memref<100xf32, #tpu.memory_space<vmem>>, vector<100xf32>
    tpu.vector_store %arg10[%swap3A_44], %add3A_43 {strides = array<i32>} : memref<100xf32, #tpu.memory_space<vmem>>, vector<100xf32>,
    %get3A_46 = arith.constant 0 : index
    %get3A_47 = vector.load %arg11[%get3A_46] : memref<100xf32, #tpu.memory_space<vmem>>, vector<100xf32>
    %add3A_48 = arith.addf %get3A_47, %reduce_sum3A_36 : vector<100xf32>
    %swap3A_49 = arith.constant 0 : index
    %swap3A_50 = vector.load %arg11[%swap3A_49] : memref<100xf32, #tpu.memory_space<vmem>>, vector<100xf32>
    tpu.vector_store %arg11[%swap3A_49], %add3A_48 {strides = array<i32>} : memref<100xf32, #tpu.memory_space<vmem>>, vector<100xf32>,
    return
  }
  func.func @transform_0(%arg0: i32) -> (i32, i32) {
    %c0_i32 = arith.constant 0 : i32
    %c0_i32_0 = arith.constant 0 : i32
    return %arg0, %c0_i32 : i32, i32
  }
  func.func @transform_1(%arg0: i32) -> (i32, i32) {
    %c0_i32 = arith.constant 0 : i32
    %c0_i32_0 = arith.constant 0 : i32
    return %arg0, %c0_i32 : i32, i32
  }
  func.func @transform_2(%arg0: i32) -> (i32, i32) {
    %c0_i32 = arith.constant 0 : i32
    %c0_i32_0 = arith.constant 0 : i32
    return %arg0, %c0_i32 : i32, i32
  }
  func.func @transform_3(%arg0: i32) -> (i32, i32) {
    %c0_i32 = arith.constant 0 : i32
    %c0_i32_0 = arith.constant 0 : i32
    return %arg0, %c0_i32 : i32, i32
  }
  func.func @transform_4(%arg0: i32) -> (i32, i32) {
    %c0_i32 = arith.constant 0 : i32
    %c0_i32_0 = arith.constant 0 : i32
    return %arg0, %c0_i32 : i32, i32
  }
  func.func @transform_5(%arg0: i32) -> (i32, i32) {
    %c0_i32 = arith.constant 0 : i32
    %c0_i32_0 = arith.constant 0 : i32
    return %arg0, %c0_i32 : i32, i32
  }
  func.func @transform_6(%arg0: i32) -> (i32, i32) {
    %c0_i32 = arith.constant 0 : i32
    %c0_i32_0 = arith.constant 0 : i32
    %c0_i32_1 = arith.constant 0 : i32
    return %c0_i32, %c0_i32_0 : i32, i32
  }
  func.func @transform_7(%arg0: i32) -> i32 {
    %c0_i32 = arith.constant 0 : i32
    %c0_i32_0 = arith.constant 0 : i32
    return %c0_i32 : i32
  }
  func.func @transform_8(%arg0: i32) -> (i32, i32) {
    %c0_i32 = arith.constant 0 : i32
    %c0_i32_0 = arith.constant 0 : i32
    return %arg0, %c0_i32 : i32, i32
  }
  func.func @transform_9(%arg0: i32) -> i32 {
    %c0_i32 = arith.constant 0 : i32
    %c0_i32_0 = arith.constant 0 : i32
    return %c0_i32 : i32
  }
  func.func @transform_10(%arg0: i32) -> i32 {
    %c0_i32 = arith.constant 0 : i32
    %c0_i32_0 = arith.constant 0 : i32
    return %c0_i32 : i32
  }
}

module attributes {stable_mosaic.version = 14 : i64} {
  func.func @_k6_body(%arg0: i32, %arg1: memref<8192x16xf32, #tpu.memory_space<vmem>>, %arg2: memref<8192x32xf32, #tpu.memory_space<vmem>>, %arg3: memref<8192x64xf32, #tpu.memory_space<vmem>>, %arg4: memref<100xf32, #tpu.memory_space<vmem>>) attributes {dimension_semantics = [#tpu.dimension_semantics<arbitrary>], iteration_bounds = array<i64: 98>, scalar_prefetch = 0 : i64, scratch_operands = 0 : i64, tpu.core_type = #tpu.core_type<tc>, window_params = [{transform_indices = @transform_0, window_bounds = array<i64: 8192, 16>}, {transform_indices = @transform_1, window_bounds = array<i64: 8192, 32>}, {transform_indices = @transform_2, window_bounds = array<i64: 8192, 64>}, {pipeline_mode = #tpu.pipeline_mode<synchronous>, transform_indices = @transform_3, window_bounds = array<i64: 100>}]} {
    %get3A = arith.constant 0 : index
    %get3A_0 = arith.constant 0 : index
    %get3A_1 = vector.load %arg1[%get3A, %get3A_0] : memref<8192x16xf32, #tpu.memory_space<vmem>>, vector<8192x16xf32>
    %get3A_2 = arith.constant 0 : index
    %get3A_3 = arith.constant 16 : index
    %get3A_4 = vector.load %arg2[%get3A_2, %get3A_3] : memref<8192x32xf32, #tpu.memory_space<vmem>>, vector<8192x16xf32>
    %mul3A = arith.mulf %get3A_1, %get3A_4 : vector<8192x16xf32>
    %reduce_sum3A = arith.constant dense<0.000000e+00> : vector<8192xf32>
    %reduce_sum3A_5 = vector.multi_reduction <add>, %mul3A, %reduce_sum3A [1] : vector<8192x16xf32> to vector<8192xf32>
    %broadcast_in_dim3A = vector.shape_cast %reduce_sum3A_5 : vector<8192xf32> to vector<8192x1xf32>
    %iota3A = tpu.iota {dimensions = array<i32: 1>} : vector<8192x100xi32>
    %convert_element_type3A = arith.sitofp %iota3A : vector<8192x100xi32> to vector<8192x100xf32>
    %get3A_6 = arith.constant 0 : index
    %get3A_7 = arith.constant 48 : index
    %get3A_8 = vector.load %arg3[%get3A_6, %get3A_7] : memref<8192x64xf32, #tpu.memory_space<vmem>>, vector<8192x1xf32>
    %eq3A = vector.broadcast %get3A_8 : vector<8192x1xf32> to vector<8192x100xf32>
    %eq3A_9 = arith.cmpf oeq, %eq3A, %convert_element_type3A : vector<8192x100xf32>
    %convert_element_type3A_10 = arith.extui %eq3A_9 : vector<8192x100xi1> to vector<8192x100xi32>
    %convert_element_type3A_11 = arith.sitofp %convert_element_type3A_10 : vector<8192x100xi32> to vector<8192x100xf32>
    %mul3A_12 = vector.broadcast %broadcast_in_dim3A : vector<8192x1xf32> to vector<8192x100xf32>
    %mul3A_13 = arith.mulf %mul3A_12, %convert_element_type3A_11 : vector<8192x100xf32>
    %reduce_sum3A_14 = arith.constant dense<0.000000e+00> : vector<100xf32>
    %reduce_sum3A_15 = vector.multi_reduction <add>, %mul3A_13, %reduce_sum3A_14 [0] : vector<8192x100xf32> to vector<100xf32>
    %eq3A_16 = arith.constant 0 : i32
    %eq3A_17 = arith.cmpi eq, %arg0, %eq3A_16 : i32
    %convert_element_type3A_18 = arith.extui %eq3A_17 : i1 to i32
    %cond3A = arith.constant 0 : i32
    %cond3A_19 = arith.cmpi ne, %convert_element_type3A_18, %cond3A : i32
    scf.if %cond3A_19 {
      %broadcast_in_dim3A_23 = arith.constant 0.000000e+00 : f32
      %broadcast_in_dim3A_24 = vector.broadcast %broadcast_in_dim3A_23 : f32 to vector<100xf32>
      %swap3A_25 = arith.constant 0 : index
      %swap3A_26 = vector.load %arg4[%swap3A_25] : memref<100xf32, #tpu.memory_space<vmem>>, vector<100xf32>
      tpu.vector_store %arg4[%swap3A_25], %broadcast_in_dim3A_24 {strides = array<i32>} : memref<100xf32, #tpu.memory_space<vmem>>, vector<100xf32>,
    } else {
    }
    %get3A_20 = arith.constant 0 : index
    %get3A_21 = vector.load %arg4[%get3A_20] : memref<100xf32, #tpu.memory_space<vmem>>, vector<100xf32>
    %add3A = arith.addf %get3A_21, %reduce_sum3A_15 : vector<100xf32>
    %swap3A = arith.constant 0 : index
    %swap3A_22 = vector.load %arg4[%swap3A] : memref<100xf32, #tpu.memory_space<vmem>>, vector<100xf32>
    tpu.vector_store %arg4[%swap3A], %add3A {strides = array<i32>} : memref<100xf32, #tpu.memory_space<vmem>>, vector<100xf32>,
    return
  }
  func.func @transform_0(%arg0: i32) -> (i32, i32) {
    %c0_i32 = arith.constant 0 : i32
    %c0_i32_0 = arith.constant 0 : i32
    return %arg0, %c0_i32 : i32, i32
  }
  func.func @transform_1(%arg0: i32) -> (i32, i32) {
    %c0_i32 = arith.constant 0 : i32
    %c0_i32_0 = arith.constant 0 : i32
    return %arg0, %c0_i32 : i32, i32
  }
  func.func @transform_2(%arg0: i32) -> (i32, i32) {
    %c0_i32 = arith.constant 0 : i32
    %c0_i32_0 = arith.constant 0 : i32
    return %arg0, %c0_i32 : i32, i32
  }
  func.func @transform_3(%arg0: i32) -> i32 {
    %c0_i32 = arith.constant 0 : i32
    %c0_i32_0 = arith.constant 0 : i32
    return %c0_i32 : i32
  }
}

</mosaic_0001>

<sc_bundles>
// kernel: kernel.12.cloned.1.call-start
scs
__scs_entry_jumppad:
0x0: {  	(pc) =	sbr.rel $0x88, $3  }
0x1: {  	(tag) =	ssettag $0x0;
	lr =	simm.s32 $0x1  }
0x2: {  	[smem:$0x3F8F] =	sst lr;
	_ =	strace $0xD0000000  }
0x3: {  	_ = 	snop  }
0x4: {  	_ = 	snop  }
0x5: {  	_ = 	snop  }
0x6: {  	_ = 	snop  }
0x7: {  	_ = 	snop  }
__scs_overlays_trampoline_lowered:
0x8: {  	[smem:$0x3F9E] =	sst s0  }
0x9: {  	[smem:$0x3F9F] =	sst s1  }
0xa: {  	[smem:$0x3FA0] =	sst s2  }
0xb: {  	[smem:$0x3FA1] =	sst s3  }
0xc: {  	[smem:$0x3FA2] =	sst s4  }
0xd: {  	[smem:$0x3FA3] =	sst s5  }
0xe: {  	[smem:$0x3FA4] =	sst s6  }
0xf: {  	[smem:$0x3FA5] =	sst s7  }
0x10: {  	[smem:$0x3FA6] =	sst s8  }
0x11: {  	[smem:$0x3FA7] =	sst s9;
	s0 =	simm.s32 @!p0 $0x0  }
0x12: {  	s1 =	sld [smem:$0x3F8D];
	s0 =	simm.s32 @p0 $0x1  }
0x13: {  	[smem:$0x3FA8] =	sst s0;
	s0 =	simm.s32 @!p1 $0x0  }
0x14: {  	s2 =	sld [smem:$0x3F8C];
	s0 =	simm.s32 @p1 $0x1  }
0x15: {  	[smem:$0x3FA9] =	sst s0;
	s0 =	simm.s32 @!p2 $0x0  }
0x16: {  	s3 =	sld [smem:$0x3FDB];
	s0 =	simm.s32 @p2 $0x1  }
0x17: {  	s4 =	simm.s32 $0x1BF5;
	[smem:$0x3FAB] =	sst s0  }
0x18: {  	s0 =	sld [smem:$0x3F8E];
	_ =	swait.ge [sflag:s4], $0x0  }
0x19: {  	s7 =	sld [smem:$0x3F8F]  }
0x1a: {  	s8 =	sadd.s32 $0xFFFFE003, lr  }
0x1b: {  	s9 =	sadd.s32 $0xFFFFFEF7, lr;
	s5 =	simm.s32 $0xFFFFFFFF;
	p2 =	slt.u32 s8, $0xFFFFF086  }
0x1c: {  	p1 =	slt.u32 s9, $0xF7A;
	s5 =	simm.s32 @!p2 $0x0  }
0x1d: {  	s5 =	simm.s32 @p1 $0x1;
	p0 =	seq.s32 s7, s2  }
0x1e: {  	s7 =	smul.u32 @!p0 $0xF7A, s2;
	p2 =	seq.s32 @!p0 s5, $0x0  }
0x1f: {  	s9 =	smul.u32 $0xF7A, s1;
	s8 =	simm.s32 @!p0 $0x1BF5;
	p2 =	por !p2, p0  }
0x20: {  	[sflag:s8] =	ssyncset.s32 @!p0 $0xFFFFF086;
	s6 =	sadd.s32 @!p0 s3, s7;
	s7 =	simm.s32 @!p0 $0x108  }
0x21: {  	s3 =	sadd.s32 s3, s9;
	s6 =	sadd.s32 @!p0 $0x88, s6;
	s7 =	simm.s32 @p2 $0x1082  }
0x22: {  	[simem:s7], [sflag:s8] =	dma.local @!p0 [hbm:s6], $0xF7A  }
0x23: {  	s9 =	sor.u32 $0xD0000000, s2;
	s6 =	simm.s32 $0x108;
	_ =	swait.ge @!p0 [sflag:s8], $0x0  }
0x24: {  	s3 =	sadd.s32 $0x88, s3;
	s6 =	simm.s32 @!p1 $0x1082;
	[sflag:s4] =	ssyncset.s32 $0xFFFFF086  }
0x25: {  	[simem:s6], [sflag:s4] =	dma.local [hbm:s3], $0xF7A  }
0x26: {  	[smem:$0x3F8F] =	sst s1;
	(tag) =	ssettag s2;
	_ =	strace s9  }
0x27: {  	s1 =	sld [smem:$0x3F9F]  }
0x28: {  	s2 =	sld [smem:$0x3FA0]  }
0x29: {  	s4 =	sld [smem:$0x3FA2]  }
0x2a: {  	p0 =	seq.s32 s5, $0x0;
	s5 =	sld [smem:$0x3FA3]  }
0x2b: {  	s6 =	sld [smem:$0x3FA4]  }
0x2c: {  	s7 =	sld [smem:$0x3FA5]  }
0x2d: {  	s3 =	simm.s32 $0x108;
	s8 =	sld [smem:$0x3FA6]  }
0x2e: {  	s3 =	simm.s32 @!p0 $0x1082;
	s9 =	sld [smem:$0x3FA7]  }
0x2f: {  	lr =	sadd.s32 s0, s3;
	s0 =	sld [smem:$0x3F9E]  }
0x30: {  	s3 =	sld [smem:$0x3FA1]  }
0x31: {  	[smem:$0x3FAA] =	sst s10  }
0x32: {  	s10 =	sld [smem:$0x3FA8];
	_ =	sdelay $0x3  }
0x33: {  	p0 =	seq.s32 s10, $0x1;
	s10 =	sld [smem:$0x3FAA];
	_ =	sdelay $0x3  }
0x34: {  	[smem:$0x3FAA] =	sst s10  }
0x35: {  	s10 =	sld [smem:$0x3FA9];
	_ =	sdelay $0x3  }
0x36: {  	p1 =	seq.s32 s10, $0x1;
	s10 =	sld [smem:$0x3FAA];
	_ =	sdelay $0x3  }
0x37: {  	[smem:$0x3FAA] =	sst s10  }
0x38: {  	s10 =	sld [smem:$0x3FAB]  }
0x39: {  	_ = 	snop;
	(pc) =	sbr.ind lr, $3  }
0x3a: {  	_ = 	snop  }
0x3b: {  	_ = 	snop  }
0x3c: {  	p2 =	seq.s32 s10, $0x1;
	s10 =	sld [smem:$0x3FAA]  }
0x3d: {  	_ =	shalt  }
0x3e: {  	_ =	shalt  }
0x3f: {  	_ =	shalt  }
0x40: {  	_ =	shalt  }
0x41: {  	_ =	shalt  }
0x42: {  	_ =	shalt  }
0x43: {  	_ =	shalt  }
0x44: {  	_ =	shalt  }
0x45: {  	_ =	shalt  }
0x46: {  	_ =	shalt  }
0x47: {  	_ =	shalt  }
0x48: {  	_ =	shalt  }
0x49: {  	_ =	shalt  }
0x4a: {  	_ =	shalt  }
0x4b: {  	_ =	shalt  }
0x4c: {  	_ =	shalt  }
0x4d: {  	_ =	shalt  }
0x4e: {  	_ =	shalt  }
0x4f: {  	_ =	shalt  }
0x50: {  	_ =	shalt  }
0x51: {  	_ =	shalt  }
0x52: {  	_ =	shalt  }
0x53: {  	_ =	shalt  }
0x54: {  	_ =	shalt  }
0x55: {  	_ =	shalt  }
0x56: {  	_ =	shalt  }
0x57: {  	_ =	shalt  }
0x58: {  	_ =	shalt  }
0x59: {  	_ =	shalt  }
0x5a: {  	_ =	shalt  }
0x5b: {  	_ =	shalt  }
0x5c: {  	_ =	shalt  }
0x5d: {  	_ =	shalt  }
0x5e: {  	_ =	shalt  }
0x5f: {  	_ =	shalt  }
0x60: {  	_ =	shalt  }
0x61: {  	_ =	shalt  }
0x62: {  	_ =	shalt  }
0x63: {  	_ =	shalt  }
0x64: {  	_ =	shalt  }
0x65: {  	_ =	shalt  }
0x66: {  	_ =	shalt  }
0x67: {  	_ =	shalt  }
0x68: {  	_ =	shalt  }
0x69: {  	_ =	shalt  }
0x6a: {  	_ =	shalt  }
0x6b: {  	_ =	shalt  }
0x6c: {  	_ =	shalt  }
0x6d: {  	_ =	shalt  }
0x6e: {  	_ =	shalt  }
0x6f: {  	_ =	shalt  }
0x70: {  	_ =	shalt  }
0x71: {  	_ =	shalt  }
0x72: {  	_ =	shalt  }
0x73: {  	_ =	shalt  }
0x74: {  	_ =	shalt  }
0x75: {  	_ =	shalt  }
0x76: {  	_ =	shalt  }
0x77: {  	_ =	shalt  }
0x78: {  	_ =	shalt  }
0x79: {  	_ =	shalt  }
0x7a: {  	_ =	shalt  }
0x7b: {  	_ =	shalt  }
0x7c: {  	_ =	shalt  }
0x7d: {  	_ =	shalt  }
0x7e: {  	_ =	shalt  }
0x7f: {  	_ =	shalt  }
0x80: {  	_ =	shalt  }
0x81: {  	_ =	shalt  }
0x82: {  	_ =	shalt  }
0x83: {  	_ =	shalt  }
0x84: {  	_ =	shalt  }
0x85: {  	_ =	shalt  }
0x86: {  	_ =	shalt  }
0x87: {  	_ =	shalt  }
.Lfunc_end0:
.L_simem_size_0:
called_computation.1_lowered:
.L_overlay_start_0:
0x88: {  	s2 =	sld [smem:$0x3FD9]  }
0x89: {  	s3 =	sld [smem:$0x3FFE];
	_ =	sdelay $0x1  }
0x8a: {  	s1 =	srdreg.scid  }
0x8b: {  	s0 =	sand.u32 $0x1, s1  }
0x8c: {  	s16 =	sshll.u32 s0, $0xA;
	s2 =	sadd.s32 s3, s2  }
0x8d: {  	s2 =	sadd.s32 s2, s16  }
0x8e: {  	[smem:$0x3FB6] =	sst s2  }
0x8f: {  	_ = 	snop  }
0x90: {  	(tm) =	ssettm $0x1  }
0x91: {  	s17 =	sld [smem:$0x3FFB];
	_ =	sdelay $0x3  }
0x92: {  	_ =	strace s17  }
0x93: {  	s2 =	sld [smem:$0x3FFC];
	_ =	sdelay $0x3  }
0x94: {  	_ =	strace s2  }
0x95: {  	s2 =	sld [smem:$0x3FFD];
	_ =	sdelay $0x3  }
0x96: {  	_ =	strace s2  }
0x97: {  	_ =	strace $0x8FFFFFFF  }
0x98: {  	s18 =	sld [smem:$0x3FDB];
	_ =	sdelay $0x1  }
0x99: {  	s19 =	simm.s32 $_scs_section_size  }
0x9a: {  	s4 =	simm.s32 $_size__tile_overlayer_lowered;
	s5 =	simm.s32 $_tile_overlayer_lowered  }
0x9b: {  	s22 =	simm.s32 $0x1BFF;
	s21 =	sshll.u32 s5, $0x1;
	s2 =	sadd.s32 s19, s18  }
0x9c: {  	s6 =	simm.s32 $0x0;
	s20 =	sshll.u32 s4, $0x1;
	s4 =	sadd.s32 s21, s2  }
0x9d: {  	[timem:s6], [sflag:s22] =	dma.local [hbm:s4], s20  }
0x9e: {  	_ =	swait.ge [sflag:s22], s20  }
0x9f: {  	s3 =	ssub.s32 $0x0, s20;
	[sflag:s22] =	ssyncset.done $0x0  }
0xa0: {  	[sflag:s22] =	ssyncadd.s32 s3;
	_ =	sdelay $0x1  }
0xa1: {  	s23 =	simm.s32 $0x1B8B  }
0xa2: {  	_ =	swait.ge [sflag:s23], $0x1  }
0xa3: {  	[sflag:s23] =	ssyncset.done $0x0  }
0xa4: {  	s25 =	simm.s32 $0x1B8E;
	s24 =	sld [smem:$0x3FFE];
	[sflag:s23] =	ssyncadd.s32 $0xFFFFFFFF  }
0xa5: {  	s26 =	simm.s32 $execute0_lowered;
	[smem:$0x3FD2] =	sst s25  }
0xa6: {  	s4 =	sshll.u32 s26, $0x1;
	_ =	strace $0x80000049;
	[dreg:$0x1] =	wrdreg $0xFFFFFFFF  }
0xa7: {  	s28 =	simm.s32 $_size_execute0_lowered;
	s2 =	sadd.s32 s2, s4;
	[dreg:$0x0] =	wrdreg $0x0  }
0xa8: {  	s4 =	sshll.u32 s28, $0x1;
	[dreg:$0x2] =	wrdreg s2  }
0xa9: {  	[dreg:$0x3] =	wrdreg s4  }
0xaa: {  	[dreg:$0x4] =	wrdreg $0xC0  }
0xab: {  	_ =	task [dreg:s6], $0x5FFFF  }
0xac: {  	[dreg:$0x1] =	wrdreg $0xFFFFFFFF  }
0xad: {  	[dreg:$0x0] =	wrdreg $0x60  }
0xae: {  	[dreg:$0x2] =	wrdreg s24  }
0xaf: {  	[dreg:$0x3] =	wrdreg $0x108000  }
0xb0: {  	[dreg:$0x4] =	wrdreg $0x9  }
0xb1: {  	_ =	task.clear_ibuf [dreg:s6], $0x5FFFF;
	_ =	strace $0x90000049  }
0xb2: {  	s29 =	simm.s32 $0x9;
	_ =	strace $0x8000004B  }
0xb3: {  	_ =	swait.ge [sflag:s29], $0x1  }
0xb4: {  	[sflag:s29] =	ssyncadd.s32 $0xFFFFFFFF  }
0xb5: {  	_ =	strace $0x9000004B  }
0xb6: {  	_ =	sfence  }
0xb7: {  	s30 =	sld [smem:$0x0];
	_ =	sdelay $0x2  }
0xb8: {  	s31 =	sshll.u32 s1, $0xD;
	s1 =	sshrl.u32 s1, $0x2  }
0xb9: {  	s3 =	sand.u32 $0x4000, s31;
	s1 =	sadd.s32 s1, s30  }
0xba: {  	s0 =	sor.u32 s3, s0;
	s1 =	sshll.u32 s1, $0x11  }
0xbb: {  	s0 =	sor.u32 s1, s0  }
0xbc: {  	s0 =	sadd.s32 $0x8F2B, s0  }
0xbd: {  	[sflag:s0] =	ssyncadd.remote.s32 $0x1  }
0xbe: {  	_ =	sfence.sel $0xFFFF  }
0xbf: {  	[dreg:$0x0] =	wrdreg $0xFFFFFFFF;
	(pc) =	sbr.abs _section_cstart, $3  }
0xc0: {  	[dreg:$0x1] =	wrdreg $0xFFFFFFFF  }
0xc1: {  	_ =	task.clear_ibuf [dreg:s6], $0x2FFFF;
	_ =	strace $0x9FFFFFFF  }
0xc2: {  	(tm) =	ssettm $0x7FFFFFFF  }
0xc3: {  	_ =	shalt  }
tec
execute0_lowered:
.L_overlay_start_1:
0x0: {  	(tag) =	ssettag $0x1  }
0x1: {  	s0 =	rddreg [dreg:$0x0]  }
0x2: {  	s1 =	rddreg [dreg:$0x1];
	s3 =	simm.s32 $0x0  }
0x3: {  	s2 =	srdreg.scid;
	s9 =	stileid.u32;
	s12 =	simm.s32 $0x2  }
0x4: {  	s13 =	simm.s32 $0x10;
	s14 =	simm.s32 $0x20;
	s15 =	simm.s32 $0x400  }
0x5: {  	s16 =	simm.s32 $0x1;
	s17 =	simm.s32 $0x80;
	s18 =	simm.s32 $0xC00  }
0x6: {  	s19 =	simm.s32 $0x100;
	s28 =	simm.s32 $0x300;
	s29 =	simm.s32 $0x3400  }
0x7: {  	s30 =	simm.s32 $0x380;
	s31 =	simm.s32 $0x3C00;
	[smem:$0x7FF] =	sst s3  }
0x8: {  	s2 =	sand.u32 $0x1, s2;
	s4 =	smul.u32 $0x1880, s9;
	s5 =	sadd.s32 $0x3D4E00, s0  }
0x9: {  	s7 =	smul.u32 $0x31000, s9;
	s8 =	sshll.u32 s9, $0x1;
	s25 =	sshll.u32 s9, $0x8  }
0xa: {  	s10 =	sshll.u32 s9, $0xD;
	_ =	strace $0x8000004A;
	s6 =	smul.u32 $0x18800, s2  }
0xb: {  	[dreg:$0x3] =	wrdreg s5;
	s21 =	ssub.s32 $0x2, s2;
	s24 =	sor.u32 s8, s2  }
0xc: {  	s26 =	sshll.u32 s2, $0x7;
	s2 =	sshll.u32 s2, $0xC;
	s22 =	sshrl.u32 s21, $0x1  }
0xd: {  	s23 =	sshrl.u32 s7, $0x2;
	s9 =	sor.u32 s26, s25;
	s2 =	sor.u32 s2, s10  }
0xe: {  	s10 =	simm.s32 $0x4400;
	s25 =	simm.s32 $0x280;
	s26 =	simm.s32 $0x2C00  }
0xf: {  	s20 =	sadd.s32 s4, s6;
	s4 =	sadd.s32 $0x141C00, s0;
	s6 =	ssub.s32 s21, s22  }
0x10: {  	s5 =	sadd.s32 s23, s1;
	s21 =	simm.s32 $0x180;
	s0 =	sadd.s32 s20, s0  }
0x11: {  	s22 =	simm.s32 $0x1C00;
	s23 =	simm.s32 $0x200;
	s0 =	sadd.s32 $0x4000, s0  }
0x12: {  	s6 =	smax.u32 s6, $0x1;
	[dreg:$0x4] =	wrdreg s0;
	s0 =	ssub.s32 $0x32F, s24  }
0x13: {  	s20 =	simm.s32 $0x1400;
	[dreg:$0x5] =	wrdreg s6;
	s0 =	sshrl.u32 s0, $0x5  }
0x14: {  	v0 =	vimm.f32 $0.0e+00;
	s24 =	simm.s32 $0x2400;
	[dreg:$0x6] =	wrdreg s0;
	s0 =	simm.s32 $0x0  }
.LBB2_1:
0x15: {  	s6 =	simm.s32 $0x40;
	s7 =	simm.s32 $0x0  }
.LBB2_2:
0x16: {  	p0 =	sne.s32 s6, $0x30FC0;
	[tilespmem:s7+$0x4400] =	vst v0;
	s7 =	smov.u32 s6;
	s6 =	sadd.s32 $0x40, s6  }
.Ltmp0:
0x17: {  	(pc) =	sbr.rel @p0 .LBB2_2-.Ltmp0, $2  }
0x18: {  	_ =	sdelay $0x2  }
0x19: {  	s7 =	sshra.s32 s7, $0x2  }
0x1a: {  	[tilespmem:s7+$0x4400] =	vst v0  }
0x1b: {  	[spmem:s5] =	stream.linear.scatter [tilespmem:s10], [sflag:$0x2], $0xC400, $0x38;
	[tilespmem:$0x1CC00] =	vst v63  }
0x1c: {  	_ =	swait.ge [sflag:s12], $0xC400  }
0x1d: {  	[sflag:s12] =	ssyncset.done $0x0  }
0x1e: {  	[sflag:s12] =	ssyncadd.s32 $0xFFFF3C00  }
0x1f: {  	[bflag:$0x0] =	sbarrier.arrive $0xFFFF  }
0x20: {  	s11 =	rddreg [dreg:$0x6]  }
0x21: {  	p1 =	sne.s32 s11, $0x1  }
.Ltmp1:
0x22: {  	_ = 	snop;
	(pc) =	sbr.rel @!p1 .LBB2_4-.Ltmp1, $3  }
0x23: {  	_ =	sdelay $0x1  }
0x24: {  	s8 =	smov.u32 s5  }
0x25: {  	p0 =	por $0x0, $0x0;
	s6 =	sadd.s32 $0xFFFFFFFF, s11;
	s11 =	sand.u32 $0x1FFFFF80, s9  }
0x26: {  	s7 =	sadd.s32 s4, s11  }
0x27: {  	[tilespmem:s3], [sflag:$0x2] =	stream.linear.gather [hbm4b:s7+s3], $0x400, $0x38;
	[tilespmem:$0x1CC00] =	vst v63  }
0x28: {  	_ =	swait.ge [sflag:s12], $0x400  }
0x29: {  	s10 =	sand.u32 $0x1FFFF000, s2;
	s11 =	rddreg [dreg:$0x3];
	[sflag:s12] =	ssyncset.done $0x0  }
0x2a: {  	[sflag:s12] =	ssyncadd.s32 $0xFFFFFC00;
	s7 =	sadd.s32 s11, s10  }
0x2b: {  	[tilespmem:s15], [sflag:$0x1] =	stream.strided.gather [hbm4b:s7+s13], $0x4000, s14, s13, $0x38;
	[tilespmem:$0x1CC00] =	vst v63  }
0x2c: {  	_ =	swait.ge [sflag:s16], $0x4000  }
0x2d: {  	[sflag:s16] =	ssyncset.done $0x0  }
0x2e: {  	[sflag:s16] =	ssyncadd.s32 $0xFFFFC000  }
0x2f: {  	[spmem:s1] =	stream.indirect.scatter.add.f32 [tilespmem:s15], [sflag:$0x2], $0x10, s3, s17, $0xb8;
	[tilespmem:$0x1CC00] =	vst v63  }
0x30: {  	_ =	swait.ge [sflag:s12], $0x800  }
0x31: {  	[sflag:s12] =	ssyncset.done $0x0  }
0x32: {  	[sflag:s12] =	ssyncadd.s32 $0xFFFFF800  }
0x33: {  	[spmem:s1] =	stream.indirect.scatter.add.f32 [tilespmem:s18], [sflag:$0x2], $0x10, s17, s17, $0xb8;
	[tilespmem:$0x1CC00] =	vst v63  }
0x34: {  	_ =	swait.ge [sflag:s12], $0x800  }
0x35: {  	[sflag:s12] =	ssyncset.done $0x0  }
0x36: {  	[sflag:s12] =	ssyncadd.s32 $0xFFFFF800  }
0x37: {  	[spmem:s1] =	stream.indirect.scatter.add.f32 [tilespmem:s20], [sflag:$0x2], $0x10, s19, s17, $0xb8;
	[tilespmem:$0x1CC00] =	vst v63  }
0x38: {  	_ =	swait.ge [sflag:s12], $0x800  }
0x39: {  	[sflag:s12] =	ssyncset.done $0x0  }
0x3a: {  	[sflag:s12] =	ssyncadd.s32 $0xFFFFF800  }
0x3b: {  	[spmem:s1] =	stream.indirect.scatter.add.f32 [tilespmem:s22], [sflag:$0x2], $0x10, s21, s17, $0xb8;
	[tilespmem:$0x1CC00] =	vst v63  }
0x3c: {  	_ =	swait.ge [sflag:s12], $0x800  }
0x3d: {  	[sflag:s12] =	ssyncset.done $0x0  }
0x3e: {  	[sflag:s12] =	ssyncadd.s32 $0xFFFFF800  }
0x3f: {  	[spmem:s1] =	stream.indirect.scatter.add.f32 [tilespmem:s24], [sflag:$0x2], $0x10, s23, s17, $0xb8;
	[tilespmem:$0x1CC00] =	vst v63  }
0x40: {  	_ =	swait.ge [sflag:s12], $0x800  }
0x41: {  	[sflag:s12] =	ssyncset.done $0x0  }
0x42: {  	[sflag:s12] =	ssyncadd.s32 $0xFFFFF800  }
0x43: {  	[spmem:s1] =	stream.indirect.scatter.add.f32 [tilespmem:s26], [sflag:$0x2], $0x10, s25, s17, $0xb8;
	[tilespmem:$0x1CC00] =	vst v63  }
0x44: {  	_ =	swait.ge [sflag:s12], $0x800  }
0x45: {  	[sflag:s12] =	ssyncset.done $0x0  }
0x46: {  	[sflag:s12] =	ssyncadd.s32 $0xFFFFF800  }
0x47: {  	[spmem:s1] =	stream.indirect.scatter.add.f32 [tilespmem:s29], [sflag:$0x2], $0x10, s28, s17, $0xb8;
	[tilespmem:$0x1CC00] =	vst v63  }
0x48: {  	p1 =	sne.s32 s6, $0x1;
	_ =	swait.ge [sflag:s12], $0x800  }
.Ltmp2:
0x49: {  	[sflag:s12] =	ssyncset.done $0x0;
	(pc) =	sbr.rel @!p1 .LBB2_6-.Ltmp2, $4  }
0x4a: {  	s6 =	sadd.s32 $0xFFFFFFFF, s6;
	[sflag:s12] =	ssyncadd.s32 $0xFFFFF800  }
0x4b: {  	[spmem:s1] =	stream.indirect.scatter.add.f32 [tilespmem:s31], [sflag:$0x2], $0x10, s30, s17, $0xb8;
	[tilespmem:$0x1CC00] =	vst v63  }
0x4c: {  	p0 =	por $0x1, $0x1;
	s7 =	sadd.s32 $0x1000, s9;
	_ =	swait.ge [sflag:s12], $0x800  }
0x4d: {  	s10 =	smov.u32 s2;
	s11 =	sand.u32 $0x1FFFFF80, s7;
	[sflag:s12] =	ssyncset.done $0x0  }
.LBB2_7:
0x4e: {  	s11 =	sadd.s32 s4, s11;
	[sflag:s12] =	ssyncadd.s32 $0xFFFFF800  }
0x4f: {  	[tilespmem:s3], [sflag:$0x2] =	stream.linear.gather [hbm4b:s11+s3], $0x400, $0x38;
	[tilespmem:$0x1CC00] =	vst v63  }
0x50: {  	s10 =	sadd.s32 $0x20000, s10;
	_ =	swait.ge [sflag:s12], $0x400  }
0x51: {  	s5 =	sand.u32 $0x1FFFF000, s10;
	s11 =	rddreg [dreg:$0x3];
	[sflag:s12] =	ssyncset.done $0x0  }
0x52: {  	[sflag:s12] =	ssyncadd.s32 $0xFFFFFC00;
	s5 =	sadd.s32 s11, s5  }
0x53: {  	[tilespmem:s15], [sflag:$0x1] =	stream.strided.gather [hbm4b:s5+s13], $0x4000, s14, s13, $0x38;
	[tilespmem:$0x1CC00] =	vst v63  }
0x54: {  	_ =	swait.ge [sflag:s16], $0x4000  }
0x55: {  	[sflag:s16] =	ssyncset.done $0x0  }
0x56: {  	[sflag:s16] =	ssyncadd.s32 $0xFFFFC000  }
0x57: {  	[spmem:s1] =	stream.indirect.scatter.add.f32 [tilespmem:s15], [sflag:$0x2], $0x10, s3, s17, $0xb8;
	[tilespmem:$0x1CC00] =	vst v63  }
0x58: {  	_ =	swait.ge [sflag:s12], $0x800  }
0x59: {  	[sflag:s12] =	ssyncset.done $0x0  }
0x5a: {  	[sflag:s12] =	ssyncadd.s32 $0xFFFFF800  }
0x5b: {  	[spmem:s1] =	stream.indirect.scatter.add.f32 [tilespmem:s18], [sflag:$0x2], $0x10, s17, s17, $0xb8;
	[tilespmem:$0x1CC00] =	vst v63  }
0x5c: {  	_ =	swait.ge [sflag:s12], $0x800  }
0x5d: {  	[sflag:s12] =	ssyncset.done $0x0  }
0x5e: {  	[sflag:s12] =	ssyncadd.s32 $0xFFFFF800  }
0x5f: {  	[spmem:s1] =	stream.indirect.scatter.add.f32 [tilespmem:s20], [sflag:$0x2], $0x10, s19, s17, $0xb8;
	[tilespmem:$0x1CC00] =	vst v63  }
0x60: {  	_ =	swait.ge [sflag:s12], $0x800  }
0x61: {  	[sflag:s12] =	ssyncset.done $0x0  }
0x62: {  	[sflag:s12] =	ssyncadd.s32 $0xFFFFF800  }
0x63: {  	[spmem:s1] =	stream.indirect.scatter.add.f32 [tilespmem:s22], [sflag:$0x2], $0x10, s21, s17, $0xb8;
	[tilespmem:$0x1CC00] =	vst v63  }
0x64: {  	_ =	swait.ge [sflag:s12], $0x800  }
0x65: {  	[sflag:s12] =	ssyncset.done $0x0  }
0x66: {  	[sflag:s12] =	ssyncadd.s32 $0xFFFFF800  }
0x67: {  	[spmem:s1] =	stream.indirect.scatter.add.f32 [tilespmem:s24], [sflag:$0x2], $0x10, s23, s17, $0xb8;
	[tilespmem:$0x1CC00] =	vst v63  }
0x68: {  	_ =	swait.ge [sflag:s12], $0x800  }
0x69: {  	[sflag:s12] =	ssyncset.done $0x0  }
0x6a: {  	[sflag:s12] =	ssyncadd.s32 $0xFFFFF800  }
0x6b: {  	[spmem:s1] =	stream.indirect.scatter.add.f32 [tilespmem:s26], [sflag:$0x2], $0x10, s25, s17, $0xb8;
	[tilespmem:$0x1CC00] =	vst v63  }
0x6c: {  	_ =	swait.ge [sflag:s12], $0x800  }
0x6d: {  	[sflag:s12] =	ssyncset.done $0x0  }
0x6e: {  	[sflag:s12] =	ssyncadd.s32 $0xFFFFF800  }
0x6f: {  	[spmem:s1] =	stream.indirect.scatter.add.f32 [tilespmem:s29], [sflag:$0x2], $0x10, s28, s17, $0xb8;
	[tilespmem:$0x1CC00] =	vst v63  }
0x70: {  	p1 =	sne.s32 s6, $0x1;
	_ =	swait.ge [sflag:s12], $0x800  }
.Ltmp3:
0x71: {  	[sflag:s12] =	ssyncset.done $0x0;
	(pc) =	sbr.rel @p1 .LBB2_7-.Ltmp3, $4  }
0x72: {  	[sflag:s12] =	ssyncadd.s32 $0xFFFFF800  }
0x73: {  	[spmem:s1] =	stream.indirect.scatter.add.f32 [tilespmem:s31], [sflag:$0x2], $0x10, s30, s17, $0xb8;
	[tilespmem:$0x1CC00] =	vst v63  }
0x74: {  	s7 =	sadd.s32 $0x1000, s7;
	_ =	swait.ge [sflag:s12], $0x800  }
0x75: {  	s6 =	sadd.s32 $0xFFFFFFFF, s6;
	s11 =	sand.u32 $0x1FFFFF80, s7;
	[sflag:s12] =	ssyncset.done $0x0  }
.LBB2_8:
0x76: {  	s5 =	sadd.s32 s4, s11;
	[sflag:s12] =	ssyncadd.s32 @p0 $0xFFFFF800  }
0x77: {  	[tilespmem:s3], [sflag:$0x2] =	stream.linear.gather [hbm4b:s5+s3], $0x400, $0x38;
	[tilespmem:$0x1CC00] =	vst v63  }
0x78: {  	s7 =	smov.u32 s2;
	s5 =	sadd.s32 @p0 $0x20000, s10  }
0x79: {  	_ =	swait.ge [sflag:s12], $0x400;
	s7 =	smov.u32 @p0 s5  }
0x7a: {  	s6 =	rddreg [dreg:$0x3];
	[sflag:s12] =	ssyncset.done $0x0;
	s5 =	sand.u32 $0x1FFFF000, s7  }
0x7b: {  	s5 =	sadd.s32 s6, s5;
	[sflag:s12] =	ssyncadd.s32 $0xFFFFFC00  }
0x7c: {  	[tilespmem:s15], [sflag:$0x1] =	stream.strided.gather [hbm4b:s5+s13], $0x4000, s14, s13, $0x38;
	[tilespmem:$0x1CC00] =	vst v63  }
0x7d: {  	_ =	swait.ge [sflag:s16], $0x4000  }
0x7e: {  	[sflag:s16] =	ssyncset.done $0x0  }
0x7f: {  	[sflag:s16] =	ssyncadd.s32 $0xFFFFC000  }
0x80: {  	[spmem:s1] =	stream.indirect.scatter.add.f32 [tilespmem:s15], [sflag:$0x2], $0x10, s3, s17, $0xb8;
	[tilespmem:$0x1CC00] =	vst v63  }
0x81: {  	_ =	swait.ge [sflag:s12], $0x800  }
0x82: {  	[sflag:s12] =	ssyncset.done $0x0  }
0x83: {  	[sflag:s12] =	ssyncadd.s32 $0xFFFFF800  }
0x84: {  	[spmem:s1] =	stream.indirect.scatter.add.f32 [tilespmem:s18], [sflag:$0x2], $0x10, s17, s17, $0xb8;
	[tilespmem:$0x1CC00] =	vst v63  }
0x85: {  	_ =	swait.ge [sflag:s12], $0x800  }
0x86: {  	[sflag:s12] =	ssyncset.done $0x0  }
0x87: {  	[sflag:s12] =	ssyncadd.s32 $0xFFFFF800  }
0x88: {  	[spmem:s1] =	stream.indirect.scatter.add.f32 [tilespmem:s20], [sflag:$0x2], $0x10, s19, s17, $0xb8;
	[tilespmem:$0x1CC00] =	vst v63  }
0x89: {  	_ =	swait.ge [sflag:s12], $0x800  }
0x8a: {  	[sflag:s12] =	ssyncset.done $0x0  }
0x8b: {  	[sflag:s12] =	ssyncadd.s32 $0xFFFFF800  }
0x8c: {  	[spmem:s1] =	stream.indirect.scatter.add.f32 [tilespmem:s22], [sflag:$0x2], $0x10, s21, s17, $0xb8;
	[tilespmem:$0x1CC00] =	vst v63  }
0x8d: {  	_ =	swait.ge [sflag:s12], $0x800  }
0x8e: {  	[sflag:s12] =	ssyncset.done $0x0  }
0x8f: {  	[sflag:s12] =	ssyncadd.s32 $0xFFFFF800  }
0x90: {  	[spmem:s1] =	stream.indirect.scatter.add.f32 [tilespmem:s24], [sflag:$0x2], $0x10, s23, s17, $0xb8;
	[tilespmem:$0x1CC00] =	vst v63  }
0x91: {  	_ =	swait.ge [sflag:s12], $0x800  }
0x92: {  	[sflag:s12] =	ssyncset.done $0x0  }
0x93: {  	[sflag:s12] =	ssyncadd.s32 $0xFFFFF800  }
0x94: {  	[spmem:s1] =	stream.indirect.scatter.add.f32 [tilespmem:s26], [sflag:$0x2], $0x10, s25, s17, $0xb8;
	[tilespmem:$0x1CC00] =	vst v63  }
0x95: {  	_ =	swait.ge [sflag:s12], $0x800  }
0x96: {  	[sflag:s12] =	ssyncset.done $0x0  }
0x97: {  	[sflag:s12] =	ssyncadd.s32 $0xFFFFF800  }
0x98: {  	[spmem:s1] =	stream.indirect.scatter.add.f32 [tilespmem:s29], [sflag:$0x2], $0x10, s28, s17, $0xb8;
	[tilespmem:$0x1CC00] =	vst v63  }
0x99: {  	_ =	swait.ge [sflag:s12], $0x800  }
0x9a: {  	[sflag:s12] =	ssyncset.done $0x0  }
0x9b: {  	[sflag:s12] =	ssyncadd.s32 $0xFFFFF800  }
0x9c: {  	[spmem:s1] =	stream.indirect.scatter.add.f32 [tilespmem:s31], [sflag:$0x2], $0x10, s30, s17, $0xb8;
	[tilespmem:$0x1CC00] =	vst v63  }
0x9d: {  	_ =	swait.ge [sflag:s12], $0x800  }
0x9e: {  	[sflag:s12] =	ssyncset.done $0x0  }
0x9f: {  	[sflag:s12] =	ssyncadd.s32 $0xFFFFF800  }
0xa0: {  	s10 =	simm.s32 $0x4400;
	[bflag:$0x0] =	sbarrier.arrive $0xFFFF  }
0xa1: {  	[tilespmem:s10], [sflag:$0x2] =	stream.linear.gather [spmem:s8], $0xC400, $0x38;
	[tilespmem:$0x1CC00] =	vst v63  }
0xa2: {  	_ =	swait.ge [sflag:s12], $0xC400  }
0xa3: {  	[sflag:s12] =	ssyncset.done $0x0  }
0xa4: {  	s5 =	smov.u32 s8;
	s8 =	rddreg [dreg:$0x4];
	[sflag:s12] =	ssyncadd.s32 $0xFFFF3C00  }
0xa5: {  	[hbm4b:s8+s3] =	stream.linear.scatter [tilespmem:s10], [sflag:$0x2], $0xC400, $0x38;
	[tilespmem:$0x1CC00] =	vst v63  }
0xa6: {  	_ =	swait.ge [sflag:s12], $0xC400  }
0xa7: {  	s0 =	sadd.s32 $0x1, s0;
	s11 =	rddreg [dreg:$0x5]  }
0xa8: {  	p0 =	sne.s32 s0, s11  }
.Ltmp4:
0xa9: {  	_ = 	snop;
	(pc) =	sbr.rel @p0 .LBB2_1-.Ltmp4, $4  }
.Ltmp5:
0xaa: {  	_ = 	snop;
	(pc) =	sbr.rel @!p0 .LBB2_9-.Ltmp5, $4  }
0xab: {  	_ = 	snop  }
0xac: {  	[sflag:s12] =	ssyncset.done $0x0  }
0xad: {  	[sflag:s12] =	ssyncadd.s32 $0xFFFF3C00  }
0xae: {  	_ = 	snop  }
.LBB2_4:
.Ltmp6:
0xaf: {  	(pc) =	sbr.rel .LBB2_8-.Ltmp6, $2  }
0xb0: {  	_ =	sdelay $0x2  }
0xb1: {  	s10 =	smov.u32 s2  }
.LBB2_6:
.Ltmp7:
0xb2: {  	(pc) =	sbr.rel .LBB2_8-.Ltmp7, $2  }
0xb3: {  	_ =	sdelay $0x2  }
0xb4: {  	s10 =	smov.u32 s2  }
.LBB2_9:
0xb5: {  	_ =	sfence.sel $0x180000  }
0xb6: {  	[bflag:$0x0] =	sbarrier.arrive $0xFFFF  }
0xb7: {  	_ =	strace $0x9000004A  }
0xb8: {  	s0 =	stileid.u32;
	[bflag:$0x2] =	sbarrier.arrive $0xFFFF  }
0xb9: {  	p0 =	sne.s32 s0, $0x0;
	s0 =	rddreg [dreg:$0x2]  }
0xba: {  	s0 =	sadd.s32 @!p0 $0x100000, s0  }
0xbb: {  	[sflag:s0] =	ssyncadd.tile.s32 @!p0 $0x1;
	_ =	shalt  }
.Lfunc_end2:
_tile_overlayer_lowered:
.L_overlay_start_2:
0xbc: {  	(tag) =	ssettag $0x2  }
0xbd: {  	s0 =	rddreg [dreg:$0x0];
	s2 =	stileid.u32  }
0xbe: {  	s1 =	rddreg [dreg:$0x1];
	p0 =	sne.s32 s2, $0x0  }
0xbf: {  	s3 =	rddreg [dreg:$0x2];
	[bflag:$0x3] =	sbarrier.arrive $0xFFFF;
	s2 =	simm.s32 @!p0 $0x1C02  }
0xc0: {  	[timem:s3], [sflag:s2] =	dma.local @!p0 [hbm:s0], s1  }
0xc1: {  	s0 =	simm.s32 @!p0 $0x2  }
0xc2: {  	_ =	swait.ge @!p0 [sflag:s0], s1  }
0xc3: {  	s1 =	ssub.s32 @!p0 $0x0, s1;
	[sflag:s0] =	ssyncset.done @!p0 $0x0  }
0xc4: {  	[sflag:s0] =	ssyncadd.s32 @!p0 s1  }
0xc5: {  	[bflag:$0x3] =	sbarrier.arrive $0xFFFF  }
0xc6: {  	_ =	shalt  }

// kernel: kernel.15.cloned.1.call-start
scs
__scs_entry_jumppad:
0x0: {  	(pc) =	sbr.rel $0x88, $3  }
0x1: {  	(tag) =	ssettag $0x0;
	lr =	simm.s32 $0x1  }
0x2: {  	[smem:$0x3F8F] =	sst lr;
	_ =	strace $0xD0000000  }
0x3: {  	_ = 	snop  }
0x4: {  	_ = 	snop  }
0x5: {  	_ = 	snop  }
0x6: {  	_ = 	snop  }
0x7: {  	_ = 	snop  }
__scs_overlays_trampoline_lowered:
0x8: {  	[smem:$0x3F9E] =	sst s0  }
0x9: {  	[smem:$0x3F9F] =	sst s1  }
0xa: {  	[smem:$0x3FA0] =	sst s2  }
0xb: {  	[smem:$0x3FA1] =	sst s3  }
0xc: {  	[smem:$0x3FA2] =	sst s4  }
0xd: {  	[smem:$0x3FA3] =	sst s5  }
0xe: {  	[smem:$0x3FA4] =	sst s6  }
0xf: {  	[smem:$0x3FA5] =	sst s7  }
0x10: {  	[smem:$0x3FA6] =	sst s8  }
0x11: {  	[smem:$0x3FA7] =	sst s9;
	s0 =	simm.s32 @!p0 $0x0  }
0x12: {  	s1 =	sld [smem:$0x3F8D];
	s0 =	simm.s32 @p0 $0x1  }
0x13: {  	[smem:$0x3FA8] =	sst s0;
	s0 =	simm.s32 @!p1 $0x0  }
0x14: {  	s2 =	sld [smem:$0x3F8C];
	s0 =	simm.s32 @p1 $0x1  }
0x15: {  	[smem:$0x3FA9] =	sst s0;
	s0 =	simm.s32 @!p2 $0x0  }
0x16: {  	s3 =	sld [smem:$0x3FDB];
	s0 =	simm.s32 @p2 $0x1  }
0x17: {  	s4 =	simm.s32 $0x1BF5;
	[smem:$0x3FAB] =	sst s0  }
0x18: {  	s0 =	sld [smem:$0x3F8E];
	_ =	swait.ge [sflag:s4], $0x0  }
0x19: {  	s7 =	sld [smem:$0x3F8F]  }
0x1a: {  	s8 =	sadd.s32 $0xFFFFE003, lr  }
0x1b: {  	s9 =	sadd.s32 $0xFFFFFEF7, lr;
	s5 =	simm.s32 $0xFFFFFFFF;
	p2 =	slt.u32 s8, $0xFFFFF086  }
0x1c: {  	p1 =	slt.u32 s9, $0xF7A;
	s5 =	simm.s32 @!p2 $0x0  }
0x1d: {  	s5 =	simm.s32 @p1 $0x1;
	p0 =	seq.s32 s7, s2  }
0x1e: {  	s7 =	smul.u32 @!p0 $0xF7A, s2;
	p2 =	seq.s32 @!p0 s5, $0x0  }
0x1f: {  	s9 =	smul.u32 $0xF7A, s1;
	s8 =	simm.s32 @!p0 $0x1BF5;
	p2 =	por !p2, p0  }
0x20: {  	[sflag:s8] =	ssyncset.s32 @!p0 $0xFFFFF086;
	s6 =	sadd.s32 @!p0 s3, s7;
	s7 =	simm.s32 @!p0 $0x108  }
0x21: {  	s3 =	sadd.s32 s3, s9;
	s6 =	sadd.s32 @!p0 $0x88, s6;
	s7 =	simm.s32 @p2 $0x1082  }
0x22: {  	[simem:s7], [sflag:s8] =	dma.local @!p0 [hbm:s6], $0xF7A  }
0x23: {  	s9 =	sor.u32 $0xD0000000, s2;
	s6 =	simm.s32 $0x108;
	_ =	swait.ge @!p0 [sflag:s8], $0x0  }
0x24: {  	s3 =	sadd.s32 $0x88, s3;
	s6 =	simm.s32 @!p1 $0x1082;
	[sflag:s4] =	ssyncset.s32 $0xFFFFF086  }
0x25: {  	[simem:s6], [sflag:s4] =	dma.local [hbm:s3], $0xF7A  }
0x26: {  	[smem:$0x3F8F] =	sst s1;
	(tag) =	ssettag s2;
	_ =	strace s9  }
0x27: {  	s1 =	sld [smem:$0x3F9F]  }
0x28: {  	s2 =	sld [smem:$0x3FA0]  }
0x29: {  	s4 =	sld [smem:$0x3FA2]  }
0x2a: {  	p0 =	seq.s32 s5, $0x0;
	s5 =	sld [smem:$0x3FA3]  }
0x2b: {  	s6 =	sld [smem:$0x3FA4]  }
0x2c: {  	s7 =	sld [smem:$0x3FA5]  }
0x2d: {  	s3 =	simm.s32 $0x108;
	s8 =	sld [smem:$0x3FA6]  }
0x2e: {  	s3 =	simm.s32 @!p0 $0x1082;
	s9 =	sld [smem:$0x3FA7]  }
0x2f: {  	lr =	sadd.s32 s0, s3;
	s0 =	sld [smem:$0x3F9E]  }
0x30: {  	s3 =	sld [smem:$0x3FA1]  }
0x31: {  	[smem:$0x3FAA] =	sst s10  }
0x32: {  	s10 =	sld [smem:$0x3FA8];
	_ =	sdelay $0x3  }
0x33: {  	p0 =	seq.s32 s10, $0x1;
	s10 =	sld [smem:$0x3FAA];
	_ =	sdelay $0x3  }
0x34: {  	[smem:$0x3FAA] =	sst s10  }
0x35: {  	s10 =	sld [smem:$0x3FA9];
	_ =	sdelay $0x3  }
0x36: {  	p1 =	seq.s32 s10, $0x1;
	s10 =	sld [smem:$0x3FAA];
	_ =	sdelay $0x3  }
0x37: {  	[smem:$0x3FAA] =	sst s10  }
0x38: {  	s10 =	sld [smem:$0x3FAB]  }
0x39: {  	_ = 	snop;
	(pc) =	sbr.ind lr, $3  }
0x3a: {  	_ = 	snop  }
0x3b: {  	_ = 	snop  }
0x3c: {  	p2 =	seq.s32 s10, $0x1;
	s10 =	sld [smem:$0x3FAA]  }
0x3d: {  	_ =	shalt  }
0x3e: {  	_ =	shalt  }
0x3f: {  	_ =	shalt  }
0x40: {  	_ =	shalt  }
0x41: {  	_ =	shalt  }
0x42: {  	_ =	shalt  }
0x43: {  	_ =	shalt  }
0x44: {  	_ =	shalt  }
0x45: {  	_ =	shalt  }
0x46: {  	_ =	shalt  }
0x47: {  	_ =	shalt  }
0x48: {  	_ =	shalt  }
0x49: {  	_ =	shalt  }
0x4a: {  	_ =	shalt  }
0x4b: {  	_ =	shalt  }
0x4c: {  	_ =	shalt  }
0x4d: {  	_ =	shalt  }
0x4e: {  	_ =	shalt  }
0x4f: {  	_ =	shalt  }
0x50: {  	_ =	shalt  }
0x51: {  	_ =	shalt  }
0x52: {  	_ =	shalt  }
0x53: {  	_ =	shalt  }
0x54: {  	_ =	shalt  }
0x55: {  	_ =	shalt  }
0x56: {  	_ =	shalt  }
0x57: {  	_ =	shalt  }
0x58: {  	_ =	shalt  }
0x59: {  	_ =	shalt  }
0x5a: {  	_ =	shalt  }
0x5b: {  	_ =	shalt  }
0x5c: {  	_ =	shalt  }
0x5d: {  	_ =	shalt  }
0x5e: {  	_ =	shalt  }
0x5f: {  	_ =	shalt  }
0x60: {  	_ =	shalt  }
0x61: {  	_ =	shalt  }
0x62: {  	_ =	shalt  }
0x63: {  	_ =	shalt  }
0x64: {  	_ =	shalt  }
0x65: {  	_ =	shalt  }
0x66: {  	_ =	shalt  }
0x67: {  	_ =	shalt  }
0x68: {  	_ =	shalt  }
0x69: {  	_ =	shalt  }
0x6a: {  	_ =	shalt  }
0x6b: {  	_ =	shalt  }
0x6c: {  	_ =	shalt  }
0x6d: {  	_ =	shalt  }
0x6e: {  	_ =	shalt  }
0x6f: {  	_ =	shalt  }
0x70: {  	_ =	shalt  }
0x71: {  	_ =	shalt  }
0x72: {  	_ =	shalt  }
0x73: {  	_ =	shalt  }
0x74: {  	_ =	shalt  }
0x75: {  	_ =	shalt  }
0x76: {  	_ =	shalt  }
0x77: {  	_ =	shalt  }
0x78: {  	_ =	shalt  }
0x79: {  	_ =	shalt  }
0x7a: {  	_ =	shalt  }
0x7b: {  	_ =	shalt  }
0x7c: {  	_ =	shalt  }
0x7d: {  	_ =	shalt  }
0x7e: {  	_ =	shalt  }
0x7f: {  	_ =	shalt  }
0x80: {  	_ =	shalt  }
0x81: {  	_ =	shalt  }
0x82: {  	_ =	shalt  }
0x83: {  	_ =	shalt  }
0x84: {  	_ =	shalt  }
0x85: {  	_ =	shalt  }
0x86: {  	_ =	shalt  }
0x87: {  	_ =	shalt  }
.Lfunc_end0:
.L_simem_size_0:
called_computation.2_lowered:
.L_overlay_start_0:
0x88: {  	s2 =	sld [smem:$0x3FD9]  }
0x89: {  	s3 =	sld [smem:$0x3FFE];
	_ =	sdelay $0x1  }
0x8a: {  	s1 =	srdreg.scid  }
0x8b: {  	s0 =	sand.u32 $0x1, s1  }
0x8c: {  	s16 =	sshll.u32 s0, $0xA;
	s2 =	sadd.s32 s3, s2  }
0x8d: {  	s2 =	sadd.s32 s2, s16  }
0x8e: {  	[smem:$0x3FB6] =	sst s2  }
0x8f: {  	_ = 	snop  }
0x90: {  	(tm) =	ssettm $0x1  }
0x91: {  	s17 =	sld [smem:$0x3FFB];
	_ =	sdelay $0x3  }
0x92: {  	_ =	strace s17  }
0x93: {  	s2 =	sld [smem:$0x3FFC];
	_ =	sdelay $0x3  }
0x94: {  	_ =	strace s2  }
0x95: {  	s2 =	sld [smem:$0x3FFD];
	_ =	sdelay $0x3  }
0x96: {  	_ =	strace s2  }
0x97: {  	_ =	strace $0x8FFFFFFF  }
0x98: {  	s18 =	sld [smem:$0x3FDB];
	_ =	sdelay $0x1  }
0x99: {  	s19 =	simm.s32 $_scs_section_size  }
0x9a: {  	s4 =	simm.s32 $_size__tile_overlayer_lowered;
	s5 =	simm.s32 $_tile_overlayer_lowered  }
0x9b: {  	s22 =	simm.s32 $0x1BFF;
	s21 =	sshll.u32 s5, $0x1;
	s2 =	sadd.s32 s19, s18  }
0x9c: {  	s6 =	simm.s32 $0x0;
	s20 =	sshll.u32 s4, $0x1;
	s4 =	sadd.s32 s21, s2  }
0x9d: {  	[timem:s6], [sflag:s22] =	dma.local [hbm:s4], s20  }
0x9e: {  	_ =	swait.ge [sflag:s22], s20  }
0x9f: {  	s3 =	ssub.s32 $0x0, s20;
	[sflag:s22] =	ssyncset.done $0x0  }
0xa0: {  	[sflag:s22] =	ssyncadd.s32 s3;
	_ =	sdelay $0x1  }
0xa1: {  	s23 =	simm.s32 $0x1B8B  }
0xa2: {  	_ =	swait.ge [sflag:s23], $0x1  }
0xa3: {  	[sflag:s23] =	ssyncset.done $0x0  }
0xa4: {  	s25 =	simm.s32 $0x1B8E;
	s24 =	sld [smem:$0x3FFE];
	[sflag:s23] =	ssyncadd.s32 $0xFFFFFFFF  }
0xa5: {  	s26 =	simm.s32 $execute0_lowered;
	[smem:$0x3FD2] =	sst s25  }
0xa6: {  	s4 =	sshll.u32 s26, $0x1;
	_ =	strace $0x8000004C;
	[dreg:$0x1] =	wrdreg $0xFFFFFFFF  }
0xa7: {  	s28 =	simm.s32 $_size_execute0_lowered;
	s2 =	sadd.s32 s2, s4;
	[dreg:$0x0] =	wrdreg $0x0  }
0xa8: {  	s4 =	sshll.u32 s28, $0x1;
	[dreg:$0x2] =	wrdreg s2  }
0xa9: {  	[dreg:$0x3] =	wrdreg s4  }
0xaa: {  	[dreg:$0x4] =	wrdreg $0xC0  }
0xab: {  	_ =	task [dreg:s6], $0x5FFFF  }
0xac: {  	[dreg:$0x1] =	wrdreg $0xFFFFFFFF  }
0xad: {  	[dreg:$0x0] =	wrdreg $0x60  }
0xae: {  	[dreg:$0x2] =	wrdreg s24  }
0xaf: {  	[dreg:$0x3] =	wrdreg $0x9  }
0xb0: {  	_ =	task.clear_ibuf [dreg:s6], $0x4FFFF;
	_ =	strace $0x9000004C  }
0xb1: {  	s29 =	simm.s32 $0x9;
	_ =	strace $0x8000004E  }
0xb2: {  	_ =	swait.ge [sflag:s29], $0x1  }
0xb3: {  	[sflag:s29] =	ssyncadd.s32 $0xFFFFFFFF  }
0xb4: {  	_ =	strace $0x9000004E  }
0xb5: {  	_ =	sfence  }
0xb6: {  	s30 =	sld [smem:$0x0];
	_ =	sdelay $0x2  }
0xb7: {  	s31 =	sshll.u32 s1, $0xD;
	s1 =	sshrl.u32 s1, $0x2  }
0xb8: {  	s3 =	sand.u32 $0x4000, s31;
	s1 =	sadd.s32 s1, s30  }
0xb9: {  	s0 =	sor.u32 s3, s0;
	s1 =	sshll.u32 s1, $0x11  }
0xba: {  	s0 =	sor.u32 s1, s0  }
0xbb: {  	s0 =	sadd.s32 $0x8F2B, s0  }
0xbc: {  	[sflag:s0] =	ssyncadd.remote.s32 $0x1  }
0xbd: {  	_ =	sfence.sel $0xFFFF  }
0xbe: {  	[dreg:$0x0] =	wrdreg $0xFFFFFFFF;
	(pc) =	sbr.abs _section_cstart, $3  }
0xbf: {  	[dreg:$0x1] =	wrdreg $0xFFFFFFFF  }
0xc0: {  	_ =	task.clear_ibuf [dreg:s6], $0x2FFFF;
	_ =	strace $0x9FFFFFFF  }
0xc1: {  	(tm) =	ssettm $0x7FFFFFFF  }
tec
execute0_lowered:
.L_overlay_start_1:
0x0: {  	(tag) =	ssettag $0x1  }
0x1: {  	s0 =	rddreg [dreg:$0x0];
	s1 =	simm.s32 $0x0;
	s2 =	srdreg.scid  }
0x2: {  	s12 =	simm.s32 $0x400;
	s13 =	simm.s32 $0xC00;
	s14 =	simm.s32 $0x100  }
0x3: {  	s15 =	simm.s32 $0x1400;
	s16 =	simm.s32 $0x180;
	s17 =	simm.s32 $0x1C00  }
0x4: {  	s18 =	simm.s32 $0x200;
	s19 =	simm.s32 $0x2400;
	s20 =	simm.s32 $0x280  }
0x5: {  	s21 =	simm.s32 $0x2C00;
	s22 =	simm.s32 $0x300;
	s23 =	simm.s32 $0x3400  }
0x6: {  	s24 =	simm.s32 $0x380;
	s28 =	simm.s32 $0x0;
	[smem:$0x7FF] =	sst s1  }
0x7: {  	s7 =	sand.u32 $0x1, s2;
	s3 =	sadd.s32 $0x4000, s0;
	s4 =	sadd.s32 $0x129400, s0  }
0x8: {  	s2 =	stileid.u32;
	s5 =	sadd.s32 $0x141C00, s0;
	_ =	strace $0x8000004D  }
0x9: {  	s6 =	ssub.s32 $0x2, s7;
	s9 =	sshll.u32 s2, $0x1;
	s30 =	sshll.u32 s2, $0x8  }
0xa: {  	s31 =	sshll.u32 s7, $0x7;
	s10 =	sshll.u32 s2, $0xC;
	s11 =	sshll.u32 s7, $0xB  }
0xb: {  	s8 =	sshrl.u32 s6, $0x1;
	s26 =	sor.u32 s9, s7;
	s9 =	sor.u32 s11, s10  }
0xc: {  	s10 =	simm.s32 $0x2;
	s11 =	simm.s32 $0x80;
	s25 =	ssub.s32 s6, s8  }
0xd: {  	s29 =	ssub.s32 $0x32F, s26;
	s8 =	sor.u32 s31, s30;
	s26 =	simm.s32 $0x1  }
0xe: {  	s6 =	smax.u32 s25, $0x1;
	s7 =	sshrl.u32 s29, $0x5;
	s25 =	simm.s32 $0x3C00  }
.LBB2_1:
0xf: {  	p1 =	sne.s32 s7, $0x1  }
.Ltmp0:
0x10: {  	_ = 	snop;
	(pc) =	sbr.rel @!p1 .LBB2_2-.Ltmp0, $2  }
0x11: {  	_ =	sdelay $0x2  }
0x12: {  	s29 =	sadd.s32 $0xFFFFFFFF, s7;
	s0 =	sand.u32 $0x1FFFFF80, s8;
	p0 =	por $0x0, $0x0  }
0x13: {  	s0 =	sadd.s32 s4, s0  }
0x14: {  	[tilespmem:s1], [sflag:$0x2] =	stream.linear.gather [hbm4b:s0+s1], $0x400, $0x38;
	[tilespmem:$0x4400] =	vst v63  }
0x15: {  	_ =	swait.ge [sflag:s10], $0x400  }
0x16: {  	[sflag:s10] =	ssyncset.done $0x0  }
0x17: {  	[sflag:s10] =	ssyncadd.s32 $0xFFFFFC00  }
0x18: {  	[tilespmem:s12], [sflag:$0x1] =	stream.indirect.gather [hbm4b:s3+s11], $0x10, s1, s11, $0xb8;
	[tilespmem:$0x4400] =	vst v63  }
0x19: {  	_ = 	snop  }
0x1a: {  	[tilespmem:s13], [sflag:$0x1] =	stream.indirect.gather [hbm4b:s3+s11], $0x10, s11, s11, $0xb8;
	[tilespmem:$0x4400] =	vst v63  }
0x1b: {  	_ = 	snop  }
0x1c: {  	[tilespmem:s15], [sflag:$0x1] =	stream.indirect.gather [hbm4b:s3+s11], $0x10, s14, s11, $0xb8;
	[tilespmem:$0x4400] =	vst v63  }
0x1d: {  	_ = 	snop  }
0x1e: {  	[tilespmem:s17], [sflag:$0x1] =	stream.indirect.gather [hbm4b:s3+s11], $0x10, s16, s11, $0xb8;
	[tilespmem:$0x4400] =	vst v63  }
0x1f: {  	_ = 	snop  }
0x20: {  	[tilespmem:s19], [sflag:$0x1] =	stream.indirect.gather [hbm4b:s3+s11], $0x10, s18, s11, $0xb8;
	[tilespmem:$0x4400] =	vst v63  }
0x21: {  	_ = 	snop  }
0x22: {  	[tilespmem:s21], [sflag:$0x1] =	stream.indirect.gather [hbm4b:s3+s11], $0x10, s20, s11, $0xb8;
	[tilespmem:$0x4400] =	vst v63  }
0x23: {  	_ = 	snop  }
0x24: {  	[tilespmem:s23], [sflag:$0x1] =	stream.indirect.gather [hbm4b:s3+s11], $0x10, s22, s11, $0xb8;
	[tilespmem:$0x4400] =	vst v63  }
0x25: {  	_ = 	snop  }
0x26: {  	[tilespmem:s25], [sflag:$0x1] =	stream.indirect.gather [hbm4b:s3+s11], $0x10, s24, s11, $0xb8;
	[tilespmem:$0x4400] =	vst v63  }
0x27: {  	_ =	swait.ge [sflag:s26], $0x800  }
0x28: {  	[sflag:s26] =	ssyncset.done $0x0  }
0x29: {  	[sflag:s26] =	ssyncadd.s32 $0xFFFFF800  }
0x2a: {  	_ =	swait.ge [sflag:s26], $0x800  }
0x2b: {  	[sflag:s26] =	ssyncset.done $0x0  }
0x2c: {  	[sflag:s26] =	ssyncadd.s32 $0xFFFFF800  }
0x2d: {  	_ =	swait.ge [sflag:s26], $0x800  }
0x2e: {  	[sflag:s26] =	ssyncset.done $0x0  }
0x2f: {  	[sflag:s26] =	ssyncadd.s32 $0xFFFFF800  }
0x30: {  	_ =	swait.ge [sflag:s26], $0x800  }
0x31: {  	[sflag:s26] =	ssyncset.done $0x0  }
0x32: {  	[sflag:s26] =	ssyncadd.s32 $0xFFFFF800  }
0x33: {  	_ =	swait.ge [sflag:s26], $0x800  }
0x34: {  	[sflag:s26] =	ssyncset.done $0x0  }
0x35: {  	[sflag:s26] =	ssyncadd.s32 $0xFFFFF800  }
0x36: {  	_ =	swait.ge [sflag:s26], $0x800  }
0x37: {  	[sflag:s26] =	ssyncset.done $0x0  }
0x38: {  	[sflag:s26] =	ssyncadd.s32 $0xFFFFF800  }
0x39: {  	_ =	swait.ge [sflag:s26], $0x800  }
0x3a: {  	[sflag:s26] =	ssyncset.done $0x0  }
0x3b: {  	[sflag:s26] =	ssyncadd.s32 $0xFFFFF800  }
0x3c: {  	p1 =	sne.s32 s29, $0x1;
	_ =	swait.ge [sflag:s26], $0x800  }
.Ltmp1:
0x3d: {  	s0 =	sand.u32 $0x1FFFF800, s9;
	[sflag:s26] =	ssyncset.done $0x0;
	(pc) =	sbr.rel @!p1 .LBB2_4-.Ltmp1, $4  }
0x3e: {  	s30 =	sadd.s32 $0xFFFFFFFF, s29;
	s0 =	sadd.s32 s5, s0;
	[sflag:s26] =	ssyncadd.s32 $0xFFFFF800  }
0x3f: {  	[hbm4b:s0+s1] =	stream.linear.scatter [tilespmem:s12], [sflag:$0x2], $0x4000, $0x38;
	[tilespmem:$0x4400] =	vst v63  }
0x40: {  	s31 =	sadd.s32 $0x1000, s8;
	p0 =	por $0x1, $0x1;
	_ =	swait.ge [sflag:s10], $0x4000  }
0x41: {  	s29 =	smov.u32 s9;
	s0 =	sand.u32 $0x1FFFFF80, s31;
	[sflag:s10] =	ssyncset.done $0x0  }
.LBB2_5:
0x42: {  	s0 =	sadd.s32 s4, s0;
	[sflag:s10] =	ssyncadd.s32 $0xFFFFC000;
	s29 =	sadd.s32 $0x10000, s29  }
0x43: {  	[tilespmem:s1], [sflag:$0x2] =	stream.linear.gather [hbm4b:s0+s1], $0x400, $0x38;
	[tilespmem:$0x4400] =	vst v63  }
0x44: {  	p1 =	sne.s32 s30, $0x1;
	s30 =	sadd.s32 $0xFFFFFFFF, s30;
	_ =	swait.ge [sflag:s10], $0x400  }
0x45: {  	[sflag:s10] =	ssyncset.done $0x0  }
0x46: {  	[sflag:s10] =	ssyncadd.s32 $0xFFFFFC00  }
0x47: {  	[tilespmem:s12], [sflag:$0x1] =	stream.indirect.gather [hbm4b:s3+s11], $0x10, s1, s11, $0xb8;
	[tilespmem:$0x4400] =	vst v63  }
0x48: {  	_ = 	snop  }
0x49: {  	[tilespmem:s13], [sflag:$0x1] =	stream.indirect.gather [hbm4b:s3+s11], $0x10, s11, s11, $0xb8;
	[tilespmem:$0x4400] =	vst v63  }
0x4a: {  	_ = 	snop  }
0x4b: {  	[tilespmem:s15], [sflag:$0x1] =	stream.indirect.gather [hbm4b:s3+s11], $0x10, s14, s11, $0xb8;
	[tilespmem:$0x4400] =	vst v63  }
0x4c: {  	_ = 	snop  }
0x4d: {  	[tilespmem:s17], [sflag:$0x1] =	stream.indirect.gather [hbm4b:s3+s11], $0x10, s16, s11, $0xb8;
	[tilespmem:$0x4400] =	vst v63  }
0x4e: {  	_ = 	snop  }
0x4f: {  	[tilespmem:s19], [sflag:$0x1] =	stream.indirect.gather [hbm4b:s3+s11], $0x10, s18, s11, $0xb8;
	[tilespmem:$0x4400] =	vst v63  }
0x50: {  	_ = 	snop  }
0x51: {  	[tilespmem:s21], [sflag:$0x1] =	stream.indirect.gather [hbm4b:s3+s11], $0x10, s20, s11, $0xb8;
	[tilespmem:$0x4400] =	vst v63  }
0x52: {  	_ = 	snop  }
0x53: {  	[tilespmem:s23], [sflag:$0x1] =	stream.indirect.gather [hbm4b:s3+s11], $0x10, s22, s11, $0xb8;
	[tilespmem:$0x4400] =	vst v63  }
0x54: {  	_ = 	snop  }
0x55: {  	[tilespmem:s25], [sflag:$0x1] =	stream.indirect.gather [hbm4b:s3+s11], $0x10, s24, s11, $0xb8;
	[tilespmem:$0x4400] =	vst v63  }
0x56: {  	_ =	swait.ge [sflag:s26], $0x800  }
0x57: {  	[sflag:s26] =	ssyncset.done $0x0  }
0x58: {  	[sflag:s26] =	ssyncadd.s32 $0xFFFFF800  }
0x59: {  	_ =	swait.ge [sflag:s26], $0x800  }
0x5a: {  	[sflag:s26] =	ssyncset.done $0x0  }
0x5b: {  	[sflag:s26] =	ssyncadd.s32 $0xFFFFF800  }
0x5c: {  	_ =	swait.ge [sflag:s26], $0x800  }
0x5d: {  	[sflag:s26] =	ssyncset.done $0x0  }
0x5e: {  	[sflag:s26] =	ssyncadd.s32 $0xFFFFF800  }
0x5f: {  	_ =	swait.ge [sflag:s26], $0x800  }
0x60: {  	[sflag:s26] =	ssyncset.done $0x0  }
0x61: {  	[sflag:s26] =	ssyncadd.s32 $0xFFFFF800  }
0x62: {  	_ =	swait.ge [sflag:s26], $0x800  }
0x63: {  	[sflag:s26] =	ssyncset.done $0x0  }
0x64: {  	[sflag:s26] =	ssyncadd.s32 $0xFFFFF800  }
0x65: {  	_ =	swait.ge [sflag:s26], $0x800  }
0x66: {  	[sflag:s26] =	ssyncset.done $0x0  }
0x67: {  	[sflag:s26] =	ssyncadd.s32 $0xFFFFF800  }
0x68: {  	_ =	swait.ge [sflag:s26], $0x800  }
0x69: {  	[sflag:s26] =	ssyncset.done $0x0  }
0x6a: {  	[sflag:s26] =	ssyncadd.s32 $0xFFFFF800  }
0x6b: {  	_ =	swait.ge [sflag:s26], $0x800  }
.Ltmp2:
0x6c: {  	s0 =	sand.u32 $0x1FFFF800, s29;
	[sflag:s26] =	ssyncset.done $0x0;
	(pc) =	sbr.rel @p1 .LBB2_5-.Ltmp2, $4  }
0x6d: {  	s0 =	sadd.s32 s5, s0;
	[sflag:s26] =	ssyncadd.s32 $0xFFFFF800  }
0x6e: {  	[hbm4b:s0+s1] =	stream.linear.scatter [tilespmem:s12], [sflag:$0x2], $0x4000, $0x38;
	[tilespmem:$0x4400] =	vst v63  }
0x6f: {  	s31 =	sadd.s32 $0x1000, s31;
	_ =	swait.ge [sflag:s10], $0x4000  }
0x70: {  	s0 =	sand.u32 $0x1FFFFF80, s31;
	[sflag:s10] =	ssyncset.done $0x0  }
.LBB2_6:
0x71: {  	s0 =	sadd.s32 s4, s0;
	[sflag:s10] =	ssyncadd.s32 @p0 $0xFFFFC000  }
0x72: {  	[tilespmem:s1], [sflag:$0x2] =	stream.linear.gather [hbm4b:s0+s1], $0x400, $0x38;
	[tilespmem:$0x4400] =	vst v63  }
0x73: {  	_ =	swait.ge [sflag:s10], $0x400  }
0x74: {  	[sflag:s10] =	ssyncset.done $0x0  }
0x75: {  	[sflag:s10] =	ssyncadd.s32 $0xFFFFFC00  }
0x76: {  	[tilespmem:s12], [sflag:$0x1] =	stream.indirect.gather [hbm4b:s3+s11], $0x10, s1, s11, $0xb8;
	[tilespmem:$0x4400] =	vst v63  }
0x77: {  	_ = 	snop  }
0x78: {  	[tilespmem:s13], [sflag:$0x1] =	stream.indirect.gather [hbm4b:s3+s11], $0x10, s11, s11, $0xb8;
	[tilespmem:$0x4400] =	vst v63  }
0x79: {  	_ = 	snop  }
0x7a: {  	[tilespmem:s15], [sflag:$0x1] =	stream.indirect.gather [hbm4b:s3+s11], $0x10, s14, s11, $0xb8;
	[tilespmem:$0x4400] =	vst v63  }
0x7b: {  	_ = 	snop  }
0x7c: {  	[tilespmem:s17], [sflag:$0x1] =	stream.indirect.gather [hbm4b:s3+s11], $0x10, s16, s11, $0xb8;
	[tilespmem:$0x4400] =	vst v63  }
0x7d: {  	_ = 	snop  }
0x7e: {  	[tilespmem:s19], [sflag:$0x1] =	stream.indirect.gather [hbm4b:s3+s11], $0x10, s18, s11, $0xb8;
	[tilespmem:$0x4400] =	vst v63  }
0x7f: {  	_ = 	snop  }
0x80: {  	[tilespmem:s21], [sflag:$0x1] =	stream.indirect.gather [hbm4b:s3+s11], $0x10, s20, s11, $0xb8;
	[tilespmem:$0x4400] =	vst v63  }
0x81: {  	_ = 	snop  }
0x82: {  	[tilespmem:s23], [sflag:$0x1] =	stream.indirect.gather [hbm4b:s3+s11], $0x10, s22, s11, $0xb8;
	[tilespmem:$0x4400] =	vst v63  }
0x83: {  	_ = 	snop  }
0x84: {  	[tilespmem:s25], [sflag:$0x1] =	stream.indirect.gather [hbm4b:s3+s11], $0x10, s24, s11, $0xb8;
	[tilespmem:$0x4400] =	vst v63  }
0x85: {  	_ =	swait.ge [sflag:s26], $0x800  }
0x86: {  	[sflag:s26] =	ssyncset.done $0x0  }
0x87: {  	[sflag:s26] =	ssyncadd.s32 $0xFFFFF800  }
0x88: {  	_ =	swait.ge [sflag:s26], $0x800  }
0x89: {  	[sflag:s26] =	ssyncset.done $0x0  }
0x8a: {  	[sflag:s26] =	ssyncadd.s32 $0xFFFFF800  }
0x8b: {  	_ =	swait.ge [sflag:s26], $0x800  }
0x8c: {  	[sflag:s26] =	ssyncset.done $0x0  }
0x8d: {  	[sflag:s26] =	ssyncadd.s32 $0xFFFFF800  }
0x8e: {  	_ =	swait.ge [sflag:s26], $0x800  }
0x8f: {  	[sflag:s26] =	ssyncset.done $0x0  }
0x90: {  	[sflag:s26] =	ssyncadd.s32 $0xFFFFF800  }
0x91: {  	_ =	swait.ge [sflag:s26], $0x800  }
0x92: {  	[sflag:s26] =	ssyncset.done $0x0  }
0x93: {  	[sflag:s26] =	ssyncadd.s32 $0xFFFFF800  }
0x94: {  	_ =	swait.ge [sflag:s26], $0x800  }
0x95: {  	[sflag:s26] =	ssyncset.done $0x0  }
0x96: {  	[sflag:s26] =	ssyncadd.s32 $0xFFFFF800  }
0x97: {  	_ =	swait.ge [sflag:s26], $0x800  }
0x98: {  	[sflag:s26] =	ssyncset.done $0x0  }
0x99: {  	s0 =	sadd.s32 @p0 $0x10000, s29;
	s29 =	smov.u32 s9;
	[sflag:s26] =	ssyncadd.s32 $0xFFFFF800  }
0x9a: {  	s29 =	smov.u32 @p0 s0;
	_ =	swait.ge [sflag:s26], $0x800  }
0x9b: {  	s28 =	sadd.s32 $0x1, s28;
	s0 =	sand.u32 $0x1FFFF800, s29;
	[sflag:s26] =	ssyncset.done $0x0  }
0x9c: {  	p0 =	sne.s32 s28, s6;
	s0 =	sadd.s32 s5, s0;
	[sflag:s26] =	ssyncadd.s32 $0xFFFFF800  }
0x9d: {  	[hbm4b:s0+s1] =	stream.linear.scatter [tilespmem:s12], [sflag:$0x2], $0x4000, $0x38;
	[tilespmem:$0x4400] =	vst v63  }
.Ltmp3:
0x9e: {  	_ = 	snop;
	(pc) =	sbr.rel @p0 .LBB2_1-.Ltmp3, $4  }
.Ltmp4:
0x9f: {  	_ = 	snop;
	(pc) =	sbr.rel @!p0 .LBB2_7-.Ltmp4, $4  }
0xa0: {  	_ =	swait.ge [sflag:s10], $0x4000  }
0xa1: {  	[sflag:s10] =	ssyncset.done $0x0  }
0xa2: {  	[sflag:s10] =	ssyncadd.s32 $0xFFFFC000  }
0xa3: {  	_ = 	snop  }
.LBB2_2:
.Ltmp5:
0xa4: {  	(pc) =	sbr.rel .LBB2_6-.Ltmp5, $2  }
0xa5: {  	_ =	sdelay $0x2  }
0xa6: {  	s29 =	smov.u32 s9  }
.LBB2_4:
.Ltmp6:
0xa7: {  	(pc) =	sbr.rel .LBB2_6-.Ltmp6, $2  }
0xa8: {  	_ =	sdelay $0x2  }
0xa9: {  	s29 =	smov.u32 s9  }
.LBB2_7:
0xaa: {  	_ =	sfence.sel $0x180000  }
0xab: {  	[bflag:$0x0] =	sbarrier.arrive $0xFFFF  }
0xac: {  	_ =	strace $0x9000004D  }
0xad: {  	[bflag:$0x2] =	sbarrier.arrive $0xFFFF  }
0xae: {  	p0 =	sne.s32 s2, $0x0;
	s0 =	rddreg [dreg:$0x1]  }
0xaf: {  	s0 =	sadd.s32 @!p0 $0x100000, s0  }
0xb0: {  	[sflag:s0] =	ssyncadd.tile.s32 @!p0 $0x1;
	_ =	shalt  }
.Lfunc_end2:
_tile_overlayer_lowered:
.L_overlay_start_2:
0xb1: {  	(tag) =	ssettag $0x2  }
0xb2: {  	s0 =	rddreg [dreg:$0x0];
	s2 =	stileid.u32  }
0xb3: {  	s1 =	rddreg [dreg:$0x1];
	p0 =	sne.s32 s2, $0x0  }
0xb4: {  	s3 =	rddreg [dreg:$0x2];
	[bflag:$0x3] =	sbarrier.arrive $0xFFFF;
	s2 =	simm.s32 @!p0 $0x1C02  }
0xb5: {  	[timem:s3], [sflag:s2] =	dma.local @!p0 [hbm:s0], s1  }
0xb6: {  	s0 =	simm.s32 @!p0 $0x2  }
0xb7: {  	_ =	swait.ge @!p0 [sflag:s0], s1  }
0xb8: {  	s1 =	ssub.s32 @!p0 $0x0, s1;
	[sflag:s0] =	ssyncset.done @!p0 $0x0  }
0xb9: {  	[sflag:s0] =	ssyncadd.s32 @!p0 s1  }
0xba: {  	[bflag:$0x3] =	sbarrier.arrive $0xFFFF  }
0xbb: {  	_ =	shalt  }

// kernel: kernel.9.cloned.1.call-start
scs
__scs_entry_jumppad:
0x0: {  	(pc) =	sbr.rel $0x88, $3  }
0x1: {  	(tag) =	ssettag $0x0;
	lr =	simm.s32 $0x1  }
0x2: {  	[smem:$0x3F8F] =	sst lr;
	_ =	strace $0xD0000000  }
0x3: {  	_ = 	snop  }
0x4: {  	_ = 	snop  }
0x5: {  	_ = 	snop  }
0x6: {  	_ = 	snop  }
0x7: {  	_ = 	snop  }
__scs_overlays_trampoline_lowered:
0x8: {  	[smem:$0x3F9E] =	sst s0  }
0x9: {  	[smem:$0x3F9F] =	sst s1  }
0xa: {  	[smem:$0x3FA0] =	sst s2  }
0xb: {  	[smem:$0x3FA1] =	sst s3  }
0xc: {  	[smem:$0x3FA2] =	sst s4  }
0xd: {  	[smem:$0x3FA3] =	sst s5  }
0xe: {  	[smem:$0x3FA4] =	sst s6  }
0xf: {  	[smem:$0x3FA5] =	sst s7  }
0x10: {  	[smem:$0x3FA6] =	sst s8  }
0x11: {  	[smem:$0x3FA7] =	sst s9;
	s0 =	simm.s32 @!p0 $0x0  }
0x12: {  	s1 =	sld [smem:$0x3F8D];
	s0 =	simm.s32 @p0 $0x1  }
0x13: {  	[smem:$0x3FA8] =	sst s0;
	s0 =	simm.s32 @!p1 $0x0  }
0x14: {  	s2 =	sld [smem:$0x3F8C];
	s0 =	simm.s32 @p1 $0x1  }
0x15: {  	[smem:$0x3FA9] =	sst s0;
	s0 =	simm.s32 @!p2 $0x0  }
0x16: {  	s3 =	sld [smem:$0x3FDB];
	s0 =	simm.s32 @p2 $0x1  }
0x17: {  	s4 =	simm.s32 $0x1BF5;
	[smem:$0x3FAB] =	sst s0  }
0x18: {  	s0 =	sld [smem:$0x3F8E];
	_ =	swait.ge [sflag:s4], $0x0  }
0x19: {  	s7 =	sld [smem:$0x3F8F]  }
0x1a: {  	s8 =	sadd.s32 $0xFFFFE003, lr  }
0x1b: {  	s9 =	sadd.s32 $0xFFFFFEF7, lr;
	s5 =	simm.s32 $0xFFFFFFFF;
	p2 =	slt.u32 s8, $0xFFFFF086  }
0x1c: {  	p1 =	slt.u32 s9, $0xF7A;
	s5 =	simm.s32 @!p2 $0x0  }
0x1d: {  	s5 =	simm.s32 @p1 $0x1;
	p0 =	seq.s32 s7, s2  }
0x1e: {  	s7 =	smul.u32 @!p0 $0xF7A, s2;
	p2 =	seq.s32 @!p0 s5, $0x0  }
0x1f: {  	s9 =	smul.u32 $0xF7A, s1;
	s8 =	simm.s32 @!p0 $0x1BF5;
	p2 =	por !p2, p0  }
0x20: {  	[sflag:s8] =	ssyncset.s32 @!p0 $0xFFFFF086;
	s6 =	sadd.s32 @!p0 s3, s7;
	s7 =	simm.s32 @!p0 $0x108  }
0x21: {  	s3 =	sadd.s32 s3, s9;
	s6 =	sadd.s32 @!p0 $0x88, s6;
	s7 =	simm.s32 @p2 $0x1082  }
0x22: {  	[simem:s7], [sflag:s8] =	dma.local @!p0 [hbm:s6], $0xF7A  }
0x23: {  	s9 =	sor.u32 $0xD0000000, s2;
	s6 =	simm.s32 $0x108;
	_ =	swait.ge @!p0 [sflag:s8], $0x0  }
0x24: {  	s3 =	sadd.s32 $0x88, s3;
	s6 =	simm.s32 @!p1 $0x1082;
	[sflag:s4] =	ssyncset.s32 $0xFFFFF086  }
0x25: {  	[simem:s6], [sflag:s4] =	dma.local [hbm:s3], $0xF7A  }
0x26: {  	[smem:$0x3F8F] =	sst s1;
	(tag) =	ssettag s2;
	_ =	strace s9  }
0x27: {  	s1 =	sld [smem:$0x3F9F]  }
0x28: {  	s2 =	sld [smem:$0x3FA0]  }
0x29: {  	s4 =	sld [smem:$0x3FA2]  }
0x2a: {  	p0 =	seq.s32 s5, $0x0;
	s5 =	sld [smem:$0x3FA3]  }
0x2b: {  	s6 =	sld [smem:$0x3FA4]  }
0x2c: {  	s7 =	sld [smem:$0x3FA5]  }
0x2d: {  	s3 =	simm.s32 $0x108;
	s8 =	sld [smem:$0x3FA6]  }
0x2e: {  	s3 =	simm.s32 @!p0 $0x1082;
	s9 =	sld [smem:$0x3FA7]  }
0x2f: {  	lr =	sadd.s32 s0, s3;
	s0 =	sld [smem:$0x3F9E]  }
0x30: {  	s3 =	sld [smem:$0x3FA1]  }
0x31: {  	[smem:$0x3FAA] =	sst s10  }
0x32: {  	s10 =	sld [smem:$0x3FA8];
	_ =	sdelay $0x3  }
0x33: {  	p0 =	seq.s32 s10, $0x1;
	s10 =	sld [smem:$0x3FAA];
	_ =	sdelay $0x3  }
0x34: {  	[smem:$0x3FAA] =	sst s10  }
0x35: {  	s10 =	sld [smem:$0x3FA9];
	_ =	sdelay $0x3  }
0x36: {  	p1 =	seq.s32 s10, $0x1;
	s10 =	sld [smem:$0x3FAA];
	_ =	sdelay $0x3  }
0x37: {  	[smem:$0x3FAA] =	sst s10  }
0x38: {  	s10 =	sld [smem:$0x3FAB]  }
0x39: {  	_ = 	snop;
	(pc) =	sbr.ind lr, $3  }
0x3a: {  	_ = 	snop  }
0x3b: {  	_ = 	snop  }
0x3c: {  	p2 =	seq.s32 s10, $0x1;
	s10 =	sld [smem:$0x3FAA]  }
0x3d: {  	_ =	shalt  }
0x3e: {  	_ =	shalt  }
0x3f: {  	_ =	shalt  }
0x40: {  	_ =	shalt  }
0x41: {  	_ =	shalt  }
0x42: {  	_ =	shalt  }
0x43: {  	_ =	shalt  }
0x44: {  	_ =	shalt  }
0x45: {  	_ =	shalt  }
0x46: {  	_ =	shalt  }
0x47: {  	_ =	shalt  }
0x48: {  	_ =	shalt  }
0x49: {  	_ =	shalt  }
0x4a: {  	_ =	shalt  }
0x4b: {  	_ =	shalt  }
0x4c: {  	_ =	shalt  }
0x4d: {  	_ =	shalt  }
0x4e: {  	_ =	shalt  }
0x4f: {  	_ =	shalt  }
0x50: {  	_ =	shalt  }
0x51: {  	_ =	shalt  }
0x52: {  	_ =	shalt  }
0x53: {  	_ =	shalt  }
0x54: {  	_ =	shalt  }
0x55: {  	_ =	shalt  }
0x56: {  	_ =	shalt  }
0x57: {  	_ =	shalt  }
0x58: {  	_ =	shalt  }
0x59: {  	_ =	shalt  }
0x5a: {  	_ =	shalt  }
0x5b: {  	_ =	shalt  }
0x5c: {  	_ =	shalt  }
0x5d: {  	_ =	shalt  }
0x5e: {  	_ =	shalt  }
0x5f: {  	_ =	shalt  }
0x60: {  	_ =	shalt  }
0x61: {  	_ =	shalt  }
0x62: {  	_ =	shalt  }
0x63: {  	_ =	shalt  }
0x64: {  	_ =	shalt  }
0x65: {  	_ =	shalt  }
0x66: {  	_ =	shalt  }
0x67: {  	_ =	shalt  }
0x68: {  	_ =	shalt  }
0x69: {  	_ =	shalt  }
0x6a: {  	_ =	shalt  }
0x6b: {  	_ =	shalt  }
0x6c: {  	_ =	shalt  }
0x6d: {  	_ =	shalt  }
0x6e: {  	_ =	shalt  }
0x6f: {  	_ =	shalt  }
0x70: {  	_ =	shalt  }
0x71: {  	_ =	shalt  }
0x72: {  	_ =	shalt  }
0x73: {  	_ =	shalt  }
0x74: {  	_ =	shalt  }
0x75: {  	_ =	shalt  }
0x76: {  	_ =	shalt  }
0x77: {  	_ =	shalt  }
0x78: {  	_ =	shalt  }
0x79: {  	_ =	shalt  }
0x7a: {  	_ =	shalt  }
0x7b: {  	_ =	shalt  }
0x7c: {  	_ =	shalt  }
0x7d: {  	_ =	shalt  }
0x7e: {  	_ =	shalt  }
0x7f: {  	_ =	shalt  }
0x80: {  	_ =	shalt  }
0x81: {  	_ =	shalt  }
0x82: {  	_ =	shalt  }
0x83: {  	_ =	shalt  }
0x84: {  	_ =	shalt  }
0x85: {  	_ =	shalt  }
0x86: {  	_ =	shalt  }
0x87: {  	_ =	shalt  }
.Lfunc_end0:
.L_simem_size_0:
called_computation_lowered:
.L_overlay_start_0:
0x88: {  	s2 =	sld [smem:$0x3FD9]  }
0x89: {  	s3 =	sld [smem:$0x3FFE];
	_ =	sdelay $0x1  }
0x8a: {  	s1 =	srdreg.scid  }
0x8b: {  	s0 =	sand.u32 $0x1, s1  }
0x8c: {  	s16 =	sshll.u32 s0, $0xA;
	s2 =	sadd.s32 s3, s2  }
0x8d: {  	s2 =	sadd.s32 s2, s16  }
0x8e: {  	[smem:$0x3FB6] =	sst s2  }
0x8f: {  	_ = 	snop  }
0x90: {  	(tm) =	ssettm $0x1  }
0x91: {  	s17 =	sld [smem:$0x3FFB];
	_ =	sdelay $0x3  }
0x92: {  	_ =	strace s17  }
0x93: {  	s2 =	sld [smem:$0x3FFC];
	_ =	sdelay $0x3  }
0x94: {  	_ =	strace s2  }
0x95: {  	s2 =	sld [smem:$0x3FFD];
	_ =	sdelay $0x3  }
0x96: {  	_ =	strace s2  }
0x97: {  	_ =	strace $0x8FFFFFFF  }
0x98: {  	s18 =	sld [smem:$0x3FDB];
	_ =	sdelay $0x1  }
0x99: {  	s19 =	simm.s32 $_scs_section_size  }
0x9a: {  	s4 =	simm.s32 $_size__tile_overlayer_lowered;
	s5 =	simm.s32 $_tile_overlayer_lowered  }
0x9b: {  	s22 =	simm.s32 $0x1BFF;
	s21 =	sshll.u32 s5, $0x1;
	s2 =	sadd.s32 s19, s18  }
0x9c: {  	s6 =	simm.s32 $0x0;
	s20 =	sshll.u32 s4, $0x1;
	s4 =	sadd.s32 s21, s2  }
0x9d: {  	[timem:s6], [sflag:s22] =	dma.local [hbm:s4], s20  }
0x9e: {  	_ =	swait.ge [sflag:s22], s20  }
0x9f: {  	s3 =	ssub.s32 $0x0, s20;
	[sflag:s22] =	ssyncset.done $0x0  }
0xa0: {  	[sflag:s22] =	ssyncadd.s32 s3;
	_ =	sdelay $0x1  }
0xa1: {  	s23 =	simm.s32 $0x1B8B  }
0xa2: {  	_ =	swait.ge [sflag:s23], $0x1  }
0xa3: {  	[sflag:s23] =	ssyncset.done $0x0  }
0xa4: {  	s25 =	simm.s32 $0x1B8E;
	s24 =	sld [smem:$0x3FFE];
	[sflag:s23] =	ssyncadd.s32 $0xFFFFFFFF  }
0xa5: {  	s26 =	simm.s32 $execute0_lowered;
	[smem:$0x3FD2] =	sst s25  }
0xa6: {  	s4 =	sshll.u32 s26, $0x1;
	_ =	strace $0x80000046;
	[dreg:$0x1] =	wrdreg $0xFFFFFFFF  }
0xa7: {  	s28 =	simm.s32 $_size_execute0_lowered;
	s2 =	sadd.s32 s2, s4;
	[dreg:$0x0] =	wrdreg $0x0  }
0xa8: {  	s4 =	sshll.u32 s28, $0x1;
	[dreg:$0x2] =	wrdreg s2  }
0xa9: {  	[dreg:$0x3] =	wrdreg s4  }
0xaa: {  	[dreg:$0x4] =	wrdreg $0xC0  }
0xab: {  	_ =	task [dreg:s6], $0x5FFFF  }
0xac: {  	[dreg:$0x1] =	wrdreg $0xFFFFFFFF  }
0xad: {  	[dreg:$0x0] =	wrdreg $0x60  }
0xae: {  	[dreg:$0x2] =	wrdreg s24  }
0xaf: {  	[dreg:$0x3] =	wrdreg $0x9  }
0xb0: {  	_ =	task.clear_ibuf [dreg:s6], $0x4FFFF;
	_ =	strace $0x90000046  }
0xb1: {  	s29 =	simm.s32 $0x9;
	_ =	strace $0x80000048  }
0xb2: {  	_ =	swait.ge [sflag:s29], $0x1  }
0xb3: {  	[sflag:s29] =	ssyncadd.s32 $0xFFFFFFFF  }
0xb4: {  	_ =	strace $0x90000048  }
0xb5: {  	_ =	sfence  }
0xb6: {  	s30 =	sld [smem:$0x0];
	_ =	sdelay $0x2  }
0xb7: {  	s31 =	sshll.u32 s1, $0xD;
	s1 =	sshrl.u32 s1, $0x2  }
0xb8: {  	s3 =	sand.u32 $0x4000, s31;
	s1 =	sadd.s32 s1, s30  }
0xb9: {  	s0 =	sor.u32 s3, s0;
	s1 =	sshll.u32 s1, $0x11  }
0xba: {  	s0 =	sor.u32 s1, s0  }
0xbb: {  	s0 =	sadd.s32 $0x8F2B, s0  }
0xbc: {  	[sflag:s0] =	ssyncadd.remote.s32 $0x1  }
0xbd: {  	_ =	sfence.sel $0xFFFF  }
0xbe: {  	[dreg:$0x0] =	wrdreg $0xFFFFFFFF;
	(pc) =	sbr.abs _section_cstart, $3  }
0xbf: {  	[dreg:$0x1] =	wrdreg $0xFFFFFFFF  }
0xc0: {  	_ =	task.clear_ibuf [dreg:s6], $0x2FFFF;
	_ =	strace $0x9FFFFFFF  }
0xc1: {  	(tm) =	ssettm $0x7FFFFFFF  }
tec
execute0_lowered:
.L_overlay_start_1:
0x0: {  	(tag) =	ssettag $0x1  }
0x1: {  	s0 =	rddreg [dreg:$0x0];
	s1 =	simm.s32 $0x0  }
0x2: {  	[smem:$0x7FF] =	sst s1;
	s3 =	sadd.s32 $0x129400, s0  }
0x3: {  	s4 =	sadd.s32 $0x141C00, s0;
	_ =	strace $0x80000047;
	[dreg:$0x2] =	wrdreg s3  }
0x4: {  	s5 =	sadd.s32 $0x3D4E00, s0;
	[dreg:$0x3] =	wrdreg s4  }
0x5: {  	s19 =	sadd.s32 $0x3D4E04, s0;
	[dreg:$0x4] =	wrdreg s5  }
0x6: {  	s21 =	simm.s32 $0x1800;
	[dreg:$0x5] =	wrdreg s19  }
0x7: {  	s22 =	simm.s32 $0x9000;
	[dreg:$0x7] =	wrdreg s21  }
0x8: {  	s23 =	simm.s32 $0xD000;
	[dreg:$0x8] =	wrdreg s22  }
0x9: {  	s24 =	simm.s32 $0x100;
	[dreg:$0x9] =	wrdreg s23  }
0xa: {  	s25 =	simm.s32 $0x2800;
	[dreg:$0xa] =	wrdreg s24  }
0xb: {  	s28 =	simm.s32 $0x9800;
	[dreg:$0xb] =	wrdreg s25  }
0xc: {  	s29 =	simm.s32 $0xD800;
	[dreg:$0xc] =	wrdreg s28  }
0xd: {  	s30 =	simm.s32 $0x180;
	[dreg:$0xd] =	wrdreg s29  }
0xe: {  	s6 =	srdreg.scid;
	s31 =	simm.s32 $0x3800;
	[dreg:$0xe] =	wrdreg s30  }
0xf: {  	s20 =	stileid.u32;
	s10 =	simm.s32 $0xA000;
	[dreg:$0xf] =	wrdreg s31  }
0x10: {  	s11 =	simm.s32 $0xE000;
	s12 =	simm.s32 $0x200;
	[dreg:$0x10] =	wrdreg s10  }
0x11: {  	s14 =	simm.s32 $0x4800;
	s16 =	simm.s32 $0xA800;
	[dreg:$0x11] =	wrdreg s11  }
0x12: {  	s17 =	simm.s32 $0xE800;
	s18 =	simm.s32 $0x280;
	[dreg:$0x12] =	wrdreg s12  }
0x13: {  	s2 =	sadd.s32 $0xC7600, s0;
	s9 =	sand.u32 $0x1, s6;
	[dreg:$0x13] =	wrdreg s14  }
0x14: {  	s26 =	sshll.u32 s20, $0x1;
	s15 =	sshll.u32 s20, $0x8;
	[dreg:$0x14] =	wrdreg s16  }
0x15: {  	s3 =	sadd.s32 $0xF8400, s0;
	s4 =	sadd.s32 $0x110C00, s0;
	[dreg:$0x15] =	wrdreg s17  }
0x16: {  	s0 =	sadd.s32 $0x3D4E06, s0;
	s6 =	ssub.s32 $0x2, s9;
	[dreg:$0x16] =	wrdreg s18  }
0x17: {  	s10 =	sshll.u32 s9, $0xD;
	s19 =	simm.s32 $0x5800;
	[dreg:$0x6] =	wrdreg s0  }
0x18: {  	s11 =	simm.s32 $0x400;
	s21 =	simm.s32 $0xF000;
	[dreg:$0x17] =	wrdreg s19  }
0x19: {  	s12 =	simm.s32 $0x80;
	s22 =	simm.s32 $0x300;
	[dreg:$0x19] =	wrdreg s21  }
0x1a: {  	s14 =	simm.s32 $0x8800;
	s23 =	simm.s32 $0x6800;
	[dreg:$0x1a] =	wrdreg s22  }
0x1b: {  	s24 =	simm.s32 $0xB800;
	s16 =	simm.s32 $0x480;
	[dreg:$0x1b] =	wrdreg s23  }
0x1c: {  	s25 =	simm.s32 $0xF800;
	s17 =	simm.s32 $0x500;
	[dreg:$0x1c] =	wrdreg s24  }
0x1d: {  	s18 =	simm.s32 $0x580;
	s28 =	simm.s32 $0x7800;
	[dreg:$0x1d] =	wrdreg s25  }
0x1e: {  	s29 =	simm.s32 $0xC000;
	s30 =	simm.s32 $0x10000;
	[dreg:$0x1f] =	wrdreg s28  }
0x1f: {  	s31 =	simm.s32 $0x20;
	s7 =	sshrl.u32 s6, $0x1;
	[smem:$0x7FB] =	sst s29  }
0x20: {  	s19 =	simm.s32 $0x600;
	s21 =	simm.s32 $0x700;
	[smem:$0x7FC] =	sst s30  }
0x21: {  	s22 =	simm.s32 $0x780;
	s23 =	simm.s32 $0x1;
	[smem:$0x7FD] =	sst s31  }
0x22: {  	s24 =	simm.s32 $0x40;
	s25 =	simm.s32 $0x10;
	s6 =	ssub.s32 s6, s7  }
0x23: {  	s7 =	sor.u32 s26, s9;
	s9 =	sshll.u32 s9, $0x7;
	s26 =	simm.s32 $0x380  }
0x24: {  	s6 =	smax.u32 s6, $0x1;
	s7 =	ssub.s32 $0x32F, s7;
	[dreg:$0x1e] =	wrdreg s26  }
0x25: {  	s5 =	sor.u32 s9, s15;
	s15 =	simm.s32 $0xC800;
	[smem:$0x7F7] =	sst s6  }
0x26: {  	s8 =	sshrl.u32 s7, $0x5;
	[smem:$0x7FA] =	sst s5;
	s5 =	simm.s32 $0x0  }
0x27: {  	[smem:$0x7F8] =	sst s8;
	s8 =	sshll.u32 s20, $0xE;
	s20 =	simm.s32 $0xB000  }
0x28: {  	s13 =	sor.u32 s10, s8;
	s10 =	simm.s32 $0x2;
	[dreg:$0x18] =	wrdreg s20  }
0x29: {  	s20 =	simm.s32 $0x680;
	[smem:$0x7F9] =	sst s13;
	s13 =	simm.s32 $0x800  }
.LBB2_1:
0x2a: {  	s7 =	sld [smem:$0x7FA];
	_ =	sdelay $0x2  }
0x2b: {  	s0 =	rddreg [dreg:$0x2];
	s28 =	sand.u32 $0x1FFFFF80, s7  }
0x2c: {  	[smem:$0x7F6] =	sst s5;
	s0 =	sadd.s32 s0, s28  }
0x2d: {  	[tilespmem:s1], [sflag:$0x2] =	stream.linear.gather [hbm4b:s0+s1], $0x400, $0x38;
	[tilespmem:$0x10800] =	vst v63  }
0x2e: {  	_ =	swait.ge [sflag:s10], $0x400  }
0x2f: {  	s5 =	rddreg [dreg:$0x3];
	[sflag:s10] =	ssyncset.done $0x0  }
0x30: {  	[sflag:s10] =	ssyncadd.s32 $0xFFFFFC00;
	s0 =	sadd.s32 s5, s28  }
0x31: {  	[tilespmem:s11], [sflag:$0x2] =	stream.linear.gather [hbm4b:s0+s1], $0x400, $0x38;
	[tilespmem:$0x10800] =	vst v63  }
0x32: {  	_ =	swait.ge [sflag:s10], $0x400  }
0x33: {  	s6 =	rddreg [dreg:$0x1b]  }
0x34: {  	[sflag:s10] =	ssyncset.done $0x0;
	s28 =	rddreg [dreg:$0x18]  }
0x35: {  	s29 =	rddreg [dreg:$0xb];
	[sflag:s10] =	ssyncadd.s32 $0xFFFFFC00  }
0x36: {  	[tilespmem:s13], [sflag:$0x1] =	stream.indirect.gather [hbm4b:s2+s12], $0x20, s1, s12, $0xb8;
	[tilespmem:$0x10800] =	vst v63  }
0x37: {  	s30 =	rddreg [dreg:$0x7]  }
0x38: {  	[tilespmem:s14], [sflag:$0x1] =	stream.indirect.gather [hbm4b:s3+s12], $0x10, s11, s12, $0xb8;
	[tilespmem:$0x10800] =	vst v63  }
0x39: {  	s31 =	rddreg [dreg:$0x8]  }
0x3a: {  	[tilespmem:s15], [sflag:$0x1] =	stream.indirect.gather [hbm4b:s4+s12], $0x10, s11, s12, $0xb8;
	[tilespmem:$0x10800] =	vst v63  }
0x3b: {  	s8 =	rddreg [dreg:$0x1d]  }
0x3c: {  	[tilespmem:s30], [sflag:$0x1] =	stream.indirect.gather [hbm4b:s2+s12], $0x20, s12, s12, $0xb8;
	[tilespmem:$0x10800] =	vst v63  }
0x3d: {  	s30 =	rddreg [dreg:$0x9]  }
0x3e: {  	[tilespmem:s31], [sflag:$0x1] =	stream.indirect.gather [hbm4b:s3+s12], $0x10, s16, s12, $0xb8;
	[tilespmem:$0x10800] =	vst v63  }
0x3f: {  	s31 =	rddreg [dreg:$0xa]  }
0x40: {  	[tilespmem:s30], [sflag:$0x1] =	stream.indirect.gather [hbm4b:s4+s12], $0x10, s16, s12, $0xb8;
	[tilespmem:$0x10800] =	vst v63  }
0x41: {  	s30 =	rddreg [dreg:$0xc]  }
0x42: {  	[tilespmem:s29], [sflag:$0x1] =	stream.indirect.gather [hbm4b:s2+s12], $0x20, s31, s12, $0xb8;
	[tilespmem:$0x10800] =	vst v63  }
0x43: {  	s29 =	rddreg [dreg:$0xf]  }
0x44: {  	s31 =	rddreg [dreg:$0xd]  }
0x45: {  	[tilespmem:s30], [sflag:$0x1] =	stream.indirect.gather [hbm4b:s3+s12], $0x10, s17, s12, $0xb8;
	[tilespmem:$0x10800] =	vst v63  }
0x46: {  	s30 =	rddreg [dreg:$0xe]  }
0x47: {  	[tilespmem:s31], [sflag:$0x1] =	stream.indirect.gather [hbm4b:s4+s12], $0x10, s17, s12, $0xb8;
	[tilespmem:$0x10800] =	vst v63  }
0x48: {  	s31 =	rddreg [dreg:$0x10]  }
0x49: {  	[tilespmem:s29], [sflag:$0x1] =	stream.indirect.gather [hbm4b:s2+s12], $0x20, s30, s12, $0xb8;
	[tilespmem:$0x10800] =	vst v63  }
0x4a: {  	s29 =	rddreg [dreg:$0x13]  }
0x4b: {  	s30 =	rddreg [dreg:$0x11]  }
0x4c: {  	[tilespmem:s31], [sflag:$0x1] =	stream.indirect.gather [hbm4b:s3+s12], $0x10, s18, s12, $0xb8;
	[tilespmem:$0x10800] =	vst v63  }
0x4d: {  	s31 =	rddreg [dreg:$0x12]  }
0x4e: {  	[tilespmem:s30], [sflag:$0x1] =	stream.indirect.gather [hbm4b:s4+s12], $0x10, s18, s12, $0xb8;
	[tilespmem:$0x10800] =	vst v63  }
0x4f: {  	s30 =	rddreg [dreg:$0x14]  }
0x50: {  	[tilespmem:s29], [sflag:$0x1] =	stream.indirect.gather [hbm4b:s2+s12], $0x20, s31, s12, $0xb8;
	[tilespmem:$0x10800] =	vst v63  }
0x51: {  	s29 =	rddreg [dreg:$0x17]  }
0x52: {  	[tilespmem:s30], [sflag:$0x1] =	stream.indirect.gather [hbm4b:s3+s12], $0x10, s19, s12, $0xb8;
	[tilespmem:$0x10800] =	vst v63  }
0x53: {  	s31 =	rddreg [dreg:$0x15]  }
0x54: {  	[tilespmem:s31], [sflag:$0x1] =	stream.indirect.gather [hbm4b:s4+s12], $0x10, s19, s12, $0xb8;
	[tilespmem:$0x10800] =	vst v63  }
0x55: {  	s30 =	rddreg [dreg:$0x16]  }
0x56: {  	[tilespmem:s29], [sflag:$0x1] =	stream.indirect.gather [hbm4b:s2+s12], $0x20, s30, s12, $0xb8;
	[tilespmem:$0x10800] =	vst v63  }
0x57: {  	s9 =	sld [smem:$0x7FB]  }
0x58: {  	[tilespmem:s28], [sflag:$0x1] =	stream.indirect.gather [hbm4b:s3+s12], $0x10, s20, s12, $0xb8;
	[tilespmem:$0x10800] =	vst v63  }
0x59: {  	s29 =	rddreg [dreg:$0x19]  }
0x5a: {  	[tilespmem:s29], [sflag:$0x1] =	stream.indirect.gather [hbm4b:s4+s12], $0x10, s20, s12, $0xb8;
	[tilespmem:$0x10800] =	vst v63  }
0x5b: {  	s28 =	rddreg [dreg:$0x1a]  }
0x5c: {  	[tilespmem:s6], [sflag:$0x1] =	stream.indirect.gather [hbm4b:s2+s12], $0x20, s28, s12, $0xb8;
	[tilespmem:$0x10800] =	vst v63  }
0x5d: {  	s29 =	rddreg [dreg:$0x1c]  }
0x5e: {  	[tilespmem:s29], [sflag:$0x1] =	stream.indirect.gather [hbm4b:s3+s12], $0x10, s21, s12, $0xb8;
	[tilespmem:$0x10800] =	vst v63  }
0x5f: {  	s31 =	rddreg [dreg:$0x1f]  }
0x60: {  	[tilespmem:s8], [sflag:$0x1] =	stream.indirect.gather [hbm4b:s4+s12], $0x10, s21, s12, $0xb8;
	[tilespmem:$0x10800] =	vst v63  }
0x61: {  	s28 =	rddreg [dreg:$0x1e]  }
0x62: {  	[tilespmem:s31], [sflag:$0x1] =	stream.indirect.gather [hbm4b:s2+s12], $0x20, s28, s12, $0xb8;
	[tilespmem:$0x10800] =	vst v63  }
0x63: {  	s28 =	sld [smem:$0x7FC]  }
0x64: {  	[tilespmem:s9], [sflag:$0x1] =	stream.indirect.gather [hbm4b:s3+s12], $0x10, s22, s12, $0xb8;
	[tilespmem:$0x10800] =	vst v63  }
0x65: {  	_ = 	snop  }
0x66: {  	[tilespmem:s28], [sflag:$0x1] =	stream.indirect.gather [hbm4b:s4+s12], $0x10, s22, s12, $0xb8;
	[tilespmem:$0x10800] =	vst v63  }
0x67: {  	_ =	swait.ge [sflag:s23], $0x1000  }
0x68: {  	[sflag:s23] =	ssyncset.done $0x0  }
0x69: {  	[sflag:s23] =	ssyncadd.s32 $0xFFFFF000  }
0x6a: {  	_ =	swait.ge [sflag:s23], $0x800  }
0x6b: {  	[sflag:s23] =	ssyncset.done $0x0  }
0x6c: {  	[sflag:s23] =	ssyncadd.s32 $0xFFFFF800  }
0x6d: {  	_ =	swait.ge [sflag:s23], $0x800  }
0x6e: {  	[sflag:s23] =	ssyncset.done $0x0  }
0x6f: {  	[sflag:s23] =	ssyncadd.s32 $0xFFFFF800  }
0x70: {  	_ =	swait.ge [sflag:s23], $0x1000  }
0x71: {  	[sflag:s23] =	ssyncset.done $0x0  }
0x72: {  	[sflag:s23] =	ssyncadd.s32 $0xFFFFF000  }
0x73: {  	_ =	swait.ge [sflag:s23], $0x800  }
0x74: {  	[sflag:s23] =	ssyncset.done $0x0  }
0x75: {  	[sflag:s23] =	ssyncadd.s32 $0xFFFFF800  }
0x76: {  	_ =	swait.ge [sflag:s23], $0x800  }
0x77: {  	[sflag:s23] =	ssyncset.done $0x0  }
0x78: {  	[sflag:s23] =	ssyncadd.s32 $0xFFFFF800  }
0x79: {  	_ =	swait.ge [sflag:s23], $0x1000  }
0x7a: {  	[sflag:s23] =	ssyncset.done $0x0  }
0x7b: {  	[sflag:s23] =	ssyncadd.s32 $0xFFFFF000  }
0x7c: {  	_ =	swait.ge [sflag:s23], $0x800  }
0x7d: {  	[sflag:s23] =	ssyncset.done $0x0  }
0x7e: {  	[sflag:s23] =	ssyncadd.s32 $0xFFFFF800  }
0x7f: {  	_ =	swait.ge [sflag:s23], $0x800  }
0x80: {  	[sflag:s23] =	ssyncset.done $0x0  }
0x81: {  	[sflag:s23] =	ssyncadd.s32 $0xFFFFF800  }
0x82: {  	_ =	swait.ge [sflag:s23], $0x1000  }
0x83: {  	[sflag:s23] =	ssyncset.done $0x0  }
0x84: {  	[sflag:s23] =	ssyncadd.s32 $0xFFFFF000  }
0x85: {  	_ =	swait.ge [sflag:s23], $0x800  }
0x86: {  	[sflag:s23] =	ssyncset.done $0x0  }
0x87: {  	[sflag:s23] =	ssyncadd.s32 $0xFFFFF800  }
0x88: {  	_ =	swait.ge [sflag:s23], $0x800  }
0x89: {  	[sflag:s23] =	ssyncset.done $0x0  }
0x8a: {  	[sflag:s23] =	ssyncadd.s32 $0xFFFFF800  }
0x8b: {  	_ =	swait.ge [sflag:s23], $0x1000  }
0x8c: {  	[sflag:s23] =	ssyncset.done $0x0  }
0x8d: {  	[sflag:s23] =	ssyncadd.s32 $0xFFFFF000  }
0x8e: {  	_ =	swait.ge [sflag:s23], $0x800  }
0x8f: {  	[sflag:s23] =	ssyncset.done $0x0  }
0x90: {  	[sflag:s23] =	ssyncadd.s32 $0xFFFFF800  }
0x91: {  	_ =	swait.ge [sflag:s23], $0x800  }
0x92: {  	[sflag:s23] =	ssyncset.done $0x0  }
0x93: {  	[sflag:s23] =	ssyncadd.s32 $0xFFFFF800  }
0x94: {  	_ =	swait.ge [sflag:s23], $0x1000  }
0x95: {  	[sflag:s23] =	ssyncset.done $0x0  }
0x96: {  	[sflag:s23] =	ssyncadd.s32 $0xFFFFF000  }
0x97: {  	_ =	swait.ge [sflag:s23], $0x800  }
0x98: {  	[sflag:s23] =	ssyncset.done $0x0  }
0x99: {  	[sflag:s23] =	ssyncadd.s32 $0xFFFFF800  }
0x9a: {  	_ =	swait.ge [sflag:s23], $0x800  }
0x9b: {  	[sflag:s23] =	ssyncset.done $0x0  }
0x9c: {  	[sflag:s23] =	ssyncadd.s32 $0xFFFFF800  }
0x9d: {  	_ =	swait.ge [sflag:s23], $0x1000  }
0x9e: {  	[sflag:s23] =	ssyncset.done $0x0  }
0x9f: {  	[sflag:s23] =	ssyncadd.s32 $0xFFFFF000  }
0xa0: {  	_ =	swait.ge [sflag:s23], $0x800  }
0xa1: {  	[sflag:s23] =	ssyncset.done $0x0  }
0xa2: {  	[sflag:s23] =	ssyncadd.s32 $0xFFFFF800  }
0xa3: {  	_ =	swait.ge [sflag:s23], $0x800  }
0xa4: {  	[sflag:s23] =	ssyncset.done $0x0  }
0xa5: {  	[sflag:s23] =	ssyncadd.s32 $0xFFFFF800  }
0xa6: {  	_ =	swait.ge [sflag:s23], $0x1000  }
0xa7: {  	[sflag:s23] =	ssyncset.done $0x0  }
0xa8: {  	[sflag:s23] =	ssyncadd.s32 $0xFFFFF000  }
0xa9: {  	_ =	swait.ge [sflag:s23], $0x800  }
0xaa: {  	[sflag:s23] =	ssyncset.done $0x0  }
0xab: {  	[sflag:s23] =	ssyncadd.s32 $0xFFFFF800  }
0xac: {  	_ =	swait.ge [sflag:s23], $0x800  }
0xad: {  	s6 =	sld [smem:$0x7F9];
	_ =	sdelay $0x1  }
0xae: {  	s29 =	sld [smem:$0x7FD]  }
0xaf: {  	s28 =	rddreg [dreg:$0x4];
	[sflag:s23] =	ssyncset.done $0x0;
	s0 =	sand.u32 $0x1FFFE000, s6  }
0xb0: {  	[sflag:s23] =	ssyncadd.s32 $0xFFFFF800;
	s28 =	sadd.s32 s28, s0  }
0xb1: {  	[hbm4b:s28+s29] =	stream.strided.scatter [tilespmem:s13], [sflag:$0x2], $0x8000, s24, s29, $0x38;
	[tilespmem:$0x10800] =	vst v63  }
0xb2: {  	_ =	swait.ge [sflag:s10], $0x8000  }
0xb3: {  	s26 =	sld [smem:$0x7F8];
	_ =	sdelay $0x2  }
0xb4: {  	p0 =	sne.s32 s26, $0x1  }
.Ltmp0:
0xb5: {  	s28 =	rddreg [dreg:$0x5];
	[sflag:s10] =	ssyncset.done $0x0;
	(pc) =	sbr.rel @!p0 .LBB2_3-.Ltmp0, $4  }
0xb6: {  	[sflag:s10] =	ssyncadd.s32 $0xFFFF8000;
	s28 =	sadd.s32 s0, s28  }
0xb7: {  	[hbm4b:s28+s25] =	stream.strided.scatter [tilespmem:s14], [sflag:$0x2], $0x4000, s24, s25, $0x38;
	[tilespmem:$0x10800] =	vst v63  }
0xb8: {  	s30 =	smov.u32 s7;
	s29 =	smov.u32 s6;
	_ =	swait.ge [sflag:s10], $0x4000  }
0xb9: {  	s28 =	sadd.s32 $0xFFFFFFFF, s26;
	[sflag:s10] =	ssyncset.done $0x0;
	s31 =	rddreg [dreg:$0x6]  }
.LBB2_2:
0xba: {  	[sflag:s10] =	ssyncadd.s32 $0xFFFFC000;
	s0 =	sadd.s32 s0, s31  }
0xbb: {  	[hbm4b:s0+s25] =	stream.strided.scatter [tilespmem:s15], [sflag:$0x2], $0x4000, s24, s25, $0x38;
	[tilespmem:$0x10800] =	vst v63  }
0xbc: {  	s30 =	sadd.s32 $0x1000, s30;
	_ =	swait.ge [sflag:s10], $0x4000  }
0xbd: {  	s9 =	sand.u32 $0x1FFFFF80, s30;
	s31 =	rddreg [dreg:$0x2];
	[sflag:s10] =	ssyncset.done $0x0  }
0xbe: {  	[sflag:s10] =	ssyncadd.s32 $0xFFFFC000;
	s31 =	sadd.s32 s31, s9  }
0xbf: {  	[tilespmem:s1], [sflag:$0x2] =	stream.linear.gather [hbm4b:s31+s1], $0x400, $0x38;
	[tilespmem:$0x10800] =	vst v63  }
0xc0: {  	_ =	swait.ge [sflag:s10], $0x400  }
0xc1: {  	s31 =	rddreg [dreg:$0x3];
	[sflag:s10] =	ssyncset.done $0x0  }
0xc2: {  	[sflag:s10] =	ssyncadd.s32 $0xFFFFFC00;
	s0 =	sadd.s32 s31, s9  }
0xc3: {  	[tilespmem:s11], [sflag:$0x2] =	stream.linear.gather [hbm4b:s0+s1], $0x400, $0x38;
	[tilespmem:$0x10800] =	vst v63  }
0xc4: {  	_ =	swait.ge [sflag:s10], $0x400  }
0xc5: {  	s31 =	rddreg [dreg:$0x1b]  }
0xc6: {  	s0 =	rddreg [dreg:$0x18]  }
0xc7: {  	s5 =	rddreg [dreg:$0xb]  }
0xc8: {  	[sflag:s10] =	ssyncset.done $0x0;
	s6 =	rddreg [dreg:$0xf]  }
0xc9: {  	s7 =	rddreg [dreg:$0x13];
	[sflag:s10] =	ssyncadd.s32 $0xFFFFFC00  }
0xca: {  	[tilespmem:s13], [sflag:$0x1] =	stream.indirect.gather [hbm4b:s2+s12], $0x20, s1, s12, $0xb8;
	[tilespmem:$0x10800] =	vst v63  }
0xcb: {  	s8 =	rddreg [dreg:$0x17]  }
0xcc: {  	[tilespmem:s14], [sflag:$0x1] =	stream.indirect.gather [hbm4b:s3+s12], $0x10, s11, s12, $0xb8;
	[tilespmem:$0x10800] =	vst v63  }
0xcd: {  	s9 =	rddreg [dreg:$0x7]  }
0xce: {  	[tilespmem:s15], [sflag:$0x1] =	stream.indirect.gather [hbm4b:s4+s12], $0x10, s11, s12, $0xb8;
	[tilespmem:$0x10800] =	vst v63  }
0xcf: {  	s26 =	rddreg [dreg:$0x8]  }
0xd0: {  	[tilespmem:s9], [sflag:$0x1] =	stream.indirect.gather [hbm4b:s2+s12], $0x20, s12, s12, $0xb8;
	[tilespmem:$0x10800] =	vst v63  }
0xd1: {  	s9 =	rddreg [dreg:$0x9]  }
0xd2: {  	[tilespmem:s26], [sflag:$0x1] =	stream.indirect.gather [hbm4b:s3+s12], $0x10, s16, s12, $0xb8;
	[tilespmem:$0x10800] =	vst v63  }
0xd3: {  	s26 =	rddreg [dreg:$0xa]  }
0xd4: {  	[tilespmem:s9], [sflag:$0x1] =	stream.indirect.gather [hbm4b:s4+s12], $0x10, s16, s12, $0xb8;
	[tilespmem:$0x10800] =	vst v63  }
0xd5: {  	s9 =	rddreg [dreg:$0xc]  }
0xd6: {  	[tilespmem:s5], [sflag:$0x1] =	stream.indirect.gather [hbm4b:s2+s12], $0x20, s26, s12, $0xb8;
	[tilespmem:$0x10800] =	vst v63  }
0xd7: {  	s26 =	rddreg [dreg:$0xd]  }
0xd8: {  	[tilespmem:s9], [sflag:$0x1] =	stream.indirect.gather [hbm4b:s3+s12], $0x10, s17, s12, $0xb8;
	[tilespmem:$0x10800] =	vst v63  }
0xd9: {  	s5 =	rddreg [dreg:$0x1f]  }
0xda: {  	[tilespmem:s26], [sflag:$0x1] =	stream.indirect.gather [hbm4b:s4+s12], $0x10, s17, s12, $0xb8;
	[tilespmem:$0x10800] =	vst v63  }
0xdb: {  	s9 =	rddreg [dreg:$0xe]  }
0xdc: {  	[tilespmem:s6], [sflag:$0x1] =	stream.indirect.gather [hbm4b:s2+s12], $0x20, s9, s12, $0xb8;
	[tilespmem:$0x10800] =	vst v63  }
0xdd: {  	s26 =	rddreg [dreg:$0x10]  }
0xde: {  	[tilespmem:s26], [sflag:$0x1] =	stream.indirect.gather [hbm4b:s3+s12], $0x10, s18, s12, $0xb8;
	[tilespmem:$0x10800] =	vst v63  }
0xdf: {  	s9 =	rddreg [dreg:$0x11]  }
0xe0: {  	[tilespmem:s9], [sflag:$0x1] =	stream.indirect.gather [hbm4b:s4+s12], $0x10, s18, s12, $0xb8;
	[tilespmem:$0x10800] =	vst v63  }
0xe1: {  	s26 =	rddreg [dreg:$0x12]  }
0xe2: {  	[tilespmem:s7], [sflag:$0x1] =	stream.indirect.gather [hbm4b:s2+s12], $0x20, s26, s12, $0xb8;
	[tilespmem:$0x10800] =	vst v63  }
0xe3: {  	s9 =	rddreg [dreg:$0x14]  }
0xe4: {  	[tilespmem:s9], [sflag:$0x1] =	stream.indirect.gather [hbm4b:s3+s12], $0x10, s19, s12, $0xb8;
	[tilespmem:$0x10800] =	vst v63  }
0xe5: {  	s26 =	rddreg [dreg:$0x15]  }
0xe6: {  	[tilespmem:s26], [sflag:$0x1] =	stream.indirect.gather [hbm4b:s4+s12], $0x10, s19, s12, $0xb8;
	[tilespmem:$0x10800] =	vst v63  }
0xe7: {  	s7 =	rddreg [dreg:$0x16]  }
0xe8: {  	[tilespmem:s8], [sflag:$0x1] =	stream.indirect.gather [hbm4b:s2+s12], $0x20, s7, s12, $0xb8;
	[tilespmem:$0x10800] =	vst v63  }
0xe9: {  	s9 =	rddreg [dreg:$0x19]  }
0xea: {  	[tilespmem:s0], [sflag:$0x1] =	stream.indirect.gather [hbm4b:s3+s12], $0x10, s20, s12, $0xb8;
	[tilespmem:$0x10800] =	vst v63  }
0xeb: {  	s26 =	rddreg [dreg:$0x1a]  }
0xec: {  	[tilespmem:s9], [sflag:$0x1] =	stream.indirect.gather [hbm4b:s4+s12], $0x10, s20, s12, $0xb8;
	[tilespmem:$0x10800] =	vst v63  }
0xed: {  	s7 =	rddreg [dreg:$0x1c]  }
0xee: {  	[tilespmem:s31], [sflag:$0x1] =	stream.indirect.gather [hbm4b:s2+s12], $0x20, s26, s12, $0xb8;
	[tilespmem:$0x10800] =	vst v63  }
0xef: {  	s8 =	rddreg [dreg:$0x1d]  }
0xf0: {  	[tilespmem:s7], [sflag:$0x1] =	stream.indirect.gather [hbm4b:s3+s12], $0x10, s21, s12, $0xb8;
	[tilespmem:$0x10800] =	vst v63  }
0xf1: {  	s9 =	rddreg [dreg:$0x1e]  }
0xf2: {  	[tilespmem:s8], [sflag:$0x1] =	stream.indirect.gather [hbm4b:s4+s12], $0x10, s21, s12, $0xb8;
	[tilespmem:$0x10800] =	vst v63  }
0xf3: {  	s26 =	sld [smem:$0x7FB]  }
0xf4: {  	[tilespmem:s5], [sflag:$0x1] =	stream.indirect.gather [hbm4b:s2+s12], $0x20, s9, s12, $0xb8;
	[tilespmem:$0x10800] =	vst v63  }
0xf5: {  	s7 =	sld [smem:$0x7FC]  }
0xf6: {  	[tilespmem:s26], [sflag:$0x1] =	stream.indirect.gather [hbm4b:s3+s12], $0x10, s22, s12, $0xb8;
	[tilespmem:$0x10800] =	vst v63  }
0xf7: {  	_ = 	snop  }
0xf8: {  	[tilespmem:s7], [sflag:$0x1] =	stream.indirect.gather [hbm4b:s4+s12], $0x10, s22, s12, $0xb8;
	[tilespmem:$0x10800] =	vst v63  }
0xf9: {  	_ =	swait.ge [sflag:s23], $0x1000  }
0xfa: {  	[sflag:s23] =	ssyncset.done $0x0  }
0xfb: {  	[sflag:s23] =	ssyncadd.s32 $0xFFFFF000  }
0xfc: {  	_ =	swait.ge [sflag:s23], $0x800  }
0xfd: {  	[sflag:s23] =	ssyncset.done $0x0  }
0xfe: {  	[sflag:s23] =	ssyncadd.s32 $0xFFFFF800  }
0xff: {  	_ =	swait.ge [sflag:s23], $0x800  }
0x100: {  	[sflag:s23] =	ssyncset.done $0x0  }
0x101: {  	[sflag:s23] =	ssyncadd.s32 $0xFFFFF800  }
0x102: {  	_ =	swait.ge [sflag:s23], $0x1000  }
0x103: {  	[sflag:s23] =	ssyncset.done $0x0  }
0x104: {  	[sflag:s23] =	ssyncadd.s32 $0xFFFFF000  }
0x105: {  	_ =	swait.ge [sflag:s23], $0x800  }
0x106: {  	[sflag:s23] =	ssyncset.done $0x0  }
0x107: {  	[sflag:s23] =	ssyncadd.s32 $0xFFFFF800  }
0x108: {  	_ =	swait.ge [sflag:s23], $0x800  }
0x109: {  	[sflag:s23] =	ssyncset.done $0x0  }
0x10a: {  	[sflag:s23] =	ssyncadd.s32 $0xFFFFF800  }
0x10b: {  	_ =	swait.ge [sflag:s23], $0x1000  }
0x10c: {  	[sflag:s23] =	ssyncset.done $0x0  }
0x10d: {  	[sflag:s23] =	ssyncadd.s32 $0xFFFFF000  }
0x10e: {  	_ =	swait.ge [sflag:s23], $0x800  }
0x10f: {  	[sflag:s23] =	ssyncset.done $0x0  }
0x110: {  	[sflag:s23] =	ssyncadd.s32 $0xFFFFF800  }
0x111: {  	_ =	swait.ge [sflag:s23], $0x800  }
0x112: {  	[sflag:s23] =	ssyncset.done $0x0  }
0x113: {  	[sflag:s23] =	ssyncadd.s32 $0xFFFFF800  }
0x114: {  	_ =	swait.ge [sflag:s23], $0x1000  }
0x115: {  	[sflag:s23] =	ssyncset.done $0x0  }
0x116: {  	[sflag:s23] =	ssyncadd.s32 $0xFFFFF000  }
0x117: {  	_ =	swait.ge [sflag:s23], $0x800  }
0x118: {  	[sflag:s23] =	ssyncset.done $0x0  }
0x119: {  	[sflag:s23] =	ssyncadd.s32 $0xFFFFF800  }
0x11a: {  	_ =	swait.ge [sflag:s23], $0x800  }
0x11b: {  	[sflag:s23] =	ssyncset.done $0x0  }
0x11c: {  	[sflag:s23] =	ssyncadd.s32 $0xFFFFF800  }
0x11d: {  	_ =	swait.ge [sflag:s23], $0x1000  }
0x11e: {  	[sflag:s23] =	ssyncset.done $0x0  }
0x11f: {  	[sflag:s23] =	ssyncadd.s32 $0xFFFFF000  }
0x120: {  	_ =	swait.ge [sflag:s23], $0x800  }
0x121: {  	[sflag:s23] =	ssyncset.done $0x0  }
0x122: {  	[sflag:s23] =	ssyncadd.s32 $0xFFFFF800  }
0x123: {  	_ =	swait.ge [sflag:s23], $0x800  }
0x124: {  	[sflag:s23] =	ssyncset.done $0x0  }
0x125: {  	[sflag:s23] =	ssyncadd.s32 $0xFFFFF800  }
0x126: {  	_ =	swait.ge [sflag:s23], $0x1000  }
0x127: {  	[sflag:s23] =	ssyncset.done $0x0  }
0x128: {  	[sflag:s23] =	ssyncadd.s32 $0xFFFFF000  }
0x129: {  	_ =	swait.ge [sflag:s23], $0x800  }
0x12a: {  	[sflag:s23] =	ssyncset.done $0x0  }
0x12b: {  	[sflag:s23] =	ssyncadd.s32 $0xFFFFF800  }
0x12c: {  	_ =	swait.ge [sflag:s23], $0x800  }
0x12d: {  	[sflag:s23] =	ssyncset.done $0x0  }
0x12e: {  	[sflag:s23] =	ssyncadd.s32 $0xFFFFF800  }
0x12f: {  	_ =	swait.ge [sflag:s23], $0x1000  }
0x130: {  	[sflag:s23] =	ssyncset.done $0x0  }
0x131: {  	[sflag:s23] =	ssyncadd.s32 $0xFFFFF000  }
0x132: {  	_ =	swait.ge [sflag:s23], $0x800  }
0x133: {  	[sflag:s23] =	ssyncset.done $0x0  }
0x134: {  	[sflag:s23] =	ssyncadd.s32 $0xFFFFF800  }
0x135: {  	_ =	swait.ge [sflag:s23], $0x800  }
0x136: {  	[sflag:s23] =	ssyncset.done $0x0  }
0x137: {  	[sflag:s23] =	ssyncadd.s32 $0xFFFFF800  }
0x138: {  	_ =	swait.ge [sflag:s23], $0x1000  }
0x139: {  	[sflag:s23] =	ssyncset.done $0x0  }
0x13a: {  	[sflag:s23] =	ssyncadd.s32 $0xFFFFF000  }
0x13b: {  	_ =	swait.ge [sflag:s23], $0x800  }
0x13c: {  	[sflag:s23] =	ssyncset.done $0x0  }
0x13d: {  	[sflag:s23] =	ssyncadd.s32 $0xFFFFF800  }
0x13e: {  	_ =	swait.ge [sflag:s23], $0x800  }
0x13f: {  	s29 =	sadd.s32 $0x40000, s29;
	s9 =	sld [smem:$0x7FD]  }
0x140: {  	s0 =	sand.u32 $0x1FFFE000, s29;
	s8 =	rddreg [dreg:$0x4];
	[sflag:s23] =	ssyncset.done $0x0  }
0x141: {  	[sflag:s23] =	ssyncadd.s32 $0xFFFFF800;
	s5 =	sadd.s32 s8, s0  }
0x142: {  	[hbm4b:s5+s9] =	stream.strided.scatter [tilespmem:s13], [sflag:$0x2], $0x8000, s24, s9, $0x38;
	[tilespmem:$0x10800] =	vst v63  }
0x143: {  	p0 =	sne.s32 s28, $0x1;
	_ =	swait.ge [sflag:s10], $0x8000  }
.Ltmp1:
0x144: {  	s26 =	rddreg [dreg:$0x5];
	[sflag:s10] =	ssyncset.done $0x0;
	(pc) =	sbr.rel @p0 .LBB2_2-.Ltmp1, $4  }
0x145: {  	[sflag:s10] =	ssyncadd.s32 $0xFFFF8000;
	s5 =	sadd.s32 s0, s26  }
0x146: {  	[hbm4b:s5+s25] =	stream.strided.scatter [tilespmem:s14], [sflag:$0x2], $0x4000, s24, s25, $0x38;
	[tilespmem:$0x10800] =	vst v63  }
0x147: {  	_ =	swait.ge [sflag:s10], $0x4000  }
0x148: {  	s28 =	sadd.s32 $0xFFFFFFFF, s28;
	[sflag:s10] =	ssyncset.done $0x0;
	s31 =	rddreg [dreg:$0x6]  }
.LBB2_3:
0x149: {  	[sflag:s10] =	ssyncadd.s32 $0xFFFFC000;
	s0 =	sadd.s32 s0, s31  }
0x14a: {  	[hbm4b:s0+s25] =	stream.strided.scatter [tilespmem:s15], [sflag:$0x2], $0x4000, s24, s25, $0x38;
	[tilespmem:$0x10800] =	vst v63  }
0x14b: {  	_ =	swait.ge [sflag:s10], $0x4000  }
0x14c: {  	s5 =	sld [smem:$0x7F6]  }
0x14d: {  	s31 =	sld [smem:$0x7F7];
	_ =	sdelay $0x1  }
0x14e: {  	s5 =	sadd.s32 $0x1, s5  }
0x14f: {  	p0 =	sne.s32 s5, s31  }
.Ltmp2:
0x150: {  	_ = 	snop;
	(pc) =	sbr.rel @p0 .LBB2_1-.Ltmp2, $3  }
0x151: {  	_ =	sdelay $0x1  }
0x152: {  	[sflag:s10] =	ssyncset.done $0x0  }
0x153: {  	[sflag:s10] =	ssyncadd.s32 $0xFFFFC000  }
0x154: {  	_ =	sfence.sel $0x180000  }
0x155: {  	[bflag:$0x0] =	sbarrier.arrive $0xFFFF  }
0x156: {  	_ =	strace $0x90000047  }
0x157: {  	s0 =	stileid.u32;
	[bflag:$0x2] =	sbarrier.arrive $0xFFFF  }
0x158: {  	p0 =	sne.s32 s0, $0x0;
	s0 =	rddreg [dreg:$0x1]  }
0x159: {  	s0 =	sadd.s32 @!p0 $0x100000, s0  }
0x15a: {  	[sflag:s0] =	ssyncadd.tile.s32 @!p0 $0x1;
	_ =	shalt  }
.Lfunc_end2:
_tile_overlayer_lowered:
.L_overlay_start_2:
0x15b: {  	(tag) =	ssettag $0x2  }
0x15c: {  	s0 =	rddreg [dreg:$0x0];
	s2 =	stileid.u32  }
0x15d: {  	s1 =	rddreg [dreg:$0x1];
	p0 =	sne.s32 s2, $0x0  }
0x15e: {  	s3 =	rddreg [dreg:$0x2];
	[bflag:$0x3] =	sbarrier.arrive $0xFFFF;
	s2 =	simm.s32 @!p0 $0x1C02  }
0x15f: {  	[timem:s3], [sflag:s2] =	dma.local @!p0 [hbm:s0], s1  }
0x160: {  	s0 =	simm.s32 @!p0 $0x2  }
0x161: {  	_ =	swait.ge @!p0 [sflag:s0], s1  }
0x162: {  	s1 =	ssub.s32 @!p0 $0x0, s1;
	[sflag:s0] =	ssyncset.done @!p0 $0x0  }
0x163: {  	[sflag:s0] =	ssyncadd.s32 @!p0 s1  }
0x164: {  	[bflag:$0x3] =	sbarrier.arrive $0xFFFF  }
0x165: {  	_ =	shalt  }

</sc_bundles>
